<compile_context>
chip_gen: v7x
topology: tpu7x:2x2x1
jax: 0.10.2.dev20260603
libtpu: 0.0.44.dev20260713+nightly
codegen_flags: <defaults>
</compile_context>

<pallas_src>
import functools

import jax
import jax.numpy as jnp
from jax import lax
from jax.experimental import pallas as pl
from jax.experimental.pallas import tpu as pltpu
from jax.experimental.pallas import tpu_sc as plsc

N = 10000
E = 320000
D = 128
H = 8
DH = 16
DE = 16
DFF = 2 * D

ACC_W = 144
N_ACC = N
NC = 2
NS = 16
NW = NC * NS
EPW = E // NW
CH = 40
NCHUNK = EPW // CH
WB = 40
NPIECE = N_ACC // WB


def _proj_body(x_ref, wkv_ref, wq_ref, kv_ref, q_ref):
    xb = x_ref[...]
    kv = jnp.dot(xb, wkv_ref[...], preferred_element_type=jnp.float32)
    kv_ref[...] = kv.astype(jnp.bfloat16)
    q = jnp.dot(xb, wq_ref[...], preferred_element_type=jnp.float32) * 0.25
    q_ref[...] = q.astype(jnp.bfloat16)


def _proj(x, w_kv, w_q):
    bn = 2000
    return pl.pallas_call(
        _proj_body,
        grid=(N // bn,),
        in_specs=[
            pl.BlockSpec((bn, D), lambda i: (i, 0)),
            pl.BlockSpec((D, 2 * D), lambda i: (0, 0)),
            pl.BlockSpec((D, D), lambda i: (0, 0)),
        ],
        out_specs=[
            pl.BlockSpec((bn, 2 * D), lambda i: (i, 0)),
            pl.BlockSpec((bn, D), lambda i: (i, 0)),
        ],
        out_shape=[
            jax.ShapeDtypeStruct((N, 2 * D), jnp.bfloat16),
            jax.ShapeDtypeStruct((N, D), jnp.bfloat16),
        ],
    )(x, w_kv, w_q)


def _emat_body(a_ref, we_ref, e_ref):
    e = jnp.dot(a_ref[...], we_ref[...], preferred_element_type=jnp.float32)
    e_ref[...] = e.astype(jnp.bfloat16)


def _emat(attr, w_e):
    be = 8000
    return pl.pallas_call(
        _emat_body,
        grid=(E // be,),
        in_specs=[
            pl.BlockSpec((be, DE), lambda i: (i, 0)),
            pl.BlockSpec((DE, D), lambda i: (0, 0)),
        ],
        out_specs=pl.BlockSpec((be, D), lambda i: (i, 0)),
        out_shape=jax.ShapeDtypeStruct((E, D), jnp.bfloat16),
    )(attr, w_e)


def _sc_attention(kv, qs, emat, src, dst):
    mesh = plsc.VectorSubcoreMesh(core_axis_name="c", subcore_axis_name="s")

    @functools.partial(
        pl.kernel,
        mesh=mesh,
        out_type=jax.ShapeDtypeStruct((NC, N_ACC, ACC_W), jnp.float32),
        scratch_types=[
            pltpu.VMEM((2, CH), jnp.int32),
            pltpu.VMEM((2, CH), jnp.int32),
            pltpu.VMEM((2, CH, 2 * D), jnp.bfloat16),
            pltpu.VMEM((2, CH, D), jnp.bfloat16),
            pltpu.VMEM((2, CH, D), jnp.bfloat16),
            pltpu.VMEM((2, CH, ACC_W), jnp.float32),
            pltpu.VMEM_SHARED((N_ACC, ACC_W), jnp.float32),
            pltpu.SemaphoreType.DMA,
            pltpu.SemaphoreType.DMA,
            pltpu.SemaphoreType.DMA,
            pltpu.SemaphoreType.DMA,
            pltpu.SemaphoreType.DMA,
            pltpu.SemaphoreType.DMA,
            pltpu.SemaphoreType.DMA,
            pltpu.SemaphoreType.DMA,
        ],
        compiler_params=pltpu.CompilerParams(
            needs_layout_passes=False, use_tc_tiling_on_sc=False),
    )
    def attn(kv_hbm, q_hbm, emat_hbm, src_hbm, dst_hbm, out_hbm,
             src_v, dst_v, kv_v, q_v, e_v, msg_v, acc_sh,
             sem_kv0, sem_kv1, sem_q0, sem_q1, sem_e0, sem_e1,
             sem_sc0, sem_sc1):
        c = lax.axis_index("c")
        s = lax.axis_index("s")
        wid = c * NS + s
        npieces = (NPIECE - 1 - s) // NS + 1

        zeros16 = jnp.zeros((16,), jnp.float32)

        def zero_stage(i, carry):
            r = i // (ACC_W // 16)
            col = lax.rem(i, ACC_W // 16) * 16
            msg_v[0, r, pl.ds(col, 16)] = zeros16
            return carry

        lax.fori_loop(0, WB * (ACC_W // 16), zero_stage, 0)

        def zero_acc(j, carry):
            row = (s + j * NS) * WB
            pltpu.sync_copy(msg_v.at[0], acc_sh.at[pl.ds(row, WB)])
            return carry

        lax.fori_loop(0, npieces, zero_acc, 0)
        plsc.subcore_barrier()

        lanes = lax.iota(jnp.int32, 16)
        ebase = wid * EPW
        kv_sems = (sem_kv0, sem_kv1)
        q_sems = (sem_q0, sem_q1)
        e_sems = (sem_e0, sem_e1)
        sc_sems = (sem_sc0, sem_sc1)

        pltpu.sync_copy(src_hbm.at[pl.ds(ebase, CH)], src_v.at[0])
        pltpu.sync_copy(dst_hbm.at[pl.ds(ebase, CH)], dst_v.at[0])
        pltpu.async_copy(kv_hbm.at[src_v.at[0]], kv_v.at[0], sem_kv0)
        pltpu.async_copy(q_hbm.at[dst_v.at[0]], q_v.at[0], sem_q0)
        pltpu.async_copy(emat_hbm.at[pl.ds(ebase, CH)], e_v.at[0], sem_e0)

        def pair_body(i2, carry):
            for b in range(2):
                cid = 2 * i2 + b
                base = ebase + cid * CH
                nxt = base + CH

                @pl.when(cid + 1 < NCHUNK)
                def _():
                    pltpu.sync_copy(src_hbm.at[pl.ds(nxt, CH)],
                                    src_v.at[1 - b])
                    pltpu.sync_copy(dst_hbm.at[pl.ds(nxt, CH)],
                                    dst_v.at[1 - b])
                    pltpu.async_copy(kv_hbm.at[src_v.at[1 - b]],
                                     kv_v.at[1 - b], kv_sems[1 - b])
                    pltpu.async_copy(q_hbm.at[dst_v.at[1 - b]],
                                     q_v.at[1 - b], q_sems[1 - b])
                    pltpu.async_copy(emat_hbm.at[pl.ds(nxt, CH)],
                                     e_v.at[1 - b], e_sems[1 - b])

                pltpu.make_async_copy(kv_hbm.at[src_v.at[b]], kv_v.at[b],
                                      kv_sems[b]).wait()
                pltpu.make_async_copy(q_hbm.at[dst_v.at[b]], q_v.at[b],
                                      q_sems[b]).wait()
                pltpu.make_async_copy(emat_hbm.at[pl.ds(base, CH)],
                                      e_v.at[b], e_sems[b]).wait()

                @pl.when(cid >= 2)
                def _():
                    pltpu.make_async_copy(msg_v.at[b], acc_sh.at[dst_v.at[b]],
                                          sc_sems[b]).wait()

                _compute_chunk(b)
            return carry

        def _compute_chunk(b):

            def edge_body(e):
                zrow = jnp.zeros((16,), jnp.float32)
                for hp in range(H // 2):
                    ks = plsc.unpack(kv_v[b, e, pl.ds(hp * 2 * DH, 2 * DH)],
                                     format=plsc.PackFormat.INTERLEAVED)
                    qs2 = plsc.unpack(q_v[b, e, pl.ds(hp * 2 * DH, 2 * DH)],
                                      format=plsc.PackFormat.INTERLEAVED)
                    es = plsc.unpack(e_v[b, e, pl.ds(hp * 2 * DH, 2 * DH)],
                                     format=plsc.PackFormat.INTERLEAVED)
                    vs = plsc.unpack(
                        kv_v[b, e, pl.ds(D + hp * 2 * DH, 2 * DH)],
                        format=plsc.PackFormat.INTERLEAVED)
                    for j in range(2):
                        h = hp * 2 + j
                        t = ks[j] * qs2[j] * es[j]
                        sc = jnp.sum(t)
                        sc = jnp.minimum(jnp.maximum(sc, -5.0), 5.0)
                        sv = jnp.exp(jnp.broadcast_to(sc, (16,)))
                        msg_v[b, e, pl.ds(h * DH, DH)] = vs[j] * sv
                        zrow = jnp.where(lanes == h, sv, zrow)
                msg_v[b, e, pl.ds(D, 16)] = zrow

            plsc.parallel_loop(0, CH, 1, unroll=4)(edge_body)
            pltpu.async_copy(msg_v.at[b], acc_sh.at[dst_v.at[b]],
                             sc_sems[b], add=True)

        lax.fori_loop(0, NCHUNK // 2, pair_body, 0)

        for b in range(2):
            pltpu.make_async_copy(msg_v.at[b], acc_sh.at[dst_v.at[b]],
                                  sc_sems[b]).wait()
        plsc.subcore_barrier()

        def writeback(j, carry):
            row = (s + j * NS) * WB
            pltpu.sync_copy(acc_sh.at[pl.ds(row, WB)], msg_v.at[0])
            pltpu.sync_copy(msg_v.at[0], out_hbm.at[c, pl.ds(row, WB)])
            return carry

        lax.fori_loop(0, npieces, writeback, 0)

    return attn(kv, qs, emat, src, dst)


def _final_body(p_ref, x_ref, r_ref, g1_ref, beta1_ref, w1_ref, b1_ref,
                w2_ref, b2_ref, g2_ref, beta2_ref, out_ref):
    acc = p_ref[0] + p_ref[1]
    w_v = acc[:, :D]
    z = acc[:, D:D + H]
    zfull = jnp.dot(z, r_ref[...], preferred_element_type=jnp.float32)
    h_att = w_v / (zfull + 1e-6)
    h = x_ref[...] + h_att
    mu = jnp.mean(h, axis=-1, keepdims=True)
    dlt = h - mu
    var = jnp.mean(dlt * dlt, axis=-1, keepdims=True)
    h = dlt / jnp.sqrt(var + 1e-5) * g1_ref[...] + beta1_ref[...]
    h_in2 = h
    h = jnp.maximum(jnp.dot(h, w1_ref[...], preferred_element_type=jnp.float32)
                    + b1_ref[...], 0.0)
    h = jnp.dot(h, w2_ref[...], preferred_element_type=jnp.float32) + b2_ref[...]
    h = h_in2 + h
    mu = jnp.mean(h, axis=-1, keepdims=True)
    dlt = h - mu
    var = jnp.mean(dlt * dlt, axis=-1, keepdims=True)
    out_ref[...] = dlt / jnp.sqrt(var + 1e-5) * g2_ref[...] + beta2_ref[...]


def _final(partial, x, rmat, g1, beta1, w1, b1, w2, b2, g2, beta2):
    bn = 1000
    return pl.pallas_call(
        _final_body,
        grid=(N // bn,),
        in_specs=[
            pl.BlockSpec((NC, bn, ACC_W), lambda i: (0, i, 0)),
            pl.BlockSpec((bn, D), lambda i: (i, 0)),
            pl.BlockSpec((H, D), lambda i: (0, 0)),
            pl.BlockSpec((1, D), lambda i: (0, 0)),
            pl.BlockSpec((1, D), lambda i: (0, 0)),
            pl.BlockSpec((D, DFF), lambda i: (0, 0)),
            pl.BlockSpec((1, DFF), lambda i: (0, 0)),
            pl.BlockSpec((DFF, D), lambda i: (0, 0)),
            pl.BlockSpec((1, D), lambda i: (0, 0)),
            pl.BlockSpec((1, D), lambda i: (0, 0)),
            pl.BlockSpec((1, D), lambda i: (0, 0)),
        ],
        out_specs=pl.BlockSpec((bn, D), lambda i: (i, 0)),
        out_shape=jax.ShapeDtypeStruct((N, D), jnp.float32),
    )(partial, x, rmat, g1, beta1, w1, b1, w2, b2, g2, beta2)


def kernel(x, expander_edge_attr, expander_edge_index, batch_vec,
           W_Q, W_K, W_E, W_V, g1, beta1, W1, b1, W2, b2, g2, beta2):
    del batch_vec
    src = expander_edge_index[0]
    dst = expander_edge_index[1]
    w_kv = jnp.concatenate([W_K, W_V], axis=1)

    g = jnp.arange(0, D, 32)[:, None]
    pairs = jnp.stack([jnp.arange(16), jnp.arange(16) + 16],
                      axis=1).reshape(-1)
    perm128 = (g + pairs[None, :]).reshape(-1)
    perm256 = jnp.concatenate([perm128, perm128 + D])

    kv, qs = _proj(x, w_kv[:, perm256], W_Q[:, perm128])
    emat = _emat(expander_edge_attr, W_E[:, perm128])
    partial = _sc_attention(kv, qs, emat, src, dst)

    rmat = jnp.repeat(jnp.eye(H, dtype=jnp.float32), DH, axis=1)
    return _final(partial, x, rmat,
                  g1.reshape(1, D), beta1.reshape(1, D),
                  W1, b1.reshape(1, DFF), W2, b2.reshape(1, D),
                  g2.reshape(1, D), beta2.reshape(1, D))

# --- scband reference (transcript-rebuilt; emitter-appended) ---
"""Pipeline reference for scband-exphormer-full-layer-18786186952963 (READ-ONLY COPY).

The authoritative reference and input builder live on the scoring server;
editing this copy changes nothing except your own understanding.
"""

import jax, jax.numpy as jnp
import numpy as np

N = 10000
E = 320000
D = 128
H = 8
DH = D // H
DE = 16
DFF = 2 * D


def setup_inputs(seed: int = 0) -> dict:
    key = jax.random.key(seed)
    ks = jax.random.split(key, 20)
    x = jax.random.normal(ks[0], (N, D), dtype=jnp.float32)
    expander_edge_index = jax.random.randint(ks[1], (2, E), 0, N, dtype=jnp.int32)
    expander_edge_attr = jax.random.normal(ks[2], (E, DE), dtype=jnp.float32)
    batch_vec = jnp.sort(jax.random.randint(ks[3], (N,), 0, 64, dtype=jnp.int32))
    s = 1.0 / np.sqrt(D)
    se = 1.0 / np.sqrt(DE)
    W_Q = jax.random.normal(ks[4], (D, D), dtype=jnp.float32) * s
    W_K = jax.random.normal(ks[5], (D, D), dtype=jnp.float32) * s
    W_E = jax.random.normal(ks[6], (DE, D), dtype=jnp.float32) * se
    W_V = jax.random.normal(ks[7], (D, D), dtype=jnp.float32) * s
    g1 = jnp.ones((D,), dtype=jnp.float32)
    beta1 = jnp.zeros((D,), dtype=jnp.float32)
    W1 = jax.random.normal(ks[8], (D, DFF), dtype=jnp.float32) * s
    b1 = jnp.zeros((DFF,), dtype=jnp.float32)
    W2 = jax.random.normal(ks[9], (DFF, D), dtype=jnp.float32) * (1.0 / np.sqrt(DFF))
    b2 = jnp.zeros((D,), dtype=jnp.float32)
    g2 = jnp.ones((D,), dtype=jnp.float32)
    beta2 = jnp.zeros((D,), dtype=jnp.float32)
    return {
        'x': x,
        'expander_edge_attr': expander_edge_attr,
        'expander_edge_index': expander_edge_index,
        'batch_vec': batch_vec,
        'W_Q': W_Q, 'W_K': W_K, 'W_E': W_E, 'W_V': W_V,
        'g1': g1, 'beta1': beta1,
        'W1': W1, 'b1': b1, 'W2': W2, 'b2': b2,
        'g2': g2, 'beta2': beta2,
    }


def _layer_norm(h, g, b):
    mu = jnp.mean(h, axis=-1, keepdims=True)
    var = jnp.var(h, axis=-1, keepdims=True)
    return (h - mu) / jnp.sqrt(var + 1e-5) * g + b


def reference(x, expander_edge_attr, expander_edge_index, batch_vec,
              W_Q, W_K, W_E, W_V, g1, beta1, W1, b1, W2, b2, g2, beta2):
    num_node = batch_vec.shape[0]
    src_idx = expander_edge_index[0]
    dst_idx = expander_edge_index[1]
    Q_h = (x @ W_Q).reshape(-1, H, DH)
    K_h = (x @ W_K).reshape(-1, H, DH)
    Emat = (expander_edge_attr @ W_E).reshape(-1, H, DH)
    V_h = (x @ W_V).reshape(-1, H, DH)
    src = jnp.take(K_h, src_idx, axis=0)
    dest = jnp.take(Q_h, dst_idx, axis=0)
    score = src * dest / np.sqrt(DH)
    score = score * Emat
    score = jnp.exp(jnp.clip(jnp.sum(score, axis=-1, keepdims=True), -5.0, 5.0))
    v_src = jnp.take(V_h, src_idx, axis=0)
    msg = v_src * score
    wV = jax.ops.segment_sum(msg, dst_idx, num_segments=num_node)
    Z = jax.ops.segment_sum(score, dst_idx, num_segments=num_node)
    h_out = (wV / (Z + 1e-6)).reshape(-1, H * DH)
    h = x + h_out
    h = _layer_norm(h, g1, beta1)
    h_in2 = h
    h = jnp.maximum(h @ W1 + b1, 0.0)
    h = h @ W2 + b2
    h = h_in2 + h
    h = _layer_norm(h, g2, beta2)
    return h

if __name__ == "__main__":
    import jax
    _d = setup_inputs()
    print(jax.jit(kernel)(*tuple(_d.values())))

</pallas_src>

<mosaic_0001>
#map = affine_map<(d0, d1) -> (0, 0)>
#map1 = affine_map<(d0, d1) -> (0)>
#map2 = affine_map<(d0, d1) -> (0, 0, 0)>
module attributes {stable_mosaic.version = 14 : i64} {
  func.func @attn(%arg0: i32, %arg1: i32, %arg2: memref<10000x256xbf16, #tpu.memory_space<hbm>>, %arg3: memref<10000x128xbf16, #tpu.memory_space<hbm>>, %arg4: memref<320000x128xbf16, #tpu.memory_space<hbm>>, %arg5: memref<320000xi32, #tpu.memory_space<hbm>>, %arg6: memref<320000xi32, #tpu.memory_space<hbm>>, %arg7: memref<2x10000x144xf32, #tpu.memory_space<hbm>>, %arg8: memref<2x40xi32, #tpu.memory_space<vmem>>, %arg9: memref<2x40xi32, #tpu.memory_space<vmem>>, %arg10: memref<2x40x256xbf16, #tpu.memory_space<vmem>>, %arg11: memref<2x40x128xbf16, #tpu.memory_space<vmem>>, %arg12: memref<2x40x128xbf16, #tpu.memory_space<vmem>>, %arg13: memref<2x40x144xf32, #tpu.memory_space<vmem>>, %arg14: memref<10000x144xf32, #tpu.memory_space<vmem_shared>>, %arg15: memref<!tpu.dma_semaphore, #tpu.memory_space<semaphore_mem>>, %arg16: memref<!tpu.dma_semaphore, #tpu.memory_space<semaphore_mem>>, %arg17: memref<!tpu.dma_semaphore, #tpu.memory_space<semaphore_mem>>, %arg18: memref<!tpu.dma_semaphore, #tpu.memory_space<semaphore_mem>>, %arg19: memref<!tpu.dma_semaphore, #tpu.memory_space<semaphore_mem>>, %arg20: memref<!tpu.dma_semaphore, #tpu.memory_space<semaphore_mem>>, %arg21: memref<!tpu.dma_semaphore, #tpu.memory_space<semaphore_mem>>, %arg22: memref<!tpu.dma_semaphore, #tpu.memory_space<semaphore_mem>>) attributes {dimension_semantics = [#tpu.dimension_semantics<core_parallel>, #tpu.dimension_semantics<subcore_parallel>], iteration_bounds = array<i64: 2, 16>, scalar_prefetch = 0 : i64, scratch_operands = 15 : i64, tpu.core_type = #tpu.core_type<sc_vector_subcore>, window_params = [{transform_indices = #map}, {transform_indices = #map}, {transform_indices = #map}, {transform_indices = #map1}, {transform_indices = #map1}, {transform_indices = #map2}]} {
    %mul3A = arith.constant 16 : i32
    %mul3A_0 = arith.muli %arg0, %mul3A : i32
    %add3A = arith.addi %mul3A_0, %arg1 : i32
    %sub3A = arith.constant 249 : i32
    %sub3A_1 = arith.subi %sub3A, %arg1 : i32
    %jit3A = arith.constant 16 : i32
    %div3A = arith.divsi %sub3A_1, %jit3A : i32
    %sign3A = arith.constant 0 : i32
    %sign3A_2 = arith.cmpi sgt, %sub3A_1, %sign3A : i32
    %sign3A_3 = arith.extui %sign3A_2 : i1 to i32
    %sign3A_4 = arith.constant 0 : i32
    %sign3A_5 = arith.cmpi slt, %sub3A_1, %sign3A_4 : i32
    %sign3A_6 = arith.extui %sign3A_5 : i1 to i32
    %sign3A_7 = arith.subi %sign3A_3, %sign3A_6 : i32
    %sign3A_8 = arith.constant 0 : i32
    %sign3A_9 = arith.cmpi sgt, %jit3A, %sign3A_8 : i32
    %sign3A_10 = arith.extui %sign3A_9 : i1 to i32
    %sign3A_11 = arith.constant 0 : i32
    %sign3A_12 = arith.cmpi slt, %jit3A, %sign3A_11 : i32
    %sign3A_13 = arith.extui %sign3A_12 : i1 to i32
    %sign3A_14 = arith.subi %sign3A_10, %sign3A_13 : i32
    %ne3A = arith.cmpi ne, %sign3A_7, %sign3A_14 : i32
    %rem3A = arith.remsi %sub3A_1, %jit3A : i32
    %ne3A_15 = arith.constant 0 : i32
    %ne3A_16 = arith.cmpi ne, %rem3A, %ne3A_15 : i32
    %and3A = arith.andi %ne3A, %ne3A_16 : i1
    %sub3A_17 = arith.constant 1 : i32
    %sub3A_18 = arith.subi %div3A, %sub3A_17 : i32
    %select_n3A = arith.select %and3A, %sub3A_18, %div3A : i32
    %add3A_19 = arith.constant 1 : i32
    %add3A_20 = arith.addi %select_n3A, %add3A_19 : i32
    %broadcast_in_dim3A = arith.constant 0.000000e+00 : f32
    %broadcast_in_dim3A_21 = vector.broadcast %broadcast_in_dim3A : f32 to vector<16xf32>
    %scan3A = arith.constant 0 : i32
    %scan3A_22 = arith.constant 0 : i32
    %scan3A_23 = arith.constant 360 : i32
    %scan3A_24 = arith.addi %scan3A_22, %scan3A_23 : i32
    %scan3A_25 = arith.constant 1 : i32
    scf.for %scan3A_115 = %scan3A_22 to %scan3A_24 step %scan3A_25  : i32 {
      %jit3A_116 = arith.constant 9 : i32
      %div3A_117 = arith.divsi %scan3A_115, %jit3A_116 : i32
      %sign3A_118 = arith.constant 0 : i32
      %sign3A_119 = arith.cmpi sgt, %scan3A_115, %sign3A_118 : i32
      %sign3A_120 = arith.extui %sign3A_119 : i1 to i32
      %sign3A_121 = arith.constant 0 : i32
      %sign3A_122 = arith.cmpi slt, %scan3A_115, %sign3A_121 : i32
      %sign3A_123 = arith.extui %sign3A_122 : i1 to i32
      %sign3A_124 = arith.subi %sign3A_120, %sign3A_123 : i32
      %sign3A_125 = arith.constant 0 : i32
      %sign3A_126 = arith.cmpi sgt, %jit3A_116, %sign3A_125 : i32
      %sign3A_127 = arith.extui %sign3A_126 : i1 to i32
      %sign3A_128 = arith.constant 0 : i32
      %sign3A_129 = arith.cmpi slt, %jit3A_116, %sign3A_128 : i32
      %sign3A_130 = arith.extui %sign3A_129 : i1 to i32
      %sign3A_131 = arith.subi %sign3A_127, %sign3A_130 : i32
      %ne3A_132 = arith.cmpi ne, %sign3A_124, %sign3A_131 : i32
      %rem3A_133 = arith.remsi %scan3A_115, %jit3A_116 : i32
      %ne3A_134 = arith.constant 0 : i32
      %ne3A_135 = arith.cmpi ne, %rem3A_133, %ne3A_134 : i32
      %and3A_136 = arith.andi %ne3A_132, %ne3A_135 : i1
      %sub3A_137 = arith.constant 1 : i32
      %sub3A_138 = arith.subi %div3A_117, %sub3A_137 : i32
      %select_n3A_139 = arith.select %and3A_136, %sub3A_138, %div3A_117 : i32
      %rem3A_140 = arith.constant 9 : i32
      %rem3A_141 = arith.remsi %scan3A_115, %rem3A_140 : i32
      %mul3A_142 = arith.constant 16 : i32
      %mul3A_143 = arith.muli %rem3A_141, %mul3A_142 : i32
      %swap3A = arith.constant 0 : i32
      %swap3A_144 = arith.index_cast %swap3A : i32 to index
      %swap3A_145 = arith.index_cast %select_n3A_139 : i32 to index
      %swap3A_146 = arith.index_cast %mul3A_143 : i32 to index
      %swap3A_147 = tpu.vector_load %arg13[%swap3A_144, %swap3A_145, %swap3A_146] {strides = array<i32>} : memref<2x40x144xf32, #tpu.memory_space<vmem>>, vector<16xf32>,
      tpu.vector_store %arg13[%swap3A_144, %swap3A_145, %swap3A_146], %broadcast_in_dim3A_21 {strides = array<i32>} : memref<2x40x144xf32, #tpu.memory_space<vmem>>, vector<16xf32>,
    }
    %scan3A_26 = arith.constant 360 : i32
    %while3A = arith.constant 0 : i32
    %while3A_27 = arith.constant 0 : i32
    %while3A_28 = arith.subi %add3A_20, %while3A_27 : i32
    %while3A_29 = arith.addi %while3A_27, %while3A_28 : i32
    %while3A_30 = arith.constant 1 : i32
    %while3A_31 = arith.divsi %while3A_28, %while3A_30 : i32
    %while3A_32 = arith.muli %while3A_31, %while3A_30 : i32
    %while3A_33 = arith.addi %while3A_27, %while3A_32 : i32
    %while3A_34 = arith.constant 1 : i32
    scf.for %while3A_115 = %while3A_27 to %while3A_33 step %while3A_34  : i32 {
      %mul3A_116 = arith.constant 16 : i32
      %mul3A_117 = arith.muli %while3A_115, %mul3A_116 : i32
      %add3A_118 = arith.addi %arg1, %mul3A_117 : i32
      %mul3A_119 = arith.constant 40 : i32
      %mul3A_120 = arith.muli %add3A_118, %mul3A_119 : i32
      %run_scoped3A_121 = arith.constant 0 : i32
      "tpu.region"() ({
        %run_scoped3A_122 = tpu.sem_alloc : memref<!tpu.dma_semaphore, #tpu.memory_space<semaphore_mem>>
        %dma_start3A_123 = arith.constant 0 : i32
        %dma_start3A_124 = arith.constant 0 : i32
        %dma_start3A_125 = tpu.memref_slice %arg13[%run_scoped3A_121, %dma_start3A_123, %dma_start3A_124] : memref<2x40x144xf32, #tpu.memory_space<vmem>> -> memref<1x40x144xf32, #tpu.memory_space<vmem>>
        %dma_start3A_126 = tpu.memref_squeeze %dma_start3A_125 : memref<1x40x144xf32, #tpu.memory_space<vmem>> -> memref<40x144xf32, #tpu.memory_space<vmem>>
        %dma_start3A_127 = arith.constant 0 : i32
        %dma_start3A_128 = tpu.memref_slice %arg14[%mul3A_120, %dma_start3A_127] : memref<10000x144xf32, #tpu.memory_space<vmem_shared>> -> memref<40x144xf32, #tpu.memory_space<vmem_shared>>
        %dma_start3A_129 = arith.constant 0 : i32
        %dma_start3A_130 = tpu.memref_slice %arg14[%mul3A_120, %dma_start3A_129] : memref<10000x144xf32, #tpu.memory_space<vmem_shared>> -> memref<40x144xf32, #tpu.memory_space<vmem_shared>>
        %dma_start3A_131 = arith.constant 0 : i32
        %dma_start3A_132 = arith.constant 0 : i32
        %dma_start3A_133 = tpu.memref_slice %arg13[%run_scoped3A_121, %dma_start3A_131, %dma_start3A_132] : memref<2x40x144xf32, #tpu.memory_space<vmem>> -> memref<1x40x144xf32, #tpu.memory_space<vmem>>
        %dma_start3A_134 = tpu.memref_squeeze %dma_start3A_133 : memref<1x40x144xf32, #tpu.memory_space<vmem>> -> memref<40x144xf32, #tpu.memory_space<vmem>>
        tpu.enqueue_dma source(%dma_start3A_134 : memref<40x144xf32, #tpu.memory_space<vmem>>) target(%dma_start3A_130 : memref<40x144xf32, #tpu.memory_space<vmem_shared>>) target_semaphore(%run_scoped3A_122 : memref<!tpu.dma_semaphore, #tpu.memory_space<semaphore_mem>>)
        %dma_wait3A_135 = arith.constant 0 : i32
        %dma_wait3A_136 = arith.constant 0 : i32
        %dma_wait3A_137 = tpu.memref_slice %arg13[%run_scoped3A_121, %dma_wait3A_135, %dma_wait3A_136] : memref<2x40x144xf32, #tpu.memory_space<vmem>> -> memref<1x40x144xf32, #tpu.memory_space<vmem>>
        %dma_wait3A_138 = tpu.memref_squeeze %dma_wait3A_137 : memref<1x40x144xf32, #tpu.memory_space<vmem>> -> memref<40x144xf32, #tpu.memory_space<vmem>>
        %dma_wait3A_139 = arith.constant 0 : i32
        %dma_wait3A_140 = tpu.memref_slice %arg14[%mul3A_120, %dma_wait3A_139] : memref<10000x144xf32, #tpu.memory_space<vmem_shared>> -> memref<40x144xf32, #tpu.memory_space<vmem_shared>>
        %dma_wait3A_141 = arith.constant 0 : i32
        %dma_wait3A_142 = tpu.memref_slice %arg14[%mul3A_120, %dma_wait3A_141] : memref<10000x144xf32, #tpu.memory_space<vmem_shared>> -> memref<40x144xf32, #tpu.memory_space<vmem_shared>>
        %dma_wait3A_143 = arith.constant 0 : i32
        %dma_wait3A_144 = arith.constant 0 : i32
        %dma_wait3A_145 = tpu.memref_slice %arg13[%run_scoped3A_121, %dma_wait3A_143, %dma_wait3A_144] : memref<2x40x144xf32, #tpu.memory_space<vmem>> -> memref<1x40x144xf32, #tpu.memory_space<vmem>>
        %dma_wait3A_146 = tpu.memref_squeeze %dma_wait3A_145 : memref<1x40x144xf32, #tpu.memory_space<vmem>> -> memref<40x144xf32, #tpu.memory_space<vmem>>
        tpu.wait_dma2 semaphore(%run_scoped3A_122 : memref<!tpu.dma_semaphore, #tpu.memory_space<semaphore_mem>>) src(%dma_wait3A_146 : memref<40x144xf32, #tpu.memory_space<vmem>>) dst(%dma_wait3A_142 : memref<40x144xf32, #tpu.memory_space<vmem_shared>>)
        tpu.yield
      }) : () -> ()
    }
    %while3A_35 = arith.constant 1 : i32
    scf.for %while3A_115 = %while3A_33 to %while3A_29 step %while3A_35  : i32 {
      %mul3A_116 = arith.constant 16 : i32
      %mul3A_117 = arith.muli %while3A_115, %mul3A_116 : i32
      %add3A_118 = arith.addi %arg1, %mul3A_117 : i32
      %mul3A_119 = arith.constant 40 : i32
      %mul3A_120 = arith.muli %add3A_118, %mul3A_119 : i32
      %run_scoped3A_121 = arith.constant 0 : i32
      "tpu.region"() ({
        %run_scoped3A_122 = tpu.sem_alloc : memref<!tpu.dma_semaphore, #tpu.memory_space<semaphore_mem>>
        %dma_start3A_123 = arith.constant 0 : i32
        %dma_start3A_124 = arith.constant 0 : i32
        %dma_start3A_125 = tpu.memref_slice %arg13[%run_scoped3A_121, %dma_start3A_123, %dma_start3A_124] : memref<2x40x144xf32, #tpu.memory_space<vmem>> -> memref<1x40x144xf32, #tpu.memory_space<vmem>>
        %dma_start3A_126 = tpu.memref_squeeze %dma_start3A_125 : memref<1x40x144xf32, #tpu.memory_space<vmem>> -> memref<40x144xf32, #tpu.memory_space<vmem>>
        %dma_start3A_127 = arith.constant 0 : i32
        %dma_start3A_128 = tpu.memref_slice %arg14[%mul3A_120, %dma_start3A_127] : memref<10000x144xf32, #tpu.memory_space<vmem_shared>> -> memref<40x144xf32, #tpu.memory_space<vmem_shared>>
        %dma_start3A_129 = arith.constant 0 : i32
        %dma_start3A_130 = tpu.memref_slice %arg14[%mul3A_120, %dma_start3A_129] : memref<10000x144xf32, #tpu.memory_space<vmem_shared>> -> memref<40x144xf32, #tpu.memory_space<vmem_shared>>
        %dma_start3A_131 = arith.constant 0 : i32
        %dma_start3A_132 = arith.constant 0 : i32
        %dma_start3A_133 = tpu.memref_slice %arg13[%run_scoped3A_121, %dma_start3A_131, %dma_start3A_132] : memref<2x40x144xf32, #tpu.memory_space<vmem>> -> memref<1x40x144xf32, #tpu.memory_space<vmem>>
        %dma_start3A_134 = tpu.memref_squeeze %dma_start3A_133 : memref<1x40x144xf32, #tpu.memory_space<vmem>> -> memref<40x144xf32, #tpu.memory_space<vmem>>
        tpu.enqueue_dma source(%dma_start3A_134 : memref<40x144xf32, #tpu.memory_space<vmem>>) target(%dma_start3A_130 : memref<40x144xf32, #tpu.memory_space<vmem_shared>>) target_semaphore(%run_scoped3A_122 : memref<!tpu.dma_semaphore, #tpu.memory_space<semaphore_mem>>)
        %dma_wait3A_135 = arith.constant 0 : i32
        %dma_wait3A_136 = arith.constant 0 : i32
        %dma_wait3A_137 = tpu.memref_slice %arg13[%run_scoped3A_121, %dma_wait3A_135, %dma_wait3A_136] : memref<2x40x144xf32, #tpu.memory_space<vmem>> -> memref<1x40x144xf32, #tpu.memory_space<vmem>>
        %dma_wait3A_138 = tpu.memref_squeeze %dma_wait3A_137 : memref<1x40x144xf32, #tpu.memory_space<vmem>> -> memref<40x144xf32, #tpu.memory_space<vmem>>
        %dma_wait3A_139 = arith.constant 0 : i32
        %dma_wait3A_140 = tpu.memref_slice %arg14[%mul3A_120, %dma_wait3A_139] : memref<10000x144xf32, #tpu.memory_space<vmem_shared>> -> memref<40x144xf32, #tpu.memory_space<vmem_shared>>
        %dma_wait3A_141 = arith.constant 0 : i32
        %dma_wait3A_142 = tpu.memref_slice %arg14[%mul3A_120, %dma_wait3A_141] : memref<10000x144xf32, #tpu.memory_space<vmem_shared>> -> memref<40x144xf32, #tpu.memory_space<vmem_shared>>
        %dma_wait3A_143 = arith.constant 0 : i32
        %dma_wait3A_144 = arith.constant 0 : i32
        %dma_wait3A_145 = tpu.memref_slice %arg13[%run_scoped3A_121, %dma_wait3A_143, %dma_wait3A_144] : memref<2x40x144xf32, #tpu.memory_space<vmem>> -> memref<1x40x144xf32, #tpu.memory_space<vmem>>
        %dma_wait3A_146 = tpu.memref_squeeze %dma_wait3A_145 : memref<1x40x144xf32, #tpu.memory_space<vmem>> -> memref<40x144xf32, #tpu.memory_space<vmem>>
        tpu.wait_dma2 semaphore(%run_scoped3A_122 : memref<!tpu.dma_semaphore, #tpu.memory_space<semaphore_mem>>) src(%dma_wait3A_146 : memref<40x144xf32, #tpu.memory_space<vmem>>) dst(%dma_wait3A_142 : memref<40x144xf32, #tpu.memory_space<vmem_shared>>)
        tpu.yield
      }) : () -> ()
    }
    %barrier3A = arith.constant 0 : index
    tpu.barrier barrier_id(%barrier3A)
    %iota3A = tpu.iota {dimensions = array<i32: 0>} : vector<16xi32>
    %mul3A_36 = arith.constant 10000 : i32
    %mul3A_37 = arith.muli %add3A, %mul3A_36 : i32
    %run_scoped3A = arith.constant 0 : i32
    "tpu.region"() ({
      %run_scoped3A_115 = tpu.sem_alloc : memref<!tpu.dma_semaphore, #tpu.memory_space<semaphore_mem>>
      %dma_start3A_116 = arith.constant 0 : i32
      %dma_start3A_117 = tpu.memref_slice %arg8[%run_scoped3A, %dma_start3A_116] : memref<2x40xi32, #tpu.memory_space<vmem>> -> memref<1x40xi32, #tpu.memory_space<vmem>>
      %dma_start3A_118 = tpu.memref_squeeze %dma_start3A_117 : memref<1x40xi32, #tpu.memory_space<vmem>> -> memref<40xi32, #tpu.memory_space<vmem>>
      %dma_start3A_119 = tpu.memref_slice %arg5[%mul3A_37] : memref<320000xi32, #tpu.memory_space<hbm>> -> memref<40xi32, #tpu.memory_space<hbm>>
      %dma_start3A_120 = arith.constant 0 : i32
      %dma_start3A_121 = tpu.memref_slice %arg8[%run_scoped3A, %dma_start3A_120] : memref<2x40xi32, #tpu.memory_space<vmem>> -> memref<1x40xi32, #tpu.memory_space<vmem>>
      %dma_start3A_122 = tpu.memref_squeeze %dma_start3A_121 : memref<1x40xi32, #tpu.memory_space<vmem>> -> memref<40xi32, #tpu.memory_space<vmem>>
      %dma_start3A_123 = tpu.memref_slice %arg5[%mul3A_37] : memref<320000xi32, #tpu.memory_space<hbm>> -> memref<40xi32, #tpu.memory_space<hbm>>
      tpu.enqueue_dma source(%dma_start3A_123 : memref<40xi32, #tpu.memory_space<hbm>>) target(%dma_start3A_122 : memref<40xi32, #tpu.memory_space<vmem>>) target_semaphore(%run_scoped3A_115 : memref<!tpu.dma_semaphore, #tpu.memory_space<semaphore_mem>>)
      %dma_wait3A_124 = arith.constant 0 : i32
      %dma_wait3A_125 = tpu.memref_slice %arg8[%run_scoped3A, %dma_wait3A_124] : memref<2x40xi32, #tpu.memory_space<vmem>> -> memref<1x40xi32, #tpu.memory_space<vmem>>
      %dma_wait3A_126 = tpu.memref_squeeze %dma_wait3A_125 : memref<1x40xi32, #tpu.memory_space<vmem>> -> memref<40xi32, #tpu.memory_space<vmem>>
      %dma_wait3A_127 = tpu.memref_slice %arg5[%mul3A_37] : memref<320000xi32, #tpu.memory_space<hbm>> -> memref<40xi32, #tpu.memory_space<hbm>>
      %dma_wait3A_128 = arith.constant 0 : i32
      %dma_wait3A_129 = tpu.memref_slice %arg8[%run_scoped3A, %dma_wait3A_128] : memref<2x40xi32, #tpu.memory_space<vmem>> -> memref<1x40xi32, #tpu.memory_space<vmem>>
      %dma_wait3A_130 = tpu.memref_squeeze %dma_wait3A_129 : memref<1x40xi32, #tpu.memory_space<vmem>> -> memref<40xi32, #tpu.memory_space<vmem>>
      %dma_wait3A_131 = tpu.memref_slice %arg5[%mul3A_37] : memref<320000xi32, #tpu.memory_space<hbm>> -> memref<40xi32, #tpu.memory_space<hbm>>
      tpu.wait_dma2 semaphore(%run_scoped3A_115 : memref<!tpu.dma_semaphore, #tpu.memory_space<semaphore_mem>>) src(%dma_wait3A_131 : memref<40xi32, #tpu.memory_space<hbm>>) dst(%dma_wait3A_130 : memref<40xi32, #tpu.memory_space<vmem>>)
      tpu.yield
    }) : () -> ()
    %run_scoped3A_38 = arith.constant 0 : i32
    "tpu.region"() ({
      %run_scoped3A_115 = tpu.sem_alloc : memref<!tpu.dma_semaphore, #tpu.memory_space<semaphore_mem>>
      %dma_start3A_116 = arith.constant 0 : i32
      %dma_start3A_117 = tpu.memref_slice %arg9[%run_scoped3A_38, %dma_start3A_116] : memref<2x40xi32, #tpu.memory_space<vmem>> -> memref<1x40xi32, #tpu.memory_space<vmem>>
      %dma_start3A_118 = tpu.memref_squeeze %dma_start3A_117 : memref<1x40xi32, #tpu.memory_space<vmem>> -> memref<40xi32, #tpu.memory_space<vmem>>
      %dma_start3A_119 = tpu.memref_slice %arg6[%mul3A_37] : memref<320000xi32, #tpu.memory_space<hbm>> -> memref<40xi32, #tpu.memory_space<hbm>>
      %dma_start3A_120 = arith.constant 0 : i32
      %dma_start3A_121 = tpu.memref_slice %arg9[%run_scoped3A_38, %dma_start3A_120] : memref<2x40xi32, #tpu.memory_space<vmem>> -> memref<1x40xi32, #tpu.memory_space<vmem>>
      %dma_start3A_122 = tpu.memref_squeeze %dma_start3A_121 : memref<1x40xi32, #tpu.memory_space<vmem>> -> memref<40xi32, #tpu.memory_space<vmem>>
      %dma_start3A_123 = tpu.memref_slice %arg6[%mul3A_37] : memref<320000xi32, #tpu.memory_space<hbm>> -> memref<40xi32, #tpu.memory_space<hbm>>
      tpu.enqueue_dma source(%dma_start3A_123 : memref<40xi32, #tpu.memory_space<hbm>>) target(%dma_start3A_122 : memref<40xi32, #tpu.memory_space<vmem>>) target_semaphore(%run_scoped3A_115 : memref<!tpu.dma_semaphore, #tpu.memory_space<semaphore_mem>>)
      %dma_wait3A_124 = arith.constant 0 : i32
      %dma_wait3A_125 = tpu.memref_slice %arg9[%run_scoped3A_38, %dma_wait3A_124] : memref<2x40xi32, #tpu.memory_space<vmem>> -> memref<1x40xi32, #tpu.memory_space<vmem>>
      %dma_wait3A_126 = tpu.memref_squeeze %dma_wait3A_125 : memref<1x40xi32, #tpu.memory_space<vmem>> -> memref<40xi32, #tpu.memory_space<vmem>>
      %dma_wait3A_127 = tpu.memref_slice %arg6[%mul3A_37] : memref<320000xi32, #tpu.memory_space<hbm>> -> memref<40xi32, #tpu.memory_space<hbm>>
      %dma_wait3A_128 = arith.constant 0 : i32
      %dma_wait3A_129 = tpu.memref_slice %arg9[%run_scoped3A_38, %dma_wait3A_128] : memref<2x40xi32, #tpu.memory_space<vmem>> -> memref<1x40xi32, #tpu.memory_space<vmem>>
      %dma_wait3A_130 = tpu.memref_squeeze %dma_wait3A_129 : memref<1x40xi32, #tpu.memory_space<vmem>> -> memref<40xi32, #tpu.memory_space<vmem>>
      %dma_wait3A_131 = tpu.memref_slice %arg6[%mul3A_37] : memref<320000xi32, #tpu.memory_space<hbm>> -> memref<40xi32, #tpu.memory_space<hbm>>
      tpu.wait_dma2 semaphore(%run_scoped3A_115 : memref<!tpu.dma_semaphore, #tpu.memory_space<semaphore_mem>>) src(%dma_wait3A_131 : memref<40xi32, #tpu.memory_space<hbm>>) dst(%dma_wait3A_130 : memref<40xi32, #tpu.memory_space<vmem>>)
      tpu.yield
    }) : () -> ()
    %dma_start3A = arith.constant 0 : i32
    %dma_start3A_39 = arith.constant 0 : i32
    %dma_start3A_40 = arith.constant 0 : i32
    %dma_start3A_41 = arith.constant 0 : i32
    %dma_start3A_42 = tpu.memref_slice %arg10[%dma_start3A_39, %dma_start3A_40, %dma_start3A_41] : memref<2x40x256xbf16, #tpu.memory_space<vmem>> -> memref<1x40x256xbf16, #tpu.memory_space<vmem>>
    %dma_start3A_43 = tpu.memref_squeeze %dma_start3A_42 : memref<1x40x256xbf16, #tpu.memory_space<vmem>> -> memref<40x256xbf16, #tpu.memory_space<vmem>>
    %dma_start3A_44 = arith.constant 0 : i32
    %dma_start3A_45 = tpu.memref_slice %arg8[%dma_start3A, %dma_start3A_44] : memref<2x40xi32, #tpu.memory_space<vmem>> -> memref<1x40xi32, #tpu.memory_space<vmem>>
    %dma_start3A_46 = tpu.memref_squeeze %dma_start3A_45 : memref<1x40xi32, #tpu.memory_space<vmem>> -> memref<40xi32, #tpu.memory_space<vmem>>
    %dma_start3A_47 = arith.constant 0 : i32
    %dma_start3A_48 = arith.constant 0 : i32
    %dma_start3A_49 = tpu.memref_slice %arg2[%dma_start3A_47, %dma_start3A_48] : memref<10000x256xbf16, #tpu.memory_space<hbm>> -> memref<10000x256xbf16, #tpu.memory_space<hbm>>
    tpu.enqueue_indirect_dma source(%dma_start3A_49 : memref<10000x256xbf16, #tpu.memory_space<hbm>>) target(%dma_start3A_43 : memref<40x256xbf16, #tpu.memory_space<vmem>>) offsets(%dma_start3A_46 : memref<40xi32, #tpu.memory_space<vmem>>) semaphore(%arg15 : memref<!tpu.dma_semaphore, #tpu.memory_space<semaphore_mem>>)
    %dma_start3A_50 = arith.constant 0 : i32
    %dma_start3A_51 = arith.constant 0 : i32
    %dma_start3A_52 = arith.constant 0 : i32
    %dma_start3A_53 = arith.constant 0 : i32
    %dma_start3A_54 = tpu.memref_slice %arg11[%dma_start3A_51, %dma_start3A_52, %dma_start3A_53] : memref<2x40x128xbf16, #tpu.memory_space<vmem>> -> memref<1x40x128xbf16, #tpu.memory_space<vmem>>
    %dma_start3A_55 = tpu.memref_squeeze %dma_start3A_54 : memref<1x40x128xbf16, #tpu.memory_space<vmem>> -> memref<40x128xbf16, #tpu.memory_space<vmem>>
    %dma_start3A_56 = arith.constant 0 : i32
    %dma_start3A_57 = tpu.memref_slice %arg9[%dma_start3A_50, %dma_start3A_56] : memref<2x40xi32, #tpu.memory_space<vmem>> -> memref<1x40xi32, #tpu.memory_space<vmem>>
    %dma_start3A_58 = tpu.memref_squeeze %dma_start3A_57 : memref<1x40xi32, #tpu.memory_space<vmem>> -> memref<40xi32, #tpu.memory_space<vmem>>
    %dma_start3A_59 = arith.constant 0 : i32
    %dma_start3A_60 = arith.constant 0 : i32
    %dma_start3A_61 = tpu.memref_slice %arg3[%dma_start3A_59, %dma_start3A_60] : memref<10000x128xbf16, #tpu.memory_space<hbm>> -> memref<10000x128xbf16, #tpu.memory_space<hbm>>
    tpu.enqueue_indirect_dma source(%dma_start3A_61 : memref<10000x128xbf16, #tpu.memory_space<hbm>>) target(%dma_start3A_55 : memref<40x128xbf16, #tpu.memory_space<vmem>>) offsets(%dma_start3A_58 : memref<40xi32, #tpu.memory_space<vmem>>) semaphore(%arg17 : memref<!tpu.dma_semaphore, #tpu.memory_space<semaphore_mem>>)
    %dma_start3A_62 = arith.constant 0 : i32
    %dma_start3A_63 = arith.constant 0 : i32
    %dma_start3A_64 = arith.constant 0 : i32
    %dma_start3A_65 = tpu.memref_slice %arg12[%dma_start3A_62, %dma_start3A_63, %dma_start3A_64] : memref<2x40x128xbf16, #tpu.memory_space<vmem>> -> memref<1x40x128xbf16, #tpu.memory_space<vmem>>
    %dma_start3A_66 = tpu.memref_squeeze %dma_start3A_65 : memref<1x40x128xbf16, #tpu.memory_space<vmem>> -> memref<40x128xbf16, #tpu.memory_space<vmem>>
    %dma_start3A_67 = arith.constant 0 : i32
    %dma_start3A_68 = tpu.memref_slice %arg4[%mul3A_37, %dma_start3A_67] : memref<320000x128xbf16, #tpu.memory_space<hbm>> -> memref<40x128xbf16, #tpu.memory_space<hbm>>
    %dma_start3A_69 = arith.constant 0 : i32
    %dma_start3A_70 = arith.constant 0 : i32
    %dma_start3A_71 = tpu.memref_slice %arg12[%dma_start3A_62, %dma_start3A_69, %dma_start3A_70] : memref<2x40x128xbf16, #tpu.memory_space<vmem>> -> memref<1x40x128xbf16, #tpu.memory_space<vmem>>
    %dma_start3A_72 = tpu.memref_squeeze %dma_start3A_71 : memref<1x40x128xbf16, #tpu.memory_space<vmem>> -> memref<40x128xbf16, #tpu.memory_space<vmem>>
    %dma_start3A_73 = arith.constant 0 : i32
    %dma_start3A_74 = tpu.memref_slice %arg4[%mul3A_37, %dma_start3A_73] : memref<320000x128xbf16, #tpu.memory_space<hbm>> -> memref<40x128xbf16, #tpu.memory_space<hbm>>
    tpu.enqueue_dma source(%dma_start3A_74 : memref<40x128xbf16, #tpu.memory_space<hbm>>) target(%dma_start3A_72 : memref<40x128xbf16, #tpu.memory_space<vmem>>) target_semaphore(%arg19 : memref<!tpu.dma_semaphore, #tpu.memory_space<semaphore_mem>>)
    %scan3A_75 = arith.constant 0 : i32
    %scan3A_76 = arith.constant 0 : i32
    %scan3A_77 = arith.constant 125 : i32
    %scan3A_78 = arith.addi %scan3A_76, %scan3A_77 : i32
    %scan3A_79 = arith.constant 1 : i32
    scf.for %scan3A_115 = %scan3A_76 to %scan3A_78 step %scan3A_79  : i32 {
      %mul3A_116 = arith.constant 2 : i32
      %mul3A_117 = arith.muli %mul3A_116, %scan3A_115 : i32
      %add3A_118 = arith.constant 0 : i32
      %add3A_119 = arith.addi %mul3A_117, %add3A_118 : i32
      %mul3A_120 = arith.constant 40 : i32
      %mul3A_121 = arith.muli %add3A_119, %mul3A_120 : i32
      %add3A_122 = arith.addi %mul3A_37, %mul3A_121 : i32
      %add3A_123 = arith.constant 40 : i32
      %add3A_124 = arith.addi %add3A_122, %add3A_123 : i32
      %add3A_125 = arith.constant 1 : i32
      %add3A_126 = arith.addi %add3A_119, %add3A_125 : i32
      %lt3A = arith.constant 250 : i32
      %lt3A_127 = arith.cmpi slt, %add3A_126, %lt3A : i32
      %convert_element_type3A = arith.extui %lt3A_127 : i1 to i32
      %cond3A = arith.constant 0 : i32
      %cond3A_128 = arith.cmpi ne, %convert_element_type3A, %cond3A : i32
      scf.if %cond3A_128 {
        %run_scoped3A_257 = arith.constant 1 : i32
        "tpu.region"() ({
          %run_scoped3A_296 = tpu.sem_alloc : memref<!tpu.dma_semaphore, #tpu.memory_space<semaphore_mem>>
          %dma_start3A_297 = arith.constant 0 : i32
          %dma_start3A_298 = tpu.memref_slice %arg8[%run_scoped3A_257, %dma_start3A_297] : memref<2x40xi32, #tpu.memory_space<vmem>> -> memref<1x40xi32, #tpu.memory_space<vmem>>
          %dma_start3A_299 = tpu.memref_squeeze %dma_start3A_298 : memref<1x40xi32, #tpu.memory_space<vmem>> -> memref<40xi32, #tpu.memory_space<vmem>>
          %dma_start3A_300 = tpu.memref_slice %arg5[%add3A_124] : memref<320000xi32, #tpu.memory_space<hbm>> -> memref<40xi32, #tpu.memory_space<hbm>>
          %dma_start3A_301 = arith.constant 0 : i32
          %dma_start3A_302 = tpu.memref_slice %arg8[%run_scoped3A_257, %dma_start3A_301] : memref<2x40xi32, #tpu.memory_space<vmem>> -> memref<1x40xi32, #tpu.memory_space<vmem>>
          %dma_start3A_303 = tpu.memref_squeeze %dma_start3A_302 : memref<1x40xi32, #tpu.memory_space<vmem>> -> memref<40xi32, #tpu.memory_space<vmem>>
          %dma_start3A_304 = tpu.memref_slice %arg5[%add3A_124] : memref<320000xi32, #tpu.memory_space<hbm>> -> memref<40xi32, #tpu.memory_space<hbm>>
          tpu.enqueue_dma source(%dma_start3A_304 : memref<40xi32, #tpu.memory_space<hbm>>) target(%dma_start3A_303 : memref<40xi32, #tpu.memory_space<vmem>>) target_semaphore(%run_scoped3A_296 : memref<!tpu.dma_semaphore, #tpu.memory_space<semaphore_mem>>)
          %dma_wait3A_305 = arith.constant 0 : i32
          %dma_wait3A_306 = tpu.memref_slice %arg8[%run_scoped3A_257, %dma_wait3A_305] : memref<2x40xi32, #tpu.memory_space<vmem>> -> memref<1x40xi32, #tpu.memory_space<vmem>>
          %dma_wait3A_307 = tpu.memref_squeeze %dma_wait3A_306 : memref<1x40xi32, #tpu.memory_space<vmem>> -> memref<40xi32, #tpu.memory_space<vmem>>
          %dma_wait3A_308 = tpu.memref_slice %arg5[%add3A_124] : memref<320000xi32, #tpu.memory_space<hbm>> -> memref<40xi32, #tpu.memory_space<hbm>>
          %dma_wait3A_309 = arith.constant 0 : i32
          %dma_wait3A_310 = tpu.memref_slice %arg8[%run_scoped3A_257, %dma_wait3A_309] : memref<2x40xi32, #tpu.memory_space<vmem>> -> memref<1x40xi32, #tpu.memory_space<vmem>>
          %dma_wait3A_311 = tpu.memref_squeeze %dma_wait3A_310 : memref<1x40xi32, #tpu.memory_space<vmem>> -> memref<40xi32, #tpu.memory_space<vmem>>
          %dma_wait3A_312 = tpu.memref_slice %arg5[%add3A_124] : memref<320000xi32, #tpu.memory_space<hbm>> -> memref<40xi32, #tpu.memory_space<hbm>>
          tpu.wait_dma2 semaphore(%run_scoped3A_296 : memref<!tpu.dma_semaphore, #tpu.memory_space<semaphore_mem>>) src(%dma_wait3A_312 : memref<40xi32, #tpu.memory_space<hbm>>) dst(%dma_wait3A_311 : memref<40xi32, #tpu.memory_space<vmem>>)
          tpu.yield
        }) : () -> ()
        %run_scoped3A_258 = arith.constant 1 : i32
        "tpu.region"() ({
          %run_scoped3A_296 = tpu.sem_alloc : memref<!tpu.dma_semaphore, #tpu.memory_space<semaphore_mem>>
          %dma_start3A_297 = arith.constant 0 : i32
          %dma_start3A_298 = tpu.memref_slice %arg9[%run_scoped3A_258, %dma_start3A_297] : memref<2x40xi32, #tpu.memory_space<vmem>> -> memref<1x40xi32, #tpu.memory_space<vmem>>
          %dma_start3A_299 = tpu.memref_squeeze %dma_start3A_298 : memref<1x40xi32, #tpu.memory_space<vmem>> -> memref<40xi32, #tpu.memory_space<vmem>>
          %dma_start3A_300 = tpu.memref_slice %arg6[%add3A_124] : memref<320000xi32, #tpu.memory_space<hbm>> -> memref<40xi32, #tpu.memory_space<hbm>>
          %dma_start3A_301 = arith.constant 0 : i32
          %dma_start3A_302 = tpu.memref_slice %arg9[%run_scoped3A_258, %dma_start3A_301] : memref<2x40xi32, #tpu.memory_space<vmem>> -> memref<1x40xi32, #tpu.memory_space<vmem>>
          %dma_start3A_303 = tpu.memref_squeeze %dma_start3A_302 : memref<1x40xi32, #tpu.memory_space<vmem>> -> memref<40xi32, #tpu.memory_space<vmem>>
          %dma_start3A_304 = tpu.memref_slice %arg6[%add3A_124] : memref<320000xi32, #tpu.memory_space<hbm>> -> memref<40xi32, #tpu.memory_space<hbm>>
          tpu.enqueue_dma source(%dma_start3A_304 : memref<40xi32, #tpu.memory_space<hbm>>) target(%dma_start3A_303 : memref<40xi32, #tpu.memory_space<vmem>>) target_semaphore(%run_scoped3A_296 : memref<!tpu.dma_semaphore, #tpu.memory_space<semaphore_mem>>)
          %dma_wait3A_305 = arith.constant 0 : i32
          %dma_wait3A_306 = tpu.memref_slice %arg9[%run_scoped3A_258, %dma_wait3A_305] : memref<2x40xi32, #tpu.memory_space<vmem>> -> memref<1x40xi32, #tpu.memory_space<vmem>>
          %dma_wait3A_307 = tpu.memref_squeeze %dma_wait3A_306 : memref<1x40xi32, #tpu.memory_space<vmem>> -> memref<40xi32, #tpu.memory_space<vmem>>
          %dma_wait3A_308 = tpu.memref_slice %arg6[%add3A_124] : memref<320000xi32, #tpu.memory_space<hbm>> -> memref<40xi32, #tpu.memory_space<hbm>>
          %dma_wait3A_309 = arith.constant 0 : i32
          %dma_wait3A_310 = tpu.memref_slice %arg9[%run_scoped3A_258, %dma_wait3A_309] : memref<2x40xi32, #tpu.memory_space<vmem>> -> memref<1x40xi32, #tpu.memory_space<vmem>>
          %dma_wait3A_311 = tpu.memref_squeeze %dma_wait3A_310 : memref<1x40xi32, #tpu.memory_space<vmem>> -> memref<40xi32, #tpu.memory_space<vmem>>
          %dma_wait3A_312 = tpu.memref_slice %arg6[%add3A_124] : memref<320000xi32, #tpu.memory_space<hbm>> -> memref<40xi32, #tpu.memory_space<hbm>>
          tpu.wait_dma2 semaphore(%run_scoped3A_296 : memref<!tpu.dma_semaphore, #tpu.memory_space<semaphore_mem>>) src(%dma_wait3A_312 : memref<40xi32, #tpu.memory_space<hbm>>) dst(%dma_wait3A_311 : memref<40xi32, #tpu.memory_space<vmem>>)
          tpu.yield
        }) : () -> ()
        %dma_start3A_259 = arith.constant 1 : i32
        %dma_start3A_260 = arith.constant 1 : i32
        %dma_start3A_261 = arith.constant 0 : i32
        %dma_start3A_262 = arith.constant 0 : i32
        %dma_start3A_263 = tpu.memref_slice %arg10[%dma_start3A_260, %dma_start3A_261, %dma_start3A_262] : memref<2x40x256xbf16, #tpu.memory_space<vmem>> -> memref<1x40x256xbf16, #tpu.memory_space<vmem>>
        %dma_start3A_264 = tpu.memref_squeeze %dma_start3A_263 : memref<1x40x256xbf16, #tpu.memory_space<vmem>> -> memref<40x256xbf16, #tpu.memory_space<vmem>>
        %dma_start3A_265 = arith.constant 0 : i32
        %dma_start3A_266 = tpu.memref_slice %arg8[%dma_start3A_259, %dma_start3A_265] : memref<2x40xi32, #tpu.memory_space<vmem>> -> memref<1x40xi32, #tpu.memory_space<vmem>>
        %dma_start3A_267 = tpu.memref_squeeze %dma_start3A_266 : memref<1x40xi32, #tpu.memory_space<vmem>> -> memref<40xi32, #tpu.memory_space<vmem>>
        %dma_start3A_268 = arith.constant 0 : i32
        %dma_start3A_269 = arith.constant 0 : i32
        %dma_start3A_270 = tpu.memref_slice %arg2[%dma_start3A_268, %dma_start3A_269] : memref<10000x256xbf16, #tpu.memory_space<hbm>> -> memref<10000x256xbf16, #tpu.memory_space<hbm>>
        tpu.enqueue_indirect_dma source(%dma_start3A_270 : memref<10000x256xbf16, #tpu.memory_space<hbm>>) target(%dma_start3A_264 : memref<40x256xbf16, #tpu.memory_space<vmem>>) offsets(%dma_start3A_267 : memref<40xi32, #tpu.memory_space<vmem>>) semaphore(%arg16 : memref<!tpu.dma_semaphore, #tpu.memory_space<semaphore_mem>>)
        %dma_start3A_271 = arith.constant 1 : i32
        %dma_start3A_272 = arith.constant 1 : i32
        %dma_start3A_273 = arith.constant 0 : i32
        %dma_start3A_274 = arith.constant 0 : i32
        %dma_start3A_275 = tpu.memref_slice %arg11[%dma_start3A_272, %dma_start3A_273, %dma_start3A_274] : memref<2x40x128xbf16, #tpu.memory_space<vmem>> -> memref<1x40x128xbf16, #tpu.memory_space<vmem>>
        %dma_start3A_276 = tpu.memref_squeeze %dma_start3A_275 : memref<1x40x128xbf16, #tpu.memory_space<vmem>> -> memref<40x128xbf16, #tpu.memory_space<vmem>>
        %dma_start3A_277 = arith.constant 0 : i32
        %dma_start3A_278 = tpu.memref_slice %arg9[%dma_start3A_271, %dma_start3A_277] : memref<2x40xi32, #tpu.memory_space<vmem>> -> memref<1x40xi32, #tpu.memory_space<vmem>>
        %dma_start3A_279 = tpu.memref_squeeze %dma_start3A_278 : memref<1x40xi32, #tpu.memory_space<vmem>> -> memref<40xi32, #tpu.memory_space<vmem>>
        %dma_start3A_280 = arith.constant 0 : i32
        %dma_start3A_281 = arith.constant 0 : i32
        %dma_start3A_282 = tpu.memref_slice %arg3[%dma_start3A_280, %dma_start3A_281] : memref<10000x128xbf16, #tpu.memory_space<hbm>> -> memref<10000x128xbf16, #tpu.memory_space<hbm>>
        tpu.enqueue_indirect_dma source(%dma_start3A_282 : memref<10000x128xbf16, #tpu.memory_space<hbm>>) target(%dma_start3A_276 : memref<40x128xbf16, #tpu.memory_space<vmem>>) offsets(%dma_start3A_279 : memref<40xi32, #tpu.memory_space<vmem>>) semaphore(%arg18 : memref<!tpu.dma_semaphore, #tpu.memory_space<semaphore_mem>>)
        %dma_start3A_283 = arith.constant 1 : i32
        %dma_start3A_284 = arith.constant 0 : i32
        %dma_start3A_285 = arith.constant 0 : i32
        %dma_start3A_286 = tpu.memref_slice %arg12[%dma_start3A_283, %dma_start3A_284, %dma_start3A_285] : memref<2x40x128xbf16, #tpu.memory_space<vmem>> -> memref<1x40x128xbf16, #tpu.memory_space<vmem>>
        %dma_start3A_287 = tpu.memref_squeeze %dma_start3A_286 : memref<1x40x128xbf16, #tpu.memory_space<vmem>> -> memref<40x128xbf16, #tpu.memory_space<vmem>>
        %dma_start3A_288 = arith.constant 0 : i32
        %dma_start3A_289 = tpu.memref_slice %arg4[%add3A_124, %dma_start3A_288] : memref<320000x128xbf16, #tpu.memory_space<hbm>> -> memref<40x128xbf16, #tpu.memory_space<hbm>>
        %dma_start3A_290 = arith.constant 0 : i32
        %dma_start3A_291 = arith.constant 0 : i32
        %dma_start3A_292 = tpu.memref_slice %arg12[%dma_start3A_283, %dma_start3A_290, %dma_start3A_291] : memref<2x40x128xbf16, #tpu.memory_space<vmem>> -> memref<1x40x128xbf16, #tpu.memory_space<vmem>>
        %dma_start3A_293 = tpu.memref_squeeze %dma_start3A_292 : memref<1x40x128xbf16, #tpu.memory_space<vmem>> -> memref<40x128xbf16, #tpu.memory_space<vmem>>
        %dma_start3A_294 = arith.constant 0 : i32
        %dma_start3A_295 = tpu.memref_slice %arg4[%add3A_124, %dma_start3A_294] : memref<320000x128xbf16, #tpu.memory_space<hbm>> -> memref<40x128xbf16, #tpu.memory_space<hbm>>
        tpu.enqueue_dma source(%dma_start3A_295 : memref<40x128xbf16, #tpu.memory_space<hbm>>) target(%dma_start3A_293 : memref<40x128xbf16, #tpu.memory_space<vmem>>) target_semaphore(%arg20 : memref<!tpu.dma_semaphore, #tpu.memory_space<semaphore_mem>>)
      } else {
      }
      %dma_wait3A_129 = arith.constant 0 : i32
      %dma_wait3A_130 = arith.constant 0 : i32
      %dma_wait3A_131 = arith.constant 0 : i32
      %dma_wait3A_132 = arith.constant 0 : i32
      %dma_wait3A_133 = tpu.memref_slice %arg10[%dma_wait3A_130, %dma_wait3A_131, %dma_wait3A_132] : memref<2x40x256xbf16, #tpu.memory_space<vmem>> -> memref<1x40x256xbf16, #tpu.memory_space<vmem>>
      %dma_wait3A_134 = tpu.memref_squeeze %dma_wait3A_133 : memref<1x40x256xbf16, #tpu.memory_space<vmem>> -> memref<40x256xbf16, #tpu.memory_space<vmem>>
      %dma_wait3A_135 = arith.constant 0 : i32
      %dma_wait3A_136 = tpu.memref_slice %arg8[%dma_wait3A_129, %dma_wait3A_135] : memref<2x40xi32, #tpu.memory_space<vmem>> -> memref<1x40xi32, #tpu.memory_space<vmem>>
      %dma_wait3A_137 = tpu.memref_squeeze %dma_wait3A_136 : memref<1x40xi32, #tpu.memory_space<vmem>> -> memref<40xi32, #tpu.memory_space<vmem>>
      %dma_wait3A_138 = arith.constant 0 : i32
      %dma_wait3A_139 = arith.constant 0 : i32
      %dma_wait3A_140 = tpu.memref_slice %arg2[%dma_wait3A_138, %dma_wait3A_139] : memref<10000x256xbf16, #tpu.memory_space<hbm>> -> memref<10000x256xbf16, #tpu.memory_space<hbm>>
      tpu.wait_indirect_dma semaphore(%arg15 : memref<!tpu.dma_semaphore, #tpu.memory_space<semaphore_mem>>) src(%dma_wait3A_140 : memref<10000x256xbf16, #tpu.memory_space<hbm>>) dst(%dma_wait3A_134 : memref<40x256xbf16, #tpu.memory_space<vmem>>)
      %dma_wait3A_141 = arith.constant 0 : i32
      %dma_wait3A_142 = arith.constant 0 : i32
      %dma_wait3A_143 = arith.constant 0 : i32
      %dma_wait3A_144 = arith.constant 0 : i32
      %dma_wait3A_145 = tpu.memref_slice %arg11[%dma_wait3A_142, %dma_wait3A_143, %dma_wait3A_144] : memref<2x40x128xbf16, #tpu.memory_space<vmem>> -> memref<1x40x128xbf16, #tpu.memory_space<vmem>>
      %dma_wait3A_146 = tpu.memref_squeeze %dma_wait3A_145 : memref<1x40x128xbf16, #tpu.memory_space<vmem>> -> memref<40x128xbf16, #tpu.memory_space<vmem>>
      %dma_wait3A_147 = arith.constant 0 : i32
      %dma_wait3A_148 = tpu.memref_slice %arg9[%dma_wait3A_141, %dma_wait3A_147] : memref<2x40xi32, #tpu.memory_space<vmem>> -> memref<1x40xi32, #tpu.memory_space<vmem>>
      %dma_wait3A_149 = tpu.memref_squeeze %dma_wait3A_148 : memref<1x40xi32, #tpu.memory_space<vmem>> -> memref<40xi32, #tpu.memory_space<vmem>>
      %dma_wait3A_150 = arith.constant 0 : i32
      %dma_wait3A_151 = arith.constant 0 : i32
      %dma_wait3A_152 = tpu.memref_slice %arg3[%dma_wait3A_150, %dma_wait3A_151] : memref<10000x128xbf16, #tpu.memory_space<hbm>> -> memref<10000x128xbf16, #tpu.memory_space<hbm>>
      tpu.wait_indirect_dma semaphore(%arg17 : memref<!tpu.dma_semaphore, #tpu.memory_space<semaphore_mem>>) src(%dma_wait3A_152 : memref<10000x128xbf16, #tpu.memory_space<hbm>>) dst(%dma_wait3A_146 : memref<40x128xbf16, #tpu.memory_space<vmem>>)
      %dma_wait3A_153 = arith.constant 0 : i32
      %dma_wait3A_154 = arith.constant 0 : i32
      %dma_wait3A_155 = arith.constant 0 : i32
      %dma_wait3A_156 = tpu.memref_slice %arg12[%dma_wait3A_153, %dma_wait3A_154, %dma_wait3A_155] : memref<2x40x128xbf16, #tpu.memory_space<vmem>> -> memref<1x40x128xbf16, #tpu.memory_space<vmem>>
      %dma_wait3A_157 = tpu.memref_squeeze %dma_wait3A_156 : memref<1x40x128xbf16, #tpu.memory_space<vmem>> -> memref<40x128xbf16, #tpu.memory_space<vmem>>
      %dma_wait3A_158 = arith.constant 0 : i32
      %dma_wait3A_159 = tpu.memref_slice %arg4[%add3A_122, %dma_wait3A_158] : memref<320000x128xbf16, #tpu.memory_space<hbm>> -> memref<40x128xbf16, #tpu.memory_space<hbm>>
      %dma_wait3A_160 = arith.constant 0 : i32
      %dma_wait3A_161 = arith.constant 0 : i32
      %dma_wait3A_162 = tpu.memref_slice %arg12[%dma_wait3A_153, %dma_wait3A_160, %dma_wait3A_161] : memref<2x40x128xbf16, #tpu.memory_space<vmem>> -> memref<1x40x128xbf16, #tpu.memory_space<vmem>>
      %dma_wait3A_163 = tpu.memref_squeeze %dma_wait3A_162 : memref<1x40x128xbf16, #tpu.memory_space<vmem>> -> memref<40x128xbf16, #tpu.memory_space<vmem>>
      %dma_wait3A_164 = arith.constant 0 : i32
      %dma_wait3A_165 = tpu.memref_slice %arg4[%add3A_122, %dma_wait3A_164] : memref<320000x128xbf16, #tpu.memory_space<hbm>> -> memref<40x128xbf16, #tpu.memory_space<hbm>>
      tpu.wait_dma2 semaphore(%arg19 : memref<!tpu.dma_semaphore, #tpu.memory_space<semaphore_mem>>) src(%dma_wait3A_165 : memref<40x128xbf16, #tpu.memory_space<hbm>>) dst(%dma_wait3A_163 : memref<40x128xbf16, #tpu.memory_space<vmem>>)
      %ge3A = arith.constant 2 : i32
      %ge3A_166 = arith.cmpi sge, %add3A_119, %ge3A : i32
      %convert_element_type3A_167 = arith.extui %ge3A_166 : i1 to i32
      %cond3A_168 = arith.constant 0 : i32
      %cond3A_169 = arith.cmpi ne, %convert_element_type3A_167, %cond3A_168 : i32
      scf.if %cond3A_169 {
        %dma_wait3A_257 = arith.constant 0 : i32
        %dma_wait3A_258 = arith.constant 0 : i32
        %dma_wait3A_259 = arith.constant 0 : i32
        %dma_wait3A_260 = arith.constant 0 : i32
        %dma_wait3A_261 = tpu.memref_slice %arg13[%dma_wait3A_257, %dma_wait3A_259, %dma_wait3A_260] : memref<2x40x144xf32, #tpu.memory_space<vmem>> -> memref<1x40x144xf32, #tpu.memory_space<vmem>>
        %dma_wait3A_262 = tpu.memref_squeeze %dma_wait3A_261 : memref<1x40x144xf32, #tpu.memory_space<vmem>> -> memref<40x144xf32, #tpu.memory_space<vmem>>
        %dma_wait3A_263 = arith.constant 0 : i32
        %dma_wait3A_264 = tpu.memref_slice %arg9[%dma_wait3A_258, %dma_wait3A_263] : memref<2x40xi32, #tpu.memory_space<vmem>> -> memref<1x40xi32, #tpu.memory_space<vmem>>
        %dma_wait3A_265 = tpu.memref_squeeze %dma_wait3A_264 : memref<1x40xi32, #tpu.memory_space<vmem>> -> memref<40xi32, #tpu.memory_space<vmem>>
        %dma_wait3A_266 = arith.constant 0 : i32
        %dma_wait3A_267 = arith.constant 0 : i32
        %dma_wait3A_268 = tpu.memref_slice %arg14[%dma_wait3A_266, %dma_wait3A_267] : memref<10000x144xf32, #tpu.memory_space<vmem_shared>> -> memref<10000x144xf32, #tpu.memory_space<vmem_shared>>
        tpu.wait_indirect_dma semaphore(%arg21 : memref<!tpu.dma_semaphore, #tpu.memory_space<semaphore_mem>>) src(%dma_wait3A_262 : memref<40x144xf32, #tpu.memory_space<vmem>>) dst(%dma_wait3A_268 : memref<10000x144xf32, #tpu.memory_space<vmem_shared>>)
      } else {
      }
      %parallel_loop3A = arith.constant 0 : i32
      %parallel_loop3A_170 = arith.constant 40 : i32
      %parallel_loop3A_171 = arith.constant 1 : i32
      scf.for %parallel_loop3A_257 = %parallel_loop3A to %parallel_loop3A_170 step %parallel_loop3A_171  : i32 {
        %parallel_loop3A_258 = arith.constant 0.000000e+00 : f32
        %parallel_loop3A_259 = vector.broadcast %parallel_loop3A_258 : f32 to vector<16xf32>
        %parallel_loop3A_260 = arith.constant 0 : i32
        %parallel_loop3A_261 = arith.index_cast %parallel_loop3A_260 : i32 to index
        %parallel_loop3A_262 = arith.index_cast %parallel_loop3A_257 : i32 to index
        %parallel_loop3A_263 = arith.constant 0 : index
        %parallel_loop3A_264 = tpu.vector_load %arg10[%parallel_loop3A_261, %parallel_loop3A_262, %parallel_loop3A_263] {strides = array<i32>} : memref<2x40x256xbf16, #tpu.memory_space<vmem>>, vector<32xbf16>,
        %parallel_loop3A_265 = tpu.unpack_subelements %parallel_loop3A_264, 0 {pack_format = #tpu.pack_format<interleaved>} : vector<32xbf16> -> vector<16xf32>
        %parallel_loop3A_266 = tpu.unpack_subelements %parallel_loop3A_264, 1 {pack_format = #tpu.pack_format<interleaved>} : vector<32xbf16> -> vector<16xf32>
        %parallel_loop3A_267 = arith.constant 0 : i32
        %parallel_loop3A_268 = arith.index_cast %parallel_loop3A_267 : i32 to index
        %parallel_loop3A_269 = arith.index_cast %parallel_loop3A_257 : i32 to index
        %parallel_loop3A_270 = arith.constant 0 : index
        %parallel_loop3A_271 = tpu.vector_load %arg11[%parallel_loop3A_268, %parallel_loop3A_269, %parallel_loop3A_270] {strides = array<i32>} : memref<2x40x128xbf16, #tpu.memory_space<vmem>>, vector<32xbf16>,
        %parallel_loop3A_272 = tpu.unpack_subelements %parallel_loop3A_271, 0 {pack_format = #tpu.pack_format<interleaved>} : vector<32xbf16> -> vector<16xf32>
        %parallel_loop3A_273 = tpu.unpack_subelements %parallel_loop3A_271, 1 {pack_format = #tpu.pack_format<interleaved>} : vector<32xbf16> -> vector<16xf32>
        %parallel_loop3A_274 = arith.constant 0 : i32
        %parallel_loop3A_275 = arith.index_cast %parallel_loop3A_274 : i32 to index
        %parallel_loop3A_276 = arith.index_cast %parallel_loop3A_257 : i32 to index
        %parallel_loop3A_277 = arith.constant 0 : index
        %parallel_loop3A_278 = tpu.vector_load %arg12[%parallel_loop3A_275, %parallel_loop3A_276, %parallel_loop3A_277] {strides = array<i32>} : memref<2x40x128xbf16, #tpu.memory_space<vmem>>, vector<32xbf16>,
        %parallel_loop3A_279 = tpu.unpack_subelements %parallel_loop3A_278, 0 {pack_format = #tpu.pack_format<interleaved>} : vector<32xbf16> -> vector<16xf32>
        %parallel_loop3A_280 = tpu.unpack_subelements %parallel_loop3A_278, 1 {pack_format = #tpu.pack_format<interleaved>} : vector<32xbf16> -> vector<16xf32>
        %parallel_loop3A_281 = arith.constant 0 : i32
        %parallel_loop3A_282 = arith.index_cast %parallel_loop3A_281 : i32 to index
        %parallel_loop3A_283 = arith.index_cast %parallel_loop3A_257 : i32 to index
        %parallel_loop3A_284 = arith.constant 128 : index
        %parallel_loop3A_285 = tpu.vector_load %arg10[%parallel_loop3A_282, %parallel_loop3A_283, %parallel_loop3A_284] {strides = array<i32>} : memref<2x40x256xbf16, #tpu.memory_space<vmem>>, vector<32xbf16>,
        %parallel_loop3A_286 = tpu.unpack_subelements %parallel_loop3A_285, 0 {pack_format = #tpu.pack_format<interleaved>} : vector<32xbf16> -> vector<16xf32>
        %parallel_loop3A_287 = tpu.unpack_subelements %parallel_loop3A_285, 1 {pack_format = #tpu.pack_format<interleaved>} : vector<32xbf16> -> vector<16xf32>
        %parallel_loop3A_288 = arith.mulf %parallel_loop3A_265, %parallel_loop3A_272 : vector<16xf32>
        %parallel_loop3A_289 = arith.mulf %parallel_loop3A_288, %parallel_loop3A_279 : vector<16xf32>
        %parallel_loop3A_290 = arith.constant true
        %parallel_loop3A_291 = vector.broadcast %parallel_loop3A_290 : i1 to vector<16xi1>
        %parallel_loop3A_292 = tpu.scan <sum>, %parallel_loop3A_289 masked %parallel_loop3A_291 : vector<16xf32>, vector<16xi1> -> vector<16xf32>
        %parallel_loop3A_293 = vector.extract %parallel_loop3A_292[15] : f32 from vector<16xf32>
        %parallel_loop3A_294 = arith.constant -5.000000e+00 : f32
        %parallel_loop3A_295 = arith.maximumf %parallel_loop3A_293, %parallel_loop3A_294 : f32
        %parallel_loop3A_296 = arith.constant 5.000000e+00 : f32
        %parallel_loop3A_297 = arith.minimumf %parallel_loop3A_295, %parallel_loop3A_296 : f32
        %parallel_loop3A_298 = vector.broadcast %parallel_loop3A_297 : f32 to vector<16xf32>
        %parallel_loop3A_299 = math.exp %parallel_loop3A_298 : vector<16xf32>
        %parallel_loop3A_300 = arith.mulf %parallel_loop3A_286, %parallel_loop3A_299 : vector<16xf32>
        %parallel_loop3A_301 = arith.constant 0 : i32
        %parallel_loop3A_302 = arith.index_cast %parallel_loop3A_301 : i32 to index
        %parallel_loop3A_303 = arith.index_cast %parallel_loop3A_257 : i32 to index
        %parallel_loop3A_304 = arith.constant 0 : index
        %parallel_loop3A_305 = tpu.vector_load %arg13[%parallel_loop3A_302, %parallel_loop3A_303, %parallel_loop3A_304] {strides = array<i32>} : memref<2x40x144xf32, #tpu.memory_space<vmem>>, vector<16xf32>,
        tpu.vector_store %arg13[%parallel_loop3A_302, %parallel_loop3A_303, %parallel_loop3A_304], %parallel_loop3A_300 {strides = array<i32>} : memref<2x40x144xf32, #tpu.memory_space<vmem>>, vector<16xf32>,
        %parallel_loop3A_306 = arith.constant 0 : i32
        %parallel_loop3A_307 = vector.broadcast %parallel_loop3A_306 : i32 to vector<16xi32>
        %parallel_loop3A_308 = arith.cmpi eq, %iota3A, %parallel_loop3A_307 : vector<16xi32>
        %parallel_loop3A_309 = arith.select %parallel_loop3A_308, %parallel_loop3A_299, %parallel_loop3A_259 : vector<16xi1>, vector<16xf32>
        %parallel_loop3A_310 = arith.mulf %parallel_loop3A_266, %parallel_loop3A_273 : vector<16xf32>
        %parallel_loop3A_311 = arith.mulf %parallel_loop3A_310, %parallel_loop3A_280 : vector<16xf32>
        %parallel_loop3A_312 = arith.constant true
        %parallel_loop3A_313 = vector.broadcast %parallel_loop3A_312 : i1 to vector<16xi1>
        %parallel_loop3A_314 = tpu.scan <sum>, %parallel_loop3A_311 masked %parallel_loop3A_313 : vector<16xf32>, vector<16xi1> -> vector<16xf32>
        %parallel_loop3A_315 = vector.extract %parallel_loop3A_314[15] : f32 from vector<16xf32>
        %parallel_loop3A_316 = arith.constant -5.000000e+00 : f32
        %parallel_loop3A_317 = arith.maximumf %parallel_loop3A_315, %parallel_loop3A_316 : f32
        %parallel_loop3A_318 = arith.constant 5.000000e+00 : f32
        %parallel_loop3A_319 = arith.minimumf %parallel_loop3A_317, %parallel_loop3A_318 : f32
        %parallel_loop3A_320 = vector.broadcast %parallel_loop3A_319 : f32 to vector<16xf32>
        %parallel_loop3A_321 = math.exp %parallel_loop3A_320 : vector<16xf32>
        %parallel_loop3A_322 = arith.mulf %parallel_loop3A_287, %parallel_loop3A_321 : vector<16xf32>
        %parallel_loop3A_323 = arith.constant 0 : i32
        %parallel_loop3A_324 = arith.index_cast %parallel_loop3A_323 : i32 to index
        %parallel_loop3A_325 = arith.index_cast %parallel_loop3A_257 : i32 to index
        %parallel_loop3A_326 = arith.constant 16 : index
        %parallel_loop3A_327 = tpu.vector_load %arg13[%parallel_loop3A_324, %parallel_loop3A_325, %parallel_loop3A_326] {strides = array<i32>} : memref<2x40x144xf32, #tpu.memory_space<vmem>>, vector<16xf32>,
        tpu.vector_store %arg13[%parallel_loop3A_324, %parallel_loop3A_325, %parallel_loop3A_326], %parallel_loop3A_322 {strides = array<i32>} : memref<2x40x144xf32, #tpu.memory_space<vmem>>, vector<16xf32>,
        %parallel_loop3A_328 = arith.constant 1 : i32
        %parallel_loop3A_329 = vector.broadcast %parallel_loop3A_328 : i32 to vector<16xi32>
        %parallel_loop3A_330 = arith.cmpi eq, %iota3A, %parallel_loop3A_329 : vector<16xi32>
        %parallel_loop3A_331 = arith.select %parallel_loop3A_330, %parallel_loop3A_321, %parallel_loop3A_309 : vector<16xi1>, vector<16xf32>
        %parallel_loop3A_332 = arith.constant 0 : i32
        %parallel_loop3A_333 = arith.index_cast %parallel_loop3A_332 : i32 to index
        %parallel_loop3A_334 = arith.index_cast %parallel_loop3A_257 : i32 to index
        %parallel_loop3A_335 = arith.constant 32 : index
        %parallel_loop3A_336 = tpu.vector_load %arg10[%parallel_loop3A_333, %parallel_loop3A_334, %parallel_loop3A_335] {strides = array<i32>} : memref<2x40x256xbf16, #tpu.memory_space<vmem>>, vector<32xbf16>,
        %parallel_loop3A_337 = tpu.unpack_subelements %parallel_loop3A_336, 0 {pack_format = #tpu.pack_format<interleaved>} : vector<32xbf16> -> vector<16xf32>
        %parallel_loop3A_338 = tpu.unpack_subelements %parallel_loop3A_336, 1 {pack_format = #tpu.pack_format<interleaved>} : vector<32xbf16> -> vector<16xf32>
        %parallel_loop3A_339 = arith.constant 0 : i32
        %parallel_loop3A_340 = arith.index_cast %parallel_loop3A_339 : i32 to index
        %parallel_loop3A_341 = arith.index_cast %parallel_loop3A_257 : i32 to index
        %parallel_loop3A_342 = arith.constant 32 : index
        %parallel_loop3A_343 = tpu.vector_load %arg11[%parallel_loop3A_340, %parallel_loop3A_341, %parallel_loop3A_342] {strides = array<i32>} : memref<2x40x128xbf16, #tpu.memory_space<vmem>>, vector<32xbf16>,
        %parallel_loop3A_344 = tpu.unpack_subelements %parallel_loop3A_343, 0 {pack_format = #tpu.pack_format<interleaved>} : vector<32xbf16> -> vector<16xf32>
        %parallel_loop3A_345 = tpu.unpack_subelements %parallel_loop3A_343, 1 {pack_format = #tpu.pack_format<interleaved>} : vector<32xbf16> -> vector<16xf32>
        %parallel_loop3A_346 = arith.constant 0 : i32
        %parallel_loop3A_347 = arith.index_cast %parallel_loop3A_346 : i32 to index
        %parallel_loop3A_348 = arith.index_cast %parallel_loop3A_257 : i32 to index
        %parallel_loop3A_349 = arith.constant 32 : index
        %parallel_loop3A_350 = tpu.vector_load %arg12[%parallel_loop3A_347, %parallel_loop3A_348, %parallel_loop3A_349] {strides = array<i32>} : memref<2x40x128xbf16, #tpu.memory_space<vmem>>, vector<32xbf16>,
        %parallel_loop3A_351 = tpu.unpack_subelements %parallel_loop3A_350, 0 {pack_format = #tpu.pack_format<interleaved>} : vector<32xbf16> -> vector<16xf32>
        %parallel_loop3A_352 = tpu.unpack_subelements %parallel_loop3A_350, 1 {pack_format = #tpu.pack_format<interleaved>} : vector<32xbf16> -> vector<16xf32>
        %parallel_loop3A_353 = arith.constant 0 : i32
        %parallel_loop3A_354 = arith.index_cast %parallel_loop3A_353 : i32 to index
        %parallel_loop3A_355 = arith.index_cast %parallel_loop3A_257 : i32 to index
        %parallel_loop3A_356 = arith.constant 160 : index
        %parallel_loop3A_357 = tpu.vector_load %arg10[%parallel_loop3A_354, %parallel_loop3A_355, %parallel_loop3A_356] {strides = array<i32>} : memref<2x40x256xbf16, #tpu.memory_space<vmem>>, vector<32xbf16>,
        %parallel_loop3A_358 = tpu.unpack_subelements %parallel_loop3A_357, 0 {pack_format = #tpu.pack_format<interleaved>} : vector<32xbf16> -> vector<16xf32>
        %parallel_loop3A_359 = tpu.unpack_subelements %parallel_loop3A_357, 1 {pack_format = #tpu.pack_format<interleaved>} : vector<32xbf16> -> vector<16xf32>
        %parallel_loop3A_360 = arith.mulf %parallel_loop3A_337, %parallel_loop3A_344 : vector<16xf32>
        %parallel_loop3A_361 = arith.mulf %parallel_loop3A_360, %parallel_loop3A_351 : vector<16xf32>
        %parallel_loop3A_362 = arith.constant true
        %parallel_loop3A_363 = vector.broadcast %parallel_loop3A_362 : i1 to vector<16xi1>
        %parallel_loop3A_364 = tpu.scan <sum>, %parallel_loop3A_361 masked %parallel_loop3A_363 : vector<16xf32>, vector<16xi1> -> vector<16xf32>
        %parallel_loop3A_365 = vector.extract %parallel_loop3A_364[15] : f32 from vector<16xf32>
        %parallel_loop3A_366 = arith.constant -5.000000e+00 : f32
        %parallel_loop3A_367 = arith.maximumf %parallel_loop3A_365, %parallel_loop3A_366 : f32
        %parallel_loop3A_368 = arith.constant 5.000000e+00 : f32
        %parallel_loop3A_369 = arith.minimumf %parallel_loop3A_367, %parallel_loop3A_368 : f32
        %parallel_loop3A_370 = vector.broadcast %parallel_loop3A_369 : f32 to vector<16xf32>
        %parallel_loop3A_371 = math.exp %parallel_loop3A_370 : vector<16xf32>
        %parallel_loop3A_372 = arith.mulf %parallel_loop3A_358, %parallel_loop3A_371 : vector<16xf32>
        %parallel_loop3A_373 = arith.constant 0 : i32
        %parallel_loop3A_374 = arith.index_cast %parallel_loop3A_373 : i32 to index
        %parallel_loop3A_375 = arith.index_cast %parallel_loop3A_257 : i32 to index
        %parallel_loop3A_376 = arith.constant 32 : index
        %parallel_loop3A_377 = tpu.vector_load %arg13[%parallel_loop3A_374, %parallel_loop3A_375, %parallel_loop3A_376] {strides = array<i32>} : memref<2x40x144xf32, #tpu.memory_space<vmem>>, vector<16xf32>,
        tpu.vector_store %arg13[%parallel_loop3A_374, %parallel_loop3A_375, %parallel_loop3A_376], %parallel_loop3A_372 {strides = array<i32>} : memref<2x40x144xf32, #tpu.memory_space<vmem>>, vector<16xf32>,
        %parallel_loop3A_378 = arith.constant 2 : i32
        %parallel_loop3A_379 = vector.broadcast %parallel_loop3A_378 : i32 to vector<16xi32>
        %parallel_loop3A_380 = arith.cmpi eq, %iota3A, %parallel_loop3A_379 : vector<16xi32>
        %parallel_loop3A_381 = arith.select %parallel_loop3A_380, %parallel_loop3A_371, %parallel_loop3A_331 : vector<16xi1>, vector<16xf32>
        %parallel_loop3A_382 = arith.mulf %parallel_loop3A_338, %parallel_loop3A_345 : vector<16xf32>
        %parallel_loop3A_383 = arith.mulf %parallel_loop3A_382, %parallel_loop3A_352 : vector<16xf32>
        %parallel_loop3A_384 = arith.constant true
        %parallel_loop3A_385 = vector.broadcast %parallel_loop3A_384 : i1 to vector<16xi1>
        %parallel_loop3A_386 = tpu.scan <sum>, %parallel_loop3A_383 masked %parallel_loop3A_385 : vector<16xf32>, vector<16xi1> -> vector<16xf32>
        %parallel_loop3A_387 = vector.extract %parallel_loop3A_386[15] : f32 from vector<16xf32>
        %parallel_loop3A_388 = arith.constant -5.000000e+00 : f32
        %parallel_loop3A_389 = arith.maximumf %parallel_loop3A_387, %parallel_loop3A_388 : f32
        %parallel_loop3A_390 = arith.constant 5.000000e+00 : f32
        %parallel_loop3A_391 = arith.minimumf %parallel_loop3A_389, %parallel_loop3A_390 : f32
        %parallel_loop3A_392 = vector.broadcast %parallel_loop3A_391 : f32 to vector<16xf32>
        %parallel_loop3A_393 = math.exp %parallel_loop3A_392 : vector<16xf32>
        %parallel_loop3A_394 = arith.mulf %parallel_loop3A_359, %parallel_loop3A_393 : vector<16xf32>
        %parallel_loop3A_395 = arith.constant 0 : i32
        %parallel_loop3A_396 = arith.index_cast %parallel_loop3A_395 : i32 to index
        %parallel_loop3A_397 = arith.index_cast %parallel_loop3A_257 : i32 to index
        %parallel_loop3A_398 = arith.constant 48 : index
        %parallel_loop3A_399 = tpu.vector_load %arg13[%parallel_loop3A_396, %parallel_loop3A_397, %parallel_loop3A_398] {strides = array<i32>} : memref<2x40x144xf32, #tpu.memory_space<vmem>>, vector<16xf32>,
        tpu.vector_store %arg13[%parallel_loop3A_396, %parallel_loop3A_397, %parallel_loop3A_398], %parallel_loop3A_394 {strides = array<i32>} : memref<2x40x144xf32, #tpu.memory_space<vmem>>, vector<16xf32>,
        %parallel_loop3A_400 = arith.constant 3 : i32
        %parallel_loop3A_401 = vector.broadcast %parallel_loop3A_400 : i32 to vector<16xi32>
        %parallel_loop3A_402 = arith.cmpi eq, %iota3A, %parallel_loop3A_401 : vector<16xi32>
        %parallel_loop3A_403 = arith.select %parallel_loop3A_402, %parallel_loop3A_393, %parallel_loop3A_381 : vector<16xi1>, vector<16xf32>
        %parallel_loop3A_404 = arith.constant 0 : i32
        %parallel_loop3A_405 = arith.index_cast %parallel_loop3A_404 : i32 to index
        %parallel_loop3A_406 = arith.index_cast %parallel_loop3A_257 : i32 to index
        %parallel_loop3A_407 = arith.constant 64 : index
        %parallel_loop3A_408 = tpu.vector_load %arg10[%parallel_loop3A_405, %parallel_loop3A_406, %parallel_loop3A_407] {strides = array<i32>} : memref<2x40x256xbf16, #tpu.memory_space<vmem>>, vector<32xbf16>,
        %parallel_loop3A_409 = tpu.unpack_subelements %parallel_loop3A_408, 0 {pack_format = #tpu.pack_format<interleaved>} : vector<32xbf16> -> vector<16xf32>
        %parallel_loop3A_410 = tpu.unpack_subelements %parallel_loop3A_408, 1 {pack_format = #tpu.pack_format<interleaved>} : vector<32xbf16> -> vector<16xf32>
        %parallel_loop3A_411 = arith.constant 0 : i32
        %parallel_loop3A_412 = arith.index_cast %parallel_loop3A_411 : i32 to index
        %parallel_loop3A_413 = arith.index_cast %parallel_loop3A_257 : i32 to index
        %parallel_loop3A_414 = arith.constant 64 : index
        %parallel_loop3A_415 = tpu.vector_load %arg11[%parallel_loop3A_412, %parallel_loop3A_413, %parallel_loop3A_414] {strides = array<i32>} : memref<2x40x128xbf16, #tpu.memory_space<vmem>>, vector<32xbf16>,
        %parallel_loop3A_416 = tpu.unpack_subelements %parallel_loop3A_415, 0 {pack_format = #tpu.pack_format<interleaved>} : vector<32xbf16> -> vector<16xf32>
        %parallel_loop3A_417 = tpu.unpack_subelements %parallel_loop3A_415, 1 {pack_format = #tpu.pack_format<interleaved>} : vector<32xbf16> -> vector<16xf32>
        %parallel_loop3A_418 = arith.constant 0 : i32
        %parallel_loop3A_419 = arith.index_cast %parallel_loop3A_418 : i32 to index
        %parallel_loop3A_420 = arith.index_cast %parallel_loop3A_257 : i32 to index
        %parallel_loop3A_421 = arith.constant 64 : index
        %parallel_loop3A_422 = tpu.vector_load %arg12[%parallel_loop3A_419, %parallel_loop3A_420, %parallel_loop3A_421] {strides = array<i32>} : memref<2x40x128xbf16, #tpu.memory_space<vmem>>, vector<32xbf16>,
        %parallel_loop3A_423 = tpu.unpack_subelements %parallel_loop3A_422, 0 {pack_format = #tpu.pack_format<interleaved>} : vector<32xbf16> -> vector<16xf32>
        %parallel_loop3A_424 = tpu.unpack_subelements %parallel_loop3A_422, 1 {pack_format = #tpu.pack_format<interleaved>} : vector<32xbf16> -> vector<16xf32>
        %parallel_loop3A_425 = arith.constant 0 : i32
        %parallel_loop3A_426 = arith.index_cast %parallel_loop3A_425 : i32 to index
        %parallel_loop3A_427 = arith.index_cast %parallel_loop3A_257 : i32 to index
        %parallel_loop3A_428 = arith.constant 192 : index
        %parallel_loop3A_429 = tpu.vector_load %arg10[%parallel_loop3A_426, %parallel_loop3A_427, %parallel_loop3A_428] {strides = array<i32>} : memref<2x40x256xbf16, #tpu.memory_space<vmem>>, vector<32xbf16>,
        %parallel_loop3A_430 = tpu.unpack_subelements %parallel_loop3A_429, 0 {pack_format = #tpu.pack_format<interleaved>} : vector<32xbf16> -> vector<16xf32>
        %parallel_loop3A_431 = tpu.unpack_subelements %parallel_loop3A_429, 1 {pack_format = #tpu.pack_format<interleaved>} : vector<32xbf16> -> vector<16xf32>
        %parallel_loop3A_432 = arith.mulf %parallel_loop3A_409, %parallel_loop3A_416 : vector<16xf32>
        %parallel_loop3A_433 = arith.mulf %parallel_loop3A_432, %parallel_loop3A_423 : vector<16xf32>
        %parallel_loop3A_434 = arith.constant true
        %parallel_loop3A_435 = vector.broadcast %parallel_loop3A_434 : i1 to vector<16xi1>
        %parallel_loop3A_436 = tpu.scan <sum>, %parallel_loop3A_433 masked %parallel_loop3A_435 : vector<16xf32>, vector<16xi1> -> vector<16xf32>
        %parallel_loop3A_437 = vector.extract %parallel_loop3A_436[15] : f32 from vector<16xf32>
        %parallel_loop3A_438 = arith.constant -5.000000e+00 : f32
        %parallel_loop3A_439 = arith.maximumf %parallel_loop3A_437, %parallel_loop3A_438 : f32
        %parallel_loop3A_440 = arith.constant 5.000000e+00 : f32
        %parallel_loop3A_441 = arith.minimumf %parallel_loop3A_439, %parallel_loop3A_440 : f32
        %parallel_loop3A_442 = vector.broadcast %parallel_loop3A_441 : f32 to vector<16xf32>
        %parallel_loop3A_443 = math.exp %parallel_loop3A_442 : vector<16xf32>
        %parallel_loop3A_444 = arith.mulf %parallel_loop3A_430, %parallel_loop3A_443 : vector<16xf32>
        %parallel_loop3A_445 = arith.constant 0 : i32
        %parallel_loop3A_446 = arith.index_cast %parallel_loop3A_445 : i32 to index
        %parallel_loop3A_447 = arith.index_cast %parallel_loop3A_257 : i32 to index
        %parallel_loop3A_448 = arith.constant 64 : index
        %parallel_loop3A_449 = tpu.vector_load %arg13[%parallel_loop3A_446, %parallel_loop3A_447, %parallel_loop3A_448] {strides = array<i32>} : memref<2x40x144xf32, #tpu.memory_space<vmem>>, vector<16xf32>,
        tpu.vector_store %arg13[%parallel_loop3A_446, %parallel_loop3A_447, %parallel_loop3A_448], %parallel_loop3A_444 {strides = array<i32>} : memref<2x40x144xf32, #tpu.memory_space<vmem>>, vector<16xf32>,
        %parallel_loop3A_450 = arith.constant 4 : i32
        %parallel_loop3A_451 = vector.broadcast %parallel_loop3A_450 : i32 to vector<16xi32>
        %parallel_loop3A_452 = arith.cmpi eq, %iota3A, %parallel_loop3A_451 : vector<16xi32>
        %parallel_loop3A_453 = arith.select %parallel_loop3A_452, %parallel_loop3A_443, %parallel_loop3A_403 : vector<16xi1>, vector<16xf32>
        %parallel_loop3A_454 = arith.mulf %parallel_loop3A_410, %parallel_loop3A_417 : vector<16xf32>
        %parallel_loop3A_455 = arith.mulf %parallel_loop3A_454, %parallel_loop3A_424 : vector<16xf32>
        %parallel_loop3A_456 = arith.constant true
        %parallel_loop3A_457 = vector.broadcast %parallel_loop3A_456 : i1 to vector<16xi1>
        %parallel_loop3A_458 = tpu.scan <sum>, %parallel_loop3A_455 masked %parallel_loop3A_457 : vector<16xf32>, vector<16xi1> -> vector<16xf32>
        %parallel_loop3A_459 = vector.extract %parallel_loop3A_458[15] : f32 from vector<16xf32>
        %parallel_loop3A_460 = arith.constant -5.000000e+00 : f32
        %parallel_loop3A_461 = arith.maximumf %parallel_loop3A_459, %parallel_loop3A_460 : f32
        %parallel_loop3A_462 = arith.constant 5.000000e+00 : f32
        %parallel_loop3A_463 = arith.minimumf %parallel_loop3A_461, %parallel_loop3A_462 : f32
        %parallel_loop3A_464 = vector.broadcast %parallel_loop3A_463 : f32 to vector<16xf32>
        %parallel_loop3A_465 = math.exp %parallel_loop3A_464 : vector<16xf32>
        %parallel_loop3A_466 = arith.mulf %parallel_loop3A_431, %parallel_loop3A_465 : vector<16xf32>
        %parallel_loop3A_467 = arith.constant 0 : i32
        %parallel_loop3A_468 = arith.index_cast %parallel_loop3A_467 : i32 to index
        %parallel_loop3A_469 = arith.index_cast %parallel_loop3A_257 : i32 to index
        %parallel_loop3A_470 = arith.constant 80 : index
        %parallel_loop3A_471 = tpu.vector_load %arg13[%parallel_loop3A_468, %parallel_loop3A_469, %parallel_loop3A_470] {strides = array<i32>} : memref<2x40x144xf32, #tpu.memory_space<vmem>>, vector<16xf32>,
        tpu.vector_store %arg13[%parallel_loop3A_468, %parallel_loop3A_469, %parallel_loop3A_470], %parallel_loop3A_466 {strides = array<i32>} : memref<2x40x144xf32, #tpu.memory_space<vmem>>, vector<16xf32>,
        %parallel_loop3A_472 = arith.constant 5 : i32
        %parallel_loop3A_473 = vector.broadcast %parallel_loop3A_472 : i32 to vector<16xi32>
        %parallel_loop3A_474 = arith.cmpi eq, %iota3A, %parallel_loop3A_473 : vector<16xi32>
        %parallel_loop3A_475 = arith.select %parallel_loop3A_474, %parallel_loop3A_465, %parallel_loop3A_453 : vector<16xi1>, vector<16xf32>
        %parallel_loop3A_476 = arith.constant 0 : i32
        %parallel_loop3A_477 = arith.index_cast %parallel_loop3A_476 : i32 to index
        %parallel_loop3A_478 = arith.index_cast %parallel_loop3A_257 : i32 to index
        %parallel_loop3A_479 = arith.constant 96 : index
        %parallel_loop3A_480 = tpu.vector_load %arg10[%parallel_loop3A_477, %parallel_loop3A_478, %parallel_loop3A_479] {strides = array<i32>} : memref<2x40x256xbf16, #tpu.memory_space<vmem>>, vector<32xbf16>,
        %parallel_loop3A_481 = tpu.unpack_subelements %parallel_loop3A_480, 0 {pack_format = #tpu.pack_format<interleaved>} : vector<32xbf16> -> vector<16xf32>
        %parallel_loop3A_482 = tpu.unpack_subelements %parallel_loop3A_480, 1 {pack_format = #tpu.pack_format<interleaved>} : vector<32xbf16> -> vector<16xf32>
        %parallel_loop3A_483 = arith.constant 0 : i32
        %parallel_loop3A_484 = arith.index_cast %parallel_loop3A_483 : i32 to index
        %parallel_loop3A_485 = arith.index_cast %parallel_loop3A_257 : i32 to index
        %parallel_loop3A_486 = arith.constant 96 : index
        %parallel_loop3A_487 = tpu.vector_load %arg11[%parallel_loop3A_484, %parallel_loop3A_485, %parallel_loop3A_486] {strides = array<i32>} : memref<2x40x128xbf16, #tpu.memory_space<vmem>>, vector<32xbf16>,
        %parallel_loop3A_488 = tpu.unpack_subelements %parallel_loop3A_487, 0 {pack_format = #tpu.pack_format<interleaved>} : vector<32xbf16> -> vector<16xf32>
        %parallel_loop3A_489 = tpu.unpack_subelements %parallel_loop3A_487, 1 {pack_format = #tpu.pack_format<interleaved>} : vector<32xbf16> -> vector<16xf32>
        %parallel_loop3A_490 = arith.constant 0 : i32
        %parallel_loop3A_491 = arith.index_cast %parallel_loop3A_490 : i32 to index
        %parallel_loop3A_492 = arith.index_cast %parallel_loop3A_257 : i32 to index
        %parallel_loop3A_493 = arith.constant 96 : index
        %parallel_loop3A_494 = tpu.vector_load %arg12[%parallel_loop3A_491, %parallel_loop3A_492, %parallel_loop3A_493] {strides = array<i32>} : memref<2x40x128xbf16, #tpu.memory_space<vmem>>, vector<32xbf16>,
        %parallel_loop3A_495 = tpu.unpack_subelements %parallel_loop3A_494, 0 {pack_format = #tpu.pack_format<interleaved>} : vector<32xbf16> -> vector<16xf32>
        %parallel_loop3A_496 = tpu.unpack_subelements %parallel_loop3A_494, 1 {pack_format = #tpu.pack_format<interleaved>} : vector<32xbf16> -> vector<16xf32>
        %parallel_loop3A_497 = arith.constant 0 : i32
        %parallel_loop3A_498 = arith.index_cast %parallel_loop3A_497 : i32 to index
        %parallel_loop3A_499 = arith.index_cast %parallel_loop3A_257 : i32 to index
        %parallel_loop3A_500 = arith.constant 224 : index
        %parallel_loop3A_501 = tpu.vector_load %arg10[%parallel_loop3A_498, %parallel_loop3A_499, %parallel_loop3A_500] {strides = array<i32>} : memref<2x40x256xbf16, #tpu.memory_space<vmem>>, vector<32xbf16>,
        %parallel_loop3A_502 = tpu.unpack_subelements %parallel_loop3A_501, 0 {pack_format = #tpu.pack_format<interleaved>} : vector<32xbf16> -> vector<16xf32>
        %parallel_loop3A_503 = tpu.unpack_subelements %parallel_loop3A_501, 1 {pack_format = #tpu.pack_format<interleaved>} : vector<32xbf16> -> vector<16xf32>
        %parallel_loop3A_504 = arith.mulf %parallel_loop3A_481, %parallel_loop3A_488 : vector<16xf32>
        %parallel_loop3A_505 = arith.mulf %parallel_loop3A_504, %parallel_loop3A_495 : vector<16xf32>
        %parallel_loop3A_506 = arith.constant true
        %parallel_loop3A_507 = vector.broadcast %parallel_loop3A_506 : i1 to vector<16xi1>
        %parallel_loop3A_508 = tpu.scan <sum>, %parallel_loop3A_505 masked %parallel_loop3A_507 : vector<16xf32>, vector<16xi1> -> vector<16xf32>
        %parallel_loop3A_509 = vector.extract %parallel_loop3A_508[15] : f32 from vector<16xf32>
        %parallel_loop3A_510 = arith.constant -5.000000e+00 : f32
        %parallel_loop3A_511 = arith.maximumf %parallel_loop3A_509, %parallel_loop3A_510 : f32
        %parallel_loop3A_512 = arith.constant 5.000000e+00 : f32
        %parallel_loop3A_513 = arith.minimumf %parallel_loop3A_511, %parallel_loop3A_512 : f32
        %parallel_loop3A_514 = vector.broadcast %parallel_loop3A_513 : f32 to vector<16xf32>
        %parallel_loop3A_515 = math.exp %parallel_loop3A_514 : vector<16xf32>
        %parallel_loop3A_516 = arith.mulf %parallel_loop3A_502, %parallel_loop3A_515 : vector<16xf32>
        %parallel_loop3A_517 = arith.constant 0 : i32
        %parallel_loop3A_518 = arith.index_cast %parallel_loop3A_517 : i32 to index
        %parallel_loop3A_519 = arith.index_cast %parallel_loop3A_257 : i32 to index
        %parallel_loop3A_520 = arith.constant 96 : index
        %parallel_loop3A_521 = tpu.vector_load %arg13[%parallel_loop3A_518, %parallel_loop3A_519, %parallel_loop3A_520] {strides = array<i32>} : memref<2x40x144xf32, #tpu.memory_space<vmem>>, vector<16xf32>,
        tpu.vector_store %arg13[%parallel_loop3A_518, %parallel_loop3A_519, %parallel_loop3A_520], %parallel_loop3A_516 {strides = array<i32>} : memref<2x40x144xf32, #tpu.memory_space<vmem>>, vector<16xf32>,
        %parallel_loop3A_522 = arith.constant 6 : i32
        %parallel_loop3A_523 = vector.broadcast %parallel_loop3A_522 : i32 to vector<16xi32>
        %parallel_loop3A_524 = arith.cmpi eq, %iota3A, %parallel_loop3A_523 : vector<16xi32>
        %parallel_loop3A_525 = arith.select %parallel_loop3A_524, %parallel_loop3A_515, %parallel_loop3A_475 : vector<16xi1>, vector<16xf32>
        %parallel_loop3A_526 = arith.mulf %parallel_loop3A_482, %parallel_loop3A_489 : vector<16xf32>
        %parallel_loop3A_527 = arith.mulf %parallel_loop3A_526, %parallel_loop3A_496 : vector<16xf32>
        %parallel_loop3A_528 = arith.constant true
        %parallel_loop3A_529 = vector.broadcast %parallel_loop3A_528 : i1 to vector<16xi1>
        %parallel_loop3A_530 = tpu.scan <sum>, %parallel_loop3A_527 masked %parallel_loop3A_529 : vector<16xf32>, vector<16xi1> -> vector<16xf32>
        %parallel_loop3A_531 = vector.extract %parallel_loop3A_530[15] : f32 from vector<16xf32>
        %parallel_loop3A_532 = arith.constant -5.000000e+00 : f32
        %parallel_loop3A_533 = arith.maximumf %parallel_loop3A_531, %parallel_loop3A_532 : f32
        %parallel_loop3A_534 = arith.constant 5.000000e+00 : f32
        %parallel_loop3A_535 = arith.minimumf %parallel_loop3A_533, %parallel_loop3A_534 : f32
        %parallel_loop3A_536 = vector.broadcast %parallel_loop3A_535 : f32 to vector<16xf32>
        %parallel_loop3A_537 = math.exp %parallel_loop3A_536 : vector<16xf32>
        %parallel_loop3A_538 = arith.mulf %parallel_loop3A_503, %parallel_loop3A_537 : vector<16xf32>
        %parallel_loop3A_539 = arith.constant 0 : i32
        %parallel_loop3A_540 = arith.index_cast %parallel_loop3A_539 : i32 to index
        %parallel_loop3A_541 = arith.index_cast %parallel_loop3A_257 : i32 to index
        %parallel_loop3A_542 = arith.constant 112 : index
        %parallel_loop3A_543 = tpu.vector_load %arg13[%parallel_loop3A_540, %parallel_loop3A_541, %parallel_loop3A_542] {strides = array<i32>} : memref<2x40x144xf32, #tpu.memory_space<vmem>>, vector<16xf32>,
        tpu.vector_store %arg13[%parallel_loop3A_540, %parallel_loop3A_541, %parallel_loop3A_542], %parallel_loop3A_538 {strides = array<i32>} : memref<2x40x144xf32, #tpu.memory_space<vmem>>, vector<16xf32>,
        %parallel_loop3A_544 = arith.constant 7 : i32
        %parallel_loop3A_545 = vector.broadcast %parallel_loop3A_544 : i32 to vector<16xi32>
        %parallel_loop3A_546 = arith.cmpi eq, %iota3A, %parallel_loop3A_545 : vector<16xi32>
        %parallel_loop3A_547 = arith.select %parallel_loop3A_546, %parallel_loop3A_537, %parallel_loop3A_525 : vector<16xi1>, vector<16xf32>
        %parallel_loop3A_548 = arith.constant 0 : i32
        %parallel_loop3A_549 = arith.index_cast %parallel_loop3A_548 : i32 to index
        %parallel_loop3A_550 = arith.index_cast %parallel_loop3A_257 : i32 to index
        %parallel_loop3A_551 = arith.constant 128 : index
        %parallel_loop3A_552 = tpu.vector_load %arg13[%parallel_loop3A_549, %parallel_loop3A_550, %parallel_loop3A_551] {strides = array<i32>} : memref<2x40x144xf32, #tpu.memory_space<vmem>>, vector<16xf32>,
        tpu.vector_store %arg13[%parallel_loop3A_549, %parallel_loop3A_550, %parallel_loop3A_551], %parallel_loop3A_547 {strides = array<i32>} : memref<2x40x144xf32, #tpu.memory_space<vmem>>, vector<16xf32>,
      } {sc.loop_unroll_factor = 4 : i64, sc.parallel_access}
      %dma_start3A_172 = arith.constant 0 : i32
      %dma_start3A_173 = arith.constant 0 : i32
      %dma_start3A_174 = arith.constant 0 : i32
      %dma_start3A_175 = arith.constant 0 : i32
      %dma_start3A_176 = tpu.memref_slice %arg13[%dma_start3A_172, %dma_start3A_174, %dma_start3A_175] : memref<2x40x144xf32, #tpu.memory_space<vmem>> -> memref<1x40x144xf32, #tpu.memory_space<vmem>>
      %dma_start3A_177 = tpu.memref_squeeze %dma_start3A_176 : memref<1x40x144xf32, #tpu.memory_space<vmem>> -> memref<40x144xf32, #tpu.memory_space<vmem>>
      %dma_start3A_178 = arith.constant 0 : i32
      %dma_start3A_179 = tpu.memref_slice %arg9[%dma_start3A_173, %dma_start3A_178] : memref<2x40xi32, #tpu.memory_space<vmem>> -> memref<1x40xi32, #tpu.memory_space<vmem>>
      %dma_start3A_180 = tpu.memref_squeeze %dma_start3A_179 : memref<1x40xi32, #tpu.memory_space<vmem>> -> memref<40xi32, #tpu.memory_space<vmem>>
      %dma_start3A_181 = arith.constant 0 : i32
      %dma_start3A_182 = arith.constant 0 : i32
      %dma_start3A_183 = tpu.memref_slice %arg14[%dma_start3A_181, %dma_start3A_182] : memref<10000x144xf32, #tpu.memory_space<vmem_shared>> -> memref<10000x144xf32, #tpu.memory_space<vmem_shared>>
      tpu.enqueue_indirect_dma source(%dma_start3A_177 : memref<40x144xf32, #tpu.memory_space<vmem>>) target(%dma_start3A_183 : memref<10000x144xf32, #tpu.memory_space<vmem_shared>>) offsets(%dma_start3A_180 : memref<40xi32, #tpu.memory_space<vmem>>) semaphore(%arg21 : memref<!tpu.dma_semaphore, #tpu.memory_space<semaphore_mem>>) {add = true}
      %mul3A_184 = arith.constant 2 : i32
      %mul3A_185 = arith.muli %mul3A_184, %scan3A_115 : i32
      %add3A_186 = arith.constant 1 : i32
      %add3A_187 = arith.addi %mul3A_185, %add3A_186 : i32
      %mul3A_188 = arith.constant 40 : i32
      %mul3A_189 = arith.muli %add3A_187, %mul3A_188 : i32
      %add3A_190 = arith.addi %mul3A_37, %mul3A_189 : i32
      %add3A_191 = arith.constant 40 : i32
      %add3A_192 = arith.addi %add3A_190, %add3A_191 : i32
      %add3A_193 = arith.constant 1 : i32
      %add3A_194 = arith.addi %add3A_187, %add3A_193 : i32
      %lt3A_195 = arith.constant 250 : i32
      %lt3A_196 = arith.cmpi slt, %add3A_194, %lt3A_195 : i32
      %convert_element_type3A_197 = arith.extui %lt3A_196 : i1 to i32
      %cond3A_198 = arith.constant 0 : i32
      %cond3A_199 = arith.cmpi ne, %convert_element_type3A_197, %cond3A_198 : i32
      scf.if %cond3A_199 {
        %run_scoped3A_257 = arith.constant 0 : i32
        "tpu.region"() ({
          %run_scoped3A_296 = tpu.sem_alloc : memref<!tpu.dma_semaphore, #tpu.memory_space<semaphore_mem>>
          %dma_start3A_297 = arith.constant 0 : i32
          %dma_start3A_298 = tpu.memref_slice %arg8[%run_scoped3A_257, %dma_start3A_297] : memref<2x40xi32, #tpu.memory_space<vmem>> -> memref<1x40xi32, #tpu.memory_space<vmem>>
          %dma_start3A_299 = tpu.memref_squeeze %dma_start3A_298 : memref<1x40xi32, #tpu.memory_space<vmem>> -> memref<40xi32, #tpu.memory_space<vmem>>
          %dma_start3A_300 = tpu.memref_slice %arg5[%add3A_192] : memref<320000xi32, #tpu.memory_space<hbm>> -> memref<40xi32, #tpu.memory_space<hbm>>
          %dma_start3A_301 = arith.constant 0 : i32
          %dma_start3A_302 = tpu.memref_slice %arg8[%run_scoped3A_257, %dma_start3A_301] : memref<2x40xi32, #tpu.memory_space<vmem>> -> memref<1x40xi32, #tpu.memory_space<vmem>>
          %dma_start3A_303 = tpu.memref_squeeze %dma_start3A_302 : memref<1x40xi32, #tpu.memory_space<vmem>> -> memref<40xi32, #tpu.memory_space<vmem>>
          %dma_start3A_304 = tpu.memref_slice %arg5[%add3A_192] : memref<320000xi32, #tpu.memory_space<hbm>> -> memref<40xi32, #tpu.memory_space<hbm>>
          tpu.enqueue_dma source(%dma_start3A_304 : memref<40xi32, #tpu.memory_space<hbm>>) target(%dma_start3A_303 : memref<40xi32, #tpu.memory_space<vmem>>) target_semaphore(%run_scoped3A_296 : memref<!tpu.dma_semaphore, #tpu.memory_space<semaphore_mem>>)
          %dma_wait3A_305 = arith.constant 0 : i32
          %dma_wait3A_306 = tpu.memref_slice %arg8[%run_scoped3A_257, %dma_wait3A_305] : memref<2x40xi32, #tpu.memory_space<vmem>> -> memref<1x40xi32, #tpu.memory_space<vmem>>
          %dma_wait3A_307 = tpu.memref_squeeze %dma_wait3A_306 : memref<1x40xi32, #tpu.memory_space<vmem>> -> memref<40xi32, #tpu.memory_space<vmem>>
          %dma_wait3A_308 = tpu.memref_slice %arg5[%add3A_192] : memref<320000xi32, #tpu.memory_space<hbm>> -> memref<40xi32, #tpu.memory_space<hbm>>
          %dma_wait3A_309 = arith.constant 0 : i32
          %dma_wait3A_310 = tpu.memref_slice %arg8[%run_scoped3A_257, %dma_wait3A_309] : memref<2x40xi32, #tpu.memory_space<vmem>> -> memref<1x40xi32, #tpu.memory_space<vmem>>
          %dma_wait3A_311 = tpu.memref_squeeze %dma_wait3A_310 : memref<1x40xi32, #tpu.memory_space<vmem>> -> memref<40xi32, #tpu.memory_space<vmem>>
          %dma_wait3A_312 = tpu.memref_slice %arg5[%add3A_192] : memref<320000xi32, #tpu.memory_space<hbm>> -> memref<40xi32, #tpu.memory_space<hbm>>
          tpu.wait_dma2 semaphore(%run_scoped3A_296 : memref<!tpu.dma_semaphore, #tpu.memory_space<semaphore_mem>>) src(%dma_wait3A_312 : memref<40xi32, #tpu.memory_space<hbm>>) dst(%dma_wait3A_311 : memref<40xi32, #tpu.memory_space<vmem>>)
          tpu.yield
        }) : () -> ()
        %run_scoped3A_258 = arith.constant 0 : i32
        "tpu.region"() ({
          %run_scoped3A_296 = tpu.sem_alloc : memref<!tpu.dma_semaphore, #tpu.memory_space<semaphore_mem>>
          %dma_start3A_297 = arith.constant 0 : i32
          %dma_start3A_298 = tpu.memref_slice %arg9[%run_scoped3A_258, %dma_start3A_297] : memref<2x40xi32, #tpu.memory_space<vmem>> -> memref<1x40xi32, #tpu.memory_space<vmem>>
          %dma_start3A_299 = tpu.memref_squeeze %dma_start3A_298 : memref<1x40xi32, #tpu.memory_space<vmem>> -> memref<40xi32, #tpu.memory_space<vmem>>
          %dma_start3A_300 = tpu.memref_slice %arg6[%add3A_192] : memref<320000xi32, #tpu.memory_space<hbm>> -> memref<40xi32, #tpu.memory_space<hbm>>
          %dma_start3A_301 = arith.constant 0 : i32
          %dma_start3A_302 = tpu.memref_slice %arg9[%run_scoped3A_258, %dma_start3A_301] : memref<2x40xi32, #tpu.memory_space<vmem>> -> memref<1x40xi32, #tpu.memory_space<vmem>>
          %dma_start3A_303 = tpu.memref_squeeze %dma_start3A_302 : memref<1x40xi32, #tpu.memory_space<vmem>> -> memref<40xi32, #tpu.memory_space<vmem>>
          %dma_start3A_304 = tpu.memref_slice %arg6[%add3A_192] : memref<320000xi32, #tpu.memory_space<hbm>> -> memref<40xi32, #tpu.memory_space<hbm>>
          tpu.enqueue_dma source(%dma_start3A_304 : memref<40xi32, #tpu.memory_space<hbm>>) target(%dma_start3A_303 : memref<40xi32, #tpu.memory_space<vmem>>) target_semaphore(%run_scoped3A_296 : memref<!tpu.dma_semaphore, #tpu.memory_space<semaphore_mem>>)
          %dma_wait3A_305 = arith.constant 0 : i32
          %dma_wait3A_306 = tpu.memref_slice %arg9[%run_scoped3A_258, %dma_wait3A_305] : memref<2x40xi32, #tpu.memory_space<vmem>> -> memref<1x40xi32, #tpu.memory_space<vmem>>
          %dma_wait3A_307 = tpu.memref_squeeze %dma_wait3A_306 : memref<1x40xi32, #tpu.memory_space<vmem>> -> memref<40xi32, #tpu.memory_space<vmem>>
          %dma_wait3A_308 = tpu.memref_slice %arg6[%add3A_192] : memref<320000xi32, #tpu.memory_space<hbm>> -> memref<40xi32, #tpu.memory_space<hbm>>
          %dma_wait3A_309 = arith.constant 0 : i32
          %dma_wait3A_310 = tpu.memref_slice %arg9[%run_scoped3A_258, %dma_wait3A_309] : memref<2x40xi32, #tpu.memory_space<vmem>> -> memref<1x40xi32, #tpu.memory_space<vmem>>
          %dma_wait3A_311 = tpu.memref_squeeze %dma_wait3A_310 : memref<1x40xi32, #tpu.memory_space<vmem>> -> memref<40xi32, #tpu.memory_space<vmem>>
          %dma_wait3A_312 = tpu.memref_slice %arg6[%add3A_192] : memref<320000xi32, #tpu.memory_space<hbm>> -> memref<40xi32, #tpu.memory_space<hbm>>
          tpu.wait_dma2 semaphore(%run_scoped3A_296 : memref<!tpu.dma_semaphore, #tpu.memory_space<semaphore_mem>>) src(%dma_wait3A_312 : memref<40xi32, #tpu.memory_space<hbm>>) dst(%dma_wait3A_311 : memref<40xi32, #tpu.memory_space<vmem>>)
          tpu.yield
        }) : () -> ()
        %dma_start3A_259 = arith.constant 0 : i32
        %dma_start3A_260 = arith.constant 0 : i32
        %dma_start3A_261 = arith.constant 0 : i32
        %dma_start3A_262 = arith.constant 0 : i32
        %dma_start3A_263 = tpu.memref_slice %arg10[%dma_start3A_260, %dma_start3A_261, %dma_start3A_262] : memref<2x40x256xbf16, #tpu.memory_space<vmem>> -> memref<1x40x256xbf16, #tpu.memory_space<vmem>>
        %dma_start3A_264 = tpu.memref_squeeze %dma_start3A_263 : memref<1x40x256xbf16, #tpu.memory_space<vmem>> -> memref<40x256xbf16, #tpu.memory_space<vmem>>
        %dma_start3A_265 = arith.constant 0 : i32
        %dma_start3A_266 = tpu.memref_slice %arg8[%dma_start3A_259, %dma_start3A_265] : memref<2x40xi32, #tpu.memory_space<vmem>> -> memref<1x40xi32, #tpu.memory_space<vmem>>
        %dma_start3A_267 = tpu.memref_squeeze %dma_start3A_266 : memref<1x40xi32, #tpu.memory_space<vmem>> -> memref<40xi32, #tpu.memory_space<vmem>>
        %dma_start3A_268 = arith.constant 0 : i32
        %dma_start3A_269 = arith.constant 0 : i32
        %dma_start3A_270 = tpu.memref_slice %arg2[%dma_start3A_268, %dma_start3A_269] : memref<10000x256xbf16, #tpu.memory_space<hbm>> -> memref<10000x256xbf16, #tpu.memory_space<hbm>>
        tpu.enqueue_indirect_dma source(%dma_start3A_270 : memref<10000x256xbf16, #tpu.memory_space<hbm>>) target(%dma_start3A_264 : memref<40x256xbf16, #tpu.memory_space<vmem>>) offsets(%dma_start3A_267 : memref<40xi32, #tpu.memory_space<vmem>>) semaphore(%arg15 : memref<!tpu.dma_semaphore, #tpu.memory_space<semaphore_mem>>)
        %dma_start3A_271 = arith.constant 0 : i32
        %dma_start3A_272 = arith.constant 0 : i32
        %dma_start3A_273 = arith.constant 0 : i32
        %dma_start3A_274 = arith.constant 0 : i32
        %dma_start3A_275 = tpu.memref_slice %arg11[%dma_start3A_272, %dma_start3A_273, %dma_start3A_274] : memref<2x40x128xbf16, #tpu.memory_space<vmem>> -> memref<1x40x128xbf16, #tpu.memory_space<vmem>>
        %dma_start3A_276 = tpu.memref_squeeze %dma_start3A_275 : memref<1x40x128xbf16, #tpu.memory_space<vmem>> -> memref<40x128xbf16, #tpu.memory_space<vmem>>
        %dma_start3A_277 = arith.constant 0 : i32
        %dma_start3A_278 = tpu.memref_slice %arg9[%dma_start3A_271, %dma_start3A_277] : memref<2x40xi32, #tpu.memory_space<vmem>> -> memref<1x40xi32, #tpu.memory_space<vmem>>
        %dma_start3A_279 = tpu.memref_squeeze %dma_start3A_278 : memref<1x40xi32, #tpu.memory_space<vmem>> -> memref<40xi32, #tpu.memory_space<vmem>>
        %dma_start3A_280 = arith.constant 0 : i32
        %dma_start3A_281 = arith.constant 0 : i32
        %dma_start3A_282 = tpu.memref_slice %arg3[%dma_start3A_280, %dma_start3A_281] : memref<10000x128xbf16, #tpu.memory_space<hbm>> -> memref<10000x128xbf16, #tpu.memory_space<hbm>>
        tpu.enqueue_indirect_dma source(%dma_start3A_282 : memref<10000x128xbf16, #tpu.memory_space<hbm>>) target(%dma_start3A_276 : memref<40x128xbf16, #tpu.memory_space<vmem>>) offsets(%dma_start3A_279 : memref<40xi32, #tpu.memory_space<vmem>>) semaphore(%arg17 : memref<!tpu.dma_semaphore, #tpu.memory_space<semaphore_mem>>)
        %dma_start3A_283 = arith.constant 0 : i32
        %dma_start3A_284 = arith.constant 0 : i32
        %dma_start3A_285 = arith.constant 0 : i32
        %dma_start3A_286 = tpu.memref_slice %arg12[%dma_start3A_283, %dma_start3A_284, %dma_start3A_285] : memref<2x40x128xbf16, #tpu.memory_space<vmem>> -> memref<1x40x128xbf16, #tpu.memory_space<vmem>>
        %dma_start3A_287 = tpu.memref_squeeze %dma_start3A_286 : memref<1x40x128xbf16, #tpu.memory_space<vmem>> -> memref<40x128xbf16, #tpu.memory_space<vmem>>
        %dma_start3A_288 = arith.constant 0 : i32
        %dma_start3A_289 = tpu.memref_slice %arg4[%add3A_192, %dma_start3A_288] : memref<320000x128xbf16, #tpu.memory_space<hbm>> -> memref<40x128xbf16, #tpu.memory_space<hbm>>
        %dma_start3A_290 = arith.constant 0 : i32
        %dma_start3A_291 = arith.constant 0 : i32
        %dma_start3A_292 = tpu.memref_slice %arg12[%dma_start3A_283, %dma_start3A_290, %dma_start3A_291] : memref<2x40x128xbf16, #tpu.memory_space<vmem>> -> memref<1x40x128xbf16, #tpu.memory_space<vmem>>
        %dma_start3A_293 = tpu.memref_squeeze %dma_start3A_292 : memref<1x40x128xbf16, #tpu.memory_space<vmem>> -> memref<40x128xbf16, #tpu.memory_space<vmem>>
        %dma_start3A_294 = arith.constant 0 : i32
        %dma_start3A_295 = tpu.memref_slice %arg4[%add3A_192, %dma_start3A_294] : memref<320000x128xbf16, #tpu.memory_space<hbm>> -> memref<40x128xbf16, #tpu.memory_space<hbm>>
        tpu.enqueue_dma source(%dma_start3A_295 : memref<40x128xbf16, #tpu.memory_space<hbm>>) target(%dma_start3A_293 : memref<40x128xbf16, #tpu.memory_space<vmem>>) target_semaphore(%arg19 : memref<!tpu.dma_semaphore, #tpu.memory_space<semaphore_mem>>)
      } else {
      }
      %dma_wait3A_200 = arith.constant 1 : i32
      %dma_wait3A_201 = arith.constant 1 : i32
      %dma_wait3A_202 = arith.constant 0 : i32
      %dma_wait3A_203 = arith.constant 0 : i32
      %dma_wait3A_204 = tpu.memref_slice %arg10[%dma_wait3A_201, %dma_wait3A_202, %dma_wait3A_203] : memref<2x40x256xbf16, #tpu.memory_space<vmem>> -> memref<1x40x256xbf16, #tpu.memory_space<vmem>>
      %dma_wait3A_205 = tpu.memref_squeeze %dma_wait3A_204 : memref<1x40x256xbf16, #tpu.memory_space<vmem>> -> memref<40x256xbf16, #tpu.memory_space<vmem>>
      %dma_wait3A_206 = arith.constant 0 : i32
      %dma_wait3A_207 = tpu.memref_slice %arg8[%dma_wait3A_200, %dma_wait3A_206] : memref<2x40xi32, #tpu.memory_space<vmem>> -> memref<1x40xi32, #tpu.memory_space<vmem>>
      %dma_wait3A_208 = tpu.memref_squeeze %dma_wait3A_207 : memref<1x40xi32, #tpu.memory_space<vmem>> -> memref<40xi32, #tpu.memory_space<vmem>>
      %dma_wait3A_209 = arith.constant 0 : i32
      %dma_wait3A_210 = arith.constant 0 : i32
      %dma_wait3A_211 = tpu.memref_slice %arg2[%dma_wait3A_209, %dma_wait3A_210] : memref<10000x256xbf16, #tpu.memory_space<hbm>> -> memref<10000x256xbf16, #tpu.memory_space<hbm>>
      tpu.wait_indirect_dma semaphore(%arg16 : memref<!tpu.dma_semaphore, #tpu.memory_space<semaphore_mem>>) src(%dma_wait3A_211 : memref<10000x256xbf16, #tpu.memory_space<hbm>>) dst(%dma_wait3A_205 : memref<40x256xbf16, #tpu.memory_space<vmem>>)
      %dma_wait3A_212 = arith.constant 1 : i32
      %dma_wait3A_213 = arith.constant 1 : i32
      %dma_wait3A_214 = arith.constant 0 : i32
      %dma_wait3A_215 = arith.constant 0 : i32
      %dma_wait3A_216 = tpu.memref_slice %arg11[%dma_wait3A_213, %dma_wait3A_214, %dma_wait3A_215] : memref<2x40x128xbf16, #tpu.memory_space<vmem>> -> memref<1x40x128xbf16, #tpu.memory_space<vmem>>
      %dma_wait3A_217 = tpu.memref_squeeze %dma_wait3A_216 : memref<1x40x128xbf16, #tpu.memory_space<vmem>> -> memref<40x128xbf16, #tpu.memory_space<vmem>>
      %dma_wait3A_218 = arith.constant 0 : i32
      %dma_wait3A_219 = tpu.memref_slice %arg9[%dma_wait3A_212, %dma_wait3A_218] : memref<2x40xi32, #tpu.memory_space<vmem>> -> memref<1x40xi32, #tpu.memory_space<vmem>>
      %dma_wait3A_220 = tpu.memref_squeeze %dma_wait3A_219 : memref<1x40xi32, #tpu.memory_space<vmem>> -> memref<40xi32, #tpu.memory_space<vmem>>
      %dma_wait3A_221 = arith.constant 0 : i32
      %dma_wait3A_222 = arith.constant 0 : i32
      %dma_wait3A_223 = tpu.memref_slice %arg3[%dma_wait3A_221, %dma_wait3A_222] : memref<10000x128xbf16, #tpu.memory_space<hbm>> -> memref<10000x128xbf16, #tpu.memory_space<hbm>>
      tpu.wait_indirect_dma semaphore(%arg18 : memref<!tpu.dma_semaphore, #tpu.memory_space<semaphore_mem>>) src(%dma_wait3A_223 : memref<10000x128xbf16, #tpu.memory_space<hbm>>) dst(%dma_wait3A_217 : memref<40x128xbf16, #tpu.memory_space<vmem>>)
      %dma_wait3A_224 = arith.constant 1 : i32
      %dma_wait3A_225 = arith.constant 0 : i32
      %dma_wait3A_226 = arith.constant 0 : i32
      %dma_wait3A_227 = tpu.memref_slice %arg12[%dma_wait3A_224, %dma_wait3A_225, %dma_wait3A_226] : memref<2x40x128xbf16, #tpu.memory_space<vmem>> -> memref<1x40x128xbf16, #tpu.memory_space<vmem>>
      %dma_wait3A_228 = tpu.memref_squeeze %dma_wait3A_227 : memref<1x40x128xbf16, #tpu.memory_space<vmem>> -> memref<40x128xbf16, #tpu.memory_space<vmem>>
      %dma_wait3A_229 = arith.constant 0 : i32
      %dma_wait3A_230 = tpu.memref_slice %arg4[%add3A_190, %dma_wait3A_229] : memref<320000x128xbf16, #tpu.memory_space<hbm>> -> memref<40x128xbf16, #tpu.memory_space<hbm>>
      %dma_wait3A_231 = arith.constant 0 : i32
      %dma_wait3A_232 = arith.constant 0 : i32
      %dma_wait3A_233 = tpu.memref_slice %arg12[%dma_wait3A_224, %dma_wait3A_231, %dma_wait3A_232] : memref<2x40x128xbf16, #tpu.memory_space<vmem>> -> memref<1x40x128xbf16, #tpu.memory_space<vmem>>
      %dma_wait3A_234 = tpu.memref_squeeze %dma_wait3A_233 : memref<1x40x128xbf16, #tpu.memory_space<vmem>> -> memref<40x128xbf16, #tpu.memory_space<vmem>>
      %dma_wait3A_235 = arith.constant 0 : i32
      %dma_wait3A_236 = tpu.memref_slice %arg4[%add3A_190, %dma_wait3A_235] : memref<320000x128xbf16, #tpu.memory_space<hbm>> -> memref<40x128xbf16, #tpu.memory_space<hbm>>
      tpu.wait_dma2 semaphore(%arg20 : memref<!tpu.dma_semaphore, #tpu.memory_space<semaphore_mem>>) src(%dma_wait3A_236 : memref<40x128xbf16, #tpu.memory_space<hbm>>) dst(%dma_wait3A_234 : memref<40x128xbf16, #tpu.memory_space<vmem>>)
      %ge3A_237 = arith.constant 2 : i32
      %ge3A_238 = arith.cmpi sge, %add3A_187, %ge3A_237 : i32
      %convert_element_type3A_239 = arith.extui %ge3A_238 : i1 to i32
      %cond3A_240 = arith.constant 0 : i32
      %cond3A_241 = arith.cmpi ne, %convert_element_type3A_239, %cond3A_240 : i32
      scf.if %cond3A_241 {
        %dma_wait3A_257 = arith.constant 1 : i32
        %dma_wait3A_258 = arith.constant 1 : i32
        %dma_wait3A_259 = arith.constant 0 : i32
        %dma_wait3A_260 = arith.constant 0 : i32
        %dma_wait3A_261 = tpu.memref_slice %arg13[%dma_wait3A_257, %dma_wait3A_259, %dma_wait3A_260] : memref<2x40x144xf32, #tpu.memory_space<vmem>> -> memref<1x40x144xf32, #tpu.memory_space<vmem>>
        %dma_wait3A_262 = tpu.memref_squeeze %dma_wait3A_261 : memref<1x40x144xf32, #tpu.memory_space<vmem>> -> memref<40x144xf32, #tpu.memory_space<vmem>>
        %dma_wait3A_263 = arith.constant 0 : i32
        %dma_wait3A_264 = tpu.memref_slice %arg9[%dma_wait3A_258, %dma_wait3A_263] : memref<2x40xi32, #tpu.memory_space<vmem>> -> memref<1x40xi32, #tpu.memory_space<vmem>>
        %dma_wait3A_265 = tpu.memref_squeeze %dma_wait3A_264 : memref<1x40xi32, #tpu.memory_space<vmem>> -> memref<40xi32, #tpu.memory_space<vmem>>
        %dma_wait3A_266 = arith.constant 0 : i32
        %dma_wait3A_267 = arith.constant 0 : i32
        %dma_wait3A_268 = tpu.memref_slice %arg14[%dma_wait3A_266, %dma_wait3A_267] : memref<10000x144xf32, #tpu.memory_space<vmem_shared>> -> memref<10000x144xf32, #tpu.memory_space<vmem_shared>>
        tpu.wait_indirect_dma semaphore(%arg22 : memref<!tpu.dma_semaphore, #tpu.memory_space<semaphore_mem>>) src(%dma_wait3A_262 : memref<40x144xf32, #tpu.memory_space<vmem>>) dst(%dma_wait3A_268 : memref<10000x144xf32, #tpu.memory_space<vmem_shared>>)
      } else {
      }
      %parallel_loop3A_242 = arith.constant 0 : i32
      %parallel_loop3A_243 = arith.constant 40 : i32
      %parallel_loop3A_244 = arith.constant 1 : i32
      scf.for %parallel_loop3A_257 = %parallel_loop3A_242 to %parallel_loop3A_243 step %parallel_loop3A_244  : i32 {
        %parallel_loop3A_258 = arith.constant 0.000000e+00 : f32
        %parallel_loop3A_259 = vector.broadcast %parallel_loop3A_258 : f32 to vector<16xf32>
        %parallel_loop3A_260 = arith.constant 1 : i32
        %parallel_loop3A_261 = arith.index_cast %parallel_loop3A_260 : i32 to index
        %parallel_loop3A_262 = arith.index_cast %parallel_loop3A_257 : i32 to index
        %parallel_loop3A_263 = arith.constant 0 : index
        %parallel_loop3A_264 = tpu.vector_load %arg10[%parallel_loop3A_261, %parallel_loop3A_262, %parallel_loop3A_263] {strides = array<i32>} : memref<2x40x256xbf16, #tpu.memory_space<vmem>>, vector<32xbf16>,
        %parallel_loop3A_265 = tpu.unpack_subelements %parallel_loop3A_264, 0 {pack_format = #tpu.pack_format<interleaved>} : vector<32xbf16> -> vector<16xf32>
        %parallel_loop3A_266 = tpu.unpack_subelements %parallel_loop3A_264, 1 {pack_format = #tpu.pack_format<interleaved>} : vector<32xbf16> -> vector<16xf32>
        %parallel_loop3A_267 = arith.constant 1 : i32
        %parallel_loop3A_268 = arith.index_cast %parallel_loop3A_267 : i32 to index
        %parallel_loop3A_269 = arith.index_cast %parallel_loop3A_257 : i32 to index
        %parallel_loop3A_270 = arith.constant 0 : index
        %parallel_loop3A_271 = tpu.vector_load %arg11[%parallel_loop3A_268, %parallel_loop3A_269, %parallel_loop3A_270] {strides = array<i32>} : memref<2x40x128xbf16, #tpu.memory_space<vmem>>, vector<32xbf16>,
        %parallel_loop3A_272 = tpu.unpack_subelements %parallel_loop3A_271, 0 {pack_format = #tpu.pack_format<interleaved>} : vector<32xbf16> -> vector<16xf32>
        %parallel_loop3A_273 = tpu.unpack_subelements %parallel_loop3A_271, 1 {pack_format = #tpu.pack_format<interleaved>} : vector<32xbf16> -> vector<16xf32>
        %parallel_loop3A_274 = arith.constant 1 : i32
        %parallel_loop3A_275 = arith.index_cast %parallel_loop3A_274 : i32 to index
        %parallel_loop3A_276 = arith.index_cast %parallel_loop3A_257 : i32 to index
        %parallel_loop3A_277 = arith.constant 0 : index
        %parallel_loop3A_278 = tpu.vector_load %arg12[%parallel_loop3A_275, %parallel_loop3A_276, %parallel_loop3A_277] {strides = array<i32>} : memref<2x40x128xbf16, #tpu.memory_space<vmem>>, vector<32xbf16>,
        %parallel_loop3A_279 = tpu.unpack_subelements %parallel_loop3A_278, 0 {pack_format = #tpu.pack_format<interleaved>} : vector<32xbf16> -> vector<16xf32>
        %parallel_loop3A_280 = tpu.unpack_subelements %parallel_loop3A_278, 1 {pack_format = #tpu.pack_format<interleaved>} : vector<32xbf16> -> vector<16xf32>
        %parallel_loop3A_281 = arith.constant 1 : i32
        %parallel_loop3A_282 = arith.index_cast %parallel_loop3A_281 : i32 to index
        %parallel_loop3A_283 = arith.index_cast %parallel_loop3A_257 : i32 to index
        %parallel_loop3A_284 = arith.constant 128 : index
        %parallel_loop3A_285 = tpu.vector_load %arg10[%parallel_loop3A_282, %parallel_loop3A_283, %parallel_loop3A_284] {strides = array<i32>} : memref<2x40x256xbf16, #tpu.memory_space<vmem>>, vector<32xbf16>,
        %parallel_loop3A_286 = tpu.unpack_subelements %parallel_loop3A_285, 0 {pack_format = #tpu.pack_format<interleaved>} : vector<32xbf16> -> vector<16xf32>
        %parallel_loop3A_287 = tpu.unpack_subelements %parallel_loop3A_285, 1 {pack_format = #tpu.pack_format<interleaved>} : vector<32xbf16> -> vector<16xf32>
        %parallel_loop3A_288 = arith.mulf %parallel_loop3A_265, %parallel_loop3A_272 : vector<16xf32>
        %parallel_loop3A_289 = arith.mulf %parallel_loop3A_288, %parallel_loop3A_279 : vector<16xf32>
        %parallel_loop3A_290 = arith.constant true
        %parallel_loop3A_291 = vector.broadcast %parallel_loop3A_290 : i1 to vector<16xi1>
        %parallel_loop3A_292 = tpu.scan <sum>, %parallel_loop3A_289 masked %parallel_loop3A_291 : vector<16xf32>, vector<16xi1> -> vector<16xf32>
        %parallel_loop3A_293 = vector.extract %parallel_loop3A_292[15] : f32 from vector<16xf32>
        %parallel_loop3A_294 = arith.constant -5.000000e+00 : f32
        %parallel_loop3A_295 = arith.maximumf %parallel_loop3A_293, %parallel_loop3A_294 : f32
        %parallel_loop3A_296 = arith.constant 5.000000e+00 : f32
        %parallel_loop3A_297 = arith.minimumf %parallel_loop3A_295, %parallel_loop3A_296 : f32
        %parallel_loop3A_298 = vector.broadcast %parallel_loop3A_297 : f32 to vector<16xf32>
        %parallel_loop3A_299 = math.exp %parallel_loop3A_298 : vector<16xf32>
        %parallel_loop3A_300 = arith.mulf %parallel_loop3A_286, %parallel_loop3A_299 : vector<16xf32>
        %parallel_loop3A_301 = arith.constant 1 : i32
        %parallel_loop3A_302 = arith.index_cast %parallel_loop3A_301 : i32 to index
        %parallel_loop3A_303 = arith.index_cast %parallel_loop3A_257 : i32 to index
        %parallel_loop3A_304 = arith.constant 0 : index
        %parallel_loop3A_305 = tpu.vector_load %arg13[%parallel_loop3A_302, %parallel_loop3A_303, %parallel_loop3A_304] {strides = array<i32>} : memref<2x40x144xf32, #tpu.memory_space<vmem>>, vector<16xf32>,
        tpu.vector_store %arg13[%parallel_loop3A_302, %parallel_loop3A_303, %parallel_loop3A_304], %parallel_loop3A_300 {strides = array<i32>} : memref<2x40x144xf32, #tpu.memory_space<vmem>>, vector<16xf32>,
        %parallel_loop3A_306 = arith.constant 0 : i32
        %parallel_loop3A_307 = vector.broadcast %parallel_loop3A_306 : i32 to vector<16xi32>
        %parallel_loop3A_308 = arith.cmpi eq, %iota3A, %parallel_loop3A_307 : vector<16xi32>
        %parallel_loop3A_309 = arith.select %parallel_loop3A_308, %parallel_loop3A_299, %parallel_loop3A_259 : vector<16xi1>, vector<16xf32>
        %parallel_loop3A_310 = arith.mulf %parallel_loop3A_266, %parallel_loop3A_273 : vector<16xf32>
        %parallel_loop3A_311 = arith.mulf %parallel_loop3A_310, %parallel_loop3A_280 : vector<16xf32>
        %parallel_loop3A_312 = arith.constant true
        %parallel_loop3A_313 = vector.broadcast %parallel_loop3A_312 : i1 to vector<16xi1>
        %parallel_loop3A_314 = tpu.scan <sum>, %parallel_loop3A_311 masked %parallel_loop3A_313 : vector<16xf32>, vector<16xi1> -> vector<16xf32>
        %parallel_loop3A_315 = vector.extract %parallel_loop3A_314[15] : f32 from vector<16xf32>
        %parallel_loop3A_316 = arith.constant -5.000000e+00 : f32
        %parallel_loop3A_317 = arith.maximumf %parallel_loop3A_315, %parallel_loop3A_316 : f32
        %parallel_loop3A_318 = arith.constant 5.000000e+00 : f32
        %parallel_loop3A_319 = arith.minimumf %parallel_loop3A_317, %parallel_loop3A_318 : f32
        %parallel_loop3A_320 = vector.broadcast %parallel_loop3A_319 : f32 to vector<16xf32>
        %parallel_loop3A_321 = math.exp %parallel_loop3A_320 : vector<16xf32>
        %parallel_loop3A_322 = arith.mulf %parallel_loop3A_287, %parallel_loop3A_321 : vector<16xf32>
        %parallel_loop3A_323 = arith.constant 1 : i32
        %parallel_loop3A_324 = arith.index_cast %parallel_loop3A_323 : i32 to index
        %parallel_loop3A_325 = arith.index_cast %parallel_loop3A_257 : i32 to index
        %parallel_loop3A_326 = arith.constant 16 : index
        %parallel_loop3A_327 = tpu.vector_load %arg13[%parallel_loop3A_324, %parallel_loop3A_325, %parallel_loop3A_326] {strides = array<i32>} : memref<2x40x144xf32, #tpu.memory_space<vmem>>, vector<16xf32>,
        tpu.vector_store %arg13[%parallel_loop3A_324, %parallel_loop3A_325, %parallel_loop3A_326], %parallel_loop3A_322 {strides = array<i32>} : memref<2x40x144xf32, #tpu.memory_space<vmem>>, vector<16xf32>,
        %parallel_loop3A_328 = arith.constant 1 : i32
        %parallel_loop3A_329 = vector.broadcast %parallel_loop3A_328 : i32 to vector<16xi32>
        %parallel_loop3A_330 = arith.cmpi eq, %iota3A, %parallel_loop3A_329 : vector<16xi32>
        %parallel_loop3A_331 = arith.select %parallel_loop3A_330, %parallel_loop3A_321, %parallel_loop3A_309 : vector<16xi1>, vector<16xf32>
        %parallel_loop3A_332 = arith.constant 1 : i32
        %parallel_loop3A_333 = arith.index_cast %parallel_loop3A_332 : i32 to index
        %parallel_loop3A_334 = arith.index_cast %parallel_loop3A_257 : i32 to index
        %parallel_loop3A_335 = arith.constant 32 : index
        %parallel_loop3A_336 = tpu.vector_load %arg10[%parallel_loop3A_333, %parallel_loop3A_334, %parallel_loop3A_335] {strides = array<i32>} : memref<2x40x256xbf16, #tpu.memory_space<vmem>>, vector<32xbf16>,
        %parallel_loop3A_337 = tpu.unpack_subelements %parallel_loop3A_336, 0 {pack_format = #tpu.pack_format<interleaved>} : vector<32xbf16> -> vector<16xf32>
        %parallel_loop3A_338 = tpu.unpack_subelements %parallel_loop3A_336, 1 {pack_format = #tpu.pack_format<interleaved>} : vector<32xbf16> -> vector<16xf32>
        %parallel_loop3A_339 = arith.constant 1 : i32
        %parallel_loop3A_340 = arith.index_cast %parallel_loop3A_339 : i32 to index
        %parallel_loop3A_341 = arith.index_cast %parallel_loop3A_257 : i32 to index
        %parallel_loop3A_342 = arith.constant 32 : index
        %parallel_loop3A_343 = tpu.vector_load %arg11[%parallel_loop3A_340, %parallel_loop3A_341, %parallel_loop3A_342] {strides = array<i32>} : memref<2x40x128xbf16, #tpu.memory_space<vmem>>, vector<32xbf16>,
        %parallel_loop3A_344 = tpu.unpack_subelements %parallel_loop3A_343, 0 {pack_format = #tpu.pack_format<interleaved>} : vector<32xbf16> -> vector<16xf32>
        %parallel_loop3A_345 = tpu.unpack_subelements %parallel_loop3A_343, 1 {pack_format = #tpu.pack_format<interleaved>} : vector<32xbf16> -> vector<16xf32>
        %parallel_loop3A_346 = arith.constant 1 : i32
        %parallel_loop3A_347 = arith.index_cast %parallel_loop3A_346 : i32 to index
        %parallel_loop3A_348 = arith.index_cast %parallel_loop3A_257 : i32 to index
        %parallel_loop3A_349 = arith.constant 32 : index
        %parallel_loop3A_350 = tpu.vector_load %arg12[%parallel_loop3A_347, %parallel_loop3A_348, %parallel_loop3A_349] {strides = array<i32>} : memref<2x40x128xbf16, #tpu.memory_space<vmem>>, vector<32xbf16>,
        %parallel_loop3A_351 = tpu.unpack_subelements %parallel_loop3A_350, 0 {pack_format = #tpu.pack_format<interleaved>} : vector<32xbf16> -> vector<16xf32>
        %parallel_loop3A_352 = tpu.unpack_subelements %parallel_loop3A_350, 1 {pack_format = #tpu.pack_format<interleaved>} : vector<32xbf16> -> vector<16xf32>
        %parallel_loop3A_353 = arith.constant 1 : i32
        %parallel_loop3A_354 = arith.index_cast %parallel_loop3A_353 : i32 to index
        %parallel_loop3A_355 = arith.index_cast %parallel_loop3A_257 : i32 to index
        %parallel_loop3A_356 = arith.constant 160 : index
        %parallel_loop3A_357 = tpu.vector_load %arg10[%parallel_loop3A_354, %parallel_loop3A_355, %parallel_loop3A_356] {strides = array<i32>} : memref<2x40x256xbf16, #tpu.memory_space<vmem>>, vector<32xbf16>,
        %parallel_loop3A_358 = tpu.unpack_subelements %parallel_loop3A_357, 0 {pack_format = #tpu.pack_format<interleaved>} : vector<32xbf16> -> vector<16xf32>
        %parallel_loop3A_359 = tpu.unpack_subelements %parallel_loop3A_357, 1 {pack_format = #tpu.pack_format<interleaved>} : vector<32xbf16> -> vector<16xf32>
        %parallel_loop3A_360 = arith.mulf %parallel_loop3A_337, %parallel_loop3A_344 : vector<16xf32>
        %parallel_loop3A_361 = arith.mulf %parallel_loop3A_360, %parallel_loop3A_351 : vector<16xf32>
        %parallel_loop3A_362 = arith.constant true
        %parallel_loop3A_363 = vector.broadcast %parallel_loop3A_362 : i1 to vector<16xi1>
        %parallel_loop3A_364 = tpu.scan <sum>, %parallel_loop3A_361 masked %parallel_loop3A_363 : vector<16xf32>, vector<16xi1> -> vector<16xf32>
        %parallel_loop3A_365 = vector.extract %parallel_loop3A_364[15] : f32 from vector<16xf32>
        %parallel_loop3A_366 = arith.constant -5.000000e+00 : f32
        %parallel_loop3A_367 = arith.maximumf %parallel_loop3A_365, %parallel_loop3A_366 : f32
        %parallel_loop3A_368 = arith.constant 5.000000e+00 : f32
        %parallel_loop3A_369 = arith.minimumf %parallel_loop3A_367, %parallel_loop3A_368 : f32
        %parallel_loop3A_370 = vector.broadcast %parallel_loop3A_369 : f32 to vector<16xf32>
        %parallel_loop3A_371 = math.exp %parallel_loop3A_370 : vector<16xf32>
        %parallel_loop3A_372 = arith.mulf %parallel_loop3A_358, %parallel_loop3A_371 : vector<16xf32>
        %parallel_loop3A_373 = arith.constant 1 : i32
        %parallel_loop3A_374 = arith.index_cast %parallel_loop3A_373 : i32 to index
        %parallel_loop3A_375 = arith.index_cast %parallel_loop3A_257 : i32 to index
        %parallel_loop3A_376 = arith.constant 32 : index
        %parallel_loop3A_377 = tpu.vector_load %arg13[%parallel_loop3A_374, %parallel_loop3A_375, %parallel_loop3A_376] {strides = array<i32>} : memref<2x40x144xf32, #tpu.memory_space<vmem>>, vector<16xf32>,
        tpu.vector_store %arg13[%parallel_loop3A_374, %parallel_loop3A_375, %parallel_loop3A_376], %parallel_loop3A_372 {strides = array<i32>} : memref<2x40x144xf32, #tpu.memory_space<vmem>>, vector<16xf32>,
        %parallel_loop3A_378 = arith.constant 2 : i32
        %parallel_loop3A_379 = vector.broadcast %parallel_loop3A_378 : i32 to vector<16xi32>
        %parallel_loop3A_380 = arith.cmpi eq, %iota3A, %parallel_loop3A_379 : vector<16xi32>
        %parallel_loop3A_381 = arith.select %parallel_loop3A_380, %parallel_loop3A_371, %parallel_loop3A_331 : vector<16xi1>, vector<16xf32>
        %parallel_loop3A_382 = arith.mulf %parallel_loop3A_338, %parallel_loop3A_345 : vector<16xf32>
        %parallel_loop3A_383 = arith.mulf %parallel_loop3A_382, %parallel_loop3A_352 : vector<16xf32>
        %parallel_loop3A_384 = arith.constant true
        %parallel_loop3A_385 = vector.broadcast %parallel_loop3A_384 : i1 to vector<16xi1>
        %parallel_loop3A_386 = tpu.scan <sum>, %parallel_loop3A_383 masked %parallel_loop3A_385 : vector<16xf32>, vector<16xi1> -> vector<16xf32>
        %parallel_loop3A_387 = vector.extract %parallel_loop3A_386[15] : f32 from vector<16xf32>
        %parallel_loop3A_388 = arith.constant -5.000000e+00 : f32
        %parallel_loop3A_389 = arith.maximumf %parallel_loop3A_387, %parallel_loop3A_388 : f32
        %parallel_loop3A_390 = arith.constant 5.000000e+00 : f32
        %parallel_loop3A_391 = arith.minimumf %parallel_loop3A_389, %parallel_loop3A_390 : f32
        %parallel_loop3A_392 = vector.broadcast %parallel_loop3A_391 : f32 to vector<16xf32>
        %parallel_loop3A_393 = math.exp %parallel_loop3A_392 : vector<16xf32>
        %parallel_loop3A_394 = arith.mulf %parallel_loop3A_359, %parallel_loop3A_393 : vector<16xf32>
        %parallel_loop3A_395 = arith.constant 1 : i32
        %parallel_loop3A_396 = arith.index_cast %parallel_loop3A_395 : i32 to index
        %parallel_loop3A_397 = arith.index_cast %parallel_loop3A_257 : i32 to index
        %parallel_loop3A_398 = arith.constant 48 : index
        %parallel_loop3A_399 = tpu.vector_load %arg13[%parallel_loop3A_396, %parallel_loop3A_397, %parallel_loop3A_398] {strides = array<i32>} : memref<2x40x144xf32, #tpu.memory_space<vmem>>, vector<16xf32>,
        tpu.vector_store %arg13[%parallel_loop3A_396, %parallel_loop3A_397, %parallel_loop3A_398], %parallel_loop3A_394 {strides = array<i32>} : memref<2x40x144xf32, #tpu.memory_space<vmem>>, vector<16xf32>,
        %parallel_loop3A_400 = arith.constant 3 : i32
        %parallel_loop3A_401 = vector.broadcast %parallel_loop3A_400 : i32 to vector<16xi32>
        %parallel_loop3A_402 = arith.cmpi eq, %iota3A, %parallel_loop3A_401 : vector<16xi32>
        %parallel_loop3A_403 = arith.select %parallel_loop3A_402, %parallel_loop3A_393, %parallel_loop3A_381 : vector<16xi1>, vector<16xf32>
        %parallel_loop3A_404 = arith.constant 1 : i32
        %parallel_loop3A_405 = arith.index_cast %parallel_loop3A_404 : i32 to index
        %parallel_loop3A_406 = arith.index_cast %parallel_loop3A_257 : i32 to index
        %parallel_loop3A_407 = arith.constant 64 : index
        %parallel_loop3A_408 = tpu.vector_load %arg10[%parallel_loop3A_405, %parallel_loop3A_406, %parallel_loop3A_407] {strides = array<i32>} : memref<2x40x256xbf16, #tpu.memory_space<vmem>>, vector<32xbf16>,
        %parallel_loop3A_409 = tpu.unpack_subelements %parallel_loop3A_408, 0 {pack_format = #tpu.pack_format<interleaved>} : vector<32xbf16> -> vector<16xf32>
        %parallel_loop3A_410 = tpu.unpack_subelements %parallel_loop3A_408, 1 {pack_format = #tpu.pack_format<interleaved>} : vector<32xbf16> -> vector<16xf32>
        %parallel_loop3A_411 = arith.constant 1 : i32
        %parallel_loop3A_412 = arith.index_cast %parallel_loop3A_411 : i32 to index
        %parallel_loop3A_413 = arith.index_cast %parallel_loop3A_257 : i32 to index
        %parallel_loop3A_414 = arith.constant 64 : index
        %parallel_loop3A_415 = tpu.vector_load %arg11[%parallel_loop3A_412, %parallel_loop3A_413, %parallel_loop3A_414] {strides = array<i32>} : memref<2x40x128xbf16, #tpu.memory_space<vmem>>, vector<32xbf16>,
        %parallel_loop3A_416 = tpu.unpack_subelements %parallel_loop3A_415, 0 {pack_format = #tpu.pack_format<interleaved>} : vector<32xbf16> -> vector<16xf32>
        %parallel_loop3A_417 = tpu.unpack_subelements %parallel_loop3A_415, 1 {pack_format = #tpu.pack_format<interleaved>} : vector<32xbf16> -> vector<16xf32>
        %parallel_loop3A_418 = arith.constant 1 : i32
        %parallel_loop3A_419 = arith.index_cast %parallel_loop3A_418 : i32 to index
        %parallel_loop3A_420 = arith.index_cast %parallel_loop3A_257 : i32 to index
        %parallel_loop3A_421 = arith.constant 64 : index
        %parallel_loop3A_422 = tpu.vector_load %arg12[%parallel_loop3A_419, %parallel_loop3A_420, %parallel_loop3A_421] {strides = array<i32>} : memref<2x40x128xbf16, #tpu.memory_space<vmem>>, vector<32xbf16>,
        %parallel_loop3A_423 = tpu.unpack_subelements %parallel_loop3A_422, 0 {pack_format = #tpu.pack_format<interleaved>} : vector<32xbf16> -> vector<16xf32>
        %parallel_loop3A_424 = tpu.unpack_subelements %parallel_loop3A_422, 1 {pack_format = #tpu.pack_format<interleaved>} : vector<32xbf16> -> vector<16xf32>
        %parallel_loop3A_425 = arith.constant 1 : i32
        %parallel_loop3A_426 = arith.index_cast %parallel_loop3A_425 : i32 to index
        %parallel_loop3A_427 = arith.index_cast %parallel_loop3A_257 : i32 to index
        %parallel_loop3A_428 = arith.constant 192 : index
        %parallel_loop3A_429 = tpu.vector_load %arg10[%parallel_loop3A_426, %parallel_loop3A_427, %parallel_loop3A_428] {strides = array<i32>} : memref<2x40x256xbf16, #tpu.memory_space<vmem>>, vector<32xbf16>,
        %parallel_loop3A_430 = tpu.unpack_subelements %parallel_loop3A_429, 0 {pack_format = #tpu.pack_format<interleaved>} : vector<32xbf16> -> vector<16xf32>
        %parallel_loop3A_431 = tpu.unpack_subelements %parallel_loop3A_429, 1 {pack_format = #tpu.pack_format<interleaved>} : vector<32xbf16> -> vector<16xf32>
        %parallel_loop3A_432 = arith.mulf %parallel_loop3A_409, %parallel_loop3A_416 : vector<16xf32>
        %parallel_loop3A_433 = arith.mulf %parallel_loop3A_432, %parallel_loop3A_423 : vector<16xf32>
        %parallel_loop3A_434 = arith.constant true
        %parallel_loop3A_435 = vector.broadcast %parallel_loop3A_434 : i1 to vector<16xi1>
        %parallel_loop3A_436 = tpu.scan <sum>, %parallel_loop3A_433 masked %parallel_loop3A_435 : vector<16xf32>, vector<16xi1> -> vector<16xf32>
        %parallel_loop3A_437 = vector.extract %parallel_loop3A_436[15] : f32 from vector<16xf32>
        %parallel_loop3A_438 = arith.constant -5.000000e+00 : f32
        %parallel_loop3A_439 = arith.maximumf %parallel_loop3A_437, %parallel_loop3A_438 : f32
        %parallel_loop3A_440 = arith.constant 5.000000e+00 : f32
        %parallel_loop3A_441 = arith.minimumf %parallel_loop3A_439, %parallel_loop3A_440 : f32
        %parallel_loop3A_442 = vector.broadcast %parallel_loop3A_441 : f32 to vector<16xf32>
        %parallel_loop3A_443 = math.exp %parallel_loop3A_442 : vector<16xf32>
        %parallel_loop3A_444 = arith.mulf %parallel_loop3A_430, %parallel_loop3A_443 : vector<16xf32>
        %parallel_loop3A_445 = arith.constant 1 : i32
        %parallel_loop3A_446 = arith.index_cast %parallel_loop3A_445 : i32 to index
        %parallel_loop3A_447 = arith.index_cast %parallel_loop3A_257 : i32 to index
        %parallel_loop3A_448 = arith.constant 64 : index
        %parallel_loop3A_449 = tpu.vector_load %arg13[%parallel_loop3A_446, %parallel_loop3A_447, %parallel_loop3A_448] {strides = array<i32>} : memref<2x40x144xf32, #tpu.memory_space<vmem>>, vector<16xf32>,
        tpu.vector_store %arg13[%parallel_loop3A_446, %parallel_loop3A_447, %parallel_loop3A_448], %parallel_loop3A_444 {strides = array<i32>} : memref<2x40x144xf32, #tpu.memory_space<vmem>>, vector<16xf32>,
        %parallel_loop3A_450 = arith.constant 4 : i32
        %parallel_loop3A_451 = vector.broadcast %parallel_loop3A_450 : i32 to vector<16xi32>
        %parallel_loop3A_452 = arith.cmpi eq, %iota3A, %parallel_loop3A_451 : vector<16xi32>
        %parallel_loop3A_453 = arith.select %parallel_loop3A_452, %parallel_loop3A_443, %parallel_loop3A_403 : vector<16xi1>, vector<16xf32>
        %parallel_loop3A_454 = arith.mulf %parallel_loop3A_410, %parallel_loop3A_417 : vector<16xf32>
        %parallel_loop3A_455 = arith.mulf %parallel_loop3A_454, %parallel_loop3A_424 : vector<16xf32>
        %parallel_loop3A_456 = arith.constant true
        %parallel_loop3A_457 = vector.broadcast %parallel_loop3A_456 : i1 to vector<16xi1>
        %parallel_loop3A_458 = tpu.scan <sum>, %parallel_loop3A_455 masked %parallel_loop3A_457 : vector<16xf32>, vector<16xi1> -> vector<16xf32>
        %parallel_loop3A_459 = vector.extract %parallel_loop3A_458[15] : f32 from vector<16xf32>
        %parallel_loop3A_460 = arith.constant -5.000000e+00 : f32
        %parallel_loop3A_461 = arith.maximumf %parallel_loop3A_459, %parallel_loop3A_460 : f32
        %parallel_loop3A_462 = arith.constant 5.000000e+00 : f32
        %parallel_loop3A_463 = arith.minimumf %parallel_loop3A_461, %parallel_loop3A_462 : f32
        %parallel_loop3A_464 = vector.broadcast %parallel_loop3A_463 : f32 to vector<16xf32>
        %parallel_loop3A_465 = math.exp %parallel_loop3A_464 : vector<16xf32>
        %parallel_loop3A_466 = arith.mulf %parallel_loop3A_431, %parallel_loop3A_465 : vector<16xf32>
        %parallel_loop3A_467 = arith.constant 1 : i32
        %parallel_loop3A_468 = arith.index_cast %parallel_loop3A_467 : i32 to index
        %parallel_loop3A_469 = arith.index_cast %parallel_loop3A_257 : i32 to index
        %parallel_loop3A_470 = arith.constant 80 : index
        %parallel_loop3A_471 = tpu.vector_load %arg13[%parallel_loop3A_468, %parallel_loop3A_469, %parallel_loop3A_470] {strides = array<i32>} : memref<2x40x144xf32, #tpu.memory_space<vmem>>, vector<16xf32>,
        tpu.vector_store %arg13[%parallel_loop3A_468, %parallel_loop3A_469, %parallel_loop3A_470], %parallel_loop3A_466 {strides = array<i32>} : memref<2x40x144xf32, #tpu.memory_space<vmem>>, vector<16xf32>,
        %parallel_loop3A_472 = arith.constant 5 : i32
        %parallel_loop3A_473 = vector.broadcast %parallel_loop3A_472 : i32 to vector<16xi32>
        %parallel_loop3A_474 = arith.cmpi eq, %iota3A, %parallel_loop3A_473 : vector<16xi32>
        %parallel_loop3A_475 = arith.select %parallel_loop3A_474, %parallel_loop3A_465, %parallel_loop3A_453 : vector<16xi1>, vector<16xf32>
        %parallel_loop3A_476 = arith.constant 1 : i32
        %parallel_loop3A_477 = arith.index_cast %parallel_loop3A_476 : i32 to index
        %parallel_loop3A_478 = arith.index_cast %parallel_loop3A_257 : i32 to index
        %parallel_loop3A_479 = arith.constant 96 : index
        %parallel_loop3A_480 = tpu.vector_load %arg10[%parallel_loop3A_477, %parallel_loop3A_478, %parallel_loop3A_479] {strides = array<i32>} : memref<2x40x256xbf16, #tpu.memory_space<vmem>>, vector<32xbf16>,
        %parallel_loop3A_481 = tpu.unpack_subelements %parallel_loop3A_480, 0 {pack_format = #tpu.pack_format<interleaved>} : vector<32xbf16> -> vector<16xf32>
        %parallel_loop3A_482 = tpu.unpack_subelements %parallel_loop3A_480, 1 {pack_format = #tpu.pack_format<interleaved>} : vector<32xbf16> -> vector<16xf32>
        %parallel_loop3A_483 = arith.constant 1 : i32
        %parallel_loop3A_484 = arith.index_cast %parallel_loop3A_483 : i32 to index
        %parallel_loop3A_485 = arith.index_cast %parallel_loop3A_257 : i32 to index
        %parallel_loop3A_486 = arith.constant 96 : index
        %parallel_loop3A_487 = tpu.vector_load %arg11[%parallel_loop3A_484, %parallel_loop3A_485, %parallel_loop3A_486] {strides = array<i32>} : memref<2x40x128xbf16, #tpu.memory_space<vmem>>, vector<32xbf16>,
        %parallel_loop3A_488 = tpu.unpack_subelements %parallel_loop3A_487, 0 {pack_format = #tpu.pack_format<interleaved>} : vector<32xbf16> -> vector<16xf32>
        %parallel_loop3A_489 = tpu.unpack_subelements %parallel_loop3A_487, 1 {pack_format = #tpu.pack_format<interleaved>} : vector<32xbf16> -> vector<16xf32>
        %parallel_loop3A_490 = arith.constant 1 : i32
        %parallel_loop3A_491 = arith.index_cast %parallel_loop3A_490 : i32 to index
        %parallel_loop3A_492 = arith.index_cast %parallel_loop3A_257 : i32 to index
        %parallel_loop3A_493 = arith.constant 96 : index
        %parallel_loop3A_494 = tpu.vector_load %arg12[%parallel_loop3A_491, %parallel_loop3A_492, %parallel_loop3A_493] {strides = array<i32>} : memref<2x40x128xbf16, #tpu.memory_space<vmem>>, vector<32xbf16>,
        %parallel_loop3A_495 = tpu.unpack_subelements %parallel_loop3A_494, 0 {pack_format = #tpu.pack_format<interleaved>} : vector<32xbf16> -> vector<16xf32>
        %parallel_loop3A_496 = tpu.unpack_subelements %parallel_loop3A_494, 1 {pack_format = #tpu.pack_format<interleaved>} : vector<32xbf16> -> vector<16xf32>
        %parallel_loop3A_497 = arith.constant 1 : i32
        %parallel_loop3A_498 = arith.index_cast %parallel_loop3A_497 : i32 to index
        %parallel_loop3A_499 = arith.index_cast %parallel_loop3A_257 : i32 to index
        %parallel_loop3A_500 = arith.constant 224 : index
        %parallel_loop3A_501 = tpu.vector_load %arg10[%parallel_loop3A_498, %parallel_loop3A_499, %parallel_loop3A_500] {strides = array<i32>} : memref<2x40x256xbf16, #tpu.memory_space<vmem>>, vector<32xbf16>,
        %parallel_loop3A_502 = tpu.unpack_subelements %parallel_loop3A_501, 0 {pack_format = #tpu.pack_format<interleaved>} : vector<32xbf16> -> vector<16xf32>
        %parallel_loop3A_503 = tpu.unpack_subelements %parallel_loop3A_501, 1 {pack_format = #tpu.pack_format<interleaved>} : vector<32xbf16> -> vector<16xf32>
        %parallel_loop3A_504 = arith.mulf %parallel_loop3A_481, %parallel_loop3A_488 : vector<16xf32>
        %parallel_loop3A_505 = arith.mulf %parallel_loop3A_504, %parallel_loop3A_495 : vector<16xf32>
        %parallel_loop3A_506 = arith.constant true
        %parallel_loop3A_507 = vector.broadcast %parallel_loop3A_506 : i1 to vector<16xi1>
        %parallel_loop3A_508 = tpu.scan <sum>, %parallel_loop3A_505 masked %parallel_loop3A_507 : vector<16xf32>, vector<16xi1> -> vector<16xf32>
        %parallel_loop3A_509 = vector.extract %parallel_loop3A_508[15] : f32 from vector<16xf32>
        %parallel_loop3A_510 = arith.constant -5.000000e+00 : f32
        %parallel_loop3A_511 = arith.maximumf %parallel_loop3A_509, %parallel_loop3A_510 : f32
        %parallel_loop3A_512 = arith.constant 5.000000e+00 : f32
        %parallel_loop3A_513 = arith.minimumf %parallel_loop3A_511, %parallel_loop3A_512 : f32
        %parallel_loop3A_514 = vector.broadcast %parallel_loop3A_513 : f32 to vector<16xf32>
        %parallel_loop3A_515 = math.exp %parallel_loop3A_514 : vector<16xf32>
        %parallel_loop3A_516 = arith.mulf %parallel_loop3A_502, %parallel_loop3A_515 : vector<16xf32>
        %parallel_loop3A_517 = arith.constant 1 : i32
        %parallel_loop3A_518 = arith.index_cast %parallel_loop3A_517 : i32 to index
        %parallel_loop3A_519 = arith.index_cast %parallel_loop3A_257 : i32 to index
        %parallel_loop3A_520 = arith.constant 96 : index
        %parallel_loop3A_521 = tpu.vector_load %arg13[%parallel_loop3A_518, %parallel_loop3A_519, %parallel_loop3A_520] {strides = array<i32>} : memref<2x40x144xf32, #tpu.memory_space<vmem>>, vector<16xf32>,
        tpu.vector_store %arg13[%parallel_loop3A_518, %parallel_loop3A_519, %parallel_loop3A_520], %parallel_loop3A_516 {strides = array<i32>} : memref<2x40x144xf32, #tpu.memory_space<vmem>>, vector<16xf32>,
        %parallel_loop3A_522 = arith.constant 6 : i32
        %parallel_loop3A_523 = vector.broadcast %parallel_loop3A_522 : i32 to vector<16xi32>
        %parallel_loop3A_524 = arith.cmpi eq, %iota3A, %parallel_loop3A_523 : vector<16xi32>
        %parallel_loop3A_525 = arith.select %parallel_loop3A_524, %parallel_loop3A_515, %parallel_loop3A_475 : vector<16xi1>, vector<16xf32>
        %parallel_loop3A_526 = arith.mulf %parallel_loop3A_482, %parallel_loop3A_489 : vector<16xf32>
        %parallel_loop3A_527 = arith.mulf %parallel_loop3A_526, %parallel_loop3A_496 : vector<16xf32>
        %parallel_loop3A_528 = arith.constant true
        %parallel_loop3A_529 = vector.broadcast %parallel_loop3A_528 : i1 to vector<16xi1>
        %parallel_loop3A_530 = tpu.scan <sum>, %parallel_loop3A_527 masked %parallel_loop3A_529 : vector<16xf32>, vector<16xi1> -> vector<16xf32>
        %parallel_loop3A_531 = vector.extract %parallel_loop3A_530[15] : f32 from vector<16xf32>
        %parallel_loop3A_532 = arith.constant -5.000000e+00 : f32
        %parallel_loop3A_533 = arith.maximumf %parallel_loop3A_531, %parallel_loop3A_532 : f32
        %parallel_loop3A_534 = arith.constant 5.000000e+00 : f32
        %parallel_loop3A_535 = arith.minimumf %parallel_loop3A_533, %parallel_loop3A_534 : f32
        %parallel_loop3A_536 = vector.broadcast %parallel_loop3A_535 : f32 to vector<16xf32>
        %parallel_loop3A_537 = math.exp %parallel_loop3A_536 : vector<16xf32>
        %parallel_loop3A_538 = arith.mulf %parallel_loop3A_503, %parallel_loop3A_537 : vector<16xf32>
        %parallel_loop3A_539 = arith.constant 1 : i32
        %parallel_loop3A_540 = arith.index_cast %parallel_loop3A_539 : i32 to index
        %parallel_loop3A_541 = arith.index_cast %parallel_loop3A_257 : i32 to index
        %parallel_loop3A_542 = arith.constant 112 : index
        %parallel_loop3A_543 = tpu.vector_load %arg13[%parallel_loop3A_540, %parallel_loop3A_541, %parallel_loop3A_542] {strides = array<i32>} : memref<2x40x144xf32, #tpu.memory_space<vmem>>, vector<16xf32>,
        tpu.vector_store %arg13[%parallel_loop3A_540, %parallel_loop3A_541, %parallel_loop3A_542], %parallel_loop3A_538 {strides = array<i32>} : memref<2x40x144xf32, #tpu.memory_space<vmem>>, vector<16xf32>,
        %parallel_loop3A_544 = arith.constant 7 : i32
        %parallel_loop3A_545 = vector.broadcast %parallel_loop3A_544 : i32 to vector<16xi32>
        %parallel_loop3A_546 = arith.cmpi eq, %iota3A, %parallel_loop3A_545 : vector<16xi32>
        %parallel_loop3A_547 = arith.select %parallel_loop3A_546, %parallel_loop3A_537, %parallel_loop3A_525 : vector<16xi1>, vector<16xf32>
        %parallel_loop3A_548 = arith.constant 1 : i32
        %parallel_loop3A_549 = arith.index_cast %parallel_loop3A_548 : i32 to index
        %parallel_loop3A_550 = arith.index_cast %parallel_loop3A_257 : i32 to index
        %parallel_loop3A_551 = arith.constant 128 : index
        %parallel_loop3A_552 = tpu.vector_load %arg13[%parallel_loop3A_549, %parallel_loop3A_550, %parallel_loop3A_551] {strides = array<i32>} : memref<2x40x144xf32, #tpu.memory_space<vmem>>, vector<16xf32>,
        tpu.vector_store %arg13[%parallel_loop3A_549, %parallel_loop3A_550, %parallel_loop3A_551], %parallel_loop3A_547 {strides = array<i32>} : memref<2x40x144xf32, #tpu.memory_space<vmem>>, vector<16xf32>,
      } {sc.loop_unroll_factor = 4 : i64, sc.parallel_access}
      %dma_start3A_245 = arith.constant 1 : i32
      %dma_start3A_246 = arith.constant 1 : i32
      %dma_start3A_247 = arith.constant 0 : i32
      %dma_start3A_248 = arith.constant 0 : i32
      %dma_start3A_249 = tpu.memref_slice %arg13[%dma_start3A_245, %dma_start3A_247, %dma_start3A_248] : memref<2x40x144xf32, #tpu.memory_space<vmem>> -> memref<1x40x144xf32, #tpu.memory_space<vmem>>
      %dma_start3A_250 = tpu.memref_squeeze %dma_start3A_249 : memref<1x40x144xf32, #tpu.memory_space<vmem>> -> memref<40x144xf32, #tpu.memory_space<vmem>>
      %dma_start3A_251 = arith.constant 0 : i32
      %dma_start3A_252 = tpu.memref_slice %arg9[%dma_start3A_246, %dma_start3A_251] : memref<2x40xi32, #tpu.memory_space<vmem>> -> memref<1x40xi32, #tpu.memory_space<vmem>>
      %dma_start3A_253 = tpu.memref_squeeze %dma_start3A_252 : memref<1x40xi32, #tpu.memory_space<vmem>> -> memref<40xi32, #tpu.memory_space<vmem>>
      %dma_start3A_254 = arith.constant 0 : i32
      %dma_start3A_255 = arith.constant 0 : i32
      %dma_start3A_256 = tpu.memref_slice %arg14[%dma_start3A_254, %dma_start3A_255] : memref<10000x144xf32, #tpu.memory_space<vmem_shared>> -> memref<10000x144xf32, #tpu.memory_space<vmem_shared>>
      tpu.enqueue_indirect_dma source(%dma_start3A_250 : memref<40x144xf32, #tpu.memory_space<vmem>>) target(%dma_start3A_256 : memref<10000x144xf32, #tpu.memory_space<vmem_shared>>) offsets(%dma_start3A_253 : memref<40xi32, #tpu.memory_space<vmem>>) semaphore(%arg22 : memref<!tpu.dma_semaphore, #tpu.memory_space<semaphore_mem>>) {add = true}
    }
    %scan3A_80 = arith.constant 125 : i32
    %dma_wait3A = arith.constant 0 : i32
    %dma_wait3A_81 = arith.constant 0 : i32
    %dma_wait3A_82 = arith.constant 0 : i32
    %dma_wait3A_83 = arith.constant 0 : i32
    %dma_wait3A_84 = tpu.memref_slice %arg13[%dma_wait3A, %dma_wait3A_82, %dma_wait3A_83] : memref<2x40x144xf32, #tpu.memory_space<vmem>> -> memref<1x40x144xf32, #tpu.memory_space<vmem>>
    %dma_wait3A_85 = tpu.memref_squeeze %dma_wait3A_84 : memref<1x40x144xf32, #tpu.memory_space<vmem>> -> memref<40x144xf32, #tpu.memory_space<vmem>>
    %dma_wait3A_86 = arith.constant 0 : i32
    %dma_wait3A_87 = tpu.memref_slice %arg9[%dma_wait3A_81, %dma_wait3A_86] : memref<2x40xi32, #tpu.memory_space<vmem>> -> memref<1x40xi32, #tpu.memory_space<vmem>>
    %dma_wait3A_88 = tpu.memref_squeeze %dma_wait3A_87 : memref<1x40xi32, #tpu.memory_space<vmem>> -> memref<40xi32, #tpu.memory_space<vmem>>
    %dma_wait3A_89 = arith.constant 0 : i32
    %dma_wait3A_90 = arith.constant 0 : i32
    %dma_wait3A_91 = tpu.memref_slice %arg14[%dma_wait3A_89, %dma_wait3A_90] : memref<10000x144xf32, #tpu.memory_space<vmem_shared>> -> memref<10000x144xf32, #tpu.memory_space<vmem_shared>>
    tpu.wait_indirect_dma semaphore(%arg21 : memref<!tpu.dma_semaphore, #tpu.memory_space<semaphore_mem>>) src(%dma_wait3A_85 : memref<40x144xf32, #tpu.memory_space<vmem>>) dst(%dma_wait3A_91 : memref<10000x144xf32, #tpu.memory_space<vmem_shared>>)
    %dma_wait3A_92 = arith.constant 1 : i32
    %dma_wait3A_93 = arith.constant 1 : i32
    %dma_wait3A_94 = arith.constant 0 : i32
    %dma_wait3A_95 = arith.constant 0 : i32
    %dma_wait3A_96 = tpu.memref_slice %arg13[%dma_wait3A_92, %dma_wait3A_94, %dma_wait3A_95] : memref<2x40x144xf32, #tpu.memory_space<vmem>> -> memref<1x40x144xf32, #tpu.memory_space<vmem>>
    %dma_wait3A_97 = tpu.memref_squeeze %dma_wait3A_96 : memref<1x40x144xf32, #tpu.memory_space<vmem>> -> memref<40x144xf32, #tpu.memory_space<vmem>>
    %dma_wait3A_98 = arith.constant 0 : i32
    %dma_wait3A_99 = tpu.memref_slice %arg9[%dma_wait3A_93, %dma_wait3A_98] : memref<2x40xi32, #tpu.memory_space<vmem>> -> memref<1x40xi32, #tpu.memory_space<vmem>>
    %dma_wait3A_100 = tpu.memref_squeeze %dma_wait3A_99 : memref<1x40xi32, #tpu.memory_space<vmem>> -> memref<40xi32, #tpu.memory_space<vmem>>
    %dma_wait3A_101 = arith.constant 0 : i32
    %dma_wait3A_102 = arith.constant 0 : i32
    %dma_wait3A_103 = tpu.memref_slice %arg14[%dma_wait3A_101, %dma_wait3A_102] : memref<10000x144xf32, #tpu.memory_space<vmem_shared>> -> memref<10000x144xf32, #tpu.memory_space<vmem_shared>>
    tpu.wait_indirect_dma semaphore(%arg22 : memref<!tpu.dma_semaphore, #tpu.memory_space<semaphore_mem>>) src(%dma_wait3A_97 : memref<40x144xf32, #tpu.memory_space<vmem>>) dst(%dma_wait3A_103 : memref<10000x144xf32, #tpu.memory_space<vmem_shared>>)
    %barrier3A_104 = arith.constant 0 : index
    tpu.barrier barrier_id(%barrier3A_104)
    %while3A_105 = arith.constant 0 : i32
    %while3A_106 = arith.constant 0 : i32
    %while3A_107 = arith.subi %add3A_20, %while3A_106 : i32
    %while3A_108 = arith.addi %while3A_106, %while3A_107 : i32
    %while3A_109 = arith.constant 1 : i32
    %while3A_110 = arith.divsi %while3A_107, %while3A_109 : i32
    %while3A_111 = arith.muli %while3A_110, %while3A_109 : i32
    %while3A_112 = arith.addi %while3A_106, %while3A_111 : i32
    %while3A_113 = arith.constant 1 : i32
    scf.for %while3A_115 = %while3A_106 to %while3A_112 step %while3A_113  : i32 {
      %mul3A_116 = arith.constant 16 : i32
      %mul3A_117 = arith.muli %while3A_115, %mul3A_116 : i32
      %add3A_118 = arith.addi %arg1, %mul3A_117 : i32
      %mul3A_119 = arith.constant 40 : i32
      %mul3A_120 = arith.muli %add3A_118, %mul3A_119 : i32
      %run_scoped3A_121 = arith.constant 0 : i32
      "tpu.region"() ({
        %run_scoped3A_123 = tpu.sem_alloc : memref<!tpu.dma_semaphore, #tpu.memory_space<semaphore_mem>>
        %dma_start3A_124 = arith.constant 0 : i32
        %dma_start3A_125 = arith.constant 0 : i32
        %dma_start3A_126 = tpu.memref_slice %arg13[%run_scoped3A_121, %dma_start3A_124, %dma_start3A_125] : memref<2x40x144xf32, #tpu.memory_space<vmem>> -> memref<1x40x144xf32, #tpu.memory_space<vmem>>
        %dma_start3A_127 = tpu.memref_squeeze %dma_start3A_126 : memref<1x40x144xf32, #tpu.memory_space<vmem>> -> memref<40x144xf32, #tpu.memory_space<vmem>>
        %dma_start3A_128 = arith.constant 0 : i32
        %dma_start3A_129 = tpu.memref_slice %arg14[%mul3A_120, %dma_start3A_128] : memref<10000x144xf32, #tpu.memory_space<vmem_shared>> -> memref<40x144xf32, #tpu.memory_space<vmem_shared>>
        %dma_start3A_130 = arith.constant 0 : i32
        %dma_start3A_131 = arith.constant 0 : i32
        %dma_start3A_132 = tpu.memref_slice %arg13[%run_scoped3A_121, %dma_start3A_130, %dma_start3A_131] : memref<2x40x144xf32, #tpu.memory_space<vmem>> -> memref<1x40x144xf32, #tpu.memory_space<vmem>>
        %dma_start3A_133 = tpu.memref_squeeze %dma_start3A_132 : memref<1x40x144xf32, #tpu.memory_space<vmem>> -> memref<40x144xf32, #tpu.memory_space<vmem>>
        %dma_start3A_134 = arith.constant 0 : i32
        %dma_start3A_135 = tpu.memref_slice %arg14[%mul3A_120, %dma_start3A_134] : memref<10000x144xf32, #tpu.memory_space<vmem_shared>> -> memref<40x144xf32, #tpu.memory_space<vmem_shared>>
        tpu.enqueue_dma source(%dma_start3A_135 : memref<40x144xf32, #tpu.memory_space<vmem_shared>>) target(%dma_start3A_133 : memref<40x144xf32, #tpu.memory_space<vmem>>) target_semaphore(%run_scoped3A_123 : memref<!tpu.dma_semaphore, #tpu.memory_space<semaphore_mem>>)
        %dma_wait3A_136 = arith.constant 0 : i32
        %dma_wait3A_137 = arith.constant 0 : i32
        %dma_wait3A_138 = tpu.memref_slice %arg13[%run_scoped3A_121, %dma_wait3A_136, %dma_wait3A_137] : memref<2x40x144xf32, #tpu.memory_space<vmem>> -> memref<1x40x144xf32, #tpu.memory_space<vmem>>
        %dma_wait3A_139 = tpu.memref_squeeze %dma_wait3A_138 : memref<1x40x144xf32, #tpu.memory_space<vmem>> -> memref<40x144xf32, #tpu.memory_space<vmem>>
        %dma_wait3A_140 = arith.constant 0 : i32
        %dma_wait3A_141 = tpu.memref_slice %arg14[%mul3A_120, %dma_wait3A_140] : memref<10000x144xf32, #tpu.memory_space<vmem_shared>> -> memref<40x144xf32, #tpu.memory_space<vmem_shared>>
        %dma_wait3A_142 = arith.constant 0 : i32
        %dma_wait3A_143 = arith.constant 0 : i32
        %dma_wait3A_144 = tpu.memref_slice %arg13[%run_scoped3A_121, %dma_wait3A_142, %dma_wait3A_143] : memref<2x40x144xf32, #tpu.memory_space<vmem>> -> memref<1x40x144xf32, #tpu.memory_space<vmem>>
        %dma_wait3A_145 = tpu.memref_squeeze %dma_wait3A_144 : memref<1x40x144xf32, #tpu.memory_space<vmem>> -> memref<40x144xf32, #tpu.memory_space<vmem>>
        %dma_wait3A_146 = arith.constant 0 : i32
        %dma_wait3A_147 = tpu.memref_slice %arg14[%mul3A_120, %dma_wait3A_146] : memref<10000x144xf32, #tpu.memory_space<vmem_shared>> -> memref<40x144xf32, #tpu.memory_space<vmem_shared>>
        tpu.wait_dma2 semaphore(%run_scoped3A_123 : memref<!tpu.dma_semaphore, #tpu.memory_space<semaphore_mem>>) src(%dma_wait3A_147 : memref<40x144xf32, #tpu.memory_space<vmem_shared>>) dst(%dma_wait3A_145 : memref<40x144xf32, #tpu.memory_space<vmem>>)
        tpu.yield
      }) : () -> ()
      %run_scoped3A_122 = arith.constant 0 : i32
      "tpu.region"() ({
        %run_scoped3A_123 = tpu.sem_alloc : memref<!tpu.dma_semaphore, #tpu.memory_space<semaphore_mem>>
        %dma_start3A_124 = arith.constant 0 : i32
        %dma_start3A_125 = arith.constant 0 : i32
        %dma_start3A_126 = tpu.memref_slice %arg13[%run_scoped3A_122, %dma_start3A_124, %dma_start3A_125] : memref<2x40x144xf32, #tpu.memory_space<vmem>> -> memref<1x40x144xf32, #tpu.memory_space<vmem>>
        %dma_start3A_127 = tpu.memref_squeeze %dma_start3A_126 : memref<1x40x144xf32, #tpu.memory_space<vmem>> -> memref<40x144xf32, #tpu.memory_space<vmem>>
        %dma_start3A_128 = arith.constant 0 : i32
        %dma_start3A_129 = tpu.memref_slice %arg7[%arg0, %mul3A_120, %dma_start3A_128] : memref<2x10000x144xf32, #tpu.memory_space<hbm>> -> memref<1x40x144xf32, #tpu.memory_space<hbm>>
        %dma_start3A_130 = tpu.memref_squeeze %dma_start3A_129 : memref<1x40x144xf32, #tpu.memory_space<hbm>> -> memref<40x144xf32, #tpu.memory_space<hbm>>
        %dma_start3A_131 = arith.constant 0 : i32
        %dma_start3A_132 = tpu.memref_slice %arg7[%arg0, %mul3A_120, %dma_start3A_131] : memref<2x10000x144xf32, #tpu.memory_space<hbm>> -> memref<1x40x144xf32, #tpu.memory_space<hbm>>
        %dma_start3A_133 = tpu.memref_squeeze %dma_start3A_132 : memref<1x40x144xf32, #tpu.memory_space<hbm>> -> memref<40x144xf32, #tpu.memory_space<hbm>>
        %dma_start3A_134 = arith.constant 0 : i32
        %dma_start3A_135 = arith.constant 0 : i32
        %dma_start3A_136 = tpu.memref_slice %arg13[%run_scoped3A_122, %dma_start3A_134, %dma_start3A_135] : memref<2x40x144xf32, #tpu.memory_space<vmem>> -> memref<1x40x144xf32, #tpu.memory_space<vmem>>
        %dma_start3A_137 = tpu.memref_squeeze %dma_start3A_136 : memref<1x40x144xf32, #tpu.memory_space<vmem>> -> memref<40x144xf32, #tpu.memory_space<vmem>>
        tpu.enqueue_dma source(%dma_start3A_137 : memref<40x144xf32, #tpu.memory_space<vmem>>) target(%dma_start3A_133 : memref<40x144xf32, #tpu.memory_space<hbm>>) target_semaphore(%run_scoped3A_123 : memref<!tpu.dma_semaphore, #tpu.memory_space<semaphore_mem>>)
        %dma_wait3A_138 = arith.constant 0 : i32
        %dma_wait3A_139 = arith.constant 0 : i32
        %dma_wait3A_140 = tpu.memref_slice %arg13[%run_scoped3A_122, %dma_wait3A_138, %dma_wait3A_139] : memref<2x40x144xf32, #tpu.memory_space<vmem>> -> memref<1x40x144xf32, #tpu.memory_space<vmem>>
        %dma_wait3A_141 = tpu.memref_squeeze %dma_wait3A_140 : memref<1x40x144xf32, #tpu.memory_space<vmem>> -> memref<40x144xf32, #tpu.memory_space<vmem>>
        %dma_wait3A_142 = arith.constant 0 : i32
        %dma_wait3A_143 = tpu.memref_slice %arg7[%arg0, %mul3A_120, %dma_wait3A_142] : memref<2x10000x144xf32, #tpu.memory_space<hbm>> -> memref<1x40x144xf32, #tpu.memory_space<hbm>>
        %dma_wait3A_144 = tpu.memref_squeeze %dma_wait3A_143 : memref<1x40x144xf32, #tpu.memory_space<hbm>> -> memref<40x144xf32, #tpu.memory_space<hbm>>
        %dma_wait3A_145 = arith.constant 0 : i32
        %dma_wait3A_146 = tpu.memref_slice %arg7[%arg0, %mul3A_120, %dma_wait3A_145] : memref<2x10000x144xf32, #tpu.memory_space<hbm>> -> memref<1x40x144xf32, #tpu.memory_space<hbm>>
        %dma_wait3A_147 = tpu.memref_squeeze %dma_wait3A_146 : memref<1x40x144xf32, #tpu.memory_space<hbm>> -> memref<40x144xf32, #tpu.memory_space<hbm>>
        %dma_wait3A_148 = arith.constant 0 : i32
        %dma_wait3A_149 = arith.constant 0 : i32
        %dma_wait3A_150 = tpu.memref_slice %arg13[%run_scoped3A_122, %dma_wait3A_148, %dma_wait3A_149] : memref<2x40x144xf32, #tpu.memory_space<vmem>> -> memref<1x40x144xf32, #tpu.memory_space<vmem>>
        %dma_wait3A_151 = tpu.memref_squeeze %dma_wait3A_150 : memref<1x40x144xf32, #tpu.memory_space<vmem>> -> memref<40x144xf32, #tpu.memory_space<vmem>>
        tpu.wait_dma2 semaphore(%run_scoped3A_123 : memref<!tpu.dma_semaphore, #tpu.memory_space<semaphore_mem>>) src(%dma_wait3A_151 : memref<40x144xf32, #tpu.memory_space<vmem>>) dst(%dma_wait3A_147 : memref<40x144xf32, #tpu.memory_space<hbm>>)
        tpu.yield
      }) : () -> ()
    }
    %while3A_114 = arith.constant 1 : i32
    scf.for %while3A_115 = %while3A_112 to %while3A_108 step %while3A_114  : i32 {
      %mul3A_116 = arith.constant 16 : i32
      %mul3A_117 = arith.muli %while3A_115, %mul3A_116 : i32
      %add3A_118 = arith.addi %arg1, %mul3A_117 : i32
      %mul3A_119 = arith.constant 40 : i32
      %mul3A_120 = arith.muli %add3A_118, %mul3A_119 : i32
      %run_scoped3A_121 = arith.constant 0 : i32
      "tpu.region"() ({
        %run_scoped3A_123 = tpu.sem_alloc : memref<!tpu.dma_semaphore, #tpu.memory_space<semaphore_mem>>
        %dma_start3A_124 = arith.constant 0 : i32
        %dma_start3A_125 = arith.constant 0 : i32
        %dma_start3A_126 = tpu.memref_slice %arg13[%run_scoped3A_121, %dma_start3A_124, %dma_start3A_125] : memref<2x40x144xf32, #tpu.memory_space<vmem>> -> memref<1x40x144xf32, #tpu.memory_space<vmem>>
        %dma_start3A_127 = tpu.memref_squeeze %dma_start3A_126 : memref<1x40x144xf32, #tpu.memory_space<vmem>> -> memref<40x144xf32, #tpu.memory_space<vmem>>
        %dma_start3A_128 = arith.constant 0 : i32
        %dma_start3A_129 = tpu.memref_slice %arg14[%mul3A_120, %dma_start3A_128] : memref<10000x144xf32, #tpu.memory_space<vmem_shared>> -> memref<40x144xf32, #tpu.memory_space<vmem_shared>>
        %dma_start3A_130 = arith.constant 0 : i32
        %dma_start3A_131 = arith.constant 0 : i32
        %dma_start3A_132 = tpu.memref_slice %arg13[%run_scoped3A_121, %dma_start3A_130, %dma_start3A_131] : memref<2x40x144xf32, #tpu.memory_space<vmem>> -> memref<1x40x144xf32, #tpu.memory_space<vmem>>
        %dma_start3A_133 = tpu.memref_squeeze %dma_start3A_132 : memref<1x40x144xf32, #tpu.memory_space<vmem>> -> memref<40x144xf32, #tpu.memory_space<vmem>>
        %dma_start3A_134 = arith.constant 0 : i32
        %dma_start3A_135 = tpu.memref_slice %arg14[%mul3A_120, %dma_start3A_134] : memref<10000x144xf32, #tpu.memory_space<vmem_shared>> -> memref<40x144xf32, #tpu.memory_space<vmem_shared>>
        tpu.enqueue_dma source(%dma_start3A_135 : memref<40x144xf32, #tpu.memory_space<vmem_shared>>) target(%dma_start3A_133 : memref<40x144xf32, #tpu.memory_space<vmem>>) target_semaphore(%run_scoped3A_123 : memref<!tpu.dma_semaphore, #tpu.memory_space<semaphore_mem>>)
        %dma_wait3A_136 = arith.constant 0 : i32
        %dma_wait3A_137 = arith.constant 0 : i32
        %dma_wait3A_138 = tpu.memref_slice %arg13[%run_scoped3A_121, %dma_wait3A_136, %dma_wait3A_137] : memref<2x40x144xf32, #tpu.memory_space<vmem>> -> memref<1x40x144xf32, #tpu.memory_space<vmem>>
        %dma_wait3A_139 = tpu.memref_squeeze %dma_wait3A_138 : memref<1x40x144xf32, #tpu.memory_space<vmem>> -> memref<40x144xf32, #tpu.memory_space<vmem>>
        %dma_wait3A_140 = arith.constant 0 : i32
        %dma_wait3A_141 = tpu.memref_slice %arg14[%mul3A_120, %dma_wait3A_140] : memref<10000x144xf32, #tpu.memory_space<vmem_shared>> -> memref<40x144xf32, #tpu.memory_space<vmem_shared>>
        %dma_wait3A_142 = arith.constant 0 : i32
        %dma_wait3A_143 = arith.constant 0 : i32
        %dma_wait3A_144 = tpu.memref_slice %arg13[%run_scoped3A_121, %dma_wait3A_142, %dma_wait3A_143] : memref<2x40x144xf32, #tpu.memory_space<vmem>> -> memref<1x40x144xf32, #tpu.memory_space<vmem>>
        %dma_wait3A_145 = tpu.memref_squeeze %dma_wait3A_144 : memref<1x40x144xf32, #tpu.memory_space<vmem>> -> memref<40x144xf32, #tpu.memory_space<vmem>>
        %dma_wait3A_146 = arith.constant 0 : i32
        %dma_wait3A_147 = tpu.memref_slice %arg14[%mul3A_120, %dma_wait3A_146] : memref<10000x144xf32, #tpu.memory_space<vmem_shared>> -> memref<40x144xf32, #tpu.memory_space<vmem_shared>>
        tpu.wait_dma2 semaphore(%run_scoped3A_123 : memref<!tpu.dma_semaphore, #tpu.memory_space<semaphore_mem>>) src(%dma_wait3A_147 : memref<40x144xf32, #tpu.memory_space<vmem_shared>>) dst(%dma_wait3A_145 : memref<40x144xf32, #tpu.memory_space<vmem>>)
        tpu.yield
      }) : () -> ()
      %run_scoped3A_122 = arith.constant 0 : i32
      "tpu.region"() ({
        %run_scoped3A_123 = tpu.sem_alloc : memref<!tpu.dma_semaphore, #tpu.memory_space<semaphore_mem>>
        %dma_start3A_124 = arith.constant 0 : i32
        %dma_start3A_125 = arith.constant 0 : i32
        %dma_start3A_126 = tpu.memref_slice %arg13[%run_scoped3A_122, %dma_start3A_124, %dma_start3A_125] : memref<2x40x144xf32, #tpu.memory_space<vmem>> -> memref<1x40x144xf32, #tpu.memory_space<vmem>>
        %dma_start3A_127 = tpu.memref_squeeze %dma_start3A_126 : memref<1x40x144xf32, #tpu.memory_space<vmem>> -> memref<40x144xf32, #tpu.memory_space<vmem>>
        %dma_start3A_128 = arith.constant 0 : i32
        %dma_start3A_129 = tpu.memref_slice %arg7[%arg0, %mul3A_120, %dma_start3A_128] : memref<2x10000x144xf32, #tpu.memory_space<hbm>> -> memref<1x40x144xf32, #tpu.memory_space<hbm>>
        %dma_start3A_130 = tpu.memref_squeeze %dma_start3A_129 : memref<1x40x144xf32, #tpu.memory_space<hbm>> -> memref<40x144xf32, #tpu.memory_space<hbm>>
        %dma_start3A_131 = arith.constant 0 : i32
        %dma_start3A_132 = tpu.memref_slice %arg7[%arg0, %mul3A_120, %dma_start3A_131] : memref<2x10000x144xf32, #tpu.memory_space<hbm>> -> memref<1x40x144xf32, #tpu.memory_space<hbm>>
        %dma_start3A_133 = tpu.memref_squeeze %dma_start3A_132 : memref<1x40x144xf32, #tpu.memory_space<hbm>> -> memref<40x144xf32, #tpu.memory_space<hbm>>
        %dma_start3A_134 = arith.constant 0 : i32
        %dma_start3A_135 = arith.constant 0 : i32
        %dma_start3A_136 = tpu.memref_slice %arg13[%run_scoped3A_122, %dma_start3A_134, %dma_start3A_135] : memref<2x40x144xf32, #tpu.memory_space<vmem>> -> memref<1x40x144xf32, #tpu.memory_space<vmem>>
        %dma_start3A_137 = tpu.memref_squeeze %dma_start3A_136 : memref<1x40x144xf32, #tpu.memory_space<vmem>> -> memref<40x144xf32, #tpu.memory_space<vmem>>
        tpu.enqueue_dma source(%dma_start3A_137 : memref<40x144xf32, #tpu.memory_space<vmem>>) target(%dma_start3A_133 : memref<40x144xf32, #tpu.memory_space<hbm>>) target_semaphore(%run_scoped3A_123 : memref<!tpu.dma_semaphore, #tpu.memory_space<semaphore_mem>>)
        %dma_wait3A_138 = arith.constant 0 : i32
        %dma_wait3A_139 = arith.constant 0 : i32
        %dma_wait3A_140 = tpu.memref_slice %arg13[%run_scoped3A_122, %dma_wait3A_138, %dma_wait3A_139] : memref<2x40x144xf32, #tpu.memory_space<vmem>> -> memref<1x40x144xf32, #tpu.memory_space<vmem>>
        %dma_wait3A_141 = tpu.memref_squeeze %dma_wait3A_140 : memref<1x40x144xf32, #tpu.memory_space<vmem>> -> memref<40x144xf32, #tpu.memory_space<vmem>>
        %dma_wait3A_142 = arith.constant 0 : i32
        %dma_wait3A_143 = tpu.memref_slice %arg7[%arg0, %mul3A_120, %dma_wait3A_142] : memref<2x10000x144xf32, #tpu.memory_space<hbm>> -> memref<1x40x144xf32, #tpu.memory_space<hbm>>
        %dma_wait3A_144 = tpu.memref_squeeze %dma_wait3A_143 : memref<1x40x144xf32, #tpu.memory_space<hbm>> -> memref<40x144xf32, #tpu.memory_space<hbm>>
        %dma_wait3A_145 = arith.constant 0 : i32
        %dma_wait3A_146 = tpu.memref_slice %arg7[%arg0, %mul3A_120, %dma_wait3A_145] : memref<2x10000x144xf32, #tpu.memory_space<hbm>> -> memref<1x40x144xf32, #tpu.memory_space<hbm>>
        %dma_wait3A_147 = tpu.memref_squeeze %dma_wait3A_146 : memref<1x40x144xf32, #tpu.memory_space<hbm>> -> memref<40x144xf32, #tpu.memory_space<hbm>>
        %dma_wait3A_148 = arith.constant 0 : i32
        %dma_wait3A_149 = arith.constant 0 : i32
        %dma_wait3A_150 = tpu.memref_slice %arg13[%run_scoped3A_122, %dma_wait3A_148, %dma_wait3A_149] : memref<2x40x144xf32, #tpu.memory_space<vmem>> -> memref<1x40x144xf32, #tpu.memory_space<vmem>>
        %dma_wait3A_151 = tpu.memref_squeeze %dma_wait3A_150 : memref<1x40x144xf32, #tpu.memory_space<vmem>> -> memref<40x144xf32, #tpu.memory_space<vmem>>
        tpu.wait_dma2 semaphore(%run_scoped3A_123 : memref<!tpu.dma_semaphore, #tpu.memory_space<semaphore_mem>>) src(%dma_wait3A_151 : memref<40x144xf32, #tpu.memory_space<vmem>>) dst(%dma_wait3A_147 : memref<40x144xf32, #tpu.memory_space<hbm>>)
        tpu.yield
      }) : () -> ()
    }
    return
  }
}

module attributes {stable_mosaic.version = 14 : i64} {
  func.func @_emat_body(%arg0: i32, %arg1: memref<8000x16xf32, #tpu.memory_space<vmem>>, %arg2: memref<16x128xf32, #tpu.memory_space<vmem>>, %arg3: memref<8000x128xbf16, #tpu.memory_space<vmem>>) attributes {dimension_semantics = [#tpu.dimension_semantics<arbitrary>], iteration_bounds = array<i64: 40>, scalar_prefetch = 0 : i64, scratch_operands = 0 : i64, tpu.core_type = #tpu.core_type<tc>, window_params = [{transform_indices = @transform_0, window_bounds = array<i64: 8000, 16>}, {pipeline_mode = #tpu.pipeline_mode<synchronous>, transform_indices = @transform_1, window_bounds = array<i64: 16, 128>}, {transform_indices = @transform_2, window_bounds = array<i64: 8000, 128>}]} {
    %get3A = arith.constant 0 : index
    %get3A_0 = arith.constant 0 : index
    %get3A_1 = vector.load %arg1[%get3A, %get3A_0] : memref<8000x16xf32, #tpu.memory_space<vmem>>, vector<8000x16xf32>
    %get3A_2 = arith.constant 0 : index
    %get3A_3 = arith.constant 0 : index
    %get3A_4 = vector.load %arg2[%get3A_2, %get3A_3] : memref<16x128xf32, #tpu.memory_space<vmem>>, vector<16x128xf32>
    %dot_general3A = arith.constant dense<0.000000e+00> : vector<8000x128xf32>
    %dot_general3A_5 = tpu.matmul %get3A_1, %get3A_4, %dot_general3A {dimension_numbers = #tpu.dot_dimension_numbers<[1], [0], [0], [1], [0, 0, 1, 1], [], []>, transpose_lhs_hint = false} : vector<8000x16xf32>, vector<16x128xf32>, vector<8000x128xf32> -> vector<8000x128xf32>
    %convert_element_type3A = arith.truncf %dot_general3A_5 : vector<8000x128xf32> to vector<8000x128xbf16>
    %swap3A = arith.constant 0 : index
    %swap3A_6 = arith.constant 0 : index
    %swap3A_7 = vector.load %arg3[%swap3A, %swap3A_6] : memref<8000x128xbf16, #tpu.memory_space<vmem>>, vector<8000x128xbf16>
    tpu.vector_store %arg3[%swap3A, %swap3A_6], %convert_element_type3A {strides = array<i32>} : memref<8000x128xbf16, #tpu.memory_space<vmem>>, vector<8000x128xbf16>,
    return
  }
  func.func @transform_0(%arg0: i32) -> (i32, i32) {
    %c0_i32 = arith.constant 0 : i32
    %c0_i32_0 = arith.constant 0 : i32
    return %arg0, %c0_i32 : i32, i32
  }
  func.func @transform_1(%arg0: i32) -> (i32, i32) {
    %c0_i32 = arith.constant 0 : i32
    %c0_i32_0 = arith.constant 0 : i32
    %c0_i32_1 = arith.constant 0 : i32
    return %c0_i32, %c0_i32_0 : i32, i32
  }
  func.func @transform_2(%arg0: i32) -> (i32, i32) {
    %c0_i32 = arith.constant 0 : i32
    %c0_i32_0 = arith.constant 0 : i32
    return %arg0, %c0_i32 : i32, i32
  }
}

module attributes {stable_mosaic.version = 14 : i64} {
  func.func @_proj_body(%arg0: i32, %arg1: memref<2000x128xf32, #tpu.memory_space<vmem>>, %arg2: memref<128x256xf32, #tpu.memory_space<vmem>>, %arg3: memref<128x128xf32, #tpu.memory_space<vmem>>, %arg4: memref<2000x256xbf16, #tpu.memory_space<vmem>>, %arg5: memref<2000x128xbf16, #tpu.memory_space<vmem>>) attributes {dimension_semantics = [#tpu.dimension_semantics<arbitrary>], iteration_bounds = array<i64: 5>, scalar_prefetch = 0 : i64, scratch_operands = 0 : i64, tpu.core_type = #tpu.core_type<tc>, window_params = [{transform_indices = @transform_0, window_bounds = array<i64: 2000, 128>}, {pipeline_mode = #tpu.pipeline_mode<synchronous>, transform_indices = @transform_1, window_bounds = array<i64: 128, 256>}, {pipeline_mode = #tpu.pipeline_mode<synchronous>, transform_indices = @transform_2, window_bounds = array<i64: 128, 128>}, {transform_indices = @transform_3, window_bounds = array<i64: 2000, 256>}, {transform_indices = @transform_4, window_bounds = array<i64: 2000, 128>}]} {
    %get3A = arith.constant 0 : index
    %get3A_0 = arith.constant 0 : index
    %get3A_1 = vector.load %arg1[%get3A, %get3A_0] : memref<2000x128xf32, #tpu.memory_space<vmem>>, vector<2000x128xf32>
    %get3A_2 = arith.constant 0 : index
    %get3A_3 = arith.constant 0 : index
    %get3A_4 = vector.load %arg2[%get3A_2, %get3A_3] : memref<128x256xf32, #tpu.memory_space<vmem>>, vector<128x256xf32>
    %dot_general3A = arith.constant dense<0.000000e+00> : vector<2000x256xf32>
    %dot_general3A_5 = tpu.matmul %get3A_1, %get3A_4, %dot_general3A {dimension_numbers = #tpu.dot_dimension_numbers<[1], [0], [0], [1], [0, 0, 1, 1], [], []>, transpose_lhs_hint = false} : vector<2000x128xf32>, vector<128x256xf32>, vector<2000x256xf32> -> vector<2000x256xf32>
    %convert_element_type3A = arith.truncf %dot_general3A_5 : vector<2000x256xf32> to vector<2000x256xbf16>
    %swap3A = arith.constant 0 : index
    %swap3A_6 = arith.constant 0 : index
    %swap3A_7 = vector.load %arg4[%swap3A, %swap3A_6] : memref<2000x256xbf16, #tpu.memory_space<vmem>>, vector<2000x256xbf16>
    tpu.vector_store %arg4[%swap3A, %swap3A_6], %convert_element_type3A {strides = array<i32>} : memref<2000x256xbf16, #tpu.memory_space<vmem>>, vector<2000x256xbf16>,
    %get3A_8 = arith.constant 0 : index
    %get3A_9 = arith.constant 0 : index
    %get3A_10 = vector.load %arg3[%get3A_8, %get3A_9] : memref<128x128xf32, #tpu.memory_space<vmem>>, vector<128x128xf32>
    %dot_general3A_11 = arith.constant dense<0.000000e+00> : vector<2000x128xf32>
    %dot_general3A_12 = tpu.matmul %get3A_1, %get3A_10, %dot_general3A_11 {dimension_numbers = #tpu.dot_dimension_numbers<[1], [0], [0], [1], [0, 0, 1, 1], [], []>, transpose_lhs_hint = false} : vector<2000x128xf32>, vector<128x128xf32>, vector<2000x128xf32> -> vector<2000x128xf32>
    %mul3A = arith.constant 2.500000e-01 : f32
    %mul3A_13 = vector.broadcast %mul3A : f32 to vector<2000x128xf32>
    %mul3A_14 = arith.mulf %dot_general3A_12, %mul3A_13 : vector<2000x128xf32>
    %convert_element_type3A_15 = arith.truncf %mul3A_14 : vector<2000x128xf32> to vector<2000x128xbf16>
    %swap3A_16 = arith.constant 0 : index
    %swap3A_17 = arith.constant 0 : index
    %swap3A_18 = vector.load %arg5[%swap3A_16, %swap3A_17] : memref<2000x128xbf16, #tpu.memory_space<vmem>>, vector<2000x128xbf16>
    tpu.vector_store %arg5[%swap3A_16, %swap3A_17], %convert_element_type3A_15 {strides = array<i32>} : memref<2000x128xbf16, #tpu.memory_space<vmem>>, vector<2000x128xbf16>,
    return
  }
  func.func @transform_0(%arg0: i32) -> (i32, i32) {
    %c0_i32 = arith.constant 0 : i32
    %c0_i32_0 = arith.constant 0 : i32
    return %arg0, %c0_i32 : i32, i32
  }
  func.func @transform_1(%arg0: i32) -> (i32, i32) {
    %c0_i32 = arith.constant 0 : i32
    %c0_i32_0 = arith.constant 0 : i32
    %c0_i32_1 = arith.constant 0 : i32
    return %c0_i32, %c0_i32_0 : i32, i32
  }
  func.func @transform_2(%arg0: i32) -> (i32, i32) {
    %c0_i32 = arith.constant 0 : i32
    %c0_i32_0 = arith.constant 0 : i32
    %c0_i32_1 = arith.constant 0 : i32
    return %c0_i32, %c0_i32_0 : i32, i32
  }
  func.func @transform_3(%arg0: i32) -> (i32, i32) {
    %c0_i32 = arith.constant 0 : i32
    %c0_i32_0 = arith.constant 0 : i32
    return %arg0, %c0_i32 : i32, i32
  }
  func.func @transform_4(%arg0: i32) -> (i32, i32) {
    %c0_i32 = arith.constant 0 : i32
    %c0_i32_0 = arith.constant 0 : i32
    return %arg0, %c0_i32 : i32, i32
  }
}

module attributes {stable_mosaic.version = 14 : i64} {
  func.func @_final_body(%arg0: i32, %arg1: memref<2x1000x144xf32, #tpu.memory_space<vmem>>, %arg2: memref<1000x128xf32, #tpu.memory_space<vmem>>, %arg3: memref<8x128xf32, #tpu.memory_space<vmem>>, %arg4: memref<1x128xf32, #tpu.memory_space<vmem>>, %arg5: memref<1x128xf32, #tpu.memory_space<vmem>>, %arg6: memref<128x256xf32, #tpu.memory_space<vmem>>, %arg7: memref<1x256xf32, #tpu.memory_space<vmem>>, %arg8: memref<256x128xf32, #tpu.memory_space<vmem>>, %arg9: memref<1x128xf32, #tpu.memory_space<vmem>>, %arg10: memref<1x128xf32, #tpu.memory_space<vmem>>, %arg11: memref<1x128xf32, #tpu.memory_space<vmem>>, %arg12: memref<1000x128xf32, #tpu.memory_space<vmem>>) attributes {dimension_semantics = [#tpu.dimension_semantics<arbitrary>], iteration_bounds = array<i64: 10>, scalar_prefetch = 0 : i64, scratch_operands = 0 : i64, tpu.core_type = #tpu.core_type<tc>, window_params = [{transform_indices = @transform_0, window_bounds = array<i64: 2, 1000, 144>}, {transform_indices = @transform_1, window_bounds = array<i64: 1000, 128>}, {pipeline_mode = #tpu.pipeline_mode<synchronous>, transform_indices = @transform_2, window_bounds = array<i64: 8, 128>}, {pipeline_mode = #tpu.pipeline_mode<synchronous>, transform_indices = @transform_3, window_bounds = array<i64: 1, 128>}, {pipeline_mode = #tpu.pipeline_mode<synchronous>, transform_indices = @transform_4, window_bounds = array<i64: 1, 128>}, {pipeline_mode = #tpu.pipeline_mode<synchronous>, transform_indices = @transform_5, window_bounds = array<i64: 128, 256>}, {pipeline_mode = #tpu.pipeline_mode<synchronous>, transform_indices = @transform_6, window_bounds = array<i64: 1, 256>}, {pipeline_mode = #tpu.pipeline_mode<synchronous>, transform_indices = @transform_7, window_bounds = array<i64: 256, 128>}, {pipeline_mode = #tpu.pipeline_mode<synchronous>, transform_indices = @transform_8, window_bounds = array<i64: 1, 128>}, {pipeline_mode = #tpu.pipeline_mode<synchronous>, transform_indices = @transform_9, window_bounds = array<i64: 1, 128>}, {pipeline_mode = #tpu.pipeline_mode<synchronous>, transform_indices = @transform_10, window_bounds = array<i64: 1, 128>}, {transform_indices = @transform_11, window_bounds = array<i64: 1000, 128>}]} {
    %get3A = arith.constant 0 : index
    %get3A_0 = arith.constant 0 : index
    %get3A_1 = arith.constant 0 : index
    %get3A_2 = vector.load %arg1[%get3A, %get3A_0, %get3A_1] : memref<2x1000x144xf32, #tpu.memory_space<vmem>>, vector<1x1000x144xf32>
    %get3A_3 = vector.shape_cast %get3A_2 : vector<1x1000x144xf32> to vector<1000x144xf32>
    %get3A_4 = arith.constant 1 : index
    %get3A_5 = arith.constant 0 : index
    %get3A_6 = arith.constant 0 : index
    %get3A_7 = vector.load %arg1[%get3A_4, %get3A_5, %get3A_6] : memref<2x1000x144xf32, #tpu.memory_space<vmem>>, vector<1x1000x144xf32>
    %get3A_8 = vector.shape_cast %get3A_7 : vector<1x1000x144xf32> to vector<1000x144xf32>
    %add3A = arith.addf %get3A_3, %get3A_8 : vector<1000x144xf32>
    %slice3A = vector.extract_strided_slice %add3A {offsets = [0, 0], sizes = [1000, 128], strides = [1, 1]} : vector<1000x144xf32> to vector<1000x128xf32>
    %slice3A_9 = vector.extract_strided_slice %add3A {offsets = [0, 128], sizes = [1000, 8], strides = [1, 1]} : vector<1000x144xf32> to vector<1000x8xf32>
    %get3A_10 = arith.constant 0 : index
    %get3A_11 = arith.constant 0 : index
    %get3A_12 = vector.load %arg3[%get3A_10, %get3A_11] : memref<8x128xf32, #tpu.memory_space<vmem>>, vector<8x128xf32>
    %dot_general3A = arith.constant dense<0.000000e+00> : vector<1000x128xf32>
    %dot_general3A_13 = tpu.matmul %slice3A_9, %get3A_12, %dot_general3A {dimension_numbers = #tpu.dot_dimension_numbers<[1], [0], [0], [1], [0, 0, 1, 1], [], []>, transpose_lhs_hint = false} : vector<1000x8xf32>, vector<8x128xf32>, vector<1000x128xf32> -> vector<1000x128xf32>
    %add3A_14 = arith.constant 9.99999997E-7 : f32
    %add3A_15 = vector.broadcast %add3A_14 : f32 to vector<1000x128xf32>
    %add3A_16 = arith.addf %dot_general3A_13, %add3A_15 : vector<1000x128xf32>
    %div3A = arith.divf %slice3A, %add3A_16 : vector<1000x128xf32>
    %get3A_17 = arith.constant 0 : index
    %get3A_18 = arith.constant 0 : index
    %get3A_19 = vector.load %arg2[%get3A_17, %get3A_18] : memref<1000x128xf32, #tpu.memory_space<vmem>>, vector<1000x128xf32>
    %add3A_20 = arith.addf %get3A_19, %div3A : vector<1000x128xf32>
    %reduce_sum3A = arith.constant dense<0.000000e+00> : vector<1000xf32>
    %reduce_sum3A_21 = vector.multi_reduction <add>, %add3A_20, %reduce_sum3A [1] : vector<1000x128xf32> to vector<1000xf32>
    %broadcast_in_dim3A = vector.shape_cast %reduce_sum3A_21 : vector<1000xf32> to vector<1000x1xf32>
    %div3A_22 = arith.constant 1.280000e+02 : f32
    %div3A_23 = vector.broadcast %div3A_22 : f32 to vector<1000x1xf32>
    %div3A_24 = arith.divf %broadcast_in_dim3A, %div3A_23 : vector<1000x1xf32>
    %sub3A = vector.broadcast %div3A_24 : vector<1000x1xf32> to vector<1000x128xf32>
    %sub3A_25 = arith.subf %add3A_20, %sub3A : vector<1000x128xf32>
    %mul3A = arith.mulf %sub3A_25, %sub3A_25 : vector<1000x128xf32>
    %reduce_sum3A_26 = arith.constant dense<0.000000e+00> : vector<1000xf32>
    %reduce_sum3A_27 = vector.multi_reduction <add>, %mul3A, %reduce_sum3A_26 [1] : vector<1000x128xf32> to vector<1000xf32>
    %broadcast_in_dim3A_28 = vector.shape_cast %reduce_sum3A_27 : vector<1000xf32> to vector<1000x1xf32>
    %div3A_29 = arith.constant 1.280000e+02 : f32
    %div3A_30 = vector.broadcast %div3A_29 : f32 to vector<1000x1xf32>
    %div3A_31 = arith.divf %broadcast_in_dim3A_28, %div3A_30 : vector<1000x1xf32>
    %add3A_32 = arith.constant 9.99999974E-6 : f32
    %add3A_33 = vector.broadcast %add3A_32 : f32 to vector<1000x1xf32>
    %add3A_34 = arith.addf %div3A_31, %add3A_33 : vector<1000x1xf32>
    %sqrt3A = math.sqrt %add3A_34 : vector<1000x1xf32>
    %div3A_35 = vector.broadcast %sqrt3A : vector<1000x1xf32> to vector<1000x128xf32>
    %div3A_36 = arith.divf %sub3A_25, %div3A_35 : vector<1000x128xf32>
    %get3A_37 = arith.constant 0 : index
    %get3A_38 = arith.constant 0 : index
    %get3A_39 = vector.load %arg4[%get3A_37, %get3A_38] : memref<1x128xf32, #tpu.memory_space<vmem>>, vector<1x128xf32>
    %mul3A_40 = vector.broadcast %get3A_39 : vector<1x128xf32> to vector<1000x128xf32>
    %mul3A_41 = arith.mulf %div3A_36, %mul3A_40 : vector<1000x128xf32>
    %get3A_42 = arith.constant 0 : index
    %get3A_43 = arith.constant 0 : index
    %get3A_44 = vector.load %arg5[%get3A_42, %get3A_43] : memref<1x128xf32, #tpu.memory_space<vmem>>, vector<1x128xf32>
    %add3A_45 = vector.broadcast %get3A_44 : vector<1x128xf32> to vector<1000x128xf32>
    %add3A_46 = arith.addf %mul3A_41, %add3A_45 : vector<1000x128xf32>
    %get3A_47 = arith.constant 0 : index
    %get3A_48 = arith.constant 0 : index
    %get3A_49 = vector.load %arg6[%get3A_47, %get3A_48] : memref<128x256xf32, #tpu.memory_space<vmem>>, vector<128x256xf32>
    %dot_general3A_50 = arith.constant dense<0.000000e+00> : vector<1000x256xf32>
    %dot_general3A_51 = tpu.matmul %add3A_46, %get3A_49, %dot_general3A_50 {dimension_numbers = #tpu.dot_dimension_numbers<[1], [0], [0], [1], [0, 0, 1, 1], [], []>, transpose_lhs_hint = false} : vector<1000x128xf32>, vector<128x256xf32>, vector<1000x256xf32> -> vector<1000x256xf32>
    %get3A_52 = arith.constant 0 : index
    %get3A_53 = arith.constant 0 : index
    %get3A_54 = vector.load %arg7[%get3A_52, %get3A_53] : memref<1x256xf32, #tpu.memory_space<vmem>>, vector<1x256xf32>
    %add3A_55 = vector.broadcast %get3A_54 : vector<1x256xf32> to vector<1000x256xf32>
    %add3A_56 = arith.addf %dot_general3A_51, %add3A_55 : vector<1000x256xf32>
    %max3A = arith.constant 0.000000e+00 : f32
    %max3A_57 = vector.broadcast %max3A : f32 to vector<1000x256xf32>
    %max3A_58 = arith.maximumf %add3A_56, %max3A_57 : vector<1000x256xf32>
    %get3A_59 = arith.constant 0 : index
    %get3A_60 = arith.constant 0 : index
    %get3A_61 = vector.load %arg8[%get3A_59, %get3A_60] : memref<256x128xf32, #tpu.memory_space<vmem>>, vector<256x128xf32>
    %dot_general3A_62 = arith.constant dense<0.000000e+00> : vector<1000x128xf32>
    %dot_general3A_63 = tpu.matmul %max3A_58, %get3A_61, %dot_general3A_62 {dimension_numbers = #tpu.dot_dimension_numbers<[1], [0], [0], [1], [0, 0, 1, 1], [], []>, transpose_lhs_hint = false} : vector<1000x256xf32>, vector<256x128xf32>, vector<1000x128xf32> -> vector<1000x128xf32>
    %get3A_64 = arith.constant 0 : index
    %get3A_65 = arith.constant 0 : index
    %get3A_66 = vector.load %arg9[%get3A_64, %get3A_65] : memref<1x128xf32, #tpu.memory_space<vmem>>, vector<1x128xf32>
    %add3A_67 = vector.broadcast %get3A_66 : vector<1x128xf32> to vector<1000x128xf32>
    %add3A_68 = arith.addf %dot_general3A_63, %add3A_67 : vector<1000x128xf32>
    %add3A_69 = arith.addf %add3A_46, %add3A_68 : vector<1000x128xf32>
    %reduce_sum3A_70 = arith.constant dense<0.000000e+00> : vector<1000xf32>
    %reduce_sum3A_71 = vector.multi_reduction <add>, %add3A_69, %reduce_sum3A_70 [1] : vector<1000x128xf32> to vector<1000xf32>
    %broadcast_in_dim3A_72 = vector.shape_cast %reduce_sum3A_71 : vector<1000xf32> to vector<1000x1xf32>
    %div3A_73 = arith.constant 1.280000e+02 : f32
    %div3A_74 = vector.broadcast %div3A_73 : f32 to vector<1000x1xf32>
    %div3A_75 = arith.divf %broadcast_in_dim3A_72, %div3A_74 : vector<1000x1xf32>
    %sub3A_76 = vector.broadcast %div3A_75 : vector<1000x1xf32> to vector<1000x128xf32>
    %sub3A_77 = arith.subf %add3A_69, %sub3A_76 : vector<1000x128xf32>
    %mul3A_78 = arith.mulf %sub3A_77, %sub3A_77 : vector<1000x128xf32>
    %reduce_sum3A_79 = arith.constant dense<0.000000e+00> : vector<1000xf32>
    %reduce_sum3A_80 = vector.multi_reduction <add>, %mul3A_78, %reduce_sum3A_79 [1] : vector<1000x128xf32> to vector<1000xf32>
    %broadcast_in_dim3A_81 = vector.shape_cast %reduce_sum3A_80 : vector<1000xf32> to vector<1000x1xf32>
    %div3A_82 = arith.constant 1.280000e+02 : f32
    %div3A_83 = vector.broadcast %div3A_82 : f32 to vector<1000x1xf32>
    %div3A_84 = arith.divf %broadcast_in_dim3A_81, %div3A_83 : vector<1000x1xf32>
    %add3A_85 = arith.constant 9.99999974E-6 : f32
    %add3A_86 = vector.broadcast %add3A_85 : f32 to vector<1000x1xf32>
    %add3A_87 = arith.addf %div3A_84, %add3A_86 : vector<1000x1xf32>
    %sqrt3A_88 = math.sqrt %add3A_87 : vector<1000x1xf32>
    %div3A_89 = vector.broadcast %sqrt3A_88 : vector<1000x1xf32> to vector<1000x128xf32>
    %div3A_90 = arith.divf %sub3A_77, %div3A_89 : vector<1000x128xf32>
    %get3A_91 = arith.constant 0 : index
    %get3A_92 = arith.constant 0 : index
    %get3A_93 = vector.load %arg10[%get3A_91, %get3A_92] : memref<1x128xf32, #tpu.memory_space<vmem>>, vector<1x128xf32>
    %mul3A_94 = vector.broadcast %get3A_93 : vector<1x128xf32> to vector<1000x128xf32>
    %mul3A_95 = arith.mulf %div3A_90, %mul3A_94 : vector<1000x128xf32>
    %get3A_96 = arith.constant 0 : index
    %get3A_97 = arith.constant 0 : index
    %get3A_98 = vector.load %arg11[%get3A_96, %get3A_97] : memref<1x128xf32, #tpu.memory_space<vmem>>, vector<1x128xf32>
    %add3A_99 = vector.broadcast %get3A_98 : vector<1x128xf32> to vector<1000x128xf32>
    %add3A_100 = arith.addf %mul3A_95, %add3A_99 : vector<1000x128xf32>
    %swap3A = arith.constant 0 : index
    %swap3A_101 = arith.constant 0 : index
    %swap3A_102 = vector.load %arg12[%swap3A, %swap3A_101] : memref<1000x128xf32, #tpu.memory_space<vmem>>, vector<1000x128xf32>
    tpu.vector_store %arg12[%swap3A, %swap3A_101], %add3A_100 {strides = array<i32>} : memref<1000x128xf32, #tpu.memory_space<vmem>>, vector<1000x128xf32>,
    return
  }
  func.func @transform_0(%arg0: i32) -> (i32, i32, i32) {
    %c0_i32 = arith.constant 0 : i32
    %c0_i32_0 = arith.constant 0 : i32
    %c0_i32_1 = arith.constant 0 : i32
    return %c0_i32, %arg0, %c0_i32_0 : i32, i32, i32
  }
  func.func @transform_1(%arg0: i32) -> (i32, i32) {
    %c0_i32 = arith.constant 0 : i32
    %c0_i32_0 = arith.constant 0 : i32
    return %arg0, %c0_i32 : i32, i32
  }
  func.func @transform_2(%arg0: i32) -> (i32, i32) {
    %c0_i32 = arith.constant 0 : i32
    %c0_i32_0 = arith.constant 0 : i32
    %c0_i32_1 = arith.constant 0 : i32
    return %c0_i32, %c0_i32_0 : i32, i32
  }
  func.func @transform_3(%arg0: i32) -> (i32, i32) {
    %c0_i32 = arith.constant 0 : i32
    %c0_i32_0 = arith.constant 0 : i32
    %c0_i32_1 = arith.constant 0 : i32
    return %c0_i32, %c0_i32_0 : i32, i32
  }
  func.func @transform_4(%arg0: i32) -> (i32, i32) {
    %c0_i32 = arith.constant 0 : i32
    %c0_i32_0 = arith.constant 0 : i32
    %c0_i32_1 = arith.constant 0 : i32
    return %c0_i32, %c0_i32_0 : i32, i32
  }
  func.func @transform_5(%arg0: i32) -> (i32, i32) {
    %c0_i32 = arith.constant 0 : i32
    %c0_i32_0 = arith.constant 0 : i32
    %c0_i32_1 = arith.constant 0 : i32
    return %c0_i32, %c0_i32_0 : i32, i32
  }
  func.func @transform_6(%arg0: i32) -> (i32, i32) {
    %c0_i32 = arith.constant 0 : i32
    %c0_i32_0 = arith.constant 0 : i32
    %c0_i32_1 = arith.constant 0 : i32
    return %c0_i32, %c0_i32_0 : i32, i32
  }
  func.func @transform_7(%arg0: i32) -> (i32, i32) {
    %c0_i32 = arith.constant 0 : i32
    %c0_i32_0 = arith.constant 0 : i32
    %c0_i32_1 = arith.constant 0 : i32
    return %c0_i32, %c0_i32_0 : i32, i32
  }
  func.func @transform_8(%arg0: i32) -> (i32, i32) {
    %c0_i32 = arith.constant 0 : i32
    %c0_i32_0 = arith.constant 0 : i32
    %c0_i32_1 = arith.constant 0 : i32
    return %c0_i32, %c0_i32_0 : i32, i32
  }
  func.func @transform_9(%arg0: i32) -> (i32, i32) {
    %c0_i32 = arith.constant 0 : i32
    %c0_i32_0 = arith.constant 0 : i32
    %c0_i32_1 = arith.constant 0 : i32
    return %c0_i32, %c0_i32_0 : i32, i32
  }
  func.func @transform_10(%arg0: i32) -> (i32, i32) {
    %c0_i32 = arith.constant 0 : i32
    %c0_i32_0 = arith.constant 0 : i32
    %c0_i32_1 = arith.constant 0 : i32
    return %c0_i32, %c0_i32_0 : i32, i32
  }
  func.func @transform_11(%arg0: i32) -> (i32, i32) {
    %c0_i32 = arith.constant 0 : i32
    %c0_i32_0 = arith.constant 0 : i32
    return %arg0, %c0_i32 : i32, i32
  }
}

</mosaic_0001>

<sc_bundles>
// kernel: kernel.6.cloned.1.call-start
scs
__scs_entry_jumppad:
0x0: {  	(pc) =	sbr.rel $0x88, $3  }
0x1: {  	(tag) =	ssettag $0x0;
	lr =	simm.s32 $0x1  }
0x2: {  	[smem:$0x3F92] =	sst lr;
	_ =	strace $0xD0000000  }
0x3: {  	_ = 	snop  }
0x4: {  	_ = 	snop  }
0x5: {  	_ = 	snop  }
0x6: {  	_ = 	snop  }
0x7: {  	_ = 	snop  }
__scs_overlays_trampoline_lowered:
0x8: {  	[smem:$0x3FA1] =	sst s0  }
0x9: {  	[smem:$0x3FA2] =	sst s1  }
0xa: {  	[smem:$0x3FA3] =	sst s2  }
0xb: {  	[smem:$0x3FA4] =	sst s3  }
0xc: {  	[smem:$0x3FA5] =	sst s4  }
0xd: {  	[smem:$0x3FA6] =	sst s5  }
0xe: {  	[smem:$0x3FA7] =	sst s6  }
0xf: {  	[smem:$0x3FA8] =	sst s7  }
0x10: {  	[smem:$0x3FA9] =	sst s8  }
0x11: {  	[smem:$0x3FAA] =	sst s9;
	s0 =	simm.s32 @!p0 $0x0  }
0x12: {  	s1 =	sld [smem:$0x3F90];
	s0 =	simm.s32 @p0 $0x1  }
0x13: {  	[smem:$0x3FAB] =	sst s0;
	s0 =	simm.s32 @!p1 $0x0  }
0x14: {  	s2 =	sld [smem:$0x3F8F];
	s0 =	simm.s32 @p1 $0x1  }
0x15: {  	[smem:$0x3FAC] =	sst s0;
	s0 =	simm.s32 @!p2 $0x0  }
0x16: {  	s3 =	sld [smem:$0x3FDB];
	s0 =	simm.s32 @p2 $0x1  }
0x17: {  	s4 =	simm.s32 $0x1BF5;
	[smem:$0x3FAE] =	sst s0  }
0x18: {  	s0 =	sld [smem:$0x3F91];
	_ =	swait.ge [sflag:s4], $0x0  }
0x19: {  	s7 =	sld [smem:$0x3F92]  }
0x1a: {  	s8 =	sadd.s32 $0xFFFFE003, lr  }
0x1b: {  	s9 =	sadd.s32 $0xFFFFFEF7, lr;
	s5 =	simm.s32 $0xFFFFFFFF;
	p2 =	slt.u32 s8, $0xFFFFF086  }
0x1c: {  	p1 =	slt.u32 s9, $0xF7A;
	s5 =	simm.s32 @!p2 $0x0  }
0x1d: {  	s5 =	simm.s32 @p1 $0x1;
	p0 =	seq.s32 s7, s2  }
0x1e: {  	s7 =	smul.u32 @!p0 $0xF7A, s2;
	p2 =	seq.s32 @!p0 s5, $0x0  }
0x1f: {  	s9 =	smul.u32 $0xF7A, s1;
	s8 =	simm.s32 @!p0 $0x1BF5;
	p2 =	por !p2, p0  }
0x20: {  	[sflag:s8] =	ssyncset.s32 @!p0 $0xFFFFF086;
	s6 =	sadd.s32 @!p0 s3, s7;
	s7 =	simm.s32 @!p0 $0x108  }
0x21: {  	s3 =	sadd.s32 s3, s9;
	s6 =	sadd.s32 @!p0 $0x88, s6;
	s7 =	simm.s32 @p2 $0x1082  }
0x22: {  	[simem:s7], [sflag:s8] =	dma.local @!p0 [hbm:s6], $0xF7A  }
0x23: {  	s9 =	sor.u32 $0xD0000000, s2;
	s6 =	simm.s32 $0x108;
	_ =	swait.ge @!p0 [sflag:s8], $0x0  }
0x24: {  	s3 =	sadd.s32 $0x88, s3;
	s6 =	simm.s32 @!p1 $0x1082;
	[sflag:s4] =	ssyncset.s32 $0xFFFFF086  }
0x25: {  	[simem:s6], [sflag:s4] =	dma.local [hbm:s3], $0xF7A  }
0x26: {  	[smem:$0x3F92] =	sst s1;
	(tag) =	ssettag s2;
	_ =	strace s9  }
0x27: {  	s1 =	sld [smem:$0x3FA2]  }
0x28: {  	s2 =	sld [smem:$0x3FA3]  }
0x29: {  	s4 =	sld [smem:$0x3FA5]  }
0x2a: {  	p0 =	seq.s32 s5, $0x0;
	s5 =	sld [smem:$0x3FA6]  }
0x2b: {  	s6 =	sld [smem:$0x3FA7]  }
0x2c: {  	s7 =	sld [smem:$0x3FA8]  }
0x2d: {  	s3 =	simm.s32 $0x108;
	s8 =	sld [smem:$0x3FA9]  }
0x2e: {  	s3 =	simm.s32 @!p0 $0x1082;
	s9 =	sld [smem:$0x3FAA]  }
0x2f: {  	lr =	sadd.s32 s0, s3;
	s0 =	sld [smem:$0x3FA1]  }
0x30: {  	s3 =	sld [smem:$0x3FA4]  }
0x31: {  	[smem:$0x3FAD] =	sst s10  }
0x32: {  	s10 =	sld [smem:$0x3FAB];
	_ =	sdelay $0x3  }
0x33: {  	p0 =	seq.s32 s10, $0x1;
	s10 =	sld [smem:$0x3FAD];
	_ =	sdelay $0x3  }
0x34: {  	[smem:$0x3FAD] =	sst s10  }
0x35: {  	s10 =	sld [smem:$0x3FAC];
	_ =	sdelay $0x3  }
0x36: {  	p1 =	seq.s32 s10, $0x1;
	s10 =	sld [smem:$0x3FAD];
	_ =	sdelay $0x3  }
0x37: {  	[smem:$0x3FAD] =	sst s10  }
0x38: {  	s10 =	sld [smem:$0x3FAE]  }
0x39: {  	_ = 	snop;
	(pc) =	sbr.ind lr, $3  }
0x3a: {  	_ = 	snop  }
0x3b: {  	_ = 	snop  }
0x3c: {  	p2 =	seq.s32 s10, $0x1;
	s10 =	sld [smem:$0x3FAD]  }
0x3d: {  	_ =	shalt  }
0x3e: {  	_ =	shalt  }
0x3f: {  	_ =	shalt  }
0x40: {  	_ =	shalt  }
0x41: {  	_ =	shalt  }
0x42: {  	_ =	shalt  }
0x43: {  	_ =	shalt  }
0x44: {  	_ =	shalt  }
0x45: {  	_ =	shalt  }
0x46: {  	_ =	shalt  }
0x47: {  	_ =	shalt  }
0x48: {  	_ =	shalt  }
0x49: {  	_ =	shalt  }
0x4a: {  	_ =	shalt  }
0x4b: {  	_ =	shalt  }
0x4c: {  	_ =	shalt  }
0x4d: {  	_ =	shalt  }
0x4e: {  	_ =	shalt  }
0x4f: {  	_ =	shalt  }
0x50: {  	_ =	shalt  }
0x51: {  	_ =	shalt  }
0x52: {  	_ =	shalt  }
0x53: {  	_ =	shalt  }
0x54: {  	_ =	shalt  }
0x55: {  	_ =	shalt  }
0x56: {  	_ =	shalt  }
0x57: {  	_ =	shalt  }
0x58: {  	_ =	shalt  }
0x59: {  	_ =	shalt  }
0x5a: {  	_ =	shalt  }
0x5b: {  	_ =	shalt  }
0x5c: {  	_ =	shalt  }
0x5d: {  	_ =	shalt  }
0x5e: {  	_ =	shalt  }
0x5f: {  	_ =	shalt  }
0x60: {  	_ =	shalt  }
0x61: {  	_ =	shalt  }
0x62: {  	_ =	shalt  }
0x63: {  	_ =	shalt  }
0x64: {  	_ =	shalt  }
0x65: {  	_ =	shalt  }
0x66: {  	_ =	shalt  }
0x67: {  	_ =	shalt  }
0x68: {  	_ =	shalt  }
0x69: {  	_ =	shalt  }
0x6a: {  	_ =	shalt  }
0x6b: {  	_ =	shalt  }
0x6c: {  	_ =	shalt  }
0x6d: {  	_ =	shalt  }
0x6e: {  	_ =	shalt  }
0x6f: {  	_ =	shalt  }
0x70: {  	_ =	shalt  }
0x71: {  	_ =	shalt  }
0x72: {  	_ =	shalt  }
0x73: {  	_ =	shalt  }
0x74: {  	_ =	shalt  }
0x75: {  	_ =	shalt  }
0x76: {  	_ =	shalt  }
0x77: {  	_ =	shalt  }
0x78: {  	_ =	shalt  }
0x79: {  	_ =	shalt  }
0x7a: {  	_ =	shalt  }
0x7b: {  	_ =	shalt  }
0x7c: {  	_ =	shalt  }
0x7d: {  	_ =	shalt  }
0x7e: {  	_ =	shalt  }
0x7f: {  	_ =	shalt  }
0x80: {  	_ =	shalt  }
0x81: {  	_ =	shalt  }
0x82: {  	_ =	shalt  }
0x83: {  	_ =	shalt  }
0x84: {  	_ =	shalt  }
0x85: {  	_ =	shalt  }
0x86: {  	_ =	shalt  }
0x87: {  	_ =	shalt  }
.Lfunc_end0:
.L_simem_size_0:
called_computation.1_lowered:
.L_overlay_start_0:
0x88: {  	s2 =	sld [smem:$0x3FD9]  }
0x89: {  	s3 =	sld [smem:$0x3FFE];
	_ =	sdelay $0x1  }
0x8a: {  	s1 =	srdreg.scid  }
0x8b: {  	s0 =	sand.u32 $0x1, s1  }
0x8c: {  	s17 =	sshll.u32 s0, $0xA;
	s2 =	sadd.s32 s3, s2  }
0x8d: {  	s2 =	sadd.s32 s2, s17  }
0x8e: {  	[smem:$0x3FB9] =	sst s2  }
0x8f: {  	_ = 	snop  }
0x90: {  	s2 =	sld [smem:$0x3FD0];
	(tm) =	ssettm $0x1  }
0x91: {  	s18 =	sld [smem:$0x3FFB];
	_ =	sdelay $0x3  }
0x92: {  	_ =	strace s18  }
0x93: {  	s3 =	sld [smem:$0x3FFC];
	_ =	sdelay $0x3  }
0x94: {  	_ =	strace s3  }
0x95: {  	s3 =	sld [smem:$0x3FFD];
	_ =	sdelay $0x3  }
0x96: {  	_ =	strace s3  }
0x97: {  	_ =	strace $0x8FFFFFFF  }
0x98: {  	s19 =	sld [smem:$0x3FDB];
	_ =	sdelay $0x1  }
0x99: {  	s4 =	simm.s32 $_scs_section_size  }
0x9a: {  	s5 =	simm.s32 $_size__tile_overlayer_lowered;
	s6 =	simm.s32 $_tile_overlayer_lowered  }
0x9b: {  	s22 =	simm.s32 $0x1BFF;
	s21 =	sshll.u32 s6, $0x1;
	s3 =	sadd.s32 s4, s19  }
0x9c: {  	s7 =	simm.s32 $0x0;
	s20 =	sshll.u32 s5, $0x1;
	s5 =	sadd.s32 s21, s3  }
0x9d: {  	[timem:s7], [sflag:s22] =	dma.local [hbm:s5], s20  }
0x9e: {  	_ =	swait.ge [sflag:s22], s20  }
0x9f: {  	s4 =	ssub.s32 $0x0, s20;
	[sflag:s22] =	ssyncset.done $0x0  }
0xa0: {  	[sflag:s22] =	ssyncadd.s32 s4;
	_ =	sdelay $0x1  }
0xa1: {  	s23 =	simm.s32 $0x1B8B  }
0xa2: {  	_ =	swait.ge [sflag:s23], $0x1  }
0xa3: {  	[sflag:s23] =	ssyncset.done $0x0  }
0xa4: {  	s25 =	simm.s32 $0x1B8E;
	s24 =	sld [smem:$0x3FFE];
	[sflag:s23] =	ssyncadd.s32 $0xFFFFFFFF  }
0xa5: {  	s26 =	simm.s32 $execute0_lowered;
	[smem:$0x3FD2] =	sst s25  }
0xa6: {  	s5 =	sshll.u32 s26, $0x1;
	_ =	strace $0x80000049;
	[dreg:$0x1] =	wrdreg $0xFFFFFFFF  }
0xa7: {  	s28 =	simm.s32 $_size_execute0_lowered;
	s3 =	sadd.s32 s3, s5;
	[dreg:$0x0] =	wrdreg $0x0  }
0xa8: {  	s5 =	sshll.u32 s28, $0x1;
	[dreg:$0x2] =	wrdreg s3  }
0xa9: {  	[dreg:$0x3] =	wrdreg s5  }
0xaa: {  	[dreg:$0x4] =	wrdreg $0xC0  }
0xab: {  	_ =	task [dreg:s7], $0x5FFFF  }
0xac: {  	[dreg:$0x1] =	wrdreg $0xFFFFFFFF  }
0xad: {  	[dreg:$0x0] =	wrdreg $0x60  }
0xae: {  	[dreg:$0x2] =	wrdreg s2  }
0xaf: {  	[dreg:$0x3] =	wrdreg s24  }
0xb0: {  	[dreg:$0x4] =	wrdreg $0x7DA00  }
0xb1: {  	[dreg:$0x5] =	wrdreg $0x9  }
0xb2: {  	_ =	task.clear_ibuf [dreg:s7], $0x6FFFF;
	_ =	strace $0x90000049  }
0xb3: {  	s29 =	simm.s32 $0x9;
	_ =	strace $0x8000004B  }
0xb4: {  	_ =	swait.ge [sflag:s29], $0x1  }
0xb5: {  	[sflag:s29] =	ssyncadd.s32 $0xFFFFFFFF  }
0xb6: {  	_ =	strace $0x9000004B  }
0xb7: {  	_ =	sfence  }
0xb8: {  	s30 =	sld [smem:$0x0];
	_ =	sdelay $0x2  }
0xb9: {  	s31 =	sshll.u32 s1, $0xD;
	s1 =	sshrl.u32 s1, $0x2  }
0xba: {  	s3 =	sand.u32 $0x4000, s31;
	s1 =	sadd.s32 s1, s30  }
0xbb: {  	s0 =	sor.u32 s3, s0;
	s1 =	sshll.u32 s1, $0x11  }
0xbc: {  	s0 =	sor.u32 s1, s0  }
0xbd: {  	s0 =	sadd.s32 $0x8F2B, s0  }
0xbe: {  	[sflag:s0] =	ssyncadd.remote.s32 $0x1  }
0xbf: {  	_ =	sfence.sel $0xFFFF  }
0xc0: {  	[dreg:$0x0] =	wrdreg $0xFFFFFFFF;
	(pc) =	sbr.abs _section_cstart, $3  }
0xc1: {  	[dreg:$0x1] =	wrdreg $0xFFFFFFFF  }
0xc2: {  	_ =	task.clear_ibuf [dreg:s7], $0x2FFFF;
	_ =	strace $0x9FFFFFFF  }
0xc3: {  	(tm) =	ssettm $0x7FFFFFFF  }
tec
execute0_lowered:
.L_overlay_start_1:
0x0: {  	(tag) =	ssettag $0x1  }
0x1: {  	s0 =	rddreg [dreg:$0x1]  }
0x2: {  	s5 =	rddreg [dreg:$0x2]  }
0x3: {  	s3 =	simm.s32 $0x0;
	s1 =	srdreg.scid;
	s6 =	stileid.u32  }
0x4: {  	s18 =	simm.s32 $0x50A0;
	s19 =	simm.s32 $0x9;
	[smem:$0x7FF] =	sst s3  }
0x5: {  	s1 =	sand.u32 $0x1, s1;
	s4 =	sadd.s32 $0x4E4600, s0;
	s21 =	smul.u32 $0x1680, s6  }
0x6: {  	s11 =	sadd.s32 $0x501E00, s0;
	_ =	strace $0x8000004A;
	[dreg:$0x4] =	wrdreg s4  }
0x7: {  	s23 =	sadd.s32 $0x4F8000, s0;
	s26 =	smul.u32 $0x5A00, s6;
	[dreg:$0x6] =	wrdreg s11  }
0x8: {  	s7 =	sadd.s32 $0x2600, s0;
	s2 =	smul.u32 $0x15F900, s1;
	[dreg:$0x7] =	wrdreg s23  }
0x9: {  	s8 =	sshll.u32 s1, $0x4;
	s1 =	ssub.s32 $0x2, s1;
	[dreg:$0x5] =	wrdreg s7  }
0xa: {  	s22 =	sor.u32 s6, s8;
	s9 =	sshrl.u32 s1, $0x1;
	s31 =	sshrl.u32 s26, $0x2  }
0xb: {  	s1 =	ssub.s32 s1, s9;
	s4 =	smul.u32 $0x13880, s22;
	s5 =	sadd.s32 s31, s5  }
0xc: {  	s10 =	smul.u32 $0x2710, s22;
	s1 =	smax.u32 s1, $0x1;
	[dreg:$0xf] =	wrdreg s5  }
0xd: {  	s24 =	ssub.s32 $0xF9, s6;
	s4 =	sadd.s32 s7, s4;
	[dreg:$0xd] =	wrdreg s1  }
0xe: {  	s2 =	sadd.s32 s21, s2;
	s29 =	sadd.s32 $0x28, s10;
	[dreg:$0xa] =	wrdreg s4  }
0xf: {  	s25 =	sshrl.u32 s10, $0x3;
	s30 =	sadd.s32 $0x50, s10;
	[dreg:$0xb] =	wrdreg s29  }
0x10: {  	s2 =	sshrl.u32 s2, $0x3;
	s11 =	sadd.s32 s11, s25;
	[dreg:$0xc] =	wrdreg s30  }
0x11: {  	s0 =	sadd.s32 s2, s0;
	s28 =	sadd.s32 s23, s25;
	[dreg:$0x8] =	wrdreg s11  }
0x12: {  	v0 =	vimm.f32 $0.0e+00;
	vm0 =	vmmov $0x1;
	vm1 =	vcmask $0x320;
	s2 =	sshrl.u32 s24, $0x4;
	s0 =	sadd.s32 $0x273600, s0;
	[dreg:$0x9] =	wrdreg s28  }
0x13: {  	vm2 =	vcmask $0x720;
	vm3 =	vcmask $0xB20;
	vm4 =	vcmask $0xF20;
	s6 =	simm.s32 $0x28;
	s4 =	sadd.s32 $0x1, s2;
	[dreg:$0x10] =	wrdreg s0  }
0x14: {  	vm5 =	vcmask $0x1320;
	vm6 =	vcmask $0x1720;
	vm7 =	vcmask $0x1B20;
	s7 =	simm.s32 $0x78;
	s1 =	simm.s32 $0x0;
	[dreg:$0xe] =	wrdreg s4  }
.LBB2_1:
0x15: {  	s31 =	smul.u32 $0xE38F, s3;
	_ =	sdelay $0x1  }
0x16: {  	[dreg:$0x11] =	wrdreg s1;
	s2 =	sshrl.u32 s31, $0x13  }
0x17: {  	s1 =	simm.s32 $0x1;
	s9 =	simm.s32 $0x0;
	s10 =	smul.u32 $0x9, s2  }
.LBB2_2:
0x18: {  	s11 =	smul.u32 $0xE38F, s1  }
0x19: {  	s12 =	smov.u32 s1;
	s2 =	smul.u32 $0x240, s2;
	p0 =	sne.s32 s1, $0x167  }
.Ltmp0:
0x1a: {  	s9 =	ssub.s32 s9, s10;
	(pc) =	sbr.rel @p0 .LBB2_2-.Ltmp0, $4  }
0x1b: {  	s1 =	sadd.s32 $0x1, s1;
	s9 =	sand.u32 $0xFFFF, s9  }
0x1c: {  	s10 =	sshrl.u32 s2, $0x2;
	s13 =	sshll.u32 s9, $0x4;
	s9 =	smov.u32 s12  }
0x1d: {  	s2 =	sshrl.u32 s11, $0x13;
	s11 =	sadd.s32 s13, s10  }
0x1e: {  	s10 =	smul.u32 $0x9, s2;
	[tilespmem:s11+$0x50A0] =	vst v0  }
0x1f: {  	_ = 	snop  }
0x20: {  	s2 =	smul.u32 $0x240, s2;
	s1 =	ssub.s32 s9, s10  }
0x21: {  	s1 =	sand.u32 $0xFFFF, s1  }
0x22: {  	p0 =	sne.s32 s4, $0x1;
	s2 =	sshrl.u32 s2, $0x2;
	s1 =	sshll.u32 s1, $0x4  }
.Ltmp1:
0x23: {  	s1 =	sadd.s32 s1, s2;
	(pc) =	sbr.rel @!p0 .LBB2_5-.Ltmp1, $4  }
0x24: {  	[tilespmem:s1+$0x50A0] =	vst v0  }
0x25: {  	[spmem:s5] =	stream.linear.scatter [tilespmem:s18], [sflag:$0x9], $0x1680, $0x38;
	[tilespmem:$0x1DD30] =	vst v63  }
0x26: {  	_ =	swait.ge [sflag:s19], $0x1680  }
0x27: {  	s2 =	smov.u32 s5;
	s1 =	sadd.s32 $0xFFFFFFFF, s4;
	[sflag:s19] =	ssyncset.done $0x0  }
.LBB2_4:
0x28: {  	p1 =	sne.s32 s1, $0x1;
	[sflag:s19] =	ssyncadd.s32 $0xFFFFE980;
	s2 =	sadd.s32 $0x16800, s2  }
.Ltmp2:
0x29: {  	s1 =	sadd.s32 $0xFFFFFFFF, s1;
	(pc) =	sbr.rel @p1 .LBB2_4-.Ltmp2, $4  }
0x2a: {  	_ = 	snop  }
0x2b: {  	[spmem:s2] =	stream.linear.scatter [tilespmem:s18], [sflag:$0x9], $0x1680, $0x38;
	[tilespmem:$0x1DD30] =	vst v63  }
0x2c: {  	_ =	swait.ge [sflag:s19], $0x1680  }
0x2d: {  	[sflag:s19] =	ssyncset.done $0x0  }
.LBB2_5:
0x2e: {  	[sflag:s19] =	ssyncadd.s32 $0xFFFFE980  }
0x2f: {  	[bflag:$0x0] =	sbarrier.arrive $0xFFFF  }
0x30: {  	s4 =	simm.s32 $0x0;
	s0 =	rddreg [dreg:$0x8]  }
0x31: {  	[tilespmem:s4], [sflag:$0x9] =	stream.linear.gather [hbm4b:s0+s4], $0x28, $0x38;
	[tilespmem:$0x1DD30] =	vst v63  }
0x32: {  	_ =	swait.ge [sflag:s19], $0x28  }
0x33: {  	[sflag:s19] =	ssyncset.done $0x0  }
0x34: {  	s1 =	simm.s32 $0x50;
	s25 =	rddreg [dreg:$0x9];
	[sflag:s19] =	ssyncadd.s32 $0xFFFFFFD8  }
0x35: {  	[tilespmem:s1], [sflag:$0x9] =	stream.linear.gather [hbm4b:s25+s4], $0x28, $0x38;
	[tilespmem:$0x1DD30] =	vst v63  }
0x36: {  	_ =	swait.ge [sflag:s19], $0x28  }
0x37: {  	[sflag:s19] =	ssyncset.done $0x0  }
0x38: {  	[sflag:s19] =	ssyncadd.s32 $0xFFFFFFD8  }
0x39: {  	s2 =	simm.s32 $0xA0;
	s26 =	rddreg [dreg:$0x0]  }
0x3a: {  	[tilespmem:s2], [sflag:$0x1] =	stream.indirect.gather [hbm4b:s26+s6], $0x80, s4, s6, $0xb8;
	[tilespmem:$0x1DD30] =	vst v63  }
0x3b: {  	s29 =	simm.s32 $0x28A0;
	s28 =	rddreg [dreg:$0x4]  }
0x3c: {  	[tilespmem:s29], [sflag:$0x3] =	stream.indirect.gather [hbm4b:s28+s6], $0x40, s1, s6, $0xb8;
	[tilespmem:$0x1DD30] =	vst v63  }
0x3d: {  	s31 =	simm.s32 $0x3CA0;
	s30 =	rddreg [dreg:$0xa]  }
0x3e: {  	[tilespmem:s31], [sflag:$0x5] =	stream.linear.gather [hbm4b:s30+s4], $0xA00, $0x38;
	[tilespmem:$0x1DD30] =	vst v63  }
.LBB2_6:
0x3f: {  	s1 =	smul.u32 $0x50, s4  }
0x40: {  	s0 =	rddreg [dreg:$0xb]  }
0x41: {  	[dreg:$0x13] =	wrdreg s1;
	s1 =	sadd.s32 s1, s0  }
0x42: {  	s20 =	rddreg [dreg:$0x6];
	s2 =	sshrl.u32 s1, $0x3  }
0x43: {  	s10 =	sadd.s32 s20, s2  }
0x44: {  	[tilespmem:s6], [sflag:$0x9] =	stream.linear.gather [hbm4b:s10+s3], $0x28, $0x38;
	[tilespmem:$0x1DD30] =	vst v63  }
0x45: {  	_ =	swait.ge [sflag:s19], $0x28  }
0x46: {  	[sflag:s19] =	ssyncset.done $0x0;
	s21 =	rddreg [dreg:$0x7]  }
0x47: {  	[sflag:s19] =	ssyncadd.s32 $0xFFFFFFD8;
	s2 =	sadd.s32 s21, s2  }
0x48: {  	[tilespmem:s7], [sflag:$0x9] =	stream.linear.gather [hbm4b:s2+s3], $0x28, $0x38;
	[tilespmem:$0x1DD30] =	vst v63  }
0x49: {  	_ =	swait.ge [sflag:s19], $0x28  }
0x4a: {  	[sflag:s19] =	ssyncset.done $0x0  }
0x4b: {  	s24 =	rddreg [dreg:$0x4];
	[sflag:s19] =	ssyncadd.s32 $0xFFFFFFD8  }
0x4c: {  	s23 =	simm.s32 $0x14A0;
	s1 =	sshll.u32 s1, $0x3;
	s22 =	rddreg [dreg:$0x0]  }
0x4d: {  	[tilespmem:s23], [sflag:$0x2] =	stream.indirect.gather [hbm4b:s22+s6], $0x80, s6, s6, $0xb8;
	[tilespmem:$0x1DD30] =	vst v63  }
0x4e: {  	s25 =	simm.s32 $0x32A0;
	s1 =	sand.u32 $0xFFFFFC0, s1;
	s26 =	rddreg [dreg:$0x5]  }
0x4f: {  	[tilespmem:s25], [sflag:$0x4] =	stream.indirect.gather [hbm4b:s24+s6], $0x40, s7, s6, $0xb8;
	[tilespmem:$0x1DD30] =	vst v63  }
0x50: {  	s30 =	simm.s32 $0x46A0;
	s31 =	simm.s32 $0x1;
	s1 =	sadd.s32 s26, s1  }
0x51: {  	[tilespmem:s30], [sflag:$0x6] =	stream.linear.gather [hbm4b:s1+s3], $0xA00, $0x38;
	[tilespmem:$0x1DD30] =	vst v63  }
0x52: {  	_ =	swait.ge [sflag:s31], $0x1400  }
0x53: {  	[sflag:s31] =	ssyncset.done $0x0  }
0x54: {  	s1 =	simm.s32 $0x3;
	[sflag:s31] =	ssyncadd.s32 $0xFFFFEC00  }
0x55: {  	_ =	swait.ge [sflag:s1], $0xA00  }
0x56: {  	[sflag:s1] =	ssyncset.done $0x0  }
0x57: {  	s2 =	simm.s32 $0x5;
	[sflag:s1] =	ssyncadd.s32 $0xFFFFF600  }
0x58: {  	_ =	swait.ge [sflag:s2], $0xA00  }
0x59: {  	p1 =	seq.s32 s4, $0x0;
	[sflag:s2] =	ssyncset.done $0x0  }
0x5a: {  	s1 =	simm.s32 @!p1 $0x7;
	[dreg:$0x12] =	wrdreg s4;
	[sflag:s2] =	ssyncadd.s32 $0xFFFFF600  }
0x5b: {  	_ =	swait.ge @!p1 [sflag:s1], $0x1680  }
0x5c: {  	[sflag:s1] =	ssyncset.done @!p1 $0x0  }
0x5d: {  	s28 =	simm.s32 $0x1A0;
	[sflag:s1] =	ssyncadd.s32 @!p1 $0xFFFFE980  }
0x5e: {  	s2 =	simm.s32 $0x2920;
	v1 =	vld [tilespmem:s28+$0x80]  }
0x5f: {  	v2 =	vld [tilespmem:s2+$0x40]  }
0x60: {  	s20 =	simm.s32 $0x3D20  }
0x61: {  	v3 =	vld [tilespmem:s20+$0x40];
	_ =	sdelay $0x2  }
0x62: {  	v4 =	vunpack.i.l.bf16.f32 v1;
	v5 =	vunpack.i.l.bf16.f32 v2  }
0x63: {  	v1 =	vunpack.i.u.bf16.f32 v1;
	v2 =	vunpack.i.u.bf16.f32 v2;
	v4 =	vmul.f32 v5, v4  }
0x64: {  	v57 =	vunpack.i.l.bf16.f32 v3;
	v1 =	vmul.f32 v2, v1  }
0x65: {  	v3 =	vunpack.i.u.bf16.f32 v3;
	v58 =	vmul.f32 v57, v4  }
0x66: {  	v1 =	vmul.f32 v3, v1  }
0x67: {  	(xrf2) =	vadd.scan.msk.f32 $0xffff, v58  }
0x68: {  	(xrf2) =	vadd.scan.msk.f32 $0xffff, v1;
	_ =	sdelay $0x2  }
0x69: {  	v59 =	vld [tilespmem:s2+$0xFFFFFF80]  }
0x6a: {  	v60 =	vld [tilespmem:s28+$0xFFFFFF00]  }
0x6b: {  	v61 =	vld [tilespmem:s28+$0xFFFFFF80]  }
0x6c: {  	v62 =	vld [tilespmem:s20+$0xFFFFFF80]  }
0x6d: {  	v63 =	vld [tilespmem:s2+$0xFFFFFFC0];
	_ =	sdelay $0x1  }
0x6e: {  	v8 =	vld [tilespmem:s20+$0xFFFFFFC0];
	v7 =	vunpack.i.l.bf16.f32 v59;
	v9 =	vunpack.i.l.bf16.f32 v60;
	v6, _, _ =	vpop (xrf2)  }
0x6f: {  	v33 =	vunpack.i.l.bf16.f32 v61;
	v7 =	vmul.f32 v7, v9;
	(v2sf) =	vpush v6, $0xF;
	v32, _, _ =	vpop (xrf2)  }
0x70: {  	v2 =	vunpack.i.u.bf16.f32 v60;
	v1 =	vunpack.i.u.bf16.f32 v59;
	(v2sf) =	vpush v32, $0xF  }
0x71: {  	v10 =	vunpack.i.l.bf16.f32 v63;
	v9 =	vunpack.i.l.bf16.f32 v62;
	v1 =	vmul.f32 v1, v2  }
0x72: {  	v34 =	vmul.f32 v9, v7;
	v4 =	vunpack.i.u.bf16.f32 v62;
	v6 =	vmul.f32 v10, v33  }
0x73: {  	v35 =	vld [tilespmem:s28+$0x0];
	v9 =	vunpack.i.l.bf16.f32 v8;
	v1 =	vmul.f32 v4, v1  }
0x74: {  	v36 =	vld [tilespmem:s2+$0x0];
	(xrf2) =	vadd.scan.msk.f32 $0xffff, v34;
	v38 =	vmul.f32 v9, v6  }
0x75: {  	v37 =	vunpack.i.u.bf16.f32 v63;
	v3 =	vunpack.i.u.bf16.f32 v61;
	(xrf2) =	vadd.scan.msk.f32 $0xffff, v1  }
0x76: {  	v39 =	vld [tilespmem:s20+$0x0];
	v3 =	vmul.f32 v37, v3;
	(xrf2) =	vadd.scan.msk.f32 $0xffff, v38  }
0x77: {  	v40 =	vunpack.i.u.bf16.f32 v8  }
0x78: {  	v3 =	vmul.f32 v40, v3  }
0x79: {  	v41 =	vunpack.i.l.bf16.f32 v35;
	v42 =	vunpack.i.l.bf16.f32 v36  }
0x7a: {  	v43 =	vmul.f32 v42, v41;
	(xrf2) =	vadd.scan.msk.f32 $0xffff, v3  }
0x7b: {  	v44 =	vunpack.i.u.bf16.f32 v35;
	v45 =	vunpack.i.l.bf16.f32 v39;
	v2 =	vunpack.i.u.bf16.f32 v36  }
0x7c: {  	v2 =	vmul.f32 v2, v44;
	v3 =	vmul.f32 v45, v43  }
0x7d: {  	v1 =	vunpack.i.u.bf16.f32 v39  }
0x7e: {  	v1 =	vmul.f32 v1, v2;
	v46, _, _ =	vpop (xrf2);
	(xrf2) =	vadd.scan.msk.f32 $0xffff, v3;
	s4 =	spop (v2sf)  }
0x7f: {  	v47, _, _ =	vpop (xrf2);
	s1 =	smax.f32 s4, $-5.000000000e+00;
	s5 =	spop (v2sf)  }
0x80: {  	v48, _, _ =	vpop (xrf2);
	(xrf2) =	vadd.scan.msk.f32 $0xffff, v1;
	s1 =	smin.f32 s1, $5.000000000e+00;
	s10 =	smax.f32 s5, $-5.000000000e+00  }
0x81: {  	(v2sf) =	vpush v46, $0xF;
	v49 =	vmov s1;
	s6 =	smin.f32 s10, $5.000000000e+00  }
0x82: {  	(v2sf) =	vpush v47, $0xF;
	v1 =	vmul.f32 $1.442695020e+00, v49;
	v50 =	vmov s6  }
0x83: {  	v2 =	vmul.f32 $1.442695020e+00, v50  }
0x84: {  	(v2sf) =	vpush v48, $0xF;
	v51, _, _ =	vpop (xrf2);
	v1 =	vbroadcast v1, $0x0  }
0x85: {  	(v2sf) =	vpush v51, $0xF;
	v2 =	vbroadcast v2, $0x0  }
0x86: {  	(erf) = vpow2.f32 v1  }
0x87: {  	(erf) = vpow2.f32 v2  }
0x88: {  	v52, _, _ =	vpop (xrf2)  }
0x89: {  	(v2sf) =	vpush v52, $0xF  }
0x8a: {  	v53 =	vld [tilespmem:s28+$0xC0];
	v54, _, _ =	vpop (xrf2)  }
0x8b: {  	(v2sf) =	vpush v54, $0xF;
	_ =	sdelay $0x3  }
0x8c: {  	v55 =	vunpack.i.l.bf16.f32 v53;
	v2 =	vpop (erf)  }
0x8d: {  	v56 =	vunpack.i.u.bf16.f32 v53;
	s7 =	spop (v2sf);
	v3 =	vmul.f32 v2, v55;
	v1 =	vpop (erf)  }
0x8e: {  	s1 =	smax.f32 s7, $-5.000000000e+00;
	s10 =	simm.s32 $0x51C0;
	s11 =	spop (v2sf);
	v4 =	vmul.f32 v1, v56  }
0x8f: {  	s1 =	smin.f32 s1, $5.000000000e+00;
	s11 =	smax.f32 s11, $-5.000000000e+00;
	[tilespmem:s10+$0x90] =	vst v3  }
0x90: {  	v57 =	vmov s1;
	s8 =	smin.f32 s11, $5.000000000e+00;
	s12 =	spop (v2sf);
	[tilespmem:s10+$0xA0] =	vst v4  }
0x91: {  	v58 =	vmul.f32 $1.442695020e+00, v57;
	v59 =	vmov s8;
	s9 =	smax.f32 s12, $-5.000000000e+00;
	s13 =	spop (v2sf);
	v62 =	vld [tilespmem:s28+$0x90]  }
0x92: {  	v60 =	vmul.f32 $1.442695020e+00, v59;
	s12 =	smin.f32 s9, $5.000000000e+00;
	s1 =	smax.f32 s13, $-5.000000000e+00;
	v63 =	vld [tilespmem:s2+$0x50]  }
0x93: {  	v61 =	vmov s12;
	s1 =	smin.f32 s1, $5.000000000e+00;
	v3 =	vbroadcast v58, $0x0  }
0x94: {  	v5 =	vmul.f32 $1.442695020e+00, v61;
	v33 =	vmov s1;
	v4 =	vbroadcast v60, $0x0;
	v8 =	vld [tilespmem:s20+$0x50]  }
0x95: {  	s14 =	spop (v2sf);
	v34 =	vmul.f32 $1.442695020e+00, v33;
	(erf) = vpow2.f32 v3  }
0x96: {  	s1 =	smax.f32 s14, $-5.000000000e+00;
	v32 =	vbroadcast v5, $0x0;
	(erf) = vpow2.f32 v4  }
0x97: {  	s1 =	smin.f32 s1, $5.000000000e+00;
	v35 =	vbroadcast v34, $0x0;
	s15 =	spop (v2sf);
	v36 =	vunpack.i.l.bf16.f32 v62;
	v37 =	vunpack.i.l.bf16.f32 v63  }
0x98: {  	v40 =	vmov s1;
	(erf) = vpow2.f32 v32;
	s16 =	smax.f32 s15, $-5.000000000e+00;
	v4 =	vmul.f32 v37, v36  }
0x99: {  	(erf) = vpow2.f32 v35;
	v38 =	vunpack.i.u.bf16.f32 v62;
	v9 =	vunpack.i.l.bf16.f32 v8;
	s1 =	smin.f32 s16, $5.000000000e+00  }
0x9a: {  	v41 =	vld [tilespmem:s28+$0xFFFFFF40];
	v39 =	vunpack.i.u.bf16.f32 v63;
	v42 =	vmov s1;
	v4 =	vmul.f32 v9, v4  }
0x9b: {  	v5 =	vmul.f32 v39, v38;
	v3 =	vmul.f32 $1.442695020e+00, v42  }
0x9c: {  	v8 =	vunpack.i.u.bf16.f32 v8  }
0x9d: {  	v7 =	vmul.f32 $1.442695020e+00, v40;
	v5 =	vmul.f32 v8, v5  }
0x9e: {  	(xrf2) =	vadd.scan.msk.f32 $0xffff, v4;
	v4 =	vpop (erf)  }
0x9f: {  	v6 =	vunpack.i.u.bf16.f32 v41;
	v7 =	vbroadcast v7, $0x0;
	v8 =	vld [tilespmem:s28+$0xFFFFFFC0];
	v43 =	vbroadcast v3, $0x0;
	(xrf2) =	vadd.scan.msk.f32 $0xffff, v5;
	v3 =	vpop (erf)  }
0xa0: {  	v6 =	vmul.f32 v3, v6  }
0xa1: {  	(erf) = vpow2.f32 v7  }
0xa2: {  	v9 =	vunpack.i.l.bf16.f32 v41;
	(erf) = vpow2.f32 v43  }
0xa3: {  	v44 =	vmul.f32 v4, v9;
	v5 =	vpop (erf)  }
0xa4: {  	v45 =	vunpack.i.l.bf16.f32 v8;
	v8 =	vunpack.i.u.bf16.f32 v8;
	[tilespmem:s10+$0xFFFFFEF0] =	vst v6;
	v6 =	vpop (erf)  }
0xa5: {  	v9 =	vld [tilespmem:s28+$0x40];
	[tilespmem:s10+$0xFFFFFEE0] =	vst v44;
	v8 =	vmul.f32 v6, v8  }
0xa6: {  	v7 =	vmul.f32 v5, v45;
	v10 =	vld [tilespmem:s28+$0xFFFFFF10]  }
0xa7: {  	v11 =	vld [tilespmem:s2+$0xFFFFFF90]  }
0xa8: {  	v46, _, _ =	vpop (xrf2)  }
0xa9: {  	v12 =	vld [tilespmem:s20+$0xFFFFFF90];
	[tilespmem:s10+$0xFFFFFF80] =	vst v8;
	(v2sf) =	vpush v46, $0xF;
	v8, _, _ =	vpop (xrf2)  }
0xaa: {  	[tilespmem:s10+$0xFFFFFF70] =	vst v7;
	v13 =	vunpack.i.l.bf16.f32 v9;
	v7 =	vpop (erf);
	(v2sf) =	vpush v8, $0xF  }
0xab: {  	v9 =	vunpack.i.u.bf16.f32 v9;
	v13 =	vmul.f32 v7, v13;
	v14 =	vld [tilespmem:s28+$0xFFFFFF90];
	v8 =	vpop (erf)  }
0xac: {  	v15 =	vld [tilespmem:s2+$0xFFFFFFD0];
	v16 =	vunpack.i.l.bf16.f32 v10;
	v17 =	vunpack.i.l.bf16.f32 v11;
	v9 =	vmul.f32 v8, v9  }
0xad: {  	v10 =	vunpack.i.u.bf16.f32 v10;
	v11 =	vunpack.i.u.bf16.f32 v11;
	[tilespmem:s10+$0x0] =	vst v13;
	v13 =	vmul.f32 v17, v16  }
0xae: {  	v18 =	vld [tilespmem:s20+$0xFFFFFFD0];
	v10 =	vmul.f32 v11, v10;
	[tilespmem:s10+$0x10] =	vst v9;
	v9 =	vunpack.i.l.bf16.f32 v12  }
0xaf: {  	v11 =	vunpack.i.u.bf16.f32 v12;
	v12 =	vld [tilespmem:s28+$0x10];
	v9 =	vmul.f32 v9, v13  }
0xb0: {  	v10 =	vmul.f32 v11, v10;
	v17 =	vld [tilespmem:s2+$0x10]  }
0xb1: {  	v16 =	vunpack.i.l.bf16.f32 v15;
	v13 =	vunpack.i.l.bf16.f32 v14;
	(xrf2) =	vadd.scan.msk.f32 $0xffff, v9  }
0xb2: {  	v11 =	vmul.f32 v16, v13;
	(xrf2) =	vadd.scan.msk.f32 $0xffff, v10;
	v10 =	vunpack.i.u.bf16.f32 v14;
	v14 =	vunpack.i.u.bf16.f32 v15  }
0xb3: {  	v13 =	vunpack.i.l.bf16.f32 v18;
	v9 =	vld [tilespmem:s20+$0x10];
	v10 =	vmul.f32 v14, v10  }
0xb4: {  	v11 =	vmul.f32 v13, v11;
	v13 =	vunpack.i.u.bf16.f32 v18  }
0xb5: {  	v14 =	vunpack.i.l.bf16.f32 v12;
	v15 =	vunpack.i.l.bf16.f32 v17;
	v10 =	vmul.f32 v13, v10  }
0xb6: {  	(xrf2) =	vadd.scan.msk.f32 $0xffff, v11;
	v12 =	vunpack.i.u.bf16.f32 v12;
	v11 =	vmul.f32 v15, v14;
	v14 =	vunpack.i.u.bf16.f32 v17  }
0xb7: {  	(xrf2) =	vadd.scan.msk.f32 $0xffff, v10;
	v10 =	vmul.f32 v14, v12  }
0xb8: {  	v13 =	vunpack.i.l.bf16.f32 v9;
	s17 =	spop (v2sf)  }
0xb9: {  	v11 =	vmul.f32 v13, v11;
	s1 =	smax.f32 s17, $-5.000000000e+00;
	s21 =	spop (v2sf)  }
0xba: {  	v9 =	vunpack.i.u.bf16.f32 v9;
	s1 =	smin.f32 s1, $5.000000000e+00;
	s11 =	smax.f32 s21, $-5.000000000e+00  }
0xbb: {  	(xrf2) =	vadd.scan.msk.f32 $0xffff, v11;
	v9 =	vmul.f32 v9, v10;
	v11 =	vmov s1;
	v10, _, _ =	vpop (xrf2);
	s22 =	smin.f32 s11, $5.000000000e+00  }
0xbc: {  	(v2sf) =	vpush v10, $0xF;
	v10 =	vmul.f32 $1.442695020e+00, v11;
	v11 =	vmov s22  }
0xbd: {  	v12, _, _ =	vpop (xrf2);
	v11 =	vmul.f32 $1.442695020e+00, v11  }
0xbe: {  	(xrf2) =	vadd.scan.msk.f32 $0xffff, v9;
	(v2sf) =	vpush v12, $0xF  }
0xbf: {  	v9 =	vbroadcast v10, $0x0  }
0xc0: {  	v10 =	vbroadcast v11, $0x0  }
0xc1: {  	(erf) = vpow2.f32 v9;
	v11, _, _ =	vpop (xrf2)  }
0xc2: {  	(erf) = vpow2.f32 v10;
	(v2sf) =	vpush v11, $0xF;
	_ =	sdelay $0x1  }
0xc3: {  	v9, _, _ =	vpop (xrf2)  }
0xc4: {  	(v2sf) =	vpush v9, $0xF;
	v9 =	vld [tilespmem:s28+$0xD0];
	v10, _, _ =	vpop (xrf2)  }
0xc5: {  	(v2sf) =	vpush v10, $0xF;
	_ =	sdelay $0x1  }
0xc6: {  	v10, _, _ =	vpop (xrf2)  }
0xc7: {  	(v2sf) =	vpush v10, $0xF  }
0xc8: {  	v11 =	vunpack.i.l.bf16.f32 v9;
	v10 =	vpop (erf)  }
0xc9: {  	v12 =	vunpack.i.u.bf16.f32 v9;
	v11 =	vmul.f32 v10, v11;
	v9 =	vpop (erf)  }
0xca: {  	s23 =	spop (v2sf);
	v12 =	vmul.f32 v9, v12  }
0xcb: {  	s1 =	smax.f32 s23, $-5.000000000e+00;
	[tilespmem:s10+$0xB0] =	vst v11;
	s24 =	spop (v2sf)  }
0xcc: {  	s1 =	smin.f32 s1, $5.000000000e+00;
	s11 =	smax.f32 s24, $-5.000000000e+00;
	[tilespmem:s10+$0xC0] =	vst v12  }
0xcd: {  	v11 =	vmov s1;
	s25 =	smin.f32 s11, $5.000000000e+00;
	v14 =	vld [tilespmem:s2+$0x60]  }
0xce: {  	v12 =	vld [tilespmem:s28+$0xA0];
	v11 =	vmul.f32 $1.442695020e+00, v11;
	v13 =	vmov s25  }
0xcf: {  	v13 =	vmul.f32 $1.442695020e+00, v13;
	s26 =	spop (v2sf)  }
0xd0: {  	v15 =	vld [tilespmem:s20+$0x60];
	v11 =	vbroadcast v11, $0x0;
	s1 =	smax.f32 s26, $-5.000000000e+00  }
0xd1: {  	v13 =	vbroadcast v13, $0x0;
	s1 =	smin.f32 s1, $5.000000000e+00  }
0xd2: {  	s30 =	spop (v2sf);
	(erf) = vpow2.f32 v11;
	v17 =	vunpack.i.l.bf16.f32 v14;
	v16 =	vmov s1  }
0xd3: {  	(erf) = vpow2.f32 v13;
	s31 =	spop (v2sf);
	s1 =	smax.f32 s30, $-5.000000000e+00;
	v11 =	vmul.f32 $1.442695020e+00, v16;
	v16 =	vunpack.i.l.bf16.f32 v12  }
0xd4: {  	v14 =	vunpack.i.u.bf16.f32 v14;
	s0 =	smax.f32 s31, $-5.000000000e+00;
	s1 =	smin.f32 s1, $5.000000000e+00;
	v12 =	vunpack.i.u.bf16.f32 v12;
	v16 =	vmul.f32 v17, v16  }
0xd5: {  	v13 =	vmov s1;
	v17 =	vunpack.i.l.bf16.f32 v15;
	s1 =	smin.f32 s0, $5.000000000e+00;
	v11 =	vbroadcast v11, $0x0  }
0xd6: {  	s4 =	spop (v2sf);
	v13 =	vmul.f32 $1.442695020e+00, v13;
	v16 =	vmul.f32 v17, v16;
	v17 =	vmov s1  }
0xd7: {  	v12 =	vmul.f32 v14, v12;
	s1 =	smax.f32 s4, $-5.000000000e+00;
	v14 =	vmul.f32 $1.442695020e+00, v17  }
0xd8: {  	v15 =	vunpack.i.u.bf16.f32 v15;
	v13 =	vbroadcast v13, $0x0;
	(erf) = vpow2.f32 v11;
	s1 =	smin.f32 s1, $5.000000000e+00  }
0xd9: {  	v11 =	vmul.f32 v15, v12;
	v12 =	vbroadcast v14, $0x0;
	v14 =	vmov s1  }
0xda: {  	(erf) = vpow2.f32 v13;
	v13 =	vmul.f32 $1.442695020e+00, v14  }
0xdb: {  	v15 =	vld [tilespmem:s28+$0xFFFFFF50];
	(xrf2) =	vadd.scan.msk.f32 $0xffff, v16  }
0xdc: {  	(xrf2) =	vadd.scan.msk.f32 $0xffff, v11;
	v11 =	vbroadcast v13, $0x0;
	_ =	sdelay $0x1  }
0xdd: {  	s24 =	simm.s32 $0x2A20  }
0xde: {  	v18 =	vld [tilespmem:s24+$0x40];
	(erf) = vpow2.f32 v12  }
0xdf: {  	s26 =	simm.s32 $0x3A0;
	v17 =	vld [tilespmem:s28+$0xFFFFFFD0];
	v14 =	vunpack.i.l.bf16.f32 v15;
	(erf) = vpow2.f32 v11;
	v11 =	vpop (erf)  }
0xe0: {  	v13 =	vld [tilespmem:s26+$0x80];
	v15 =	vunpack.i.u.bf16.f32 v15;
	v16 =	vmul.f32 v11, v14  }
0xe1: {  	s29 =	simm.s32 $0x3E20  }
0xe2: {  	v21 =	vld [tilespmem:s29+$0x40];
	v14 =	vpop (erf)  }
0xe3: {  	v23 =	vmul.f32 v14, v15;
	v15 =	vpop (erf)  }
0xe4: {  	v27 =	vunpack.i.l.bf16.f32 v18;
	v20 =	vunpack.i.u.bf16.f32 v17;
	v17 =	vunpack.i.l.bf16.f32 v17;
	[tilespmem:s10+$0xFFFFFF00] =	vst v16;
	v16 =	vpop (erf)  }
0xe5: {  	v25 =	vmul.f32 v15, v17;
	v17 =	vunpack.i.l.bf16.f32 v13;
	v20 =	vmul.f32 v16, v20  }
0xe6: {  	v18 =	vunpack.i.u.bf16.f32 v18;
	v13 =	vunpack.i.u.bf16.f32 v13;
	v27 =	vmul.f32 v27, v17  }
0xe7: {  	v13 =	vmul.f32 v18, v13;
	[tilespmem:s10+$0xFFFFFFA0] =	vst v20;
	v20 =	vunpack.i.l.bf16.f32 v21  }
0xe8: {  	v21 =	vunpack.i.u.bf16.f32 v21;
	v18 =	vmul.f32 v20, v27  }
0xe9: {  	v13 =	vmul.f32 v21, v13  }
0xea: {  	(xrf2) =	vadd.scan.msk.f32 $0xffff, v18  }
0xeb: {  	(xrf2) =	vadd.scan.msk.f32 $0xffff, v13  }
0xec: {  	v29, _, _ =	vpop (xrf2)  }
0xed: {  	(v2sf) =	vpush v29, $0xF;
	_ =	sdelay $0x1  }
0xee: {  	v29, _, _ =	vpop (xrf2)  }
0xef: {  	(v2sf) =	vpush v29, $0xF;
	_ =	sdelay $0x3  }
0xf0: {  	v13, _, _ =	vpop (xrf2)  }
0xf1: {  	v26 =	vld [tilespmem:s26+$0x0];
	(v2sf) =	vpush v13, $0xF;
	v13, _, _ =	vpop (xrf2)  }
0xf2: {  	v12 =	vld [tilespmem:s28+$0x50];
	(v2sf) =	vpush v13, $0xF  }
0xf3: {  	[tilespmem:s10+$0xFFFFFF10] =	vst v23;
	v23 =	vld [tilespmem:s24+$0x0]  }
0xf4: {  	[tilespmem:s10+$0xFFFFFF90] =	vst v25;
	v25 =	vld [tilespmem:s26+$0xFFFFFF00]  }
0xf5: {  	v19 =	vld [tilespmem:s24+$0xFFFFFF80];
	_ =	sdelay $0x1  }
0xf6: {  	v22 =	vld [tilespmem:s26+$0xFFFFFF80];
	v28 =	vunpack.i.l.bf16.f32 v12;
	v29 =	vunpack.i.u.bf16.f32 v26;
	v17 =	vpop (erf)  }
0xf7: {  	v24 =	vld [tilespmem:s24+$0xFFFFFFC0];
	v26 =	vunpack.i.l.bf16.f32 v26;
	v28 =	vmul.f32 v17, v28;
	v32 =	vunpack.i.u.bf16.f32 v23;
	s5 =	spop (v2sf)  }
0xf8: {  	v30 =	vld [tilespmem:s29+$0xFFFFFF80];
	v23 =	vunpack.i.l.bf16.f32 v23;
	v31 =	vunpack.i.l.bf16.f32 v25;
	v25 =	vunpack.i.u.bf16.f32 v25;
	s1 =	smax.f32 s5, $-5.000000000e+00  }
0xf9: {  	v27 =	vld [tilespmem:s29+$0xFFFFFFC0];
	[tilespmem:s10+$0x20] =	vst v28;
	v23 =	vmul.f32 v23, v26;
	v29 =	vmul.f32 v32, v29;
	v20 =	vpop (erf);
	v18 =	vunpack.i.l.bf16.f32 v19;
	s1 =	smin.f32 s1, $5.000000000e+00  }
0xfa: {  	v28 =	vld [tilespmem:s29+$0x0];
	v18 =	vmul.f32 v18, v31;
	v31 =	vmov s1;
	v13 =	vunpack.i.u.bf16.f32 v19;
	s6 =	spop (v2sf)  }
0xfb: {  	v21 =	vunpack.i.l.bf16.f32 v22;
	v13 =	vmul.f32 v13, v25;
	v25 =	vmul.f32 $1.442695020e+00, v31;
	s11 =	smax.f32 s6, $-5.000000000e+00  }
0xfc: {  	v19 =	vunpack.i.u.bf16.f32 v22;
	v22 =	vunpack.i.u.bf16.f32 v24;
	v24 =	vunpack.i.l.bf16.f32 v24;
	s7 =	smin.f32 s11, $5.000000000e+00  }
0xfd: {  	v19 =	vmul.f32 v22, v19;
	v22 =	vbroadcast v25, $0x0;
	v31 =	vmov s7  }
0xfe: {  	v12 =	vunpack.i.u.bf16.f32 v12;
	v21 =	vmul.f32 v24, v21;
	v24 =	vmul.f32 $1.442695020e+00, v31  }
0xff: {  	v26 =	vunpack.i.l.bf16.f32 v30;
	v12 =	vmul.f32 v20, v12;
	(erf) = vpow2.f32 v22;
	s8 =	spop (v2sf)  }
0x100: {  	v18 =	vmul.f32 v26, v18;
	v25 =	vunpack.i.u.bf16.f32 v30;
	v24 =	vbroadcast v24, $0x0;
	s9 =	spop (v2sf)  }
0x101: {  	v26 =	vunpack.i.l.bf16.f32 v27;
	v30 =	vunpack.i.u.bf16.f32 v27;
	v27 =	vld [tilespmem:s28+$0xFFFFFFA0];
	v13 =	vmul.f32 v25, v13;
	s1 =	smax.f32 s8, $-5.000000000e+00;
	s11 =	smax.f32 s9, $-5.000000000e+00  }
0x102: {  	(xrf2) =	vadd.scan.msk.f32 $0xffff, v18;
	v21 =	vmul.f32 v26, v21;
	v25 =	vunpack.i.l.bf16.f32 v28;
	v22 =	vld [tilespmem:s28+$0xFFFFFF20];
	(erf) = vpow2.f32 v24;
	s1 =	smin.f32 s1, $5.000000000e+00;
	s12 =	smin.f32 s11, $5.000000000e+00  }
0x103: {  	v23 =	vmul.f32 v25, v23;
	(xrf2) =	vadd.scan.msk.f32 $0xffff, v13;
	v13 =	vld [tilespmem:s28+$0xE0];
	v18 =	vmov s1;
	v25 =	vmov s12  }
0x104: {  	[tilespmem:s10+$0x30] =	vst v12;
	(xrf2) =	vadd.scan.msk.f32 $0xffff, v21;
	v18 =	vmul.f32 $1.442695020e+00, v18;
	v21 =	vmul.f32 $1.442695020e+00, v25  }
0x105: {  	v47 =	vld [tilespmem:s28+$0x20];
	v26 =	vunpack.i.u.bf16.f32 v28;
	v19 =	vmul.f32 v30, v19  }
0x106: {  	v28 =	vld [tilespmem:s2+$0xFFFFFFE0];
	v26 =	vmul.f32 v26, v29;
	v18 =	vbroadcast v18, $0x0  }
0x107: {  	v24 =	vld [tilespmem:s2+$0xFFFFFFA0];
	v29 =	vunpack.i.u.bf16.f32 v22;
	v30 =	vunpack.i.l.bf16.f32 v22;
	v12 =	vbroadcast v21, $0x0  }
0x108: {  	v33 =	vld [tilespmem:s2+$0x20];
	v22 =	vunpack.i.l.bf16.f32 v13;
	(erf) = vpow2.f32 v18;
	v18 =	vunpack.i.u.bf16.f32 v27;
	v21 =	vpop (erf)  }
0x109: {  	(xrf2) =	vadd.scan.msk.f32 $0xffff, v19;
	v19 =	vld [tilespmem:s20+$0xFFFFFFE0];
	(erf) = vpow2.f32 v12;
	v12 =	vunpack.i.l.bf16.f32 v27;
	v27 =	vmul.f32 v21, v22  }
0x10a: {  	v25 =	vld [tilespmem:s20+$0xFFFFFFA0]  }
0x10b: {  	v34 =	vunpack.i.u.bf16.f32 v28;
	v28 =	vunpack.i.l.bf16.f32 v28;
	v13 =	vunpack.i.u.bf16.f32 v13;
	v22 =	vpop (erf);
	[tilespmem:s10+$0xD0] =	vst v27;
	v27 =	vld [tilespmem:s26+$0xC0]  }
0x10c: {  	v31 =	vunpack.i.u.bf16.f32 v24;
	v24 =	vunpack.i.l.bf16.f32 v24;
	v13 =	vmul.f32 v22, v13  }
0x10d: {  	v24 =	vmul.f32 v24, v30;
	v29 =	vmul.f32 v31, v29  }
0x10e: {  	v30 =	vld [tilespmem:s20+$0x20];
	v31 =	vunpack.i.l.bf16.f32 v47;
	v12 =	vmul.f32 v28, v12;
	[tilespmem:s10+$0xE0] =	vst v13;
	v13 =	vunpack.i.l.bf16.f32 v33  }
0x10f: {  	v35 =	vunpack.i.u.bf16.f32 v25;
	v28, _, _ =	vpop (xrf2);
	v37 =	vld [tilespmem:s28+$0xB0];
	v31 =	vmul.f32 v13, v31;
	v13 =	vunpack.i.l.bf16.f32 v19  }
0x110: {  	(xrf2) =	vadd.scan.msk.f32 $0xffff, v23;
	v25 =	vunpack.i.l.bf16.f32 v25;
	v36, _, _ =	vpop (xrf2);
	v23 =	vld [tilespmem:s2+$0x70];
	v48 =	vmul.f32 v13, v12;
	v13 =	vunpack.i.l.bf16.f32 v27  }
0x111: {  	(v2sf) =	vpush v28, $0xF;
	v28 =	vunpack.i.u.bf16.f32 v19;
	v24 =	vmul.f32 v25, v24;
	v19, _, _ =	vpop (xrf2)  }
0x112: {  	(xrf2) =	vadd.scan.msk.f32 $0xffff, v26;
	v18 =	vmul.f32 v34, v18;
	v29 =	vmul.f32 v35, v29;
	(v2sf) =	vpush v36, $0xF;
	v49 =	vld [tilespmem:s20+$0x70];
	v12 =	vpop (erf)  }
0x113: {  	(xrf2) =	vadd.scan.msk.f32 $0xffff, v24;
	(v2sf) =	vpush v19, $0xF;
	v19 =	vunpack.i.u.bf16.f32 v27;
	v27 =	vmul.f32 v12, v13;
	v13 =	vpop (erf)  }
0x114: {  	s17 =	simm.s32 $0x5400;
	v25 =	vunpack.i.l.bf16.f32 v30;
	v18 =	vmul.f32 v28, v18;
	(xrf2) =	vadd.scan.msk.f32 $0xffff, v29;
	v26, _, _ =	vpop (xrf2);
	v19 =	vmul.f32 v13, v19  }
0x115: {  	(v2sf) =	vpush v26, $0xF;
	v24 =	vunpack.i.l.bf16.f32 v37;
	v26 =	vunpack.i.l.bf16.f32 v23;
	[tilespmem:s17+$0x90] =	vst v27  }
0x116: {  	v23 =	vunpack.i.u.bf16.f32 v23;
	v24 =	vmul.f32 v26, v24;
	v26 =	vunpack.i.u.bf16.f32 v37;
	[tilespmem:s17+$0xA0] =	vst v19  }
0x117: {  	(xrf2) =	vadd.scan.msk.f32 $0xffff, v48;
	v23 =	vmul.f32 v23, v26;
	v19 =	vmul.f32 v25, v31;
	v25 =	vunpack.i.l.bf16.f32 v49;
	v26 =	vld [tilespmem:s26+$0x90]  }
0x118: {  	(xrf2) =	vadd.scan.msk.f32 $0xffff, v18;
	v18 =	vmul.f32 v25, v24;
	v24 =	vunpack.i.u.bf16.f32 v49;
	v25 =	vld [tilespmem:s24+$0x50]  }
0x119: {  	(xrf2) =	vadd.scan.msk.f32 $0xffff, v19;
	v19 =	vmul.f32 v24, v23;
	v23 =	vunpack.i.u.bf16.f32 v47;
	v24 =	vunpack.i.u.bf16.f32 v33  }
0x11a: {  	v27, _, _ =	vpop (xrf2);
	(xrf2) =	vadd.scan.msk.f32 $0xffff, v18;
	v18 =	vld [tilespmem:s29+$0x50];
	v23 =	vmul.f32 v24, v23  }
0x11b: {  	(v2sf) =	vpush v27, $0xF;
	(xrf2) =	vadd.scan.msk.f32 $0xffff, v19;
	v19 =	vunpack.i.u.bf16.f32 v30  }
0x11c: {  	v24, _, _ =	vpop (xrf2);
	v19 =	vmul.f32 v19, v23  }
0x11d: {  	(v2sf) =	vpush v24, $0xF;
	v23 =	vunpack.i.l.bf16.f32 v26;
	v24 =	vunpack.i.l.bf16.f32 v25  }
0x11e: {  	v23 =	vmul.f32 v24, v23  }
0x11f: {  	v27, _, _ =	vpop (xrf2);
	v25 =	vunpack.i.u.bf16.f32 v25;
	v24 =	vunpack.i.u.bf16.f32 v26;
	(xrf2) =	vadd.scan.msk.f32 $0xffff, v19;
	v19 =	vunpack.i.l.bf16.f32 v18  }
0x120: {  	s13 =	spop (v2sf);
	(v2sf) =	vpush v27, $0xF;
	v24 =	vmul.f32 v25, v24;
	v19 =	vmul.f32 v19, v23  }
0x121: {  	s1 =	smax.f32 s13, $-5.000000000e+00;
	v26, _, _ =	vpop (xrf2);
	v18 =	vunpack.i.u.bf16.f32 v18  }
0x122: {  	s14 =	spop (v2sf);
	s1 =	smin.f32 s1, $5.000000000e+00;
	(v2sf) =	vpush v26, $0xF;
	v18 =	vmul.f32 v18, v24;
	v23, _, _ =	vpop (xrf2)  }
0x123: {  	s11 =	smax.f32 s14, $-5.000000000e+00;
	s15 =	spop (v2sf);
	(xrf2) =	vadd.scan.msk.f32 $0xffff, v19;
	(v2sf) =	vpush v23, $0xF;
	v23, _, _ =	vpop (xrf2)  }
0x124: {  	s11 =	smin.f32 s11, $5.000000000e+00;
	s16 =	smax.f32 s15, $-5.000000000e+00;
	(xrf2) =	vadd.scan.msk.f32 $0xffff, v18;
	v18 =	vmov s1;
	(v2sf) =	vpush v23, $0xF;
	v19, _, _ =	vpop (xrf2)  }
0x125: {  	s21 =	spop (v2sf);
	s1 =	smin.f32 s16, $5.000000000e+00;
	v18 =	vmul.f32 $1.442695020e+00, v18;
	v23 =	vmov s11;
	(v2sf) =	vpush v19, $0xF;
	v19, _, _ =	vpop (xrf2)  }
0x126: {  	s22 =	smax.f32 s21, $-5.000000000e+00;
	v24 =	vmov s1;
	v23 =	vmul.f32 $1.442695020e+00, v23;
	(v2sf) =	vpush v19, $0xF;
	v19, _, _ =	vpop (xrf2)  }
0x127: {  	s23 =	smin.f32 s22, $5.000000000e+00;
	v18 =	vbroadcast v18, $0x0;
	(v2sf) =	vpush v19, $0xF;
	v19 =	vmul.f32 $1.442695020e+00, v24  }
0x128: {  	v24 =	vmov s23;
	v23 =	vbroadcast v23, $0x0  }
0x129: {  	v24 =	vmul.f32 $1.442695020e+00, v24;
	(erf) = vpow2.f32 v18  }
0x12a: {  	s25 =	spop (v2sf);
	v18 =	vbroadcast v19, $0x0;
	(erf) = vpow2.f32 v23  }
0x12b: {  	s1 =	smax.f32 s25, $-5.000000000e+00;
	v23 =	vbroadcast v24, $0x0;
	v19, _, _ =	vpop (xrf2)  }
0x12c: {  	s1 =	smin.f32 s1, $5.000000000e+00;
	(erf) = vpow2.f32 v18;
	(v2sf) =	vpush v19, $0xF  }
0x12d: {  	v24 =	vmov s1;
	s30 =	spop (v2sf);
	(erf) = vpow2.f32 v23;
	v19, _, _ =	vpop (xrf2)  }
0x12e: {  	v18 =	vld [tilespmem:s26+$0xFFFFFF40];
	v24 =	vmul.f32 $1.442695020e+00, v24;
	s11 =	smax.f32 s30, $-5.000000000e+00;
	(v2sf) =	vpush v19, $0xF  }
0x12f: {  	v23 =	vld [tilespmem:s26+$0xFFFFFFC0];
	v19, _, _ =	vpop (xrf2);
	s0 =	spop (v2sf);
	s31 =	smin.f32 s11, $5.000000000e+00  }
0x130: {  	v24 =	vbroadcast v24, $0x0;
	(v2sf) =	vpush v19, $0xF;
	s1 =	smax.f32 s0, $-5.000000000e+00;
	v25 =	vmov s31  }
0x131: {  	s4 =	spop (v2sf);
	s1 =	smin.f32 s1, $5.000000000e+00;
	v19 =	vmul.f32 $1.442695020e+00, v25  }
0x132: {  	s11 =	smax.f32 s4, $-5.000000000e+00;
	(erf) = vpow2.f32 v24;
	v31 =	vpop (erf);
	s5 =	spop (v2sf)  }
0x133: {  	v25 =	vunpack.i.u.bf16.f32 v18;
	s11 =	smin.f32 s11, $5.000000000e+00;
	v18 =	vunpack.i.l.bf16.f32 v18;
	v19 =	vbroadcast v19, $0x0;
	v28 =	vpop (erf);
	s12 =	smax.f32 s5, $-5.000000000e+00  }
0x134: {  	v26 =	vunpack.i.l.bf16.f32 v23;
	v18 =	vmul.f32 v31, v18;
	s13 =	spop (v2sf);
	v24 =	vmul.f32 v28, v25;
	s6 =	smin.f32 s12, $5.000000000e+00  }
0x135: {  	v25 =	vmov s11;
	(erf) = vpow2.f32 v19;
	v19 =	vmov s1;
	s7 =	spop (v2sf);
	v29 =	vpop (erf);
	s8 =	smax.f32 s13, $-5.000000000e+00  }
0x136: {  	v23 =	vunpack.i.u.bf16.f32 v23;
	v25 =	vmul.f32 $1.442695020e+00, v25;
	v19 =	vmul.f32 $1.442695020e+00, v19;
	s9 =	spop (v2sf);
	v30 =	vpop (erf);
	s11 =	smin.f32 s8, $5.000000000e+00  }
0x137: {  	v26 =	vmul.f32 v29, v26;
	v27 =	vmov s6;
	s13 =	smax.f32 s9, $-5.000000000e+00;
	s15 =	spop (v2sf);
	v23 =	vmul.f32 v30, v23  }
0x138: {  	v25 =	vbroadcast v25, $0x0;
	v27 =	vmul.f32 $1.442695020e+00, v27;
	s13 =	smin.f32 s13, $5.000000000e+00;
	s14 =	smax.f32 s15, $-5.000000000e+00  }
0x139: {  	v51 =	vmov s11;
	v19 =	vbroadcast v19, $0x0;
	v50 =	vmov s13;
	s15 =	smin.f32 s14, $5.000000000e+00  }
0x13a: {  	v33 =	vmul.f32 $1.442695020e+00, v51;
	v32 =	vmul.f32 $1.442695020e+00, v50;
	v52 =	vmov s15  }
0x13b: {  	s16 =	smax.f32 s7, $-5.000000000e+00;
	v27 =	vbroadcast v27, $0x0;
	v34 =	vmul.f32 $1.442695020e+00, v52;
	s21 =	spop (v2sf)  }
0x13c: {  	s1 =	smin.f32 s16, $5.000000000e+00;
	(erf) = vpow2.f32 v19;
	v19 =	vbroadcast v32, $0x0;
	s11 =	smax.f32 s21, $-5.000000000e+00  }
0x13d: {  	v53 =	vmov s1;
	v33 =	vbroadcast v33, $0x0;
	v34 =	vbroadcast v34, $0x0;
	s23 =	spop (v2sf);
	s22 =	smin.f32 s11, $5.000000000e+00  }
0x13e: {  	(erf) = vpow2.f32 v19;
	v19 =	vmul.f32 $1.442695020e+00, v53;
	s1 =	smax.f32 s23, $-5.000000000e+00;
	v54 =	vmov s22  }
0x13f: {  	v55 =	vld [tilespmem:s26+$0x40];
	s25 =	spop (v2sf);
	(erf) = vpow2.f32 v34;
	s1 =	smin.f32 s1, $5.000000000e+00;
	v32 =	vmul.f32 $1.442695020e+00, v54  }
0x140: {  	s11 =	smax.f32 s25, $-5.000000000e+00;
	v19 =	vbroadcast v19, $0x0;
	(erf) = vpow2.f32 v25;
	v25 =	vmov s1  }
0x141: {  	v56 =	vld [tilespmem:s28+$0xFFFFFF60];
	[tilespmem:s17+$0xFFFFFEF0] =	vst v24;
	s30 =	smin.f32 s11, $5.000000000e+00;
	(erf) = vpow2.f32 v27;
	v24 =	vmul.f32 $1.442695020e+00, v25  }
0x142: {  	v57 =	vld [tilespmem:s28+$0xFFFFFFE0];
	[tilespmem:s17+$0xFFFFFEE0] =	vst v18;
	v25 =	vmov s30;
	v18 =	vbroadcast v32, $0x0;
	(erf) = vpow2.f32 v33  }
0x143: {  	v38 =	vld [tilespmem:s24+$0xFFFFFF90];
	[tilespmem:s17+$0xFFFFFF70] =	vst v26;
	v25 =	vmul.f32 $1.442695020e+00, v25;
	(erf) = vpow2.f32 v19  }
0x144: {  	[tilespmem:s17+$0xFFFFFF80] =	vst v23;
	v27 =	vld [tilespmem:s26+$0xFFFFFF10];
	v34 =	vpop (erf);
	v19 =	vbroadcast v24, $0x0;
	v24 =	vunpack.i.l.bf16.f32 v55;
	(erf) = vpow2.f32 v18  }
0x145: {  	v23 =	vunpack.i.u.bf16.f32 v55;
	v58 =	vld [tilespmem:s24+$0xFFFFFFD0];
	v18 =	vbroadcast v25, $0x0;
	v32 =	vpop (erf);
	v26 =	vmul.f32 v34, v24  }
0x146: {  	v39 =	vld [tilespmem:s26+$0xFFFFFF90];
	(erf) = vpow2.f32 v19;
	v33 =	vpop (erf)  }
0x147: {  	v2 =	vnsel vm0, $0x0, v2;
	v59 =	vmul.f32 v32, v23;
	(erf) = vpow2.f32 v18;
	v24 =	vpop (erf)  }
0x148: {  	v1 =	vsel vm1, v2, v1;
	v45 =	vld [tilespmem:s26+$0xD0];
	v25 =	vunpack.i.u.bf16.f32 v56;
	v19 =	vunpack.i.l.bf16.f32 v56;
	[tilespmem:s17+$0x0] =	vst v26;
	v23 =	vpop (erf)  }
0x149: {  	v40 =	vld [tilespmem:s29+$0xFFFFFF90];
	v41 =	vunpack.i.u.bf16.f32 v27;
	v27 =	vunpack.i.l.bf16.f32 v27;
	v19 =	vmul.f32 v33, v19;
	[tilespmem:s17+$0x10] =	vst v59;
	v26 =	vpop (erf)  }
0x14a: {  	v37 =	vunpack.i.l.bf16.f32 v57;
	v36 =	vunpack.i.l.bf16.f32 v58;
	v47 =	vld [tilespmem:s24+$0x10];
	v35 =	vpop (erf);
	v25 =	vmul.f32 v26, v25  }
0x14b: {  	v43 =	vunpack.i.l.bf16.f32 v38;
	v44 =	vunpack.i.u.bf16.f32 v39;
	v60 =	vld [tilespmem:s26+$0x10];
	[tilespmem:s10+$0xFFFFFF20] =	vst v19;
	v19 =	vmul.f32 v35, v37  }
0x14c: {  	v42 =	vld [tilespmem:s29+$0xFFFFFFD0];
	v39 =	vunpack.i.l.bf16.f32 v39;
	v18 =	vunpack.i.u.bf16.f32 v57;
	v43 =	vmul.f32 v43, v27;
	v27 =	vpop (erf)  }
0x14d: {  	v38 =	vunpack.i.u.bf16.f32 v38;
	v39 =	vmul.f32 v36, v39;
	v36 =	vpop (erf);
	[tilespmem:s10+$0xFFFFFFB0] =	vst v19;
	v19 =	vunpack.i.l.bf16.f32 v45  }
0x14e: {  	v48 =	vunpack.i.u.bf16.f32 v40;
	v46 =	vunpack.i.u.bf16.f32 v58;
	v38 =	vmul.f32 v38, v41;
	v62 =	vld [tilespmem:s29+$0x10];
	[tilespmem:s10+$0xFFFFFF30] =	vst v25;
	v25 =	vpop (erf)  }
0x14f: {  	v63 =	vmul.f32 v27, v18;
	v50 =	vld [tilespmem:s28+$0xFFFFFF30];
	v45 =	vunpack.i.u.bf16.f32 v45;
	v52 =	vunpack.i.l.bf16.f32 v47;
	v18 =	vpop (erf)  }
0x150: {  	v0 =	vld [tilespmem:s2+$0xFFFFFFB0];
	v41 =	vunpack.i.u.bf16.f32 v60;
	v47 =	vunpack.i.u.bf16.f32 v47;
	v56 =	vmul.f32 v18, v19;
	v19 =	vpop (erf)  }
0x151: {  	v49 =	vunpack.i.u.bf16.f32 v42;
	[tilespmem:s10+$0xFFFFFFC0] =	vst v63;
	v41 =	vmul.f32 v47, v41;
	v47 =	vld [tilespmem:s20+$0xFFFFFFB0];
	v45 =	vmul.f32 v19, v45  }
0x152: {  	v42 =	vunpack.i.l.bf16.f32 v42;
	v61 =	vmul.f32 v46, v44;
	v51 =	vunpack.i.l.bf16.f32 v60;
	v53 =	vld [tilespmem:s28+$0xFFFFFFB0];
	[tilespmem:s17+$0xB0] =	vst v56  }
0x153: {  	v40 =	vunpack.i.l.bf16.f32 v40;
	v39 =	vmul.f32 v42, v39;
	v51 =	vmul.f32 v52, v51;
	v52 =	vld [tilespmem:s2+$0xFFFFFFF0];
	[tilespmem:s17+$0xC0] =	vst v45  }
0x154: {  	v40 =	vmul.f32 v40, v43;
	v38 =	vmul.f32 v48, v38;
	v44 =	vunpack.i.l.bf16.f32 v62;
	v42 =	vld [tilespmem:s26+$0xA0]  }
0x155: {  	v37 =	vmul.f32 v49, v61;
	v57 =	vunpack.i.u.bf16.f32 v62;
	v44 =	vmul.f32 v44, v51;
	v59 =	vld [tilespmem:s24+$0x60]  }
0x156: {  	v41 =	vmul.f32 v57, v41;
	v60 =	vunpack.i.l.bf16.f32 v50;
	v43 =	vunpack.i.l.bf16.f32 v0  }
0x157: {  	v58 =	vunpack.i.u.bf16.f32 v50;
	v61 =	vunpack.i.u.bf16.f32 v0;
	v43 =	vmul.f32 v43, v60;
	v54 =	vld [tilespmem:s29+$0x60]  }
0x158: {  	s16 =	simm.s32 $0x2B20;
	(xrf2) =	vadd.scan.msk.f32 $0xffff, v40;
	v55 =	vld [tilespmem:s20+$0xFFFFFFF0];
	v45 =	vmul.f32 v61, v58;
	v60 =	vunpack.i.u.bf16.f32 v47;
	v62 =	vunpack.i.u.bf16.f32 v53  }
0x159: {  	s15 =	simm.s32 $0x5A0;
	v51 =	vld [tilespmem:s16+$0x40];
	v63 =	vunpack.i.l.bf16.f32 v53;
	v0 =	vunpack.i.u.bf16.f32 v52;
	v52 =	vunpack.i.l.bf16.f32 v52  }
0x15a: {  	(xrf2) =	vadd.scan.msk.f32 $0xffff, v38;
	v50 =	vld [tilespmem:s15+$0x80];
	v56 =	vmul.f32 v52, v63;
	v57 =	vunpack.i.l.bf16.f32 v42;
	v58 =	vunpack.i.l.bf16.f32 v59  }
0x15b: {  	s11 =	simm.s32 $0x3F20;
	(xrf2) =	vadd.scan.msk.f32 $0xffff, v39;
	v42 =	vunpack.i.u.bf16.f32 v42;
	v46 =	vunpack.i.u.bf16.f32 v59;
	v38 =	vmul.f32 v58, v57  }
0x15c: {  	(xrf2) =	vadd.scan.msk.f32 $0xffff, v37;
	v48 =	vmul.f32 v0, v62;
	v63 =	vld [tilespmem:s11+$0x40];
	v61 =	vunpack.i.l.bf16.f32 v54;
	v59 =	vmul.f32 v46, v42  }
0x15d: {  	(xrf2) =	vadd.scan.msk.f32 $0xffff, v44;
	v0 =	vunpack.i.l.bf16.f32 v47;
	v62 =	vunpack.i.u.bf16.f32 v54;
	v38 =	vmul.f32 v61, v38  }
0x15e: {  	v44 =	vld [tilespmem:s11+$0xFFFFFF80];
	(xrf2) =	vadd.scan.msk.f32 $0xffff, v41;
	v49 =	vunpack.i.l.bf16.f32 v55;
	v43 =	vmul.f32 v0, v43;
	v39 =	vmul.f32 v62, v59  }
0x15f: {  	v53 =	vmul.f32 v49, v56;
	v56 =	vunpack.i.l.bf16.f32 v51;
	v54 =	vunpack.i.l.bf16.f32 v50;
	v42 =	vld [tilespmem:s16+$0xFFFFFF80];
	(xrf2) =	vadd.scan.msk.f32 $0xffff, v38  }
0x160: {  	v4 =	vnsel vm0, $0x0, v4;
	v37 =	vmul.f32 v60, v45;
	v46 =	vld [tilespmem:s15+$0xFFFFFF00];
	v57 =	vmul.f32 v56, v54;
	(xrf2) =	vadd.scan.msk.f32 $0xffff, v39  }
0x161: {  	v58 =	vunpack.i.u.bf16.f32 v50;
	v59 =	vunpack.i.u.bf16.f32 v51;
	v61 =	vunpack.i.l.bf16.f32 v63;
	(xrf2) =	vadd.scan.msk.f32 $0xffff, v43  }
0x162: {  	v5 =	vnsel vm0, $0x0, v5;
	v49, _, _ =	vpop (xrf2);
	v40 =	vmul.f32 v59, v58;
	v62 =	vmul.f32 v61, v57;
	(xrf2) =	vadd.scan.msk.f32 $0xffff, v37  }
0x163: {  	(v2sf) =	vpush v49, $0xF;
	v50 =	vunpack.i.u.bf16.f32 v55;
	v63 =	vunpack.i.u.bf16.f32 v63;
	v57 =	vld [tilespmem:s16+$0xFFFFFFC0];
	(xrf2) =	vadd.scan.msk.f32 $0xffff, v53  }
0x164: {  	v55 =	vunpack.i.l.bf16.f32 v44;
	v44 =	vunpack.i.u.bf16.f32 v44;
	v51 =	vmul.f32 v63, v40;
	v43 =	vld [tilespmem:s15+$0xFFFFFF80];
	v53, _, _ =	vpop (xrf2);
	(xrf2) =	vadd.scan.msk.f32 $0xffff, v62  }
0x165: {  	v60 =	vunpack.i.l.bf16.f32 v42;
	v0 =	vunpack.i.l.bf16.f32 v46;
	v56, _, _ =	vpop (xrf2);
	(v2sf) =	vpush v53, $0xF  }
0x166: {  	v54 =	vmul.f32 v50, v48;
	v40 =	vld [tilespmem:s11+$0xFFFFFFC0];
	v52 =	vmul.f32 v60, v0;
	(xrf2) =	vadd.scan.msk.f32 $0xffff, v51;
	v58, _, _ =	vpop (xrf2);
	(v2sf) =	vpush v56, $0xF  }
0x167: {  	v61 =	vunpack.i.u.bf16.f32 v42;
	v62 =	vunpack.i.u.bf16.f32 v46;
	v59, _, _ =	vpop (xrf2);
	(v2sf) =	vpush v58, $0xF  }
0x168: {  	v39 =	vld [tilespmem:s15+$0x0];
	v37 =	vmul.f32 v55, v52;
	v38 =	vmul.f32 v61, v62;
	v56 =	vunpack.i.u.bf16.f32 v57;
	v60, _, _ =	vpop (xrf2)  }
0x169: {  	v52 =	vld [tilespmem:s16+$0x0];
	(xrf2) =	vadd.scan.msk.f32 $0xffff, v54;
	v53 =	vunpack.i.l.bf16.f32 v43;
	v54 =	vunpack.i.l.bf16.f32 v57;
	(v2sf) =	vpush v59, $0xF;
	v63, _, _ =	vpop (xrf2)  }
0x16a: {  	v43 =	vunpack.i.u.bf16.f32 v43;
	v55 =	vmul.f32 v54, v53;
	(v2sf) =	vpush v60, $0xF;
	v0, _, _ =	vpop (xrf2)  }
0x16b: {  	v57 =	vld [tilespmem:s11+$0x0];
	v58 =	vunpack.i.l.bf16.f32 v40;
	v38 =	vmul.f32 v44, v38;
	(v2sf) =	vpush v63, $0xF;
	v49, _, _ =	vpop (xrf2)  }
0x16c: {  	(xrf2) =	vadd.scan.msk.f32 $0xffff, v37;
	v59 =	vmul.f32 v56, v43;
	v37 =	vmul.f32 v58, v55;
	(v2sf) =	vpush v0, $0xF;
	v44, _, _ =	vpop (xrf2)  }
0x16d: {  	v3 =	vsel vm1, v4, v3;
	v5 =	vsel vm1, v5, v6;
	v60 =	vunpack.i.u.bf16.f32 v40;
	v43, _, _ =	vpop (xrf2);
	(xrf2) =	vadd.scan.msk.f32 $0xffff, v38  }
0x16e: {  	v62 =	vunpack.i.l.bf16.f32 v39;
	v63 =	vunpack.i.l.bf16.f32 v52;
	v38 =	vmul.f32 v60, v59;
	v61, _, _ =	vpop (xrf2);
	(xrf2) =	vadd.scan.msk.f32 $0xffff, v37  }
0x16f: {  	v7 =	vnsel vm0, $0x0, v7;
	v1 =	vsel vm2, v1, v10;
	v50 =	vmul.f32 v63, v62  }
0x170: {  	v1 =	vsel vm3, v1, v9;
	v3 =	vsel vm2, v3, v11;
	v53 =	vunpack.i.l.bf16.f32 v57;
	v0, _, _ =	vpop (xrf2);
	(xrf2) =	vadd.scan.msk.f32 $0xffff, v38  }
0x171: {  	v3 =	vsel vm3, v3, v14;
	v5 =	vsel vm2, v5, v15;
	v55 =	vmul.f32 v53, v50  }
0x172: {  	v5 =	vsel vm3, v5, v16;
	v1 =	vsel vm4, v1, v21;
	v12 =	vnsel vm0, $0x0, v12;
	s31 =	spop (v2sf)  }
0x173: {  	v1 =	vsel vm5, v1, v22;
	v12 =	vsel vm1, v12, v13;
	v15 =	vnsel vm0, $0x0, v31;
	s1 =	smax.f32 s31, $-5.000000000e+00;
	v51, _, _ =	vpop (xrf2);
	(xrf2) =	vadd.scan.msk.f32 $0xffff, v55  }
0x174: {  	v47 =	vnsel vm0, $0x0, v34;
	v48 =	vunpack.i.u.bf16.f32 v39;
	v52 =	vunpack.i.u.bf16.f32 v52;
	s25 =	smin.f32 s1, $5.000000000e+00;
	s0 =	spop (v2sf)  }
0x175: {  	v46 =	vmov s25;
	v37 =	vmul.f32 v52, v48;
	(v2sf) =	vpush v61, $0xF;
	s4 =	spop (v2sf)  }
0x176: {  	v34 =	vld [tilespmem:s15+$0xFFFFFF40];
	v56 =	vunpack.i.u.bf16.f32 v57;
	v14 =	vmul.f32 $1.442695020e+00, v46;
	(v2sf) =	vpush v0, $0xF;
	v54, _, _ =	vpop (xrf2);
	s5 =	smax.f32 s0, $-5.000000000e+00;
	s6 =	spop (v2sf)  }
0x177: {  	v1 =	vsel vm6, v1, v24;
	v37 =	vmul.f32 v56, v37;
	(v2sf) =	vpush v54, $0xF;
	s30 =	smin.f32 s5, $5.000000000e+00;
	s13 =	smax.f32 s4, $-5.000000000e+00;
	v57, _, _ =	vpop (xrf2)  }
0x178: {  	v12 =	vsel vm2, v12, v18;
	v14 =	vbroadcast v14, $0x0;
	s7 =	spop (v2sf);
	s0 =	smin.f32 s13, $5.000000000e+00;
	(v2sf) =	vpush v57, $0xF;
	v58, _, _ =	vpop (xrf2)  }
0x179: {  	v12 =	vsel vm3, v12, v19;
	v46 =	vnsel vm0, $0x0, v29;
	(xrf2) =	vadd.scan.msk.f32 $0xffff, v37;
	s12 =	smax.f32 s6, $-5.000000000e+00;
	s31 =	spop (v2sf);
	(v2sf) =	vpush v58, $0xF;
	v58 =	vld [tilespmem:s28+$0x60]  }
0x17a: {  	(erf) = vpow2.f32 v14;
	v14 =	vsel vm7, v1, v23;
	s12 =	smin.f32 s12, $5.000000000e+00;
	v59, _, _ =	vpop (xrf2);
	s8 =	spop (v2sf);
	(v2sf) =	vpush v49, $0xF  }
0x17b: {  	v1 =	vsel vm1, v46, v30;
	v46 =	vunpack.i.u.bf16.f32 v34;
	s1 =	smax.f32 s7, $-5.000000000e+00;
	s9 =	spop (v2sf);
	(v2sf) =	vpush v59, $0xF  }
0x17c: {  	v62 =	vmov s30;
	v48 =	vmov s0;
	s7 =	smin.f32 s1, $5.000000000e+00;
	s4 =	smax.f32 s9, $-5.000000000e+00;
	(v2sf) =	vpush v44, $0xF  }
0x17d: {  	v63 =	vmov s12;
	v50 =	vmov s7;
	v60, _, _ =	vpop (xrf2);
	s4 =	smin.f32 s4, $5.000000000e+00;
	(v2sf) =	vpush v43, $0xF  }
0x17e: {  	v57 =	vmov s4;
	(v2sf) =	vpush v60, $0xF;
	v11 =	vunpack.i.l.bf16.f32 v58  }
0x17f: {  	s21 =	smax.f32 s8, $-5.000000000e+00;
	v49 =	vld [tilespmem:s28+$0xFFFFFF70];
	v60 =	vsel vm1, v7, v8;
	v8 =	vunpack.i.u.bf16.f32 v58;
	v11 =	vmul.f32 v36, v11  }
0x180: {  	s31 =	smax.f32 s31, $-5.000000000e+00;
	s8 =	smin.f32 s21, $5.000000000e+00;
	v59 =	vld [tilespmem:s26+$0xFFFFFF50];
	v54 =	vmul.f32 $1.442695020e+00, v57;
	v6 =	vsel vm2, v60, v17;
	v17 =	vmul.f32 $1.442695020e+00, v62  }
0x181: {  	s31 =	smin.f32 s31, $5.000000000e+00;
	v52 =	vmov s8;
	v8 =	vmul.f32 v25, v8;
	[tilespmem:s10+$0x40] =	vst v11;
	v11 =	vmul.f32 $1.442695020e+00, v48  }
0x182: {  	(v2sf) =	vpush v51, $0xF;
	v51 =	vmov s31;
	v62 =	vbroadcast v17, $0x0  }
0x183: {  	v61, _, _ =	vpop (xrf2);
	v6 =	vsel vm3, v6, v20;
	v20 =	vld [tilespmem:s26+$0x50];
	[tilespmem:s10+$0x50] =	vst v8;
	v8 =	vmul.f32 $1.442695020e+00, v63;
	v63 =	vbroadcast v11, $0x0  }
0x184: {  	s22 =	spop (v2sf);
	v0 =	vunpack.i.u.bf16.f32 v49;
	(v2sf) =	vpush v61, $0xF;
	v10 =	vld [tilespmem:s2+$0x30];
	(erf) = vpow2.f32 v62  }
0x185: {  	s23 =	spop (v2sf);
	v16 =	vunpack.i.u.bf16.f32 v59;
	v8 =	vbroadcast v8, $0x0;
	(erf) = vpow2.f32 v63  }
0x186: {  	s5 =	smax.f32 s22, $-5.000000000e+00;
	s9 =	smax.f32 s23, $-5.000000000e+00;
	v4 =	vunpack.i.l.bf16.f32 v59;
	v29 =	vmul.f32 $1.442695020e+00, v51;
	v51 =	vmul.f32 $1.442695020e+00, v52;
	v9 =	vld [tilespmem:s28+$0x30]  }
0x187: {  	s22 =	smin.f32 s5, $5.000000000e+00;
	v57 =	vbroadcast v54, $0x0;
	v59 =	vunpack.i.l.bf16.f32 v49;
	s23 =	smin.f32 s9, $5.000000000e+00;
	(erf) = vpow2.f32 v8  }
0x188: {  	v61 =	vld [tilespmem:s26+$0xFFFFFFD0];
	s14 =	spop (v2sf);
	v45 =	vmov s22;
	v44 =	vmov s23;
	v11 =	vmul.f32 $1.442695020e+00, v50  }
0x189: {  	s14 =	smax.f32 s14, $-5.000000000e+00;
	v17 =	vunpack.i.u.bf16.f32 v20;
	v21 =	vunpack.i.l.bf16.f32 v20;
	v20 =	vunpack.i.u.bf16.f32 v10  }
0x18a: {  	v29 =	vbroadcast v29, $0x0;
	s5 =	smin.f32 s14, $5.000000000e+00;
	v11 =	vbroadcast v11, $0x0;
	v22 =	vunpack.i.l.bf16.f32 v10  }
0x18b: {  	v30 =	vld [tilespmem:s20+$0x30];
	v43 =	vmov s5;
	v8 =	vsel vm1, v15, v28;
	v15 =	vunpack.i.u.bf16.f32 v9  }
0x18c: {  	v9 =	vunpack.i.l.bf16.f32 v9;
	(erf) = vpow2.f32 v11;
	v15 =	vmul.f32 v20, v15;
	v20 =	vpop (erf)  }
0x18d: {  	v7 =	vunpack.i.l.bf16.f32 v61;
	v48 =	vmul.f32 v22, v9;
	v4 =	vmul.f32 v20, v4;
	v22 =	vpop (erf)  }
0x18e: {  	v31 =	vunpack.i.u.bf16.f32 v61;
	v28 =	vld [tilespmem:s28+$0xF0];
	(erf) = vpow2.f32 v29;
	v50 =	vmul.f32 v22, v16;
	v29 =	vpop (erf)  }
0x18f: {  	v43 =	vmul.f32 $1.442695020e+00, v43;
	s21 =	spop (v2sf);
	v10 =	vsel vm1, v47, v32;
	v32 =	vld [tilespmem:s28+$0xFFFFFFF0];
	[tilespmem:s17+$0xFFFFFF00] =	vst v4;
	v52 =	vmul.f32 v29, v7  }
0x190: {  	v11 =	vsel vm4, v6, v36;
	v55 =	vunpack.i.u.bf16.f32 v30;
	v6 =	vbroadcast v51, $0x0;
	s13 =	spop (v2sf);
	v16 =	vld [tilespmem:s28+$0x70];
	v7 =	vpop (erf);
	[tilespmem:s17+$0xFFFFFF10] =	vst v50  }
0x191: {  	v47 =	vld [tilespmem:s15+$0xFFFFFFC0];
	v30 =	vunpack.i.l.bf16.f32 v30;
	v43 =	vbroadcast v43, $0x0;
	s1 =	smax.f32 s13, $-5.000000000e+00;
	v31 =	vmul.f32 v7, v31;
	[tilespmem:s17+$0xFFFFFF90] =	vst v52  }
0x192: {  	s9 =	smax.f32 s21, $-5.000000000e+00;
	v9 =	vsel vm4, v3, v33;
	v33 =	vsel vm4, v5, v35;
	s21 =	smin.f32 s1, $5.000000000e+00;
	v56 =	vsel vm2, v8, v20;
	v8 =	vld [tilespmem:s26+$0xFFFFFF20];
	[tilespmem:$0x1FF80] =	vst v0  }
0x193: {  	v49 =	vmul.f32 v30, v48;
	v48 =	vmul.f32 v55, v15;
	v40 =	vmov s21;
	[tilespmem:s17+$0xFFFFFFA0] =	vst v31;
	v58 =	vld [tilespmem:s24+$0xFFFFFFA0]  }
0x194: {  	v35 =	vunpack.i.u.bf16.f32 v28;
	v62 =	vunpack.i.u.bf16.f32 v32;
	(erf) = vpow2.f32 v6;
	[tilespmem:$0x1FF90] =	vst v59  }
0x195: {  	v63 =	vunpack.i.l.bf16.f32 v32;
	(erf) = vpow2.f32 v57;
	v60 =	vunpack.i.l.bf16.f32 v16;
	v30 =	vld [tilespmem:s26+$0xFFFFFFA0]  }
0x196: {  	s14 =	spop (v2sf);
	v40 =	vmul.f32 $1.442695020e+00, v40;
	v36 =	vmul.f32 v23, v35;
	v15 =	vsel vm2, v1, v29;
	v51 =	vpop (erf);
	v29 =	vld [tilespmem:s29+$0xFFFFFFA0];
	[tilespmem:$0x1FFA0] =	vst v60  }
0x197: {  	s6 =	smin.f32 s9, $5.000000000e+00;
	s9 =	spop (v2sf);
	v1 =	vsel vm3, v15, v7;
	v2 =	vmul.f32 v51, v21;
	v61 =	vunpack.i.u.bf16.f32 v16;
	v32 =	vld [tilespmem:s24+$0xFFFFFFE0]  }
0x198: {  	s9 =	smax.f32 s9, $-5.000000000e+00;
	v15 =	vunpack.i.l.bf16.f32 v8;
	v52 =	vpop (erf);
	v3 =	vunpack.i.u.bf16.f32 v8;
	v16 =	vld [tilespmem:s26+$0xE0];
	v21 =	vunpack.i.l.bf16.f32 v58  }
0x199: {  	s25 =	smin.f32 s9, $5.000000000e+00;
	v17 =	vmul.f32 v52, v17;
	v8 =	vunpack.i.u.bf16.f32 v58;
	v15 =	vmul.f32 v21, v15  }
0x19a: {  	v38 =	vmov s25;
	v31 =	vunpack.i.l.bf16.f32 v28;
	v7 =	vmul.f32 v8, v3  }
0x19b: {  	[tilespmem:s17+$0x30] =	vst v17;
	v21 =	vld [tilespmem:s29+$0xFFFFFFE0];
	v28 =	vunpack.i.l.bf16.f32 v29;
	v17 =	vunpack.i.l.bf16.f32 v30;
	v29 =	vunpack.i.u.bf16.f32 v29  }
0x19c: {  	[tilespmem:s17+$0x20] =	vst v2;
	v57 =	vld [tilespmem:s15+$0x40];
	v30 =	vunpack.i.u.bf16.f32 v30;
	v28 =	vmul.f32 v28, v15;
	v58 =	vunpack.i.l.bf16.f32 v32  }
0x19d: {  	v60 =	vld [tilespmem:s24+$0x20];
	v59 =	vunpack.i.l.bf16.f32 v16;
	v8 =	vunpack.i.u.bf16.f32 v16;
	v7 =	vmul.f32 v29, v7;
	v15 =	vpop (erf)  }
0x19e: {  	v29 =	vunpack.i.u.bf16.f32 v32;
	v17 =	vmul.f32 v58, v17;
	(xrf2) =	vadd.scan.msk.f32 $0xffff, v28;
	v28 =	vld [tilespmem:s26+$0x20];
	v54 =	vmul.f32 v15, v59;
	v16 =	vpop (erf)  }
0x19f: {  	v20 =	vsel vm3, v56, v22;
	v29 =	vmul.f32 v29, v30;
	v8 =	vmul.f32 v16, v8  }
0x1a0: {  	v2 =	vld [tilespmem:s29+$0x20];
	v30 =	vmul.f32 $1.442695020e+00, v44;
	v0 =	vunpack.i.l.bf16.f32 v21;
	v21 =	vunpack.i.u.bf16.f32 v21;
	[tilespmem:s17+$0xD0] =	vst v54  }
0x1a1: {  	v32 =	vunpack.i.u.bf16.f32 v57;
	v17 =	vmul.f32 v0, v17;
	v21 =	vmul.f32 v21, v29;
	[tilespmem:s17+$0xE0] =	vst v8  }
0x1a2: {  	v44 =	vunpack.i.l.bf16.f32 v57;
	(xrf2) =	vadd.scan.msk.f32 $0xffff, v7;
	v29 =	vbroadcast v30, $0x0;
	v8 =	vmul.f32 $1.442695020e+00, v45;
	v3 =	vld [tilespmem:s26+$0xB0]  }
0x1a3: {  	v30 =	vunpack.i.l.bf16.f32 v60;
	(xrf2) =	vadd.scan.msk.f32 $0xffff, v17;
	v57 =	vld [tilespmem:s24+$0x70];
	v17 =	vunpack.i.u.bf16.f32 v28;
	v28 =	vunpack.i.l.bf16.f32 v28  }
0x1a4: {  	v53 =	vunpack.i.u.bf16.f32 v60;
	v8 =	vbroadcast v8, $0x0;
	v28 =	vmul.f32 v30, v28  }
0x1a5: {  	v56 =	vmul.f32 $1.442695020e+00, v38;
	v58 =	vld [tilespmem:s29+$0x70];
	v53 =	vmul.f32 v53, v17;
	v17 =	vunpack.i.l.bf16.f32 v2  }
0x1a6: {  	v30 =	vunpack.i.u.bf16.f32 v2;
	(erf) = vpow2.f32 v8;
	v17 =	vmul.f32 v17, v28  }
0x1a7: {  	v42 =	vmov s6;
	v53 =	vmul.f32 v30, v53;
	(erf) = vpow2.f32 v29  }
0x1a8: {  	(xrf2) =	vadd.scan.msk.f32 $0xffff, v21;
	v30 =	vmul.f32 $1.442695020e+00, v42;
	v21 =	vunpack.i.l.bf16.f32 v3;
	v28 =	vunpack.i.l.bf16.f32 v57  }
0x1a9: {  	v8 =	vld [tilespmem:s26+$0xFFFFFF60];
	(xrf2) =	vadd.scan.msk.f32 $0xffff, v17;
	v7 =	vunpack.i.u.bf16.f32 v3;
	v17 =	vunpack.i.u.bf16.f32 v57;
	v21 =	vmul.f32 v28, v21  }
0x1aa: {  	s14 =	smax.f32 s14, $-5.000000000e+00;
	s1 =	spop (v2sf);
	v60 =	vld [tilespmem:s15+$0xC0];
	v59, _, _ =	vpop (xrf2);
	v2 =	vunpack.i.l.bf16.f32 v58;
	v45 =	vunpack.i.u.bf16.f32 v58;
	v7 =	vmul.f32 v17, v7  }
0x1ab: {  	s14 =	smin.f32 s14, $5.000000000e+00;
	s13 =	spop (v2sf);
	(erf) = vpow2.f32 v43;
	(v2sf) =	vpush v59, $0xF;
	v3 =	vmul.f32 v2, v21  }
0x1ac: {  	v37 =	vmov s14;
	s30 =	spop (v2sf);
	v5 =	vmul.f32 v45, v7;
	v7 =	vbroadcast v30, $0x0  }
0x1ad: {  	s31 =	smax.f32 s30, $-5.000000000e+00;
	v50 =	vunpack.i.l.bf16.f32 v34;
	v34 =	vunpack.i.u.bf16.f32 v47;
	v47 =	vunpack.i.l.bf16.f32 v47  }
0x1ae: {  	s7 =	spop (v2sf);
	s4 =	smin.f32 s31, $5.000000000e+00;
	v28 =	vunpack.i.u.bf16.f32 v8;
	v17 =	vunpack.i.l.bf16.f32 v8;
	v8, _, _ =	vpop (xrf2);
	(xrf2) =	vadd.scan.msk.f32 $0xffff, v3;
	(erf) = vpow2.f32 v7  }
0x1af: {  	s8 =	spop (v2sf);
	v41 =	vmov s4;
	v29 =	vld [tilespmem:s26+$0xFFFFFFE0];
	(v2sf) =	vpush v8, $0xF;
	v8 =	vunpack.i.l.bf16.f32 v60;
	(xrf2) =	vadd.scan.msk.f32 $0xffff, v5;
	v58 =	vpop (erf)  }
0x1b0: {  	s20 =	smax.f32 s1, $-5.000000000e+00;
	s9 =	smax.f32 s8, $-5.000000000e+00;
	v31 =	vmul.f32 v24, v31;
	v55 =	vld [tilespmem:s26+$0x60];
	v59 =	vunpack.i.u.bf16.f32 v60;
	[tilespmem:$0x1FFB0] =	vst v58;
	v60 =	vmul.f32 v58, v8;
	v4 =	vpop (erf)  }
0x1b1: {  	s28 =	simm.s32 $0x5640;
	s0 =	smin.f32 s9, $5.000000000e+00;
	v10 =	vsel vm2, v10, v51;
	v24 =	vmul.f32 $1.442695020e+00, v41;
	v57, _, _ =	vpop (xrf2);
	[tilespmem:$0x1FFC0] =	vst v4;
	v5 =	vmul.f32 v4, v59  }
0x1b2: {  	s21 =	smax.f32 s13, $-5.000000000e+00;
	v39 =	vmov s0;
	s0 =	smin.f32 s20, $5.000000000e+00;
	v38 =	vsel vm3, v10, v52;
	(v2sf) =	vpush v57, $0xF;
	[tilespmem:s28+$0x90] =	vst v60  }
0x1b3: {  	v24 =	vbroadcast v24, $0x0;
	v42 =	vmov s0;
	s0 =	smin.f32 s21, $5.000000000e+00;
	v57 =	vbroadcast v40, $0x0;
	[tilespmem:s28+$0xA0] =	vst v5  }
0x1b4: {  	v23 =	vmov s0;
	v43 =	vbroadcast v56, $0x0;
	v21 =	vunpack.i.u.bf16.f32 v29;
	v6, _, _ =	vpop (xrf2);
	(xrf2) =	vadd.scan.msk.f32 $0xffff, v53;
	v58 =	vld [tilespmem:s15+$0x90]  }
0x1b5: {  	v30 =	vunpack.i.l.bf16.f32 v29;
	(v2sf) =	vpush v6, $0xF;
	(erf) = vpow2.f32 v57;
	(xrf2) =	vadd.scan.msk.f32 $0xffff, v49;
	v35 =	vpop (erf);
	v59 =	vld [tilespmem:s16+$0x50]  }
0x1b6: {  	v29 =	vunpack.i.u.bf16.f32 v55;
	v3 =	vmul.f32 $1.442695020e+00, v39;
	(erf) = vpow2.f32 v43;
	v10, _, _ =	vpop (xrf2)  }
0x1b7: {  	(erf) = vpow2.f32 v24;
	(v2sf) =	vpush v10, $0xF;
	v10 =	vsel vm5, v9, v26;
	v26 =	vld [tilespmem:s11+$0x50];
	v24 =	vpop (erf)  }
0x1b8: {  	v53 =	vsel vm5, v11, v25;
	v60 =	vsel vm5, v33, v27;
	v33 =	vbroadcast v3, $0x0;
	v27, _, _ =	vpop (xrf2)  }
0x1b9: {  	v6 =	vmul.f32 v35, v50;
	[tilespmem:$0x1FFD0] =	vst v60;
	v56 =	vmul.f32 v24, v46;
	(v2sf) =	vpush v27, $0xF;
	v27, _, _ =	vpop (xrf2)  }
0x1ba: {  	[tilespmem:$0x1FFE0] =	vst v53;
	s22 =	spop (v2sf);
	v4 =	vunpack.i.l.bf16.f32 v58;
	v5 =	vunpack.i.l.bf16.f32 v59;
	(v2sf) =	vpush v27, $0xF  }
0x1bb: {  	[tilespmem:s28+$0xFFFFFEE0] =	vst v6;
	v45 =	vunpack.i.u.bf16.f32 v58;
	v52 =	vunpack.i.u.bf16.f32 v59;
	v39 =	vmul.f32 v5, v4  }
0x1bc: {  	s25 =	smax.f32 s7, $-5.000000000e+00;
	v40 =	vunpack.i.l.bf16.f32 v55;
	v27 =	vunpack.i.l.bf16.f32 v26;
	[tilespmem:s28+$0xFFFFFEF0] =	vst v56;
	v55 =	vmul.f32 v52, v45  }
0x1bd: {  	s1 =	smin.f32 s25, $5.000000000e+00;
	(erf) = vpow2.f32 v33;
	(xrf2) =	vadd.scan.msk.f32 $0xffff, v48;
	s0 =	smax.f32 s22, $-5.000000000e+00;
	v26 =	vunpack.i.u.bf16.f32 v26;
	v0 =	vld [tilespmem:s15+$0xFFFFFF10];
	v25 =	vmul.f32 v27, v39  }
0x1be: {  	v41 =	vmov s1;
	v12 =	vsel vm4, v12, v15;
	v54, _, _ =	vpop (xrf2);
	s0 =	smin.f32 s0, $5.000000000e+00;
	v4 =	vld [tilespmem:s16+$0xFFFFFF90];
	v39 =	vmul.f32 v26, v55  }
0x1bf: {  	v12 =	vsel vm5, v12, v16;
	(v2sf) =	vpush v54, $0xF;
	v3, _, _ =	vpop (xrf2);
	v33 =	vld [tilespmem:s11+$0xFFFFFF90];
	v7 =	vmov s0;
	s23 =	spop (v2sf);
	(xrf2) =	vadd.scan.msk.f32 $0xffff, v25  }
0x1c0: {  	v45 =	vnsel vm0, $0x0, v35;
	s0 =	smax.f32 s23, $-5.000000000e+00;
	v27 =	vpop (erf);
	v60 =	vmul.f32 $1.442695020e+00, v7;
	v26 =	vmul.f32 $1.442695020e+00, v37;
	(xrf2) =	vadd.scan.msk.f32 $0xffff, v39  }
0x1c1: {  	(v2sf) =	vpush v3, $0xF;
	s30 =	spop (v2sf);
	v37 =	vmul.f32 $1.442695020e+00, v42;
	s0 =	smin.f32 s0, $5.000000000e+00;
	v57 =	vmul.f32 v27, v47;
	v25 =	vpop (erf)  }
0x1c2: {  	v58 =	vmov s0;
	s0 =	smax.f32 s30, $-5.000000000e+00;
	v5 =	vbroadcast v60, $0x0;
	v59 =	vmul.f32 v25, v34  }
0x1c3: {  	v26 =	vbroadcast v26, $0x0;
	[tilespmem:s28+$0xFFFFFF70] =	vst v57;
	v2 =	vmul.f32 $1.442695020e+00, v58;
	s0 =	smin.f32 s0, $5.000000000e+00;
	v60 =	vunpack.i.l.bf16.f32 v0  }
0x1c4: {  	s31 =	spop (v2sf);
	v48 =	vunpack.i.u.bf16.f32 v4;
	v54 =	vunpack.i.u.bf16.f32 v33;
	v6 =	vmov s0;
	[tilespmem:s28+$0xFFFFFF80] =	vst v59  }
0x1c5: {  	s1 =	smax.f32 s31, $-5.000000000e+00;
	v33 =	vunpack.i.l.bf16.f32 v33;
	(erf) = vpow2.f32 v5;
	v34 =	vmul.f32 $1.442695020e+00, v6;
	v46 =	vpop (erf);
	v7 =	vld [tilespmem:s15+$0xFFFFFF90]  }
0x1c6: {  	s2 =	smin.f32 s1, $5.000000000e+00;
	s4 =	spop (v2sf);
	v58 =	vmul.f32 v46, v44;
	v43 =	vpop (erf);
	v59 =	vunpack.i.u.bf16.f32 v0;
	v0 =	vunpack.i.l.bf16.f32 v4;
	v57 =	vld [tilespmem:s16+$0xFFFFFFD0]  }
0x1c7: {  	v55 =	vmov s2;
	v56, _, _ =	vpop (xrf2);
	s0 =	smax.f32 s4, $-5.000000000e+00;
	v32 =	vmul.f32 v43, v32;
	v39 =	vmul.f32 v0, v60  }
0x1c8: {  	(v2sf) =	vpush v56, $0xF;
	v44 =	vbroadcast v34, $0x0;
	s0 =	smin.f32 s0, $5.000000000e+00;
	[tilespmem:s28+$0x0] =	vst v58;
	v34 =	vmul.f32 v48, v59  }
0x1c9: {  	v49 =	vbroadcast v2, $0x0;
	v35 =	vld [tilespmem:s11+$0xFFFFFFD0];
	v47 =	vmov s0;
	[tilespmem:s28+$0x10] =	vst v32;
	v33 =	vmul.f32 v33, v39;
	s5 =	spop (v2sf);
	v6, _, _ =	vpop (xrf2)  }
0x1ca: {  	v5 =	vld [tilespmem:s15+$0x10];
	v34 =	vmul.f32 v54, v34;
	s0 =	smax.f32 s5, $-5.000000000e+00;
	s6 =	spop (v2sf);
	v2 =	vunpack.i.u.bf16.f32 v7;
	(v2sf) =	vpush v6, $0xF;
	v58, _, _ =	vpop (xrf2)  }
0x1cb: {  	(xrf2) =	vadd.scan.msk.f32 $0xffff, v33;
	v3 =	vunpack.i.l.bf16.f32 v7;
	v50 =	vunpack.i.u.bf16.f32 v57;
	s0 =	smin.f32 s0, $5.000000000e+00;
	s1 =	smax.f32 s6, $-5.000000000e+00;
	v7 =	vld [tilespmem:s16+$0x10];
	(v2sf) =	vpush v58, $0xF  }
0x1cc: {  	v51 =	vmul.f32 $1.442695020e+00, v55;
	v50 =	vmul.f32 v50, v2;
	v59 =	vmov s0;
	s7 =	smin.f32 s1, $5.000000000e+00;
	v2 =	vld [tilespmem:s11+$0x10]  }
0x1cd: {  	v4 =	vunpack.i.l.bf16.f32 v57;
	(xrf2) =	vadd.scan.msk.f32 $0xffff, v34;
	v60 =	vmul.f32 $1.442695020e+00, v59;
	v0 =	vmov s7  }
0x1ce: {  	v57 =	vunpack.i.u.bf16.f32 v35;
	v35 =	vunpack.i.l.bf16.f32 v35;
	v52 =	vmul.f32 $1.442695020e+00, v0  }
0x1cf: {  	v56 =	vld [tilespmem:s15+$0xFFFFFF50];
	v32 =	vmul.f32 v4, v3;
	v58 =	vunpack.i.l.bf16.f32 v5;
	v3 =	vbroadcast v60, $0x0  }
0x1d0: {  	v5 =	vunpack.i.u.bf16.f32 v5;
	v52 =	vbroadcast v52, $0x0;
	v59 =	vunpack.i.l.bf16.f32 v7  }
0x1d1: {  	v6 =	vunpack.i.u.bf16.f32 v7;
	(erf) = vpow2.f32 v3;
	v7 =	vunpack.i.u.bf16.f32 v2  }
0x1d2: {  	v0 =	vunpack.i.l.bf16.f32 v2;
	v2 =	vmul.f32 v35, v32;
	(erf) = vpow2.f32 v52  }
0x1d3: {  	v45 =	vsel vm1, v45, v24;
	v19 =	vbroadcast v51, $0x0;
	v13 =	vmul.f32 $1.442695020e+00, v47  }
0x1d4: {  	v54 =	vnsel vm0, $0x0, v46;
	v42 =	vunpack.i.u.bf16.f32 v56;
	s8 =	spop (v2sf);
	v4 =	vld [tilespmem:s15+$0x50];
	v48 =	vmul.f32 v6, v5;
	(xrf2) =	vadd.scan.msk.f32 $0xffff, v2  }
0x1d5: {  	v39 =	vunpack.i.l.bf16.f32 v56;
	s0 =	smax.f32 s8, $-5.000000000e+00;
	v50 =	vmul.f32 v57, v50;
	v58 =	vmul.f32 v59, v58;
	v5, _, _ =	vpop (xrf2)  }
0x1d6: {  	s9 =	spop (v2sf);
	s0 =	smin.f32 s0, $5.000000000e+00;
	v48 =	vmul.f32 v7, v48;
	v3 =	vpop (erf);
	(erf) = vpow2.f32 v49;
	(v2sf) =	vpush v5, $0xF  }
0x1d7: {  	s12 =	smax.f32 s9, $-5.000000000e+00;
	v18 =	vmov s0;
	s13 =	spop (v2sf);
	(xrf2) =	vadd.scan.msk.f32 $0xffff, v50;
	(erf) = vpow2.f32 v44;
	v7 =	vmul.f32 v3, v17;
	v17, _, _ =	vpop (xrf2)  }
0x1d8: {  	v13 =	vbroadcast v13, $0x0;
	s0 =	smin.f32 s12, $5.000000000e+00;
	v60 =	vld [tilespmem:s15+$0xFFFFFFD0];
	v18 =	vmul.f32 $1.442695020e+00, v18;
	s1 =	smax.f32 s13, $-5.000000000e+00;
	(v2sf) =	vpush v17, $0xF  }
0x1d9: {  	v32 =	vunpack.i.u.bf16.f32 v4;
	v52 =	vmul.f32 v0, v58;
	(erf) = vpow2.f32 v19;
	s1 =	smin.f32 s1, $5.000000000e+00;
	s14 =	spop (v2sf)  }
0x1da: {  	v33 =	vunpack.i.l.bf16.f32 v4;
	v4 =	vmov s0;
	v18 =	vbroadcast v18, $0x0;
	v16 =	vpop (erf);
	s0 =	smax.f32 s14, $-5.000000000e+00;
	s20 =	spop (v2sf)  }
0x1db: {  	(xrf2) =	vadd.scan.msk.f32 $0xffff, v52;
	(erf) = vpow2.f32 v13;
	v6 =	vmov s1;
	v12 =	vsel vm6, v12, v16;
	v15 =	vpop (erf);
	s0 =	smin.f32 s0, $5.000000000e+00;
	s1 =	smax.f32 s20, $-5.000000000e+00  }
0x1dc: {  	v55 =	vmul.f32 $1.442695020e+00, v4;
	v44 =	vsel vm7, v12, v15;
	v12 =	vmov s0;
	s21 =	smin.f32 s1, $5.000000000e+00  }
0x1dd: {  	v34 =	vunpack.i.u.bf16.f32 v60;
	v12 =	vmul.f32 $1.442695020e+00, v12;
	v13 =	vmov s21  }
0x1de: {  	(xrf2) =	vadd.scan.msk.f32 $0xffff, v48;
	(erf) = vpow2.f32 v18;
	v18 =	vnsel vm0, $0x0, v27;
	v17, _, _ =	vpop (xrf2);
	v13 =	vmul.f32 $1.442695020e+00, v13  }
0x1df: {  	v19 =	vmul.f32 $1.442695020e+00, v23;
	(v2sf) =	vpush v17, $0xF;
	v17 =	vpop (erf);
	v12 =	vbroadcast v12, $0x0  }
0x1e0: {  	v35 =	vunpack.i.l.bf16.f32 v60;
	v23 =	vmul.f32 $1.442695020e+00, v41;
	v24 =	vpop (erf);
	v13 =	vbroadcast v13, $0x0  }
0x1e1: {  	v27 =	vsel vm1, v18, v25;
	v18, _, _ =	vpop (xrf2);
	v25 =	vmul.f32 v24, v30;
	(erf) = vpow2.f32 v12  }
0x1e2: {  	[tilespmem:s17+$0xFFFFFF20] =	vst v7;
	(v2sf) =	vpush v18, $0xF;
	v18 =	vpop (erf);
	(erf) = vpow2.f32 v13;
	v13 =	vmul.f32 v17, v28  }
0x1e3: {  	v60 =	vsel vm1, v54, v43;
	v56 =	vbroadcast v19, $0x0;
	v21 =	vmul.f32 v18, v21;
	[tilespmem:s17+$0xFFFFFFB0] =	vst v25  }
0x1e4: {  	v59 =	vsel vm4, v20, v3;
	v58 =	vbroadcast v23, $0x0;
	v30 =	vld [tilespmem:s26+$0xF0];
	v57 =	vpop (erf);
	v12 =	vmul.f32 $1.442695020e+00, v6;
	[tilespmem:s17+$0xFFFFFF30] =	vst v13  }
0x1e5: {  	v23 =	vsel vm4, v1, v24;
	v20 =	vmul.f32 v57, v40;
	v28 =	vbroadcast v37, $0x0;
	v25, _, _ =	vpop (xrf2);
	s22 =	spop (v2sf);
	v13 =	vld [tilespmem:s15+$0xD0];
	[tilespmem:$0x1FFF0] =	vst v59  }
0x1e6: {  	v37 =	vbroadcast v55, $0x0;
	(erf) = vpow2.f32 v26;
	(v2sf) =	vpush v25, $0xF;
	s0 =	smax.f32 s22, $-5.000000000e+00;
	v4 =	vld [tilespmem:s26+$0xFFFFFF30]  }
0x1e7: {  	v22 =	vsel vm4, v38, v57;
	v43 =	vbroadcast v12, $0x0;
	(erf) = vpow2.f32 v28;
	s23 =	spop (v2sf);
	s0 =	smin.f32 s0, $5.000000000e+00;
	v25 =	vld [tilespmem:s24+$0xFFFFFFB0];
	[tilespmem:s17+$0xFFFFFFC0] =	vst v21;
	v21 =	vpop (erf)  }
0x1e8: {  	v12, _, _ =	vpop (xrf2);
	(erf) = vpow2.f32 v56;
	v59 =	vmov s0;
	s0 =	smax.f32 s23, $-5.000000000e+00;
	v26 =	vld [tilespmem:s26+$0xFFFFFFB0];
	v29 =	vmul.f32 v21, v29  }
0x1e9: {  	[tilespmem:s17+$0x40] =	vst v20;
	(v2sf) =	vpush v12, $0xF;
	(erf) = vpow2.f32 v58;
	v28 =	vld [tilespmem:s24+$0xFFFFFFF0];
	v49 =	vmul.f32 $1.442695020e+00, v59;
	s0 =	smin.f32 s0, $5.000000000e+00  }
0x1ea: {  	v2 =	vmov s0;
	v5 =	vunpack.i.l.bf16.f32 v13;
	[tilespmem:s17+$0x50] =	vst v29;
	v29 =	vunpack.i.u.bf16.f32 v13;
	v12 =	vpop (erf)  }
0x1eb: {  	v40 =	vmul.f32 $1.442695020e+00, v2;
	v7 =	vld [tilespmem:s26+$0x30];
	v38 =	vmul.f32 v12, v5;
	v13 =	vpop (erf);
	v6 =	vunpack.i.u.bf16.f32 v4  }
0x1ec: {  	v58 =	vld [tilespmem:s24+$0x30];
	v56 =	vunpack.i.l.bf16.f32 v4;
	v57 =	vunpack.i.u.bf16.f32 v25;
	v29 =	vmul.f32 v13, v29  }
0x1ed: {  	v50 =	vld [tilespmem:s29+$0xFFFFFFB0];
	v25 =	vunpack.i.l.bf16.f32 v25;
	v0 =	vunpack.i.u.bf16.f32 v26;
	v26 =	vunpack.i.l.bf16.f32 v26;
	[tilespmem:s28+$0xB0] =	vst v38  }
0x1ee: {  	v46 =	vmul.f32 v25, v56;
	v53 =	vmul.f32 v57, v6;
	v25 =	vunpack.i.l.bf16.f32 v28;
	v38 =	vld [tilespmem:s29+$0xFFFFFFF0];
	[tilespmem:s28+$0xC0] =	vst v29  }
0x1ef: {  	v24 =	vunpack.i.u.bf16.f32 v30;
	s24 =	spop (v2sf);
	v47 =	vmul.f32 v25, v26;
	v26 =	vbroadcast v40, $0x0;
	v1 =	vld [tilespmem:s15+$0xA0]  }
0x1f0: {  	s0 =	smax.f32 s24, $-5.000000000e+00;
	v29 =	vunpack.i.u.bf16.f32 v28;
	v28 =	vbroadcast v49, $0x0;
	v3 =	vld [tilespmem:s16+$0x60];
	v4 =	vunpack.i.u.bf16.f32 v7  }
0x1f1: {  	s25 =	spop (v2sf);
	s0 =	smin.f32 s0, $5.000000000e+00;
	v41 =	vunpack.i.l.bf16.f32 v7;
	v5 =	vunpack.i.u.bf16.f32 v58;
	v6 =	vld [tilespmem:s11+$0x60];
	v25 =	vunpack.i.l.bf16.f32 v58  }
0x1f2: {  	v48 =	vmul.f32 v29, v0;
	(erf) = vpow2.f32 v28;
	v28 =	vmov s0;
	s0 =	smax.f32 s25, $-5.000000000e+00  }
0x1f3: {  	v56 =	vunpack.i.u.bf16.f32 v50;
	v40 =	vmul.f32 v25, v41;
	v41 =	vmul.f32 v5, v4;
	s0 =	smin.f32 s0, $5.000000000e+00  }
0x1f4: {  	v28 =	vmul.f32 $1.442695020e+00, v28;
	(erf) = vpow2.f32 v26;
	v26 =	vmov s0  }
0x1f5: {  	v52 =	vunpack.i.l.bf16.f32 v38;
	s30 =	spop (v2sf);
	v25 =	vunpack.i.l.bf16.f32 v1;
	v29 =	vunpack.i.l.bf16.f32 v3  }
0x1f6: {  	s0 =	smax.f32 s30, $-5.000000000e+00;
	v25 =	vmul.f32 v29, v25;
	v29 =	vmul.f32 $1.442695020e+00, v26;
	v26 =	vunpack.i.l.bf16.f32 v6  }
0x1f7: {  	v0 =	vld [tilespmem:s29+$0x30];
	v7 =	vbroadcast v28, $0x0;
	v51 =	vunpack.i.u.bf16.f32 v1;
	v49 =	vunpack.i.u.bf16.f32 v3;
	s0 =	smin.f32 s0, $5.000000000e+00  }
0x1f8: {  	v3 =	vunpack.i.l.bf16.f32 v50;
	v28 =	vpop (erf);
	s31 =	spop (v2sf);
	v54 =	vmul.f32 v26, v25;
	v25 =	vmov s0  }
0x1f9: {  	[tilespmem:s10+$0x110] =	vst v14;
	v2 =	vunpack.i.u.bf16.f32 v6;
	v49 =	vmul.f32 v49, v51;
	v51 =	vmul.f32 v3, v46;
	s0 =	smax.f32 s31, $-5.000000000e+00;
	v26 =	vpop (erf)  }
0x1fa: {  	[tilespmem:s10+$0xF0] =	vst v31;
	v50 =	vunpack.i.u.bf16.f32 v38;
	v1 =	vbroadcast v29, $0x0;
	v14 =	vmul.f32 $1.442695020e+00, v25;
	s0 =	smin.f32 s0, $5.000000000e+00;
	v29 =	vpop (erf)  }
0x1fb: {  	[tilespmem:s10+$0x100] =	vst v36;
	v31 =	vmul.f32 v2, v49;
	(erf) = vpow2.f32 v7;
	v5 =	vmov s0;
	v25 =	vpop (erf)  }
0x1fc: {  	[tilespmem:s17+$0x110] =	vst v44;
	v44 =	vunpack.i.u.bf16.f32 v0;
	v14 =	vbroadcast v14, $0x0;
	v7 =	vmul.f32 $1.442695020e+00, v5;
	v4 =	vpop (erf)  }
0x1fd: {  	v36 =	vld [tilespmem:s26+$0xFFFFFFF0];
	v46 =	vunpack.i.l.bf16.f32 v0;
	(erf) = vpow2.f32 v1;
	(xrf2) =	vadd.scan.msk.f32 $0xffff, v54;
	v6 =	vmul.f32 v4, v39  }
0x1fe: {  	s2 =	simm.s32 $0x8;
	s20 =	simm.s32 $0x7A0;
	(xrf2) =	vadd.scan.msk.f32 $0xffff, v31;
	v31 =	vld [tilespmem:s26+$0x70];
	v58 =	vpop (erf);
	v45 =	vsel vm2, v45, v4;
	v38 =	vbroadcast v7, $0x0;
	(erf) = vpow2.f32 v14  }
0x1ff: {  	s24 =	simm.s32 $0x3F20;
	s29 =	simm.s32 $0x2B20;
	v39 =	vld [tilespmem:s26+$0xFFFFFF70];
	s26 =	simm.s32 $0x5640;
	v42 =	vmul.f32 v58, v42;
	v19 =	vsel vm3, v45, v58;
	v45 =	vmul.f32 v56, v53;
	[tilespmem:s28+$0xFFFFFF00] =	vst v6  }
.LBB2_7:
0x200: {  	_ = 	snop  }
0x201: {  	s16 =	sadd.s32 $0x100, s16;
	v7 =	vld [tilespmem:s20+$0xFFFFFF80]  }
0x202: {  	(erf) = vpow2.f32 v38;
	v38 =	vmul.f32 v52, v47;
	v47 =	vld [tilespmem:s16+$0x40]  }
0x203: {  	v55 =	vld [tilespmem:s16+$0xFFFFFFC0]  }
0x204: {  	[tilespmem:s28+$0xFFFFFF10] =	vst v42;
	v42 =	vmul.f32 v46, v40;
	v41 =	vmul.f32 v44, v41  }
0x205: {  	v49 =	vld [tilespmem:s20+$0x80];
	(xrf2) =	vadd.scan.msk.f32 $0xffff, v51;
	v53 =	vunpack.i.u.bf16.f32 v39;
	v54 =	vunpack.i.l.bf16.f32 v39;
	v39 =	vmul.f32 v50, v48  }
0x206: {  	s11 =	sadd.s32 $0x100, s11;
	v40 =	vld [tilespmem:s16+$0xFFFFFF80];
	v51 =	vunpack.i.u.bf16.f32 v36;
	v56 =	vunpack.i.l.bf16.f32 v36;
	v52 =	vunpack.i.l.bf16.f32 v31;
	v4 =	vpop (erf)  }
0x207: {  	v44 =	vunpack.i.u.bf16.f32 v7;
	(erf) = vpow2.f32 v37;
	v37 =	vld [tilespmem:s11+$0x40];
	v2 =	vunpack.i.l.bf16.f32 v47;
	v6, _, _ =	vpop (xrf2)  }
0x208: {  	v47 =	vunpack.i.u.bf16.f32 v47;
	v36 =	vunpack.i.l.bf16.f32 v55;
	(xrf2) =	vadd.scan.msk.f32 $0xffff, v45;
	(v2sf) =	vpush v6, $0xF;
	v3, _, _ =	vpop (xrf2)  }
0x209: {  	v5 =	vmul.f32 v4, v35;
	v27 =	vsel vm2, v27, v4;
	(v2sf) =	vpush v3, $0xF  }
0x20a: {  	(erf) = vpow2.f32 v43;
	v45 =	vunpack.i.l.bf16.f32 v30;
	v30 =	vunpack.i.l.bf16.f32 v49  }
0x20b: {  	v50 =	vpop (erf);
	v35 =	vunpack.i.u.bf16.f32 v31;
	v48 =	vunpack.i.u.bf16.f32 v40;
	v4 =	vld [tilespmem:s20+$0xFFFFFF00];
	v30 =	vmul.f32 v2, v30  }
0x20c: {  	v11 =	vmovc v61;
	v34 =	vmul.f32 v50, v34;
	v0 =	vsel vm3, v27, v50;
	v27 =	vld [tilespmem:s20+$0x0];
	[tilespmem:s28+$0xFFFFFF90] =	vst v5;
	v5 =	vunpack.i.l.bf16.f32 v37  }
0x20d: {  	v40 =	vunpack.i.l.bf16.f32 v40;
	v50 =	vld [tilespmem:s16+$0x0];
	v49 =	vunpack.i.u.bf16.f32 v49;
	(xrf2) =	vadd.scan.msk.f32 $0xffff, v38;
	v38 =	vpop (erf);
	v30 =	vmul.f32 v5, v30  }
0x20e: {  	v46 =	vld [tilespmem:s11+$0xFFFFFF80];
	v43 =	vunpack.i.l.bf16.f32 v7;
	v47 =	vmul.f32 v47, v49;
	[tilespmem:s28+$0xFFFFFFA0] =	vst v34;
	v33 =	vmul.f32 v38, v33;
	v57 =	vpop (erf)  }
0x20f: {  	v36 =	vmul.f32 v36, v43;
	v61 =	vld [tilespmem:s11+$0xFFFFFFC0];
	v58, _, _ =	vpop (xrf2);
	v37 =	vunpack.i.u.bf16.f32 v37;
	v32 =	vmul.f32 v57, v32;
	(xrf2) =	vadd.scan.msk.f32 $0xffff, v30  }
0x210: {  	v31 =	vmovc v19;
	v19 =	vmovc v63;
	v63 =	vld [tilespmem:s20+$0xFFFFFFC0];
	[tilespmem:s28+$0x20] =	vst v33;
	v33 =	vunpack.i.u.bf16.f32 v55;
	v37 =	vmul.f32 v37, v47;
	v7 =	vunpack.i.u.bf16.f32 v4  }
0x211: {  	v14 =	vmovc v62;
	v34 =	vunpack.i.l.bf16.f32 v4;
	v62 =	vld [tilespmem:s11+$0x0];
	v6 =	vunpack.i.u.bf16.f32 v27;
	v27 =	vunpack.i.l.bf16.f32 v27  }
0x212: {  	v4 =	vunpack.i.u.bf16.f32 v50;
	v34 =	vmul.f32 v40, v34;
	v40 =	vmul.f32 v48, v7;
	v59, _, _ =	vpop (xrf2);
	(xrf2) =	vadd.scan.msk.f32 $0xffff, v37  }
0x213: {  	v5 =	vunpack.i.l.bf16.f32 v50;
	v1 =	vld [tilespmem:s20+$0x40];
	v33 =	vmul.f32 v33, v44;
	v44 =	vunpack.i.l.bf16.f32 v46  }
0x214: {  	v43 =	vld [tilespmem:s15+$0xFFFFFF20];
	[tilespmem:$0x1FF70] =	vst v0;
	v27 =	vmul.f32 v5, v27;
	v0 =	vmul.f32 v4, v6;
	v6 =	vunpack.i.l.bf16.f32 v61  }
0x215: {  	v2 =	vld [tilespmem:s29+$0xFFFFFFA0];
	v34 =	vmul.f32 v44, v34;
	v48 =	vunpack.i.l.bf16.f32 v63;
	v36 =	vmul.f32 v6, v36  }
0x216: {  	v20 =	vmovc v60;
	v37 =	vunpack.i.u.bf16.f32 v46;
	v46 =	vunpack.i.u.bf16.f32 v61;
	v7 =	vunpack.i.u.bf16.f32 v62  }
0x217: {  	v5 =	vunpack.i.l.bf16.f32 v62;
	v60, _, _ =	vpop (xrf2);
	(xrf2) =	vadd.scan.msk.f32 $0xffff, v39;
	v37 =	vmul.f32 v37, v40;
	v40 =	vld [tilespmem:s29+$0xFFFFFFE0];
	v44 =	vmul.f32 v46, v33;
	s0 =	spop (v2sf)  }
0x218: {  	v27 =	vmul.f32 v5, v27;
	v0 =	vmul.f32 v7, v0;
	v33 =	vunpack.i.u.bf16.f32 v1;
	(xrf2) =	vadd.scan.msk.f32 $0xffff, v34;
	s0 =	smax.f32 s0, $-5.000000000e+00;
	s1 =	spop (v2sf)  }
0x219: {  	v3 =	vld [tilespmem:s15+$0xFFFFFFA0];
	v34 =	vunpack.i.l.bf16.f32 v1;
	v1 =	vunpack.i.u.bf16.f32 v43;
	v6, _, _ =	vpop (xrf2);
	(xrf2) =	vadd.scan.msk.f32 $0xffff, v37;
	v37 =	vunpack.i.l.bf16.f32 v43;
	s0 =	smin.f32 s0, $5.000000000e+00;
	s1 =	smax.f32 s1, $-5.000000000e+00  }
0x21a: {  	v30 =	vld [tilespmem:s20+$0xFFFFFF40];
	v43 =	vunpack.i.u.bf16.f32 v2;
	v2 =	vunpack.i.l.bf16.f32 v2;
	v7 =	vmov s0;
	s14 =	smin.f32 s1, $5.000000000e+00  }
0x21b: {  	[tilespmem:s28+$0x30] =	vst v32;
	v62 =	vld [tilespmem:s24+$0xFFFFFFA0];
	(v2sf) =	vpush v6, $0xF;
	v32 =	vmul.f32 $1.442695020e+00, v7;
	v5 =	vmov s14  }
0x21c: {  	v6 =	vld [tilespmem:s29+$0x20];
	v2 =	vmul.f32 v2, v37;
	v37 =	vunpack.i.l.bf16.f32 v40;
	v39, _, _ =	vpop (xrf2);
	v5 =	vmul.f32 $1.442695020e+00, v5  }
0x21d: {  	(xrf2) =	vadd.scan.msk.f32 $0xffff, v36;
	v36 =	vunpack.i.u.bf16.f32 v40;
	v40 =	vld [tilespmem:s24+$0x20];
	(v2sf) =	vpush v39, $0xF;
	v32 =	vbroadcast v32, $0x0  }
0x21e: {  	v55 =	vpop (erf);
	v4 =	vunpack.i.u.bf16.f32 v3;
	v3 =	vunpack.i.l.bf16.f32 v3;
	v39 =	vld [tilespmem:s15+$0x20];
	v5 =	vbroadcast v5, $0x0  }
0x21f: {  	v49 =	vpop (erf);
	v47 =	vunpack.i.u.bf16.f32 v30;
	v50 =	vunpack.i.l.bf16.f32 v30;
	(erf) = vpow2.f32 v32  }
0x220: {  	v30 =	vld [tilespmem:s24+$0xFFFFFFE0];
	v1 =	vmul.f32 v43, v1;
	v43 =	vunpack.i.l.bf16.f32 v62;
	(erf) = vpow2.f32 v5  }
0x221: {  	v8 =	vunpack.i.u.bf16.f32 v62;
	v3 =	vmul.f32 v37, v3;
	v2 =	vmul.f32 v43, v2;
	v7, _, _ =	vpop (xrf2)  }
0x222: {  	v61 =	vld [tilespmem:s15+$0xFFFFFF60];
	v46 =	vunpack.i.u.bf16.f32 v63;
	v1 =	vmul.f32 v8, v1;
	v4 =	vmul.f32 v36, v4;
	v32, _, _ =	vpop (xrf2);
	(xrf2) =	vadd.scan.msk.f32 $0xffff, v44  }
0x223: {  	v9 =	vld [tilespmem:s15+$0x60];
	v43 =	vunpack.i.l.bf16.f32 v40;
	v62 =	vunpack.i.u.bf16.f32 v39;
	v44 =	vunpack.i.u.bf16.f32 v6  }
0x224: {  	v39 =	vunpack.i.l.bf16.f32 v39;
	v6 =	vunpack.i.l.bf16.f32 v6;
	v5 =	vmul.f32 v44, v62;
	v62 =	vld [tilespmem:s15+$0xE0]  }
0x225: {  	(v2sf) =	vpush v32, $0xF;
	v32 =	vunpack.i.u.bf16.f32 v30;
	v6 =	vmul.f32 v6, v39;
	v36, _, _ =	vpop (xrf2);
	(xrf2) =	vadd.scan.msk.f32 $0xffff, v27  }
0x226: {  	v63 =	vld [tilespmem:s15+$0xFFFFFFE0];
	v30 =	vunpack.i.l.bf16.f32 v30;
	v39 =	vunpack.i.u.bf16.f32 v40;
	(v2sf) =	vpush v36, $0xF  }
0x227: {  	v27 =	vunpack.i.u.bf16.f32 v61;
	v3 =	vmul.f32 v30, v3;
	v30 =	vunpack.i.l.bf16.f32 v61;
	v8, _, _ =	vpop (xrf2)  }
0x228: {  	v36 =	vunpack.i.u.bf16.f32 v9;
	(xrf2) =	vadd.scan.msk.f32 $0xffff, v0;
	v0 =	vmul.f32 v32, v4;
	v4 =	vmul.f32 v43, v6;
	v43 =	vpop (erf)  }
0x229: {  	v32 =	vmul.f32 v39, v5;
	v61 =	vunpack.i.l.bf16.f32 v62;
	v62 =	vunpack.i.u.bf16.f32 v62;
	v44 =	vpop (erf)  }
0x22a: {  	v39 =	vunpack.i.l.bf16.f32 v9;
	v6 =	vld [tilespmem:$0x1FFF0];
	(v2sf) =	vpush v8, $0xF;
	(xrf2) =	vadd.scan.msk.f32 $0xffff, v2;
	s21 =	spop (v2sf);
	v9 =	vmul.f32 v44, v62  }
0x22b: {  	v37 =	vunpack.i.u.bf16.f32 v63;
	v40 =	vunpack.i.l.bf16.f32 v63;
	s0 =	smax.f32 s21, $-5.000000000e+00;
	v5 =	vmul.f32 v43, v61  }
0x22c: {  	v8 =	vsel vm2, v20, v38;
	s0 =	smin.f32 s0, $5.000000000e+00;
	v63, _, _ =	vpop (xrf2);
	s22 =	spop (v2sf);
	(v2sf) =	vpush v58, $0xF;
	[tilespmem:s28+$0xE0] =	vst v9;
	v9 =	vsel vm5, v23, v18;
	v18 =	vld [tilespmem:$0x1FF90]  }
0x22d: {  	v38 =	vsel vm3, v8, v57;
	v57 =	vmov s0;
	[tilespmem:s28+$0xD0] =	vst v5;
	(v2sf) =	vpush v63, $0xF;
	v63 =	vld [tilespmem:$0x1FF80]  }
0x22e: {  	v14 =	vmul.f32 v25, v14;
	(xrf2) =	vadd.scan.msk.f32 $0xffff, v1;
	v58 =	vmul.f32 $1.442695020e+00, v57;
	s1 =	smax.f32 s22, $-5.000000000e+00;
	v8 =	vld [tilespmem:s15+$0xB0]  }
0x22f: {  	v2 =	vsel vm5, v6, v17;
	v61, _, _ =	vpop (xrf2);
	(xrf2) =	vadd.scan.msk.f32 $0xffff, v3;
	v3 =	vsel vm5, v22, v21;
	s23 =	smin.f32 s1, $5.000000000e+00;
	(v2sf) =	vpush v59, $0xF;
	v6 =	vld [tilespmem:s29+$0x70]  }
0x230: {  	v1 =	vbroadcast v58, $0x0;
	v17 =	vld [tilespmem:s24+$0x70];
	v59 =	vmov s23;
	(v2sf) =	vpush v60, $0xF  }
0x231: {  	v21 =	vsel vm6, v10, v28;
	v5 =	vmul.f32 $1.442695020e+00, v59;
	(v2sf) =	vpush v61, $0xF  }
0x232: {  	v10 =	vmov v53;
	v53 =	vmul.f32 v29, v19;
	v62, _, _ =	vpop (xrf2);
	(erf) = vpow2.f32 v1  }
0x233: {  	[tilespmem:s10+$0xFFFFFFE0] =	vst v14;
	v58 =	vmovc v9;
	v9 =	vld [tilespmem:$0x1FFA0];
	(v2sf) =	vpush v7, $0xF;
	v5 =	vbroadcast v5, $0x0;
	v18 =	vmul.f32 v28, v18  }
0x234: {  	[tilespmem:$0x1FF80] =	vst v10;
	v22, _, _ =	vpop (xrf2);
	s25 =	spop (v2sf);
	(v2sf) =	vpush v62, $0xF;
	v23 =	vmul.f32 v26, v63;
	v20 =	vunpack.i.l.bf16.f32 v8  }
0x235: {  	[tilespmem:s10+$0xFFFFFFD0] =	vst v53;
	v1 =	vmovc v54;
	v54 =	vld [tilespmem:$0x1FFD0];
	s0 =	smax.f32 s25, $-5.000000000e+00;
	s30 =	spop (v2sf);
	v19 =	vunpack.i.l.bf16.f32 v6;
	(v2sf) =	vpush v22, $0xF;
	v59 =	vunpack.i.l.bf16.f32 v17  }
0x236: {  	[tilespmem:$0x1FF90] =	vst v1;
	v1 =	vld [tilespmem:s20+$0xC0];
	v8 =	vunpack.i.u.bf16.f32 v8;
	v6 =	vunpack.i.u.bf16.f32 v6;
	s0 =	smin.f32 s0, $5.000000000e+00;
	(erf) = vpow2.f32 v5  }
0x237: {  	(xrf2) =	vadd.scan.msk.f32 $0xffff, v0;
	v19 =	vmul.f32 v19, v20;
	v6 =	vmul.f32 v6, v8;
	v57 =	vmov s0;
	s0 =	smax.f32 s30, $-5.000000000e+00  }
0x238: {  	v10 =	vmovc v2;
	(xrf2) =	vadd.scan.msk.f32 $0xffff, v4;
	v8 =	vunpack.i.u.bf16.f32 v17;
	v9 =	vmul.f32 v55, v9;
	v7 =	vmul.f32 $1.442695020e+00, v57;
	s0 =	smin.f32 s0, $5.000000000e+00  }
0x239: {  	[tilespmem:s10+$0xFFFFFF40] =	vst v18;
	s31 =	spop (v2sf);
	v2 =	vmul.f32 v59, v19;
	v18, _, _ =	vpop (xrf2);
	v6 =	vmul.f32 v8, v6;
	v19 =	vmov s0  }
0x23a: {  	v63 =	vmovc v56;
	[tilespmem:$0x1FFD0] =	vst v58;
	v62 =	vmovc v51;
	v5 =	vsel vm6, v54, v29;
	s1 =	smax.f32 s31, $-5.000000000e+00;
	(v2sf) =	vpush v18, $0xF;
	v56 =	vmul.f32 $1.442695020e+00, v19  }
0x23b: {  	v8 =	vld [tilespmem:$0x1FFE0];
	v54 =	vmovc v52;
	[tilespmem:s10+$0x60] =	vst v9;
	v53 =	vbroadcast v7, $0x0;
	s0 =	smin.f32 s1, $5.000000000e+00;
	(xrf2) =	vadd.scan.msk.f32 $0xffff, v2;
	v9 =	vunpack.i.l.bf16.f32 v1;
	s4 =	spop (v2sf)  }
0x23c: {  	v58, _, _ =	vpop (xrf2);
	[tilespmem:$0x1FFA0] =	vst v54;
	v54 =	vmul.f32 v16, v45;
	v57 =	vmov s0;
	v4 =	vbroadcast v56, $0x0;
	s5 =	spop (v2sf)  }
0x23d: {  	v1 =	vunpack.i.u.bf16.f32 v1;
	v17 =	vpop (erf);
	(xrf2) =	vadd.scan.msk.f32 $0xffff, v6;
	v14 =	vmul.f32 $1.442695020e+00, v57;
	(erf) = vpow2.f32 v53;
	s0 =	smax.f32 s4, $-5.000000000e+00;
	s1 =	smax.f32 s5, $-5.000000000e+00  }
0x23e: {  	v51 =	vmovc v3;
	v5 =	vsel vm7, v5, v25;
	v9 =	vmul.f32 v17, v9;
	v56 =	vmul.f32 v49, v11;
	s4 =	spop (v2sf);
	s1 =	smin.f32 s1, $5.000000000e+00  }
0x23f: {  	[tilespmem:s10+$0xFFFFFF50] =	vst v23;
	v59 =	vbroadcast v14, $0x0;
	v19 =	vpop (erf);
	(v2sf) =	vpush v58, $0xF;
	(erf) = vpow2.f32 v4;
	s5 =	spop (v2sf);
	s4 =	smax.f32 s4, $-5.000000000e+00  }
0x240: {  	s28 =	sadd.s32 $0x240, s28;
	[tilespmem:$0x1FFE0] =	vst v51;
	v8 =	vsel vm6, v8, v55;
	v55 =	vsel vm7, v21, v26;
	v14 =	vmul.f32 v19, v1;
	s6 =	spop (v2sf);
	s5 =	smax.f32 s5, $-5.000000000e+00  }
0x241: {  	v60, _, _ =	vpop (xrf2);
	[tilespmem:s28+$0x90] =	vst v9;
	v8 =	vsel vm7, v8, v49;
	(erf) = vpow2.f32 v59;
	v61 =	vmov s1;
	s8 =	smin.f32 s4, $5.000000000e+00;
	s1 =	smax.f32 s6, $-5.000000000e+00  }
0x242: {  	v53, _, _ =	vpop (xrf2);
	v59 =	vmul.f32 v15, v24;
	(v2sf) =	vpush v60, $0xF;
	v52 =	vmul.f32 $1.442695020e+00, v61;
	[tilespmem:s28+$0xA0] =	vst v14;
	s6 =	spop (v2sf);
	s12 =	smin.f32 s5, $5.000000000e+00  }
0x243: {  	[tilespmem:s10+$0xFFFFFFF0] =	vst v5;
	v16 =	vmov s8;
	s1 =	smin.f32 s1, $5.000000000e+00;
	v0 =	vld [tilespmem:s20+$0x90];
	s7 =	spop (v2sf);
	(v2sf) =	vpush v53, $0xF;
	v21 =	vmov s12  }
0x244: {  	(xrf2) =	vadd.scan.msk.f32 $0xffff, v32;
	s0 =	smin.f32 s0, $5.000000000e+00;
	v9 =	vld [tilespmem:s16+$0x50];
	s6 =	smax.f32 s6, $-5.000000000e+00;
	v24 =	vmul.f32 $1.442695020e+00, v16;
	v11 =	vbroadcast v52, $0x0;
	v57 =	vmov s1  }
0x245: {  	[tilespmem:s10+$0xFFFFFF60] =	vst v55;
	v60 =	vld [tilespmem:s11+$0x50];
	v61 =	vmov v35;
	s1 =	smax.f32 s7, $-5.000000000e+00;
	v32, _, _ =	vpop (xrf2);
	v35 =	vmov s0;
	s9 =	spop (v2sf);
	v58 =	vmul.f32 $1.442695020e+00, v57  }
0x246: {  	(xrf2) =	vadd.scan.msk.f32 $0xffff, v42;
	s13 =	smin.f32 s6, $5.000000000e+00;
	s1 =	smin.f32 s1, $5.000000000e+00;
	v26 =	vpop (erf);
	v18 =	vmul.f32 $1.442695020e+00, v35;
	(v2sf) =	vpush v32, $0xF;
	(erf) = vpow2.f32 v11  }
0x247: {  	[tilespmem:s10+$0x70] =	vst v56;
	v49, _, _ =	vpop (xrf2);
	v25 =	vmov s13;
	v15 =	vmov s1;
	v51 =	vmul.f32 v26, v50  }
0x248: {  	[tilespmem:s10+$0x80] =	vst v8;
	(v2sf) =	vpush v49, $0xF;
	v1 =	vbroadcast v58, $0x0;
	v42 =	vmul.f32 $1.442695020e+00, v15;
	v20 =	vpop (erf)  }
0x249: {  	(xrf2) =	vadd.scan.msk.f32 $0xffff, v41;
	v45 =	vunpack.i.l.bf16.f32 v0;
	v8 =	vunpack.i.l.bf16.f32 v9;
	s14 =	spop (v2sf);
	v55 =	vmul.f32 v20, v47  }
0x24a: {  	v52 =	vunpack.i.l.bf16.f32 v60;
	v0 =	vunpack.i.u.bf16.f32 v0;
	[tilespmem:s28+$0xFFFFFEE0] =	vst v51;
	v7 =	vmul.f32 v8, v45;
	s4 =	smax.f32 s14, $-5.000000000e+00  }
0x24b: {  	s10 =	smov.u32 s17;
	s1 =	smax.f32 s9, $-5.000000000e+00;
	v53 =	vunpack.i.u.bf16.f32 v9;
	v5 =	vbroadcast v42, $0x0;
	v22 =	vpop (erf);
	(erf) = vpow2.f32 v1;
	s4 =	smin.f32 s4, $5.000000000e+00;
	[tilespmem:s28+$0xFFFFFEF0] =	vst v55  }
0x24c: {  	[tilespmem:s10+$0x100] =	vst v59;
	s1 =	smin.f32 s1, $5.000000000e+00;
	v0 =	vmul.f32 v53, v0;
	v3 =	vmul.f32 v52, v7;
	v59 =	vmov s4;
	v35 =	vld [tilespmem:s20+$0xFFFFFF10]  }
0x24d: {  	[tilespmem:s10+$0xF0] =	vst v54;
	v58 =	vmov s1;
	(erf) = vpow2.f32 v5;
	v41 =	vmul.f32 $1.442695020e+00, v59;
	v42 =	vld [tilespmem:s16+$0xFFFFFF90]  }
0x24e: {  	v54, _, _ =	vpop (xrf2);
	v57 =	vunpack.i.u.bf16.f32 v60;
	v56 =	vmul.f32 v22, v48;
	v52 =	vld [tilespmem:s11+$0xFFFFFF90];
	(xrf2) =	vadd.scan.msk.f32 $0xffff, v3;
	v3 =	vmul.f32 $1.442695020e+00, v58;
	s21 =	spop (v2sf)  }
0x24f: {  	v28 =	vnsel vm0, $0x0, v26;
	v0 =	vmul.f32 v57, v0;
	v15 =	vbroadcast v41, $0x0;
	v23 =	vpop (erf);
	s1 =	smax.f32 s21, $-5.000000000e+00  }
0x250: {  	(v2sf) =	vpush v54, $0xF;
	[tilespmem:s28+$0xFFFFFF70] =	vst v56;
	v32, _, _ =	vpop (xrf2);
	v45 =	vbroadcast v3, $0x0;
	v60 =	vmul.f32 v23, v46;
	s23 =	smin.f32 s1, $5.000000000e+00  }
0x251: {  	(xrf2) =	vadd.scan.msk.f32 $0xffff, v0;
	s22 =	spop (v2sf);
	(v2sf) =	vpush v32, $0xF;
	v46 =	vmov s23;
	v8 =	vunpack.i.u.bf16.f32 v35  }
0x252: {  	v6 =	vunpack.i.l.bf16.f32 v35;
	v54 =	vunpack.i.u.bf16.f32 v42;
	v2 =	vunpack.i.l.bf16.f32 v42;
	[tilespmem:s28+$0xFFFFFF80] =	vst v60  }
0x253: {  	v50, _, _ =	vpop (xrf2);
	s25 =	smax.f32 s22, $-5.000000000e+00;
	v5 =	vunpack.i.u.bf16.f32 v52;
	v1 =	vunpack.i.l.bf16.f32 v52;
	v48 =	vmul.f32 $1.442695020e+00, v46;
	s31 =	spop (v2sf);
	v47 =	vld [tilespmem:s20+$0xFFFFFF90]  }
0x254: {  	s30 =	smin.f32 s25, $5.000000000e+00;
	v29 =	vpop (erf);
	(erf) = vpow2.f32 v45;
	(v2sf) =	vpush v50, $0xF;
	v2 =	vmul.f32 v2, v6;
	v51 =	vld [tilespmem:s16+$0xFFFFFFD0];
	s0 =	smax.f32 s31, $-5.000000000e+00  }
0x255: {  	v8 =	vmul.f32 v54, v8;
	v49 =	vmov s30;
	v53 =	vmul.f32 v29, v34;
	v9 =	vld [tilespmem:s11+$0xFFFFFFD0];
	s0 =	smin.f32 s0, $5.000000000e+00;
	s1 =	spop (v2sf)  }
0x256: {  	v34 =	vld [tilespmem:s20+$0xFFFFFF50];
	v3 =	vmul.f32 $1.442695020e+00, v49;
	v0 =	vbroadcast v48, $0x0;
	v26 =	vpop (erf);
	v16 =	vmov s0;
	s0 =	smax.f32 s1, $-5.000000000e+00  }
0x257: {  	v46 =	vnsel vm0, $0x0, v22;
	v1 =	vmul.f32 v1, v2;
	v55 =	vmul.f32 v26, v33;
	s4 =	spop (v2sf);
	s0 =	smin.f32 s0, $5.000000000e+00  }
0x258: {  	v49 =	vld [tilespmem:$0x1FFB0];
	[tilespmem:s28+$0x0] =	vst v53;
	s1 =	smax.f32 s4, $-5.000000000e+00;
	v3 =	vbroadcast v3, $0x0;
	v14 =	vmov s0;
	v56 =	vunpack.i.u.bf16.f32 v47  }
0x259: {  	v33 =	vld [tilespmem:s20+$0xFFFFFFD0];
	v57, _, _ =	vpop (xrf2);
	[tilespmem:s28+$0x10] =	vst v55;
	s5 =	smin.f32 s1, $5.000000000e+00;
	v4 =	vunpack.i.l.bf16.f32 v47;
	v58 =	vunpack.i.u.bf16.f32 v51;
	v7 =	vunpack.i.l.bf16.f32 v51  }
0x25a: {  	v59 =	vld [tilespmem:s20+$0x10];
	(v2sf) =	vpush v57, $0xF;
	v53 =	vmul.f32 $1.442695020e+00, v14;
	v11 =	vmov s5  }
0x25b: {  	v60 =	vld [tilespmem:s16+$0x10];
	v51, _, _ =	vpop (xrf2);
	v54 =	vunpack.i.u.bf16.f32 v9;
	v9 =	vunpack.i.l.bf16.f32 v9;
	v42 =	vunpack.i.u.bf16.f32 v34  }
0x25c: {  	v6 =	vmul.f32 v58, v56;
	(v2sf) =	vpush v51, $0xF;
	v56 =	vmul.f32 $1.442695020e+00, v11  }
0x25d: {  	(xrf2) =	vadd.scan.msk.f32 $0xffff, v1;
	v45 =	vunpack.i.l.bf16.f32 v34;
	v47 =	vmul.f32 $1.442695020e+00, v25;
	v57 =	vbroadcast v53, $0x0  }
0x25e: {  	v52 =	vld [tilespmem:s11+$0x10];
	v4 =	vmul.f32 v7, v4;
	v1 =	vnsel vm0, $0x0, v49;
	v48 =	vbroadcast v56, $0x0  }
0x25f: {  	s6 =	spop (v2sf);
	v55 =	vld [tilespmem:s20+$0x50];
	v34 =	vunpack.i.u.bf16.f32 v33;
	v53 =	vmul.f32 $1.442695020e+00, v16;
	v41 =	vpop (erf);
	(erf) = vpow2.f32 v57  }
0x260: {  	s0 =	smax.f32 s6, $-5.000000000e+00;
	v51 =	vld [tilespmem:$0x1FFC0];
	v7 =	vunpack.i.l.bf16.f32 v59;
	v32 =	vunpack.i.l.bf16.f32 v60;
	(erf) = vpow2.f32 v48  }
0x261: {  	s0 =	smin.f32 s0, $5.000000000e+00;
	v35 =	vunpack.i.l.bf16.f32 v33;
	v11 =	vmul.f32 v32, v7;
	v32 =	vmul.f32 v5, v8  }
0x262: {  	v4 =	vmul.f32 v9, v4;
	v6 =	vmul.f32 v54, v6;
	v54 =	vmov s0  }
0x263: {  	v57 =	vmul.f32 v41, v30;
	v58 =	vunpack.i.u.bf16.f32 v59;
	v59 =	vunpack.i.u.bf16.f32 v60;
	(xrf2) =	vadd.scan.msk.f32 $0xffff, v32  }
0x264: {  	v60 =	vunpack.i.u.bf16.f32 v52;
	v48 =	vunpack.i.l.bf16.f32 v52;
	v33 =	vunpack.i.l.bf16.f32 v55  }
0x265: {  	v8 =	vmul.f32 v59, v58;
	v1 =	vsel vm1, v1, v51;
	(erf) = vpow2.f32 v15;
	(xrf2) =	vadd.scan.msk.f32 $0xffff, v4  }
0x266: {  	s17 =	smov.u32 s26;
	v7 =	vmul.f32 $1.442695020e+00, v54;
	v1 =	vsel vm2, v1, v12;
	v5 =	vmul.f32 v48, v11;
	(xrf2) =	vadd.scan.msk.f32 $0xffff, v6  }
0x267: {  	[tilespmem:s17+$0xFFFFFF20] =	vst v57;
	v57 =	vbroadcast v24, $0x0;
	s7 =	spop (v2sf);
	v2 =	vmul.f32 v60, v8;
	v1 =	vsel vm3, v1, v13;
	v56, _, _ =	vpop (xrf2)  }
0x268: {  	s1 =	smax.f32 s7, $-5.000000000e+00;
	v32 =	vunpack.i.u.bf16.f32 v55;
	s8 =	spop (v2sf);
	v1 =	vsel vm4, v1, v43;
	(xrf2) =	vadd.scan.msk.f32 $0xffff, v5;
	v16 =	vpop (erf);
	(erf) = vpow2.f32 v0  }
0x269: {  	v55 =	vbroadcast v7, $0x0;
	s1 =	smin.f32 s1, $5.000000000e+00;
	v4 =	vbroadcast v53, $0x0;
	s4 =	smax.f32 s8, $-5.000000000e+00;
	v1 =	vsel vm5, v1, v44  }
0x26a: {  	v8 =	vmov s1;
	v44 =	vmul.f32 $1.442695020e+00, v21;
	s4 =	smin.f32 s4, $5.000000000e+00;
	v15 =	vpop (erf);
	(erf) = vpow2.f32 v3;
	s9 =	spop (v2sf)  }
0x26b: {  	v8 =	vmul.f32 $1.442695020e+00, v8;
	(erf) = vpow2.f32 v4;
	s0 =	smax.f32 s9, $-5.000000000e+00;
	s12 =	spop (v2sf);
	(v2sf) =	vpush v56, $0xF  }
0x26c: {  	v50 =	vmovc v17;
	v58 =	vmov s4;
	v1 =	vsel vm6, v1, v16;
	(erf) = vpow2.f32 v55;
	s0 =	smin.f32 s0, $5.000000000e+00;
	s13 =	smax.f32 s12, $-5.000000000e+00  }
0x26d: {  	v0 =	vmul.f32 $1.442695020e+00, v58;
	v1 =	vsel vm7, v1, v15;
	v59 =	vmov s0;
	s14 =	smin.f32 s13, $5.000000000e+00;
	v43, _, _ =	vpop (xrf2)  }
0x26e: {  	v30 =	vld [tilespmem:s15+$0xF0];
	v17 =	vpop (erf);
	[tilespmem:s17+$0x110] =	vst v1;
	v1 =	vmul.f32 $1.442695020e+00, v59;
	v60 =	vmov s14;
	(v2sf) =	vpush v43, $0xF  }
0x26f: {  	v49 =	vsel vm1, v28, v20;
	v58 =	vbroadcast v44, $0x0;
	(xrf2) =	vadd.scan.msk.f32 $0xffff, v2;
	v53, _, _ =	vpop (xrf2);
	v3 =	vmul.f32 $1.442695020e+00, v60  }
0x270: {  	v52 =	vmov v19;
	v54 =	vmul.f32 v17, v27;
	v56, _, _ =	vpop (xrf2);
	v1 =	vbroadcast v1, $0x0  }
0x271: {  	[tilespmem:$0x1FFC0] =	vst v52;
	v2 =	vbroadcast v47, $0x0;
	v47 =	vld [tilespmem:$0x1FF70];
	(v2sf) =	vpush v53, $0xF;
	v9 =	vbroadcast v3, $0x0;
	v55 =	vpop (erf)  }
0x272: {  	v52 =	vnsel vm0, $0x0, v29;
	[tilespmem:s17+$0xFFFFFF30] =	vst v54;
	v59 =	vld [tilespmem:s20+$0xD0];
	v12, _, _ =	vpop (xrf2);
	(erf) = vpow2.f32 v1;
	v11 =	vmul.f32 v55, v40  }
0x273: {  	v14 =	vld [tilespmem:s15+$0xFFFFFF30];
	(v2sf) =	vpush v56, $0xF;
	(erf) = vpow2.f32 v9;
	v9 =	vbroadcast v18, $0x0;
	v18 =	vpop (erf)  }
0x274: {  	[tilespmem:$0x1FFB0] =	vst v50;
	v27 =	vsel vm1, v46, v23;
	v43 =	vbroadcast v0, $0x0;
	v44 =	vmul.f32 v18, v37;
	v46 =	vpop (erf)  }
0x275: {  	v60 =	vsel vm1, v52, v26;
	[tilespmem:s17+$0xFFFFFFB0] =	vst v11;
	v37 =	vbroadcast v8, $0x0;
	v8 =	vld [tilespmem:s29+$0xFFFFFFB0];
	v13 =	vmul.f32 v46, v39;
	v21 =	vpop (erf)  }
0x276: {  	(v2sf) =	vpush v12, $0xF;
	v23 =	vsel vm4, v47, v55;
	v1 =	vld [tilespmem:s24+$0xFFFFFFB0];
	[tilespmem:s17+$0xFFFFFFC0] =	vst v44;
	v50 =	vmul.f32 v21, v36  }
0x277: {  	v52 =	vunpack.i.l.bf16.f32 v59;
	v53 =	vunpack.i.u.bf16.f32 v59;
	(erf) = vpow2.f32 v9;
	v48 =	vld [tilespmem:s15+$0xFFFFFFB0];
	[tilespmem:s17+$0x40] =	vst v13  }
0x278: {  	v55 =	vunpack.i.u.bf16.f32 v14;
	v11 =	vsel vm4, v31, v41;
	(erf) = vpow2.f32 v57;
	v6 =	vld [tilespmem:s29+$0xFFFFFFF0];
	[tilespmem:s17+$0x50] =	vst v50  }
0x279: {  	v22 =	vsel vm4, v38, v46;
	v57 =	vunpack.i.l.bf16.f32 v14;
	v51, _, _ =	vpop (xrf2);
	(erf) = vpow2.f32 v58;
	v56 =	vld [tilespmem:s15+$0x30]  }
0x27a: {  	v9 =	vunpack.i.u.bf16.f32 v8;
	v14 =	vld [tilespmem:s29+$0x30];
	v58 =	vunpack.i.l.bf16.f32 v8;
	s21 =	spop (v2sf);
	(v2sf) =	vpush v51, $0xF  }
0x27b: {  	v7 =	vunpack.i.u.bf16.f32 v1;
	v3 =	vmul.f32 v58, v57;
	v4 =	vmul.f32 v9, v55;
	v12 =	vpop (erf)  }
0x27c: {  	v1 =	vunpack.i.l.bf16.f32 v1;
	(erf) = vpow2.f32 v2;
	s0 =	smax.f32 s21, $-5.000000000e+00;
	v54 =	vmul.f32 v12, v52;
	v13 =	vpop (erf)  }
0x27d: {  	s0 =	smin.f32 s0, $5.000000000e+00;
	v8 =	vunpack.i.u.bf16.f32 v48;
	v59 =	vunpack.i.u.bf16.f32 v6;
	v2 =	vmul.f32 v13, v53;
	s22 =	spop (v2sf)  }
0x27e: {  	v0 =	vunpack.i.l.bf16.f32 v48;
	v25 =	vmov s0;
	v48 =	vmul.f32 v59, v8;
	[tilespmem:s28+$0xB0] =	vst v54;
	s0 =	smax.f32 s22, $-5.000000000e+00  }
0x27f: {  	v38 =	vld [tilespmem:s24+$0xFFFFFFF0];
	v25 =	vmul.f32 $1.442695020e+00, v25;
	v5 =	vunpack.i.l.bf16.f32 v56;
	v53 =	vunpack.i.l.bf16.f32 v14;
	[tilespmem:s28+$0xC0] =	vst v2;
	s0 =	smin.f32 s0, $5.000000000e+00  }
0x280: {  	s23 =	spop (v2sf);
	v41 =	vunpack.i.u.bf16.f32 v56;
	v40 =	vmul.f32 v53, v5;
	v44 =	vld [tilespmem:s20+$0xA0];
	v9 =	vmov s0  }
0x281: {  	v51 =	vunpack.i.u.bf16.f32 v14;
	v47 =	vbroadcast v25, $0x0;
	v50 =	vld [tilespmem:s16+$0x60];
	s0 =	smax.f32 s23, $-5.000000000e+00;
	v9 =	vmul.f32 $1.442695020e+00, v9  }
0x282: {  	v6 =	vunpack.i.l.bf16.f32 v6;
	v28 =	vpop (erf);
	s25 =	spop (v2sf);
	v41 =	vmul.f32 v51, v41;
	v51 =	vmul.f32 v1, v3;
	v52 =	vld [tilespmem:s11+$0x60];
	s0 =	smin.f32 s0, $5.000000000e+00  }
0x283: {  	v46 =	vld [tilespmem:s24+$0x30];
	v26 =	vpop (erf);
	(erf) = vpow2.f32 v47;
	v55 =	vmov s0;
	s0 =	smax.f32 s25, $-5.000000000e+00;
	v54 =	vbroadcast v9, $0x0  }
0x284: {  	v24 =	vunpack.i.u.bf16.f32 v30;
	v29 =	vpop (erf);
	v47 =	vmul.f32 v6, v0;
	v56 =	vmul.f32 $1.442695020e+00, v55;
	s0 =	smin.f32 s0, $5.000000000e+00  }
0x285: {  	v25 =	vpop (erf);
	v59 =	vmov s0;
	v57 =	vunpack.i.l.bf16.f32 v44;
	(erf) = vpow2.f32 v54  }
0x286: {  	s30 =	spop (v2sf);
	v58 =	vunpack.i.l.bf16.f32 v50;
	v2 =	vbroadcast v56, $0x0;
	v53 =	vmul.f32 $1.442695020e+00, v59  }
0x287: {  	s0 =	smax.f32 s30, $-5.000000000e+00;
	v54 =	vunpack.i.l.bf16.f32 v52;
	v8 =	vunpack.i.u.bf16.f32 v44;
	v9 =	vunpack.i.u.bf16.f32 v50  }
0x288: {  	s0 =	smin.f32 s0, $5.000000000e+00;
	v50 =	vunpack.i.u.bf16.f32 v38;
	v44 =	vunpack.i.u.bf16.f32 v46;
	v0 =	vmul.f32 v58, v57  }
0x289: {  	s2 =	sadd.s32 $0x4, s2;
	v55 =	vmov s0;
	v8 =	vmul.f32 v9, v8;
	v5 =	vbroadcast v53, $0x0;
	s31 =	spop (v2sf)  }
0x28a: {  	p2 =	slt.u32 s2, $0x24;
	v9 =	vunpack.i.u.bf16.f32 v52;
	v6 =	vmul.f32 $1.442695020e+00, v55;
	(erf) = vpow2.f32 v2;
	s0 =	smax.f32 s31, $-5.000000000e+00  }
.Ltmp3:
0x28b: {  	v46 =	vunpack.i.l.bf16.f32 v46;
	v0 =	vmul.f32 v54, v0;
	v9 =	vmul.f32 v9, v8;
	s0 =	smin.f32 s0, $5.000000000e+00;
	(pc) =	sbr.rel @p2 .LBB2_7-.Ltmp3, $4  }
0x28c: {  	[tilespmem:$0x1FFF0] =	vst v11;
	v6 =	vbroadcast v6, $0x0;
	v56 =	vpop (erf);
	(erf) = vpow2.f32 v5;
	v8 =	vmov s0  }
0x28d: {  	v39 =	vld [tilespmem:s15+$0xFFFFFF70];
	v52 =	vunpack.i.l.bf16.f32 v38;
	(xrf2) =	vadd.scan.msk.f32 $0xffff, v0;
	v57 =	vmul.f32 v56, v45;
	v8 =	vmul.f32 $1.442695020e+00, v8  }
0x28e: {  	s26 =	smov.u32 s28;
	v36 =	vld [tilespmem:s15+$0xFFFFFFF0];
	s29 =	smov.u32 s16;
	(xrf2) =	vadd.scan.msk.f32 $0xffff, v9;
	v59 =	vsel vm2, v49, v56;
	v45 =	vmul.f32 v7, v4;
	v58 =	vpop (erf);
	(erf) = vpow2.f32 v6  }
0x28f: {  	s24 =	smov.u32 s11;
	v31 =	vld [tilespmem:s15+$0x70];
	s15 =	smov.u32 s20;
	s20 =	sadd.s32 $0x200, s20;
	[tilespmem:s28+$0xFFFFFF00] =	vst v57;
	v38 =	vbroadcast v8, $0x0;
	v42 =	vmul.f32 v58, v42;
	v19 =	vsel vm3, v59, v58  }
0x290: {  	_ =	sdelay $0x6  }
0x291: {  	v0, _, _ =	vpop (xrf2)  }
0x292: {  	(v2sf) =	vpush v0, $0xF;
	v6, _, _ =	vpop (xrf2)  }
0x293: {  	(v2sf) =	vpush v6, $0xF;
	_ =	sdelay $0xd  }
0x294: {  	s0 =	spop (v2sf)  }
0x295: {  	s0 =	smax.f32 s0, $-5.000000000e+00;
	s1 =	spop (v2sf)  }
0x296: {  	s0 =	smin.f32 s0, $5.000000000e+00;
	s1 =	smax.f32 s1, $-5.000000000e+00  }
0x297: {  	v7 =	vmov s0;
	s21 =	smin.f32 s1, $5.000000000e+00  }
0x298: {  	v0 =	vmul.f32 $1.442695020e+00, v7;
	v1 =	vmov s21  }
0x299: {  	(erf) = vpow2.f32 v38;
	v1 =	vmul.f32 $1.442695020e+00, v1  }
0x29a: {  	(erf) = vpow2.f32 v37;
	v0 =	vbroadcast v0, $0x0  }
0x29b: {  	(erf) = vpow2.f32 v43;
	v1 =	vbroadcast v1, $0x0  }
0x29c: {  	(erf) = vpow2.f32 v0  }
0x29d: {  	v38 =	vpop (erf);
	(erf) = vpow2.f32 v1  }
0x29e: {  	v43 =	vmul.f32 v38, v35;
	v35 =	vpop (erf)  }
0x29f: {  	[tilespmem:s28+$0xFFFFFF10] =	vst v42;
	v49 =	vmul.f32 v35, v34  }
0x2a0: {  	v2 =	vld [tilespmem:s15+$0xE0];
	[tilespmem:s28+$0xFFFFFF90] =	vst v43  }
0x2a1: {  	v54 =	vld [tilespmem:s29+$0xFFFFFFA0];
	v37 =	vpop (erf);
	[tilespmem:s28+$0xFFFFFFA0] =	vst v49  }
0x2a2: {  	v3 =	vmul.f32 v37, v33;
	v4 =	vld [tilespmem:s15+$0xFFFFFFA0];
	v34 =	vpop (erf)  }
0x2a3: {  	v5 =	vld [tilespmem:s29+$0xFFFFFFE0];
	v43 =	vpop (erf);
	v6 =	vmul.f32 v34, v32  }
0x2a4: {  	v53 =	vld [tilespmem:s15+$0xFFFFFF20];
	[tilespmem:s28+$0x20] =	vst v3;
	v33 =	vpop (erf)  }
0x2a5: {  	v8 =	vld [tilespmem:s24+$0xFFFFFFE0];
	[tilespmem:s28+$0x30] =	vst v6;
	v7 =	vunpack.i.l.bf16.f32 v2;
	v42 =	vpop (erf)  }
0x2a6: {  	v9 =	vld [tilespmem:s15+$0x20];
	v2 =	vunpack.i.u.bf16.f32 v2;
	v55 =	vmul.f32 v42, v7;
	v32 =	vpop (erf)  }
0x2a7: {  	v56 =	vunpack.i.u.bf16.f32 v54;
	v3 =	vld [tilespmem:s24+$0xFFFFFFA0];
	v57 =	vunpack.i.u.bf16.f32 v4;
	v2 =	vmul.f32 v32, v2  }
0x2a8: {  	v49 =	vld [tilespmem:s29+$0x20];
	v58 =	vunpack.i.l.bf16.f32 v4;
	v59 =	vunpack.i.u.bf16.f32 v5;
	v5 =	vunpack.i.l.bf16.f32 v5;
	[tilespmem:s28+$0xD0] =	vst v55  }
0x2a9: {  	v0 =	vunpack.i.l.bf16.f32 v53;
	v1 =	vunpack.i.l.bf16.f32 v54;
	v7 =	vmul.f32 v52, v47;
	v52 =	vld [tilespmem:s24+$0x20];
	[tilespmem:s28+$0xE0] =	vst v2  }
0x2aa: {  	v0 =	vmul.f32 v1, v0;
	v47 =	vmul.f32 v50, v48;
	v48 =	vunpack.i.u.bf16.f32 v53;
	v1 =	vld [tilespmem:s15+$0xB0]  }
0x2ab: {  	v4 =	vmul.f32 v59, v57;
	v54 =	vunpack.i.l.bf16.f32 v9;
	v6 =	vmul.f32 v56, v48;
	v48 =	vld [tilespmem:s29+$0x70]  }
0x2ac: {  	(xrf2) =	vadd.scan.msk.f32 $0xffff, v51;
	v53 =	vunpack.i.u.bf16.f32 v3;
	v3 =	vunpack.i.l.bf16.f32 v3;
	v56 =	vunpack.i.u.bf16.f32 v8  }
0x2ad: {  	(xrf2) =	vadd.scan.msk.f32 $0xffff, v45;
	v0 =	vmul.f32 v3, v0;
	v55 =	vunpack.i.l.bf16.f32 v49;
	v4 =	vmul.f32 v56, v4;
	v57 =	vld [tilespmem:s24+$0x70]  }
0x2ae: {  	(xrf2) =	vadd.scan.msk.f32 $0xffff, v7;
	v2 =	vmul.f32 v5, v58;
	v5 =	vmul.f32 v55, v54  }
0x2af: {  	v58 =	vunpack.i.l.bf16.f32 v8;
	(xrf2) =	vadd.scan.msk.f32 $0xffff, v47;
	v6 =	vmul.f32 v53, v6;
	v59 =	vunpack.i.l.bf16.f32 v52  }
0x2b0: {  	(xrf2) =	vadd.scan.msk.f32 $0xffff, v0;
	v2 =	vmul.f32 v58, v2;
	v45 =	vunpack.i.l.bf16.f32 v1;
	v47 =	vunpack.i.l.bf16.f32 v48  }
0x2b1: {  	(xrf2) =	vadd.scan.msk.f32 $0xffff, v6;
	v1 =	vunpack.i.u.bf16.f32 v1;
	v48 =	vunpack.i.u.bf16.f32 v48;
	v0 =	vmul.f32 v47, v45  }
0x2b2: {  	v3 =	vmul.f32 v59, v5;
	(xrf2) =	vadd.scan.msk.f32 $0xffff, v2;
	v51 =	vunpack.i.l.bf16.f32 v57;
	v1 =	vmul.f32 v48, v1  }
0x2b3: {  	(xrf2) =	vadd.scan.msk.f32 $0xffff, v4;
	v53 =	vunpack.i.u.bf16.f32 v57;
	v0 =	vmul.f32 v51, v0  }
0x2b4: {  	(xrf2) =	vadd.scan.msk.f32 $0xffff, v3;
	v1 =	vmul.f32 v53, v1  }
0x2b5: {  	(xrf2) =	vadd.scan.msk.f32 $0xffff, v0  }
0x2b6: {  	v54, _, _ =	vpop (xrf2);
	(xrf2) =	vadd.scan.msk.f32 $0xffff, v1  }
0x2b7: {  	(v2sf) =	vpush v54, $0xF;
	v55, _, _ =	vpop (xrf2)  }
0x2b8: {  	(v2sf) =	vpush v55, $0xF;
	v56, _, _ =	vpop (xrf2)  }
0x2b9: {  	v57, _, _ =	vpop (xrf2);
	(v2sf) =	vpush v56, $0xF  }
0x2ba: {  	v58 =	vunpack.i.u.bf16.f32 v9;
	v59 =	vunpack.i.u.bf16.f32 v49;
	(v2sf) =	vpush v57, $0xF;
	v7, _, _ =	vpop (xrf2)  }
0x2bb: {  	v6 =	vmul.f32 v59, v58;
	(v2sf) =	vpush v7, $0xF;
	v47, _, _ =	vpop (xrf2)  }
0x2bc: {  	v45 =	vunpack.i.u.bf16.f32 v52;
	(v2sf) =	vpush v47, $0xF;
	v48, _, _ =	vpop (xrf2)  }
0x2bd: {  	v0 =	vmul.f32 v45, v6;
	(v2sf) =	vpush v48, $0xF;
	v49, _, _ =	vpop (xrf2)  }
0x2be: {  	(v2sf) =	vpush v49, $0xF;
	v50, _, _ =	vpop (xrf2)  }
0x2bf: {  	(xrf2) =	vadd.scan.msk.f32 $0xffff, v0;
	(v2sf) =	vpush v50, $0xF;
	v51, _, _ =	vpop (xrf2)  }
0x2c0: {  	(v2sf) =	vpush v51, $0xF;
	v52, _, _ =	vpop (xrf2)  }
0x2c1: {  	(v2sf) =	vpush v52, $0xF;
	_ =	sdelay $0x4  }
0x2c2: {  	s12 =	spop (v2sf)  }
0x2c3: {  	s2 =	spop (v2sf)  }
0x2c4: {  	s11 =	spop (v2sf)  }
0x2c5: {  	v53, _, _ =	vpop (xrf2);
	s22 =	spop (v2sf)  }
0x2c6: {  	(v2sf) =	vpush v53, $0xF;
	s23 =	spop (v2sf)  }
0x2c7: {  	s4 =	spop (v2sf)  }
0x2c8: {  	s0 =	smax.f32 s23, $-5.000000000e+00;
	s5 =	spop (v2sf)  }
0x2c9: {  	s0 =	smin.f32 s0, $5.000000000e+00;
	s6 =	spop (v2sf)  }
0x2ca: {  	s4 =	smax.f32 s4, $-5.000000000e+00;
	s7 =	spop (v2sf)  }
0x2cb: {  	s4 =	smin.f32 s4, $5.000000000e+00;
	s8 =	spop (v2sf)  }
0x2cc: {  	v54 =	vmov s0;
	s25 =	smax.f32 s8, $-5.000000000e+00;
	s30 =	spop (v2sf)  }
0x2cd: {  	v55 =	vmov s4;
	v0 =	vmul.f32 $1.442695020e+00, v54;
	s0 =	smin.f32 s25, $5.000000000e+00;
	s31 =	smax.f32 s30, $-5.000000000e+00  }
0x2ce: {  	s5 =	smax.f32 s5, $-5.000000000e+00;
	v1 =	vmul.f32 $1.442695020e+00, v55;
	v56 =	vmov s0;
	s4 =	smin.f32 s31, $5.000000000e+00  }
0x2cf: {  	s5 =	smin.f32 s5, $5.000000000e+00;
	v0 =	vbroadcast v0, $0x0;
	v2 =	vmul.f32 $1.442695020e+00, v56;
	v57 =	vmov s4  }
0x2d0: {  	s6 =	smax.f32 s6, $-5.000000000e+00;
	v58 =	vmov s5;
	v1 =	vbroadcast v1, $0x0;
	v3 =	vmul.f32 $1.442695020e+00, v57  }
0x2d1: {  	v4 =	vmul.f32 $1.442695020e+00, v58;
	s0 =	smin.f32 s6, $5.000000000e+00;
	v2 =	vbroadcast v2, $0x0  }
0x2d2: {  	(erf) = vpow2.f32 v0;
	v59 =	vmov s0;
	v6 =	vbroadcast v3, $0x0  }
0x2d3: {  	v7 =	vmul.f32 $1.442695020e+00, v59;
	(erf) = vpow2.f32 v2  }
0x2d4: {  	v45 =	vbroadcast v4, $0x0;
	(erf) = vpow2.f32 v6  }
0x2d5: {  	s8 =	smax.f32 s7, $-5.000000000e+00;
	s9 =	spop (v2sf);
	v47 =	vbroadcast v7, $0x0;
	(erf) = vpow2.f32 v1  }
0x2d6: {  	s0 =	smin.f32 s8, $5.000000000e+00;
	s4 =	smax.f32 s9, $-5.000000000e+00;
	(erf) = vpow2.f32 v45  }
0x2d7: {  	v48 =	vmov s0;
	s13 =	smin.f32 s4, $5.000000000e+00;
	(erf) = vpow2.f32 v47  }
0x2d8: {  	v50 =	vld [tilespmem:s15+$0xFFFFFF60];
	v49 =	vmov s13;
	v1 =	vmul.f32 $1.442695020e+00, v48  }
0x2d9: {  	v2 =	vmul.f32 $1.442695020e+00, v49  }
0x2da: {  	v1 =	vbroadcast v1, $0x0  }
0x2db: {  	v56 =	vld [tilespmem:s15+$0xFFFFFFE0];
	v2 =	vbroadcast v2, $0x0;
	v45 =	vpop (erf)  }
0x2dc: {  	(erf) = vpow2.f32 v1;
	v53 =	vpop (erf)  }
0x2dd: {  	v57 =	vunpack.i.l.bf16.f32 v50;
	(erf) = vpow2.f32 v2;
	v52 =	vpop (erf)  }
0x2de: {  	v0 =	vunpack.i.u.bf16.f32 v50;
	v1 =	vmul.f32 v45, v57;
	v47 =	vpop (erf)  }
0x2df: {  	v0 =	vmul.f32 v47, v0;
	v49 =	vpop (erf)  }
0x2e0: {  	v58 =	vld [tilespmem:s15+$0x60];
	v59 =	vunpack.i.l.bf16.f32 v56;
	v3 =	vunpack.i.u.bf16.f32 v56;
	[tilespmem:s26+$0xFFFFFF20] =	vst v1;
	v48 =	vpop (erf)  }
0x2e1: {  	v7 =	vmul.f32 v49, v59;
	[tilespmem:s26+$0xFFFFFF30] =	vst v0;
	v51 =	vmul.f32 v48, v3  }
0x2e2: {  	v54 =	vld [tilespmem:s15+$0xFFFFFF30]  }
0x2e3: {  	[tilespmem:s26+$0xFFFFFFB0] =	vst v7;
	v3 =	vld [tilespmem:s29+$0xFFFFFFB0]  }
0x2e4: {  	v57 =	vmul.f32 v46, v40;
	v6 =	vld [tilespmem:s24+$0xFFFFFFB0];
	[tilespmem:s26+$0xFFFFFFC0] =	vst v51  }
0x2e5: {  	v55 =	vunpack.i.l.bf16.f32 v58;
	v56 =	vld [tilespmem:s15+$0xFFFFFFB0];
	v51 =	vpop (erf)  }
0x2e6: {  	v2 =	vunpack.i.u.bf16.f32 v58;
	v58 =	vmul.f32 v44, v41;
	(xrf2) =	vadd.scan.msk.f32 $0xffff, v57;
	v5 =	vld [tilespmem:s29+$0xFFFFFFF0];
	v0 =	vmul.f32 v51, v55;
	v50 =	vpop (erf)  }
0x2e7: {  	v2 =	vmul.f32 v50, v2  }
0x2e8: {  	(xrf2) =	vadd.scan.msk.f32 $0xffff, v58;
	v8 =	vld [tilespmem:s24+$0xFFFFFFF0];
	v59 =	vunpack.i.u.bf16.f32 v54;
	v1 =	vunpack.i.l.bf16.f32 v54;
	[tilespmem:s26+$0x40] =	vst v0  }
0x2e9: {  	v54 =	vunpack.i.u.bf16.f32 v3;
	v3 =	vunpack.i.l.bf16.f32 v3;
	v40 =	vunpack.i.u.bf16.f32 v6;
	[tilespmem:s26+$0x50] =	vst v2  }
0x2ea: {  	v1 =	vmul.f32 v3, v1;
	v57 =	vmul.f32 v54, v59;
	v59 =	vunpack.i.l.bf16.f32 v6;
	v9 =	vld [tilespmem:s15+$0x30]  }
0x2eb: {  	v55 =	vunpack.i.u.bf16.f32 v56;
	v4 =	vunpack.i.l.bf16.f32 v56;
	v58 =	vunpack.i.l.bf16.f32 v5;
	v7 =	vld [tilespmem:s29+$0x30]  }
0x2ec: {  	v56 =	vunpack.i.u.bf16.f32 v5;
	v2 =	vmul.f32 v58, v4;
	v1 =	vmul.f32 v59, v1  }
0x2ed: {  	v54 =	vunpack.i.l.bf16.f32 v8;
	v5 =	vld [tilespmem:s24+$0x30];
	v46 =	vmul.f32 v56, v55;
	v0 =	vmul.f32 v40, v57  }
0x2ee: {  	v55 =	vunpack.i.u.bf16.f32 v8;
	v2 =	vmul.f32 v54, v2;
	(xrf2) =	vadd.scan.msk.f32 $0xffff, v1  }
0x2ef: {  	v3 =	vmul.f32 v55, v46;
	(xrf2) =	vadd.scan.msk.f32 $0xffff, v0  }
0x2f0: {  	v40, _, _ =	vpop (xrf2);
	(xrf2) =	vadd.scan.msk.f32 $0xffff, v2;
	v56 =	vunpack.i.l.bf16.f32 v9;
	v57 =	vunpack.i.l.bf16.f32 v7  }
0x2f1: {  	(v2sf) =	vpush v40, $0xF;
	(xrf2) =	vadd.scan.msk.f32 $0xffff, v3;
	v1 =	vmul.f32 v57, v56  }
0x2f2: {  	v41, _, _ =	vpop (xrf2);
	v58 =	vunpack.i.u.bf16.f32 v9;
	v59 =	vunpack.i.u.bf16.f32 v7;
	v6 =	vunpack.i.l.bf16.f32 v5  }
0x2f3: {  	(v2sf) =	vpush v41, $0xF;
	v0 =	vmul.f32 v59, v58;
	v1 =	vmul.f32 v6, v1  }
0x2f4: {  	s1 =	smax.f32 s22, $-5.000000000e+00;
	v7 =	vunpack.i.u.bf16.f32 v5  }
0x2f5: {  	s22 =	smin.f32 s1, $5.000000000e+00;
	v0 =	vmul.f32 v7, v0;
	(xrf2) =	vadd.scan.msk.f32 $0xffff, v1  }
0x2f6: {  	s14 =	smax.f32 s12, $-5.000000000e+00;
	v8 =	vmov s22  }
0x2f7: {  	s0 =	smin.f32 s14, $5.000000000e+00;
	v8 =	vmul.f32 $1.442695020e+00, v8;
	(xrf2) =	vadd.scan.msk.f32 $0xffff, v0  }
0x2f8: {  	s2 =	smax.f32 s2, $-5.000000000e+00;
	v11 =	vld [tilespmem:$0x1FFE0];
	v58 =	vmov s0;
	v44, _, _ =	vpop (xrf2)  }
0x2f9: {  	s20 =	smin.f32 s2, $5.000000000e+00;
	v8 =	vbroadcast v8, $0x0;
	v4 =	vmul.f32 $1.442695020e+00, v58;
	v46, _, _ =	vpop (xrf2);
	(v2sf) =	vpush v44, $0xF  }
0x2fa: {  	s16 =	smax.f32 s11, $-5.000000000e+00;
	v14 =	vld [tilespmem:$0x1FFB0];
	v2 =	vunpack.i.l.bf16.f32 v39;
	v59 =	vmov s20;
	v54, _, _ =	vpop (xrf2);
	(v2sf) =	vpush v46, $0xF  }
0x2fb: {  	s21 =	smin.f32 s16, $5.000000000e+00;
	v56 =	vld [tilespmem:$0x1FF90];
	v5 =	vmul.f32 $1.442695020e+00, v59;
	v4 =	vbroadcast v4, $0x0;
	v55, _, _ =	vpop (xrf2);
	(v2sf) =	vpush v54, $0xF  }
0x2fc: {  	v57 =	vld [tilespmem:$0x1FF80];
	v0 =	vunpack.i.u.bf16.f32 v39;
	v39 =	vmov s21;
	(v2sf) =	vpush v55, $0xF  }
0x2fd: {  	v9 =	vunpack.i.l.bf16.f32 v36;
	v11 =	vsel vm6, v11, v43;
	v6 =	vmul.f32 $1.442695020e+00, v39  }
0x2fe: {  	v5 =	vbroadcast v5, $0x0;
	(erf) = vpow2.f32 v4;
	v46 =	vunpack.i.l.bf16.f32 v30  }
0x2ff: {  	v6 =	vbroadcast v6, $0x0;
	v4 =	vmul.f32 v16, v46;
	v16 =	vnsel vm0, $0x0, v14;
	v14 =	vld [tilespmem:$0x1FFC0];
	v40, _, _ =	vpop (xrf2)  }
0x300: {  	v1 =	vmul.f32 v28, v56;
	(erf) = vpow2.f32 v5;
	v55 =	vld [tilespmem:$0x1FFD0];
	(v2sf) =	vpush v40, $0xF  }
0x301: {  	v3 =	vmul.f32 v26, v57;
	v54 =	vsel vm6, v10, v28;
	s23 =	spop (v2sf);
	(erf) = vpow2.f32 v6;
	v41, _, _ =	vpop (xrf2)  }
0x302: {  	v10 =	vmul.f32 v29, v63;
	s0 =	smax.f32 s23, $-5.000000000e+00;
	s24 =	spop (v2sf);
	(erf) = vpow2.f32 v8;
	v8 =	vld [tilespmem:$0x1FFA0];
	[tilespmem:s10+$0xFFFFFF40] =	vst v1;
	(v2sf) =	vpush v41, $0xF  }
0x303: {  	v11 =	vsel vm7, v11, v33;
	v56 =	vmul.f32 v33, v61;
	v28 =	vmul.f32 v25, v62;
	[tilespmem:s10+$0xFFFFFF50] =	vst v3;
	s0 =	smin.f32 s0, $5.000000000e+00;
	s1 =	smax.f32 s24, $-5.000000000e+00  }
0x304: {  	v5 =	vsel vm7, v54, v26;
	[tilespmem:s10+$0xFFFFFFD0] =	vst v10;
	s1 =	smin.f32 s1, $5.000000000e+00;
	v26 =	vmov s0;
	v16 =	vsel vm1, v16, v14  }
0x305: {  	[tilespmem:s10+$0xFFFFFFE0] =	vst v28;
	v6 =	vsel vm6, v55, v29;
	v29 =	vmov s1;
	v12 =	vsel vm2, v16, v12  }
0x306: {  	[tilespmem:s10+$0xFFFFFF60] =	vst v5;
	v26 =	vmul.f32 $1.442695020e+00, v26;
	v16 =	vmul.f32 $1.442695020e+00, v29;
	v12 =	vsel vm3, v12, v13  }
0x307: {  	v57 =	vmul.f32 v15, v24;
	v33 =	vunpack.i.u.bf16.f32 v31;
	[tilespmem:s10+$0x70] =	vst v56;
	v10 =	vsel vm4, v12, v42  }
0x308: {  	[tilespmem:s10+$0x80] =	vst v11;
	v8 =	vmul.f32 v43, v8;
	v13 =	vbroadcast v26, $0x0;
	v10 =	vsel vm5, v10, v32;
	s25 =	spop (v2sf)  }
0x309: {  	v39 =	vunpack.i.l.bf16.f32 v31;
	v44 =	vunpack.i.u.bf16.f32 v36;
	[tilespmem:s17+$0xF0] =	vst v4;
	v15 =	vpop (erf);
	v12 =	vbroadcast v16, $0x0;
	s0 =	smax.f32 s25, $-5.000000000e+00;
	s29 =	spop (v2sf)  }
0x30a: {  	v2 =	vmul.f32 v15, v2;
	(erf) = vpow2.f32 v13;
	[tilespmem:s10+$0x60] =	vst v8;
	v8 =	vsel vm6, v10, v53;
	v16 =	vpop (erf);
	s30 =	spop (v2sf);
	s1 =	smax.f32 s29, $-5.000000000e+00  }
0x30b: {  	[tilespmem:s17+$0x100] =	vst v57;
	v6 =	vsel vm7, v6, v25;
	(erf) = vpow2.f32 v12;
	v63 =	vsel vm7, v8, v52;
	v10 =	vpop (erf);
	s0 =	smin.f32 s0, $5.000000000e+00;
	s31 =	spop (v2sf)  }
0x30c: {  	[tilespmem:s10+$0xFFFFFFF0] =	vst v6;
	v8 =	vld [tilespmem:s15+$0xF0];
	v0 =	vmul.f32 v16, v0;
	v5 =	vpop (erf);
	v9 =	vmul.f32 v10, v9;
	s2 =	smax.f32 s30, $-5.000000000e+00;
	s1 =	smin.f32 s1, $5.000000000e+00;
	v12 =	vmov s0  }
0x30d: {  	[tilespmem:s17+$0xFFFFFF40] =	vst v2;
	v58 =	vmul.f32 v5, v44;
	s4 =	smax.f32 s31, $-5.000000000e+00;
	s2 =	smin.f32 s2, $5.000000000e+00;
	v59 =	vmov s1;
	v12 =	vmul.f32 $1.442695020e+00, v12  }
0x30e: {  	[tilespmem:s26+$0x110] =	vst v63;
	v44 =	vsel vm5, v23, v18;
	s5 =	smin.f32 s4, $5.000000000e+00;
	v61 =	vmov s2;
	v7 =	vmul.f32 $1.442695020e+00, v59  }
0x30f: {  	[tilespmem:s17+$0xFFFFFF50] =	vst v0;
	v13 =	vmov s5;
	v6 =	vmul.f32 $1.442695020e+00, v61;
	v12 =	vbroadcast v12, $0x0;
	s6 =	spop (v2sf)  }
0x310: {  	v41 =	vld [tilespmem:$0x1FFF0];
	v0 =	vsel vm6, v44, v10;
	v13 =	vmul.f32 $1.442695020e+00, v13;
	v7 =	vbroadcast v7, $0x0;
	s7 =	smax.f32 s6, $-5.000000000e+00  }
0x311: {  	v56 =	vunpack.i.l.bf16.f32 v8;
	v32 =	vbroadcast v6, $0x0;
	(erf) = vpow2.f32 v12;
	s8 =	spop (v2sf);
	s9 =	smin.f32 s7, $5.000000000e+00  }
0x312: {  	v36 =	vbroadcast v13, $0x0;
	(erf) = vpow2.f32 v7;
	s11 =	smax.f32 s8, $-5.000000000e+00;
	v11 =	vmov s9  }
0x313: {  	v42 =	vld [tilespmem:s15+$0xFFFFFF70];
	v0 =	vsel vm7, v0, v5;
	(erf) = vpow2.f32 v32;
	s1 =	smin.f32 s11, $5.000000000e+00;
	v11 =	vmul.f32 $1.442695020e+00, v11  }
0x314: {  	[tilespmem:s17+$0xFFFFFFD0] =	vst v9;
	v1 =	vmul.f32 v53, v56;
	(erf) = vpow2.f32 v36;
	v62 =	vmov s1  }
0x315: {  	[tilespmem:s17+$0xFFFFFFE0] =	vst v58;
	v3 =	vsel vm5, v41, v17;
	v12 =	vpop (erf);
	v4 =	vmul.f32 $1.442695020e+00, v62;
	v40 =	vbroadcast v11, $0x0  }
0x316: {  	v54 =	vsel vm5, v22, v21;
	[tilespmem:s17+$0xFFFFFFF0] =	vst v0;
	v3 =	vsel vm6, v3, v15;
	v7 =	vmul.f32 v12, v39  }
0x317: {  	v55 =	vld [tilespmem:s15+$0xFFFFFFF0];
	[tilespmem:s26+$0xF0] =	vst v1;
	v3 =	vsel vm7, v3, v16;
	v43 =	vbroadcast v4, $0x0;
	(erf) = vpow2.f32 v40  }
0x318: {  	v2 =	vunpack.i.u.bf16.f32 v42;
	v58 =	vunpack.i.u.bf16.f32 v8;
	[tilespmem:s17+$0xFFFFFF60] =	vst v3;
	v9 =	vpop (erf);
	v57 =	vsel vm6, v54, v12  }
0x319: {  	v46 =	vmul.f32 v9, v33;
	v3 =	vsel vm7, v57, v9;
	[tilespmem:s17+$0x60] =	vst v7;
	(erf) = vpow2.f32 v43  }
0x31a: {  	v61 =	vsel vm2, v27, v38;
	v62 =	vunpack.i.l.bf16.f32 v42;
	[tilespmem:s17+$0x80] =	vst v3;
	v4 =	vmul.f32 v52, v58;
	v63 =	vpop (erf)  }
0x31b: {  	v8 =	vsel vm2, v60, v37;
	v59 =	vld [tilespmem:s15+$0x70];
	v0 =	vsel vm3, v61, v35;
	[tilespmem:s17+$0x70] =	vst v46;
	v32 =	vpop (erf);
	v6 =	vmul.f32 v63, v62  }
0x31c: {  	v0 =	vsel vm4, v0, v49;
	v9 =	vunpack.i.l.bf16.f32 v55;
	[tilespmem:s26+$0x100] =	vst v4;
	v33 =	vpop (erf);
	v2 =	vmul.f32 v32, v2  }
0x31d: {  	v8 =	vsel vm3, v8, v34;
	v0 =	vsel vm5, v0, v48;
	v9 =	vmul.f32 v33, v9;
	[tilespmem:s26+$0xFFFFFF40] =	vst v6  }
0x31e: {  	v35 =	vsel vm4, v19, v45;
	v7 =	vunpack.i.u.bf16.f32 v55;
	v10 =	vpop (erf);
	v0 =	vsel vm6, v0, v33;
	[tilespmem:s26+$0xFFFFFF50] =	vst v2  }
0x31f: {  	v6 =	vsel vm5, v35, v47;
	v36 =	vmul.f32 v10, v7;
	v0 =	vsel vm7, v0, v10;
	[tilespmem:s26+$0xFFFFFFD0] =	vst v9  }
0x320: {  	v8 =	vsel vm4, v8, v51;
	v11 =	vunpack.i.l.bf16.f32 v59;
	v3 =	vsel vm6, v6, v63;
	[tilespmem:s26+$0xFFFFFFF0] =	vst v0;
	v12 =	vpop (erf)  }
0x321: {  	v39 =	vsel vm5, v8, v50;
	v1 =	vsel vm7, v3, v32;
	[tilespmem:s26+$0xFFFFFFE0] =	vst v36;
	v37 =	vmul.f32 v12, v11  }
0x322: {  	v5 =	vunpack.i.u.bf16.f32 v59;
	[tilespmem:s26+$0xFFFFFF60] =	vst v1;
	v9 =	vpop (erf);
	v40 =	vsel vm6, v39, v12  }
0x323: {  	v38 =	vmul.f32 v9, v5;
	v1 =	vsel vm7, v40, v9;
	[tilespmem:s26+$0x60] =	vst v37  }
0x324: {  	[tilespmem:s26+$0x80] =	vst v1  }
0x325: {  	s12 =	rddreg [dreg:$0x2];
	s14 =	simm.s32 $0x28;
	s13 =	simm.s32 $0x50;
	[tilespmem:s26+$0x70] =	vst v38  }
0x326: {  	[spmem:s12] =	stream.indirect.scatter.add.f32 [tilespmem:s18], [sflag:$0x7], $0x90, s13, s14, $0xb8;
	[tilespmem:$0x1DD30] =	vst v63  }
0x327: {  	s15 =	rddreg [dreg:$0x12]  }
0x328: {  	s0 =	rddreg [dreg:$0xc]  }
0x329: {  	s1 =	rddreg [dreg:$0x13];
	p2 =	seq.s32 s15, $0x7C  }
0x32a: {  	s0 =	sadd.s32 @!p2 s1, s0  }
0x32b: {  	s2 =	rddreg [dreg:$0x6];
	s1 =	sshrl.u32 @!p2 s0, $0x3  }
0x32c: {  	s4 =	simm.s32 @!p2 $0x0;
	s2 =	sadd.s32 @!p2 s2, s1  }
0x32d: {  	[tilespmem:s4], [sflag:$0x9] =	stream.linear.gather @!p2 [hbm4b:s2+s4], $0x28, $0x38;
	[tilespmem:$0x1DD30] =	vst v63  }
0x32e: {  	s2 =	simm.s32 @!p2 $0x9  }
0x32f: {  	_ =	swait.ge @!p2 [sflag:s2], $0x28  }
0x330: {  	[sflag:s2] =	ssyncset.done @!p2 $0x0;
	s5 =	rddreg [dreg:$0x7]  }
0x331: {  	[sflag:s2] =	ssyncadd.s32 @!p2 $0xFFFFFFD8;
	s1 =	sadd.s32 @!p2 s5, s1;
	s5 =	simm.s32 @!p2 $0x50  }
0x332: {  	[tilespmem:s5], [sflag:$0x9] =	stream.linear.gather @!p2 [hbm4b:s1+s4], $0x28, $0x38;
	[tilespmem:$0x1DD30] =	vst v63  }
0x333: {  	_ =	swait.ge @!p2 [sflag:s2], $0x28  }
0x334: {  	[sflag:s2] =	ssyncset.done @!p2 $0x0  }
0x335: {  	[sflag:s2] =	ssyncadd.s32 @!p2 $0xFFFFFFD8  }
0x336: {  	s1 =	simm.s32 @!p2 $0x28;
	s2 =	simm.s32 @!p2 $0xA0;
	s6 =	rddreg [dreg:$0x0]  }
0x337: {  	[tilespmem:s2], [sflag:$0x1] =	stream.indirect.gather @!p2 [hbm4b:s6+s1], $0x80, s4, s1, $0xb8;
	[tilespmem:$0x1DD30] =	vst v63  }
0x338: {  	s0 =	sshll.u32 @!p2 s0, $0x3;
	s2 =	simm.s32 @!p2 $0x28A0;
	s6 =	rddreg [dreg:$0x4]  }
0x339: {  	[tilespmem:s2], [sflag:$0x3] =	stream.indirect.gather @!p2 [hbm4b:s6+s1], $0x40, s5, s1, $0xb8;
	[tilespmem:$0x1DD30] =	vst v63  }
0x33a: {  	s0 =	sand.u32 @!p2 $0xFFFFF80, s0;
	s1 =	rddreg [dreg:$0x5]  }
0x33b: {  	s16 =	simm.s32 $0x2;
	s0 =	sadd.s32 @!p2 s1, s0;
	s1 =	simm.s32 @!p2 $0x3CA0  }
0x33c: {  	[tilespmem:s1], [sflag:$0x5] =	stream.linear.gather @!p2 [hbm4b:s0+s4], $0xA00, $0x38;
	[tilespmem:$0x1DD30] =	vst v63  }
0x33d: {  	_ =	swait.ge [sflag:s16], $0x1400  }
0x33e: {  	[sflag:s16] =	ssyncset.done $0x0  }
0x33f: {  	s17 =	simm.s32 $0x4;
	[sflag:s16] =	ssyncadd.s32 $0xFFFFEC00  }
0x340: {  	_ =	swait.ge [sflag:s17], $0xA00  }
0x341: {  	[sflag:s17] =	ssyncset.done $0x0  }
0x342: {  	s20 =	simm.s32 $0x6;
	[sflag:s17] =	ssyncadd.s32 $0xFFFFF600  }
0x343: {  	_ =	swait.ge [sflag:s20], $0xA00  }
0x344: {  	[sflag:s20] =	ssyncset.done $0x0  }
0x345: {  	s0 =	simm.s32 @!p1 $0x8;
	[sflag:s20] =	ssyncadd.s32 $0xFFFFF600  }
0x346: {  	_ =	swait.ge @!p1 [sflag:s0], $0x1680  }
0x347: {  	[sflag:s0] =	ssyncset.done @!p1 $0x0  }
0x348: {  	s26 =	simm.s32 $0x1690;
	[sflag:s0] =	ssyncadd.s32 @!p1 $0xFFFFE980  }
0x349: {  	s2 =	simm.s32 $0x3390;
	v41 =	vld [tilespmem:s26+$0xFFFFFF90]  }
0x34a: {  	v42 =	vld [tilespmem:s2+$0xFFFFFFD0]  }
0x34b: {  	s20 =	simm.s32 $0x4790  }
0x34c: {  	v43 =	vld [tilespmem:s20+$0xFFFFFFD0];
	_ =	sdelay $0x2  }
0x34d: {  	v44 =	vunpack.i.l.bf16.f32 v41;
	v45 =	vunpack.i.l.bf16.f32 v42  }
0x34e: {  	v0 =	vunpack.i.u.bf16.f32 v41;
	v1 =	vunpack.i.u.bf16.f32 v42;
	v3 =	vmul.f32 v45, v44  }
0x34f: {  	v46 =	vunpack.i.l.bf16.f32 v43;
	v0 =	vmul.f32 v1, v0  }
0x350: {  	v2 =	vunpack.i.u.bf16.f32 v43;
	v47 =	vmul.f32 v46, v3  }
0x351: {  	v0 =	vmul.f32 v2, v0  }
0x352: {  	(xrf2) =	vadd.scan.msk.f32 $0xffff, v47  }
0x353: {  	(xrf2) =	vadd.scan.msk.f32 $0xffff, v0  }
0x354: {  	v48 =	vld [tilespmem:s2+$0xFFFFFF10]  }
0x355: {  	v49 =	vld [tilespmem:s26+$0xFFFFFE10]  }
0x356: {  	v50 =	vld [tilespmem:s26+$0xFFFFFE90]  }
0x357: {  	v52 =	vld [tilespmem:s2+$0xFFFFFF50];
	_ =	sdelay $0x1  }
0x358: {  	v51 =	vld [tilespmem:s20+$0xFFFFFF10];
	_ =	sdelay $0x1  }
0x359: {  	v55 =	vld [tilespmem:s20+$0xFFFFFF50];
	v54 =	vunpack.i.l.bf16.f32 v48;
	v8 =	vunpack.i.l.bf16.f32 v49  }
0x35a: {  	v59 =	vld [tilespmem:s26+$0xFFFFFF10];
	v57 =	vunpack.i.l.bf16.f32 v50;
	v9 =	vunpack.i.l.bf16.f32 v52;
	v6 =	vmul.f32 v54, v8;
	v53, _, _ =	vpop (xrf2)  }
0x35b: {  	v60 =	vld [tilespmem:s2+$0xFFFFFF90];
	v1 =	vunpack.i.u.bf16.f32 v49;
	v0 =	vunpack.i.u.bf16.f32 v48;
	(v2sf) =	vpush v53, $0xF;
	v56, _, _ =	vpop (xrf2)  }
0x35c: {  	v8 =	vunpack.i.l.bf16.f32 v51;
	v0 =	vmul.f32 v0, v1;
	(v2sf) =	vpush v56, $0xF  }
0x35d: {  	v63 =	vld [tilespmem:s20+$0xFFFFFF90];
	v61 =	vunpack.i.u.bf16.f32 v52;
	v58 =	vmul.f32 v8, v6;
	v3 =	vunpack.i.u.bf16.f32 v51  }
0x35e: {  	v5 =	vmul.f32 v9, v57;
	v2 =	vunpack.i.u.bf16.f32 v50;
	v0 =	vmul.f32 v3, v0  }
0x35f: {  	v7 =	vunpack.i.u.bf16.f32 v55;
	v8 =	vunpack.i.l.bf16.f32 v55;
	v2 =	vmul.f32 v61, v2;
	(xrf2) =	vadd.scan.msk.f32 $0xffff, v58  }
0x360: {  	v32 =	vunpack.i.l.bf16.f32 v59;
	v33 =	vunpack.i.l.bf16.f32 v60;
	v62 =	vmul.f32 v8, v5;
	(xrf2) =	vadd.scan.msk.f32 $0xffff, v0  }
0x361: {  	v34 =	vmul.f32 v33, v32;
	v2 =	vmul.f32 v7, v2  }
0x362: {  	v36 =	vunpack.i.l.bf16.f32 v63;
	(xrf2) =	vadd.scan.msk.f32 $0xffff, v62  }
0x363: {  	(xrf2) =	vadd.scan.msk.f32 $0xffff, v2;
	v2 =	vmul.f32 v36, v34;
	_ =	sdelay $0x1  }
0x364: {  	(xrf2) =	vadd.scan.msk.f32 $0xffff, v2;
	_ =	sdelay $0x1  }
0x365: {  	v35 =	vunpack.i.u.bf16.f32 v59;
	v1 =	vunpack.i.u.bf16.f32 v60  }
0x366: {  	v1 =	vmul.f32 v1, v35  }
0x367: {  	v0 =	vunpack.i.u.bf16.f32 v63;
	v37, _, _ =	vpop (xrf2)  }
0x368: {  	v0 =	vmul.f32 v0, v1;
	(v2sf) =	vpush v37, $0xF;
	v38, _, _ =	vpop (xrf2);
	s21 =	spop (v2sf)  }
0x369: {  	(v2sf) =	vpush v38, $0xF;
	s0 =	smax.f32 s21, $-5.000000000e+00;
	s22 =	spop (v2sf)  }
0x36a: {  	(xrf2) =	vadd.scan.msk.f32 $0xffff, v0;
	v39, _, _ =	vpop (xrf2);
	s0 =	smin.f32 s0, $5.000000000e+00;
	s1 =	smax.f32 s22, $-5.000000000e+00  }
0x36b: {  	(v2sf) =	vpush v39, $0xF;
	v42, _, _ =	vpop (xrf2);
	v40 =	vmov s0;
	s23 =	smin.f32 s1, $5.000000000e+00  }
0x36c: {  	(v2sf) =	vpush v42, $0xF;
	v0 =	vmul.f32 $1.442695020e+00, v40;
	v41 =	vmov s23  }
0x36d: {  	v43, _, _ =	vpop (xrf2);
	v1 =	vmul.f32 $1.442695020e+00, v41  }
0x36e: {  	(v2sf) =	vpush v43, $0xF;
	v0 =	vbroadcast v0, $0x0  }
0x36f: {  	v1 =	vbroadcast v1, $0x0  }
0x370: {  	(erf) = vpow2.f32 v0  }
0x371: {  	(erf) = vpow2.f32 v1;
	_ =	sdelay $0x2  }
0x372: {  	v44 =	vld [tilespmem:s26+$0xFFFFFFD0];
	v45, _, _ =	vpop (xrf2)  }
0x373: {  	(v2sf) =	vpush v45, $0xF;
	_ =	sdelay $0x1  }
0x374: {  	s24 =	spop (v2sf)  }
0x375: {  	s0 =	smax.f32 s24, $-5.000000000e+00;
	s25 =	spop (v2sf)  }
0x376: {  	v46 =	vunpack.i.l.bf16.f32 v44;
	s0 =	smin.f32 s0, $5.000000000e+00;
	s1 =	smax.f32 s25, $-5.000000000e+00;
	v2 =	vpop (erf)  }
0x377: {  	v48 =	vmov s0;
	s29 =	spop (v2sf);
	v0 =	vunpack.i.u.bf16.f32 v44;
	s30 =	smin.f32 s1, $5.000000000e+00;
	v47 =	vmul.f32 v2, v46;
	v1 =	vpop (erf)  }
0x378: {  	s9 =	simm.s32 $0x6950;
	v49 =	vmul.f32 $1.442695020e+00, v48;
	s31 =	smax.f32 s29, $-5.000000000e+00;
	s4 =	spop (v2sf);
	v0 =	vmul.f32 v1, v0  }
0x379: {  	s1 =	smin.f32 s31, $5.000000000e+00;
	s0 =	smax.f32 s4, $-5.000000000e+00;
	[tilespmem:s9+$0xFFFFFF80] =	vst v47  }
0x37a: {  	v3 =	vbroadcast v49, $0x0;
	v50 =	vmov s30;
	s0 =	smin.f32 s0, $5.000000000e+00;
	s5 =	spop (v2sf);
	[tilespmem:s9+$0xFFFFFF90] =	vst v0  }
0x37b: {  	v51 =	vmul.f32 $1.442695020e+00, v50;
	v52 =	vmov s1;
	v56 =	vmov s0;
	s0 =	smax.f32 s5, $-5.000000000e+00;
	v53 =	vld [tilespmem:s26+$0xFFFFFFA0]  }
0x37c: {  	v4 =	vmul.f32 $1.442695020e+00, v52;
	s0 =	smin.f32 s0, $5.000000000e+00;
	v54 =	vld [tilespmem:s2+$0xFFFFFFE0]  }
0x37d: {  	(erf) = vpow2.f32 v3;
	v63 =	vmov s0;
	v0 =	vbroadcast v51, $0x0  }
0x37e: {  	v55 =	vbroadcast v4, $0x0;
	v6 =	vmul.f32 $1.442695020e+00, v63;
	v57 =	vld [tilespmem:s20+$0xFFFFFFE0]  }
0x37f: {  	v58 =	vmul.f32 $1.442695020e+00, v56;
	(erf) = vpow2.f32 v0  }
0x380: {  	v34 =	vbroadcast v6, $0x0;
	(erf) = vpow2.f32 v55;
	v59 =	vunpack.i.l.bf16.f32 v53  }
0x381: {  	s6 =	spop (v2sf);
	v60 =	vunpack.i.l.bf16.f32 v54;
	v61 =	vunpack.i.u.bf16.f32 v53;
	v62 =	vunpack.i.u.bf16.f32 v54  }
0x382: {  	v32 =	vld [tilespmem:s26+$0xFFFFFE50];
	s7 =	smax.f32 s6, $-5.000000000e+00;
	v3 =	vmul.f32 v60, v59;
	v4 =	vmul.f32 v62, v61  }
0x383: {  	s0 =	smin.f32 s7, $5.000000000e+00;
	v0 =	vbroadcast v58, $0x0;
	v8 =	vunpack.i.l.bf16.f32 v57;
	v7 =	vunpack.i.u.bf16.f32 v57  }
0x384: {  	v33 =	vmov s0;
	v3 =	vmul.f32 v8, v3;
	v4 =	vmul.f32 v7, v4  }
0x385: {  	v35 =	vld [tilespmem:s26+$0xFFFFFED0];
	(erf) = vpow2.f32 v0;
	v0 =	vmul.f32 $1.442695020e+00, v33  }
0x386: {  	(erf) = vpow2.f32 v34;
	(xrf2) =	vadd.scan.msk.f32 $0xffff, v3  }
0x387: {  	v5 =	vunpack.i.u.bf16.f32 v32;
	v0 =	vbroadcast v0, $0x0;
	(xrf2) =	vadd.scan.msk.f32 $0xffff, v4  }
0x388: {  	v36 =	vunpack.i.l.bf16.f32 v32;
	v4 =	vpop (erf)  }
0x389: {  	(erf) = vpow2.f32 v0;
	v3 =	vpop (erf);
	v7 =	vmul.f32 v4, v36  }
0x38a: {  	v38 =	vunpack.i.l.bf16.f32 v35;
	v37 =	vmul.f32 v3, v5;
	v5 =	vpop (erf)  }
0x38b: {  	[tilespmem:s9+$0xFFFFFDD0] =	vst v7;
	v7 =	vmul.f32 v5, v38  }
0x38c: {  	v8 =	vld [tilespmem:s26+$0xFFFFFF50]  }
0x38d: {  	[tilespmem:s9+$0xFFFFFDE0] =	vst v37  }
0x38e: {  	v39 =	vunpack.i.u.bf16.f32 v35;
	v6 =	vpop (erf);
	v9 =	vld [tilespmem:s26+$0xFFFFFE20]  }
0x38f: {  	v0 =	vmul.f32 v6, v39;
	v10 =	vld [tilespmem:s2+$0xFFFFFF20];
	[tilespmem:s9+$0xFFFFFE60] =	vst v7;
	v7 =	vpop (erf)  }
0x390: {  	v40, _, _ =	vpop (xrf2)  }
0x391: {  	v12 =	vunpack.i.l.bf16.f32 v8;
	v41 =	vld [tilespmem:s20+$0xFFFFFF20];
	[tilespmem:s9+$0xFFFFFE70] =	vst v0;
	(v2sf) =	vpush v40, $0xF;
	v11, _, _ =	vpop (xrf2)  }
0x392: {  	v13 =	vld [tilespmem:s26+$0xFFFFFEA0];
	v12 =	vmul.f32 v7, v12;
	(v2sf) =	vpush v11, $0xF;
	v11 =	vunpack.i.u.bf16.f32 v8;
	v8 =	vpop (erf)  }
0x393: {  	v14 =	vld [tilespmem:s2+$0xFFFFFF60];
	v11 =	vmul.f32 v8, v11  }
0x394: {  	v15 =	vunpack.i.l.bf16.f32 v9;
	v16 =	vunpack.i.l.bf16.f32 v10;
	[tilespmem:s9+$0xFFFFFEF0] =	vst v12  }
0x395: {  	v17 =	vld [tilespmem:s20+$0xFFFFFF60];
	v9 =	vunpack.i.u.bf16.f32 v9;
	v10 =	vunpack.i.u.bf16.f32 v10;
	v12 =	vmul.f32 v16, v15;
	[tilespmem:s9+$0xFFFFFF00] =	vst v11  }
0x396: {  	v9 =	vmul.f32 v10, v9;
	v10 =	vunpack.i.l.bf16.f32 v41;
	v11 =	vld [tilespmem:s26+$0xFFFFFF20]  }
0x397: {  	v10 =	vmul.f32 v10, v12;
	v16 =	vld [tilespmem:s2+$0xFFFFFFA0]  }
0x398: {  	v0 =	vunpack.i.u.bf16.f32 v41;
	v15 =	vunpack.i.l.bf16.f32 v14;
	v12 =	vunpack.i.l.bf16.f32 v13  }
0x399: {  	v0 =	vmul.f32 v0, v9;
	v9 =	vmul.f32 v15, v12;
	(xrf2) =	vadd.scan.msk.f32 $0xffff, v10;
	v10 =	vld [tilespmem:s20+$0xFFFFFFA0]  }
0x39a: {  	v12 =	vunpack.i.l.bf16.f32 v17  }
0x39b: {  	v42 =	vunpack.i.u.bf16.f32 v13;
	v13 =	vunpack.i.u.bf16.f32 v14;
	(xrf2) =	vadd.scan.msk.f32 $0xffff, v0;
	v9 =	vmul.f32 v12, v9  }
0x39c: {  	v0 =	vmul.f32 v13, v42;
	v13 =	vunpack.i.l.bf16.f32 v11;
	v14 =	vunpack.i.l.bf16.f32 v16  }
0x39d: {  	v12 =	vunpack.i.u.bf16.f32 v17;
	(xrf2) =	vadd.scan.msk.f32 $0xffff, v9;
	v9 =	vmul.f32 v14, v13  }
0x39e: {  	v0 =	vmul.f32 v12, v0;
	v12 =	vunpack.i.l.bf16.f32 v10  }
0x39f: {  	v9 =	vmul.f32 v12, v9  }
0x3a0: {  	v11 =	vunpack.i.u.bf16.f32 v11;
	v13 =	vunpack.i.u.bf16.f32 v16;
	s8 =	spop (v2sf)  }
0x3a1: {  	(xrf2) =	vadd.scan.msk.f32 $0xffff, v0;
	v43 =	vmul.f32 v13, v11;
	s0 =	smax.f32 s8, $-5.000000000e+00;
	s10 =	spop (v2sf)  }
0x3a2: {  	v10 =	vunpack.i.u.bf16.f32 v10;
	s0 =	smin.f32 s0, $5.000000000e+00;
	s1 =	smax.f32 s10, $-5.000000000e+00  }
0x3a3: {  	v0 =	vmul.f32 v10, v43;
	(xrf2) =	vadd.scan.msk.f32 $0xffff, v9;
	v9, _, _ =	vpop (xrf2);
	v10 =	vmov s0;
	s11 =	smin.f32 s1, $5.000000000e+00  }
0x3a4: {  	(v2sf) =	vpush v9, $0xF;
	v9 =	vmul.f32 $1.442695020e+00, v10;
	v10 =	vmov s11  }
0x3a5: {  	v11, _, _ =	vpop (xrf2);
	v10 =	vmul.f32 $1.442695020e+00, v10  }
0x3a6: {  	(xrf2) =	vadd.scan.msk.f32 $0xffff, v0;
	(v2sf) =	vpush v11, $0xF;
	_ =	sdelay $0x1  }
0x3a7: {  	v44 =	vbroadcast v9, $0x0  }
0x3a8: {  	v9 =	vbroadcast v10, $0x0;
	v10, _, _ =	vpop (xrf2)  }
0x3a9: {  	(erf) = vpow2.f32 v44;
	(v2sf) =	vpush v10, $0xF  }
0x3aa: {  	(erf) = vpow2.f32 v9;
	v45, _, _ =	vpop (xrf2)  }
0x3ab: {  	v46 =	vld [tilespmem:s26+$0xFFFFFFE0];
	(v2sf) =	vpush v45, $0xF;
	_ =	sdelay $0x2  }
0x3ac: {  	v9, _, _ =	vpop (xrf2)  }
0x3ad: {  	(v2sf) =	vpush v9, $0xF;
	v9, _, _ =	vpop (xrf2)  }
0x3ae: {  	(v2sf) =	vpush v9, $0xF;
	v9 =	vunpack.i.l.bf16.f32 v46;
	_ =	sdelay $0x1  }
0x3af: {  	v10 =	vpop (erf)  }
0x3b0: {  	v0 =	vunpack.i.u.bf16.f32 v46;
	v11 =	vmul.f32 v10, v9;
	v9 =	vpop (erf);
	s12 =	spop (v2sf)  }
0x3b1: {  	v0 =	vmul.f32 v9, v0;
	s0 =	smax.f32 s12, $-5.000000000e+00;
	s13 =	spop (v2sf)  }
0x3b2: {  	[tilespmem:s9+$0xFFFFFFA0] =	vst v11;
	s0 =	smin.f32 s0, $5.000000000e+00;
	s1 =	smax.f32 s13, $-5.000000000e+00  }
0x3b3: {  	[tilespmem:s9+$0xFFFFFFB0] =	vst v0;
	v47 =	vmov s0;
	s14 =	smin.f32 s1, $5.000000000e+00  }
0x3b4: {  	v0 =	vmul.f32 $1.442695020e+00, v47;
	v12 =	vmov s14;
	v13 =	vld [tilespmem:s2+$0xFFFFFFF0]  }
0x3b5: {  	v11 =	vld [tilespmem:s26+$0xFFFFFFB0];
	v12 =	vmul.f32 $1.442695020e+00, v12;
	s15 =	spop (v2sf)  }
0x3b6: {  	v0 =	vbroadcast v0, $0x0;
	s0 =	smax.f32 s15, $-5.000000000e+00  }
0x3b7: {  	v14 =	vld [tilespmem:s20+$0xFFFFFFF0];
	v12 =	vbroadcast v12, $0x0;
	s16 =	spop (v2sf);
	s0 =	smin.f32 s0, $5.000000000e+00  }
0x3b8: {  	(erf) = vpow2.f32 v0;
	v15 =	vmov s0;
	s0 =	smax.f32 s16, $-5.000000000e+00  }
0x3b9: {  	v16 =	vunpack.i.l.bf16.f32 v13;
	(erf) = vpow2.f32 v12;
	v13 =	vunpack.i.u.bf16.f32 v13;
	s0 =	smin.f32 s0, $5.000000000e+00  }
0x3ba: {  	v48 =	vmul.f32 $1.442695020e+00, v15;
	v15 =	vunpack.i.l.bf16.f32 v11;
	v12 =	vmov s0  }
0x3bb: {  	s17 =	spop (v2sf);
	v11 =	vunpack.i.u.bf16.f32 v11;
	v15 =	vmul.f32 v16, v15;
	v12 =	vmul.f32 $1.442695020e+00, v12  }
0x3bc: {  	s21 =	smax.f32 s17, $-5.000000000e+00;
	v16 =	vunpack.i.l.bf16.f32 v14;
	v11 =	vmul.f32 v13, v11;
	v0 =	vbroadcast v48, $0x0  }
0x3bd: {  	s0 =	smin.f32 s21, $5.000000000e+00;
	v14 =	vunpack.i.u.bf16.f32 v14;
	v15 =	vmul.f32 v16, v15;
	v12 =	vbroadcast v12, $0x0  }
0x3be: {  	s22 =	spop (v2sf);
	v16 =	vmov s0;
	v49 =	vmul.f32 v14, v11;
	(erf) = vpow2.f32 v0  }
0x3bf: {  	s0 =	smax.f32 s22, $-5.000000000e+00;
	v14 =	vld [tilespmem:s26+$0xFFFFFE60];
	v13 =	vmul.f32 $1.442695020e+00, v16;
	(erf) = vpow2.f32 v12  }
0x3c0: {  	s0 =	smin.f32 s0, $5.000000000e+00  }
0x3c1: {  	s24 =	simm.s32 $0x3490;
	v11 =	vbroadcast v13, $0x0;
	v13 =	vmov s0  }
0x3c2: {  	v51 =	vld [tilespmem:s24+$0xFFFFFFD0];
	v12 =	vmul.f32 $1.442695020e+00, v13  }
0x3c3: {  	s17 =	simm.s32 $0x1890;
	v13 =	vld [tilespmem:s26+$0xFFFFFEE0]  }
0x3c4: {  	(xrf2) =	vadd.scan.msk.f32 $0xffff, v15;
	v15 =	vunpack.i.l.bf16.f32 v14;
	v50 =	vbroadcast v12, $0x0;
	v12 =	vld [tilespmem:s17+$0xFFFFFF90]  }
0x3c5: {  	s28 =	simm.s32 $0x4890;
	(erf) = vpow2.f32 v11;
	v16 =	vunpack.i.u.bf16.f32 v14;
	v11 =	vpop (erf)  }
0x3c6: {  	v21 =	vld [tilespmem:s28+$0xFFFFFFD0];
	v14 =	vpop (erf)  }
0x3c7: {  	v17 =	vmul.f32 v11, v15;
	v15 =	vpop (erf)  }
0x3c8: {  	(xrf2) =	vadd.scan.msk.f32 $0xffff, v49;
	v20 =	vunpack.i.u.bf16.f32 v13;
	v23 =	vmul.f32 v14, v16;
	v16 =	vpop (erf)  }
0x3c9: {  	v26 =	vunpack.i.l.bf16.f32 v51;
	[tilespmem:s9+$0xFFFFFDF0] =	vst v17;
	v17 =	vunpack.i.l.bf16.f32 v12;
	v20 =	vmul.f32 v16, v20  }
0x3ca: {  	v0 =	vunpack.i.u.bf16.f32 v51;
	v12 =	vunpack.i.u.bf16.f32 v12;
	v26 =	vmul.f32 v26, v17  }
0x3cb: {  	v0 =	vmul.f32 v0, v12;
	[tilespmem:s9+$0xFFFFFE90] =	vst v20;
	v20 =	vunpack.i.l.bf16.f32 v21  }
0x3cc: {  	v21 =	vunpack.i.u.bf16.f32 v21;
	v12 =	vmul.f32 v20, v26  }
0x3cd: {  	v0 =	vmul.f32 v21, v0  }
0x3ce: {  	(xrf2) =	vadd.scan.msk.f32 $0xffff, v12  }
0x3cf: {  	(xrf2) =	vadd.scan.msk.f32 $0xffff, v0  }
0x3d0: {  	v28, _, _ =	vpop (xrf2)  }
0x3d1: {  	(v2sf) =	vpush v28, $0xF  }
0x3d2: {  	v28, _, _ =	vpop (xrf2)  }
0x3d3: {  	(v2sf) =	vpush v28, $0xF;
	_ =	sdelay $0x2  }
0x3d4: {  	(erf) = vpow2.f32 v50  }
0x3d5: {  	v18 =	vld [tilespmem:s26+$0xFFFFFF60]  }
0x3d6: {  	v19 =	vld [tilespmem:s24+$0xFFFFFF10];
	v52, _, _ =	vpop (xrf2)  }
0x3d7: {  	v24 =	vld [tilespmem:s24+$0xFFFFFF50];
	(v2sf) =	vpush v52, $0xF;
	v53, _, _ =	vpop (xrf2)  }
0x3d8: {  	v22 =	vld [tilespmem:s17+$0xFFFFFE90];
	v13 =	vunpack.i.l.bf16.f32 v13;
	(v2sf) =	vpush v53, $0xF  }
0x3d9: {  	v25 =	vld [tilespmem:s17+$0xFFFFFF10];
	v13 =	vmul.f32 v15, v13  }
0x3da: {  	v27 =	vunpack.i.l.bf16.f32 v18;
	[tilespmem:s9+$0xFFFFFE00] =	vst v23;
	v23 =	vld [tilespmem:s24+$0xFFFFFF90];
	v17 =	vpop (erf)  }
0x3db: {  	[tilespmem:s9+$0xFFFFFE80] =	vst v13;
	v13 =	vld [tilespmem:s17+$0xFFFFFE10];
	v27 =	vmul.f32 v17, v27  }
0x3dc: {  	v29 =	vld [tilespmem:s28+$0xFFFFFF10]  }
0x3dd: {  	v54 =	vunpack.i.u.bf16.f32 v18;
	v18 =	vunpack.i.l.bf16.f32 v19;
	v26 =	vld [tilespmem:s28+$0xFFFFFF50];
	[tilespmem:s9+$0xFFFFFF10] =	vst v27;
	v20 =	vpop (erf)  }
0x3de: {  	v28 =	vunpack.i.u.bf16.f32 v25;
	v25 =	vunpack.i.l.bf16.f32 v25;
	v21 =	vunpack.i.l.bf16.f32 v22;
	v27 =	vld [tilespmem:s28+$0xFFFFFF90];
	s23 =	spop (v2sf)  }
0x3df: {  	v31 =	vunpack.i.u.bf16.f32 v23;
	v23 =	vunpack.i.l.bf16.f32 v23;
	v12 =	vunpack.i.u.bf16.f32 v19;
	s0 =	smax.f32 s23, $-5.000000000e+00  }
0x3e0: {  	v19 =	vunpack.i.u.bf16.f32 v22;
	v22 =	vunpack.i.u.bf16.f32 v24;
	v30 =	vunpack.i.l.bf16.f32 v13;
	s25 =	spop (v2sf);
	s0 =	smin.f32 s0, $5.000000000e+00  }
0x3e1: {  	v13 =	vunpack.i.u.bf16.f32 v13;
	v18 =	vmul.f32 v18, v30;
	s1 =	smax.f32 s25, $-5.000000000e+00;
	v30 =	vmov s0  }
0x3e2: {  	v24 =	vunpack.i.l.bf16.f32 v24;
	v12 =	vmul.f32 v12, v13;
	s29 =	smin.f32 s1, $5.000000000e+00;
	v13 =	vmul.f32 $1.442695020e+00, v30  }
0x3e3: {  	v23 =	vmul.f32 v23, v25;
	v21 =	vmul.f32 v24, v21;
	v30 =	vmov s29  }
0x3e4: {  	v25 =	vunpack.i.l.bf16.f32 v29;
	v24 =	vmul.f32 $1.442695020e+00, v30;
	v13 =	vbroadcast v13, $0x0  }
0x3e5: {  	v19 =	vmul.f32 v22, v19;
	v18 =	vmul.f32 v25, v18  }
0x3e6: {  	v22 =	vunpack.i.u.bf16.f32 v29;
	v24 =	vbroadcast v24, $0x0;
	(erf) = vpow2.f32 v13;
	s30 =	spop (v2sf)  }
0x3e7: {  	v12 =	vmul.f32 v22, v12;
	s31 =	spop (v2sf)  }
0x3e8: {  	v29 =	vunpack.i.u.bf16.f32 v26;
	v25 =	vunpack.i.l.bf16.f32 v26;
	v26 =	vld [tilespmem:s26+$0xFFFFFEB0];
	(xrf2) =	vadd.scan.msk.f32 $0xffff, v18;
	(erf) = vpow2.f32 v24;
	s1 =	smax.f32 s31, $-5.000000000e+00  }
0x3e9: {  	v28 =	vmul.f32 v31, v28;
	v22 =	vunpack.i.l.bf16.f32 v27;
	v21 =	vmul.f32 v25, v21;
	(xrf2) =	vadd.scan.msk.f32 $0xffff, v12;
	v12 =	vld [tilespmem:s26+$0xFFFFFFF0];
	s0 =	smax.f32 s30, $-5.000000000e+00;
	s4 =	smin.f32 s1, $5.000000000e+00  }
0x3ea: {  	v25 =	vunpack.i.u.bf16.f32 v27;
	v23 =	vmul.f32 v22, v23;
	v27 =	vld [tilespmem:s2+$0xFFFFFF70];
	s0 =	smin.f32 s0, $5.000000000e+00;
	v22 =	vmov s4  }
0x3eb: {  	v0 =	vmul.f32 v20, v54;
	(xrf2) =	vadd.scan.msk.f32 $0xffff, v21;
	v18 =	vmov s0;
	v21 =	vmul.f32 $1.442695020e+00, v22  }
0x3ec: {  	v19 =	vmul.f32 v29, v19;
	v29 =	vld [tilespmem:s20+$0xFFFFFF30];
	v18 =	vmul.f32 $1.442695020e+00, v18  }
0x3ed: {  	v25 =	vmul.f32 v25, v28;
	[tilespmem:s9+$0xFFFFFF20] =	vst v0;
	v13 =	vld [tilespmem:s26+$0xFFFFFE30]  }
0x3ee: {  	(xrf2) =	vadd.scan.msk.f32 $0xffff, v19;
	v57 =	vunpack.i.l.bf16.f32 v26;
	v24 =	vld [tilespmem:s2+$0xFFFFFF30];
	v22 =	vunpack.i.l.bf16.f32 v12;
	v18 =	vbroadcast v18, $0x0  }
0x3ef: {  	v31 =	vld [tilespmem:s26+$0xFFFFFF30];
	v58 =	vunpack.i.u.bf16.f32 v27;
	v27 =	vunpack.i.l.bf16.f32 v27;
	v55 =	vbroadcast v21, $0x0;
	v21 =	vpop (erf)  }
0x3f0: {  	v56 =	vld [tilespmem:s2+$0xFFFFFFB0];
	(erf) = vpow2.f32 v18;
	v18 =	vunpack.i.u.bf16.f32 v26;
	v26 =	vmul.f32 v21, v22  }
0x3f1: {  	v19 =	vld [tilespmem:s20+$0xFFFFFF70];
	v59 =	vunpack.i.u.bf16.f32 v29;
	v12 =	vunpack.i.u.bf16.f32 v12;
	(erf) = vpow2.f32 v55;
	v22 =	vpop (erf)  }
0x3f2: {  	v0 =	vmul.f32 v27, v57;
	v28 =	vunpack.i.u.bf16.f32 v13;
	v12 =	vmul.f32 v22, v12;
	[tilespmem:s9+$0xFFFFFFC0] =	vst v26;
	v26 =	vld [tilespmem:s17+$0xFFFFFFD0]  }
0x3f3: {  	v27, _, _ =	vpop (xrf2);
	v13 =	vunpack.i.l.bf16.f32 v13;
	v30 =	vunpack.i.u.bf16.f32 v24;
	v24 =	vunpack.i.l.bf16.f32 v24  }
0x3f4: {  	v29 =	vunpack.i.l.bf16.f32 v29;
	(v2sf) =	vpush v27, $0xF;
	v13 =	vmul.f32 v24, v13;
	[tilespmem:s9+$0xFFFFFFD0] =	vst v12  }
0x3f5: {  	v28 =	vmul.f32 v30, v28;
	v30 =	vunpack.i.l.bf16.f32 v31;
	v12 =	vunpack.i.l.bf16.f32 v56;
	v61 =	vld [tilespmem:s26+$0xFFFFFFC0]  }
0x3f6: {  	(xrf2) =	vadd.scan.msk.f32 $0xffff, v23;
	v27 =	vunpack.i.u.bf16.f32 v19;
	v60, _, _ =	vpop (xrf2);
	v30 =	vmul.f32 v12, v30;
	v12 =	vunpack.i.l.bf16.f32 v19;
	v23 =	vld [tilespmem:s2+$0x0]  }
0x3f7: {  	v29 =	vmul.f32 v29, v13;
	v18 =	vmul.f32 v58, v18;
	v19, _, _ =	vpop (xrf2);
	v13 =	vunpack.i.l.bf16.f32 v26  }
0x3f8: {  	(xrf2) =	vadd.scan.msk.f32 $0xffff, v25;
	(v2sf) =	vpush v60, $0xF;
	v28 =	vmul.f32 v59, v28;
	v63 =	vld [tilespmem:s20+$0x0];
	v25, _, _ =	vpop (xrf2)  }
0x3f9: {  	v24 =	vld [tilespmem:s20+$0xFFFFFFB0];
	v18 =	vmul.f32 v27, v18;
	v0 =	vmul.f32 v12, v0;
	(v2sf) =	vpush v19, $0xF;
	v12 =	vpop (erf)  }
0x3fa: {  	(xrf2) =	vadd.scan.msk.f32 $0xffff, v29;
	(v2sf) =	vpush v25, $0xF;
	v19 =	vunpack.i.u.bf16.f32 v26;
	v26 =	vmul.f32 v12, v13;
	v13 =	vpop (erf)  }
0x3fb: {  	s10 =	simm.s32 $0x6B90;
	(xrf2) =	vadd.scan.msk.f32 $0xffff, v28;
	v25 =	vunpack.i.l.bf16.f32 v61;
	v27 =	vunpack.i.l.bf16.f32 v23;
	v19 =	vmul.f32 v13, v19  }
0x3fc: {  	v23 =	vunpack.i.u.bf16.f32 v23;
	[tilespmem:s10+$0xFFFFFF80] =	vst v26;
	v25 =	vmul.f32 v27, v25;
	v26 =	vunpack.i.u.bf16.f32 v61  }
0x3fd: {  	(xrf2) =	vadd.scan.msk.f32 $0xffff, v0;
	v36 =	vunpack.i.l.bf16.f32 v63;
	v23 =	vmul.f32 v23, v26;
	[tilespmem:s10+$0xFFFFFF90] =	vst v19  }
0x3fe: {  	v62 =	vunpack.i.l.bf16.f32 v24;
	(xrf2) =	vadd.scan.msk.f32 $0xffff, v18;
	v18 =	vunpack.i.u.bf16.f32 v63;
	v0 =	vmul.f32 v36, v25;
	v26 =	vld [tilespmem:s17+$0xFFFFFFA0]  }
0x3ff: {  	v19 =	vmul.f32 v62, v30;
	v18 =	vmul.f32 v18, v23;
	v23 =	vunpack.i.u.bf16.f32 v56;
	v25 =	vld [tilespmem:s24+$0xFFFFFFE0];
	_ =	sdelay $0x1  }
0x400: {  	v27, _, _ =	vpop (xrf2);
	v37 =	vld [tilespmem:s28+$0xFFFFFFE0];
	(xrf2) =	vadd.scan.msk.f32 $0xffff, v19;
	v19 =	vunpack.i.u.bf16.f32 v31  }
0x401: {  	(v2sf) =	vpush v27, $0xF;
	(xrf2) =	vadd.scan.msk.f32 $0xffff, v0;
	v19 =	vmul.f32 v23, v19;
	v23, _, _ =	vpop (xrf2)  }
0x402: {  	(xrf2) =	vadd.scan.msk.f32 $0xffff, v18;
	v18 =	vunpack.i.u.bf16.f32 v24;
	(v2sf) =	vpush v23, $0xF  }
0x403: {  	v18 =	vmul.f32 v18, v19;
	v19 =	vunpack.i.l.bf16.f32 v26;
	v23 =	vunpack.i.l.bf16.f32 v25  }
0x404: {  	v19 =	vmul.f32 v23, v19  }
0x405: {  	v24, _, _ =	vpop (xrf2);
	v25 =	vunpack.i.u.bf16.f32 v25;
	v23 =	vunpack.i.u.bf16.f32 v26;
	(xrf2) =	vadd.scan.msk.f32 $0xffff, v18;
	v18 =	vunpack.i.l.bf16.f32 v37  }
0x406: {  	s5 =	spop (v2sf);
	(v2sf) =	vpush v24, $0xF;
	v24, _, _ =	vpop (xrf2);
	v23 =	vmul.f32 v25, v23;
	v18 =	vmul.f32 v18, v19  }
0x407: {  	s6 =	spop (v2sf);
	(v2sf) =	vpush v24, $0xF;
	v0 =	vunpack.i.u.bf16.f32 v37  }
0x408: {  	s0 =	smax.f32 s5, $-5.000000000e+00;
	s7 =	spop (v2sf);
	v0 =	vmul.f32 v0, v23;
	v19, _, _ =	vpop (xrf2)  }
0x409: {  	s0 =	smin.f32 s0, $5.000000000e+00;
	s8 =	smax.f32 s7, $-5.000000000e+00;
	(v2sf) =	vpush v19, $0xF;
	v19, _, _ =	vpop (xrf2);
	(xrf2) =	vadd.scan.msk.f32 $0xffff, v18  }
0x40a: {  	s1 =	smax.f32 s6, $-5.000000000e+00;
	v38 =	vmov s0;
	s0 =	smin.f32 s8, $5.000000000e+00;
	(v2sf) =	vpush v19, $0xF;
	v18, _, _ =	vpop (xrf2);
	(xrf2) =	vadd.scan.msk.f32 $0xffff, v0  }
0x40b: {  	s1 =	smin.f32 s1, $5.000000000e+00;
	s11 =	spop (v2sf);
	v23 =	vmov s0;
	(v2sf) =	vpush v18, $0xF;
	v18, _, _ =	vpop (xrf2)  }
0x40c: {  	s12 =	smax.f32 s11, $-5.000000000e+00;
	v0 =	vmul.f32 $1.442695020e+00, v38;
	v19 =	vmov s1;
	(v2sf) =	vpush v18, $0xF;
	v18, _, _ =	vpop (xrf2)  }
0x40d: {  	s13 =	smin.f32 s12, $5.000000000e+00;
	v19 =	vmul.f32 $1.442695020e+00, v19;
	(v2sf) =	vpush v18, $0xF;
	v18 =	vmul.f32 $1.442695020e+00, v23  }
0x40e: {  	v0 =	vbroadcast v0, $0x0;
	v23 =	vmov s13  }
0x40f: {  	v19 =	vbroadcast v19, $0x0;
	v23 =	vmul.f32 $1.442695020e+00, v23  }
0x410: {  	(erf) = vpow2.f32 v0;
	v39 =	vbroadcast v18, $0x0  }
0x411: {  	s14 =	spop (v2sf);
	(erf) = vpow2.f32 v19;
	v19 =	vbroadcast v23, $0x0;
	v18, _, _ =	vpop (xrf2)  }
0x412: {  	s0 =	smax.f32 s14, $-5.000000000e+00;
	s15 =	spop (v2sf);
	(erf) = vpow2.f32 v39;
	(v2sf) =	vpush v18, $0xF  }
0x413: {  	v40 =	vld [tilespmem:s17+$0xFFFFFE50];
	s0 =	smin.f32 s0, $5.000000000e+00;
	s1 =	smax.f32 s15, $-5.000000000e+00;
	(erf) = vpow2.f32 v19;
	v18, _, _ =	vpop (xrf2)  }
0x414: {  	v23 =	vmov s0;
	v19 =	vld [tilespmem:s17+$0xFFFFFED0];
	s16 =	smin.f32 s1, $5.000000000e+00;
	(v2sf) =	vpush v18, $0xF;
	v18, _, _ =	vpop (xrf2)  }
0x415: {  	v23 =	vmul.f32 $1.442695020e+00, v23;
	s21 =	spop (v2sf);
	v24 =	vmov s16;
	(v2sf) =	vpush v18, $0xF  }
0x416: {  	s0 =	smax.f32 s21, $-5.000000000e+00;
	s22 =	spop (v2sf);
	v18 =	vmul.f32 $1.442695020e+00, v24  }
0x417: {  	v23 =	vbroadcast v23, $0x0;
	s0 =	smin.f32 s0, $5.000000000e+00;
	s1 =	smax.f32 s22, $-5.000000000e+00  }
0x418: {  	v0 =	vunpack.i.l.bf16.f32 v40;
	s1 =	smin.f32 s1, $5.000000000e+00;
	v18 =	vbroadcast v18, $0x0;
	s23 =	spop (v2sf)  }
0x419: {  	v24 =	vunpack.i.u.bf16.f32 v40;
	(erf) = vpow2.f32 v23;
	v25 =	vunpack.i.l.bf16.f32 v19;
	v31 =	vpop (erf);
	s4 =	smax.f32 s23, $-5.000000000e+00;
	s25 =	spop (v2sf)  }
0x41a: {  	v28 =	vpop (erf);
	v0 =	vmul.f32 v31, v0;
	(erf) = vpow2.f32 v18;
	v18 =	vmov s0;
	s29 =	smin.f32 s4, $5.000000000e+00;
	s30 =	spop (v2sf)  }
0x41b: {  	v23 =	vmul.f32 v28, v24;
	v24 =	vmov s1;
	v29 =	vpop (erf);
	v18 =	vmul.f32 $1.442695020e+00, v18;
	s31 =	smax.f32 s25, $-5.000000000e+00;
	s7 =	spop (v2sf)  }
0x41c: {  	v19 =	vunpack.i.u.bf16.f32 v19;
	v24 =	vmul.f32 $1.442695020e+00, v24;
	v25 =	vmul.f32 v29, v25;
	v30 =	vpop (erf);
	s5 =	smax.f32 s7, $-5.000000000e+00;
	s8 =	spop (v2sf)  }
0x41d: {  	v26 =	vmov s29;
	v19 =	vmul.f32 v30, v19;
	v18 =	vbroadcast v18, $0x0;
	s11 =	smin.f32 s5, $5.000000000e+00;
	s12 =	smax.f32 s8, $-5.000000000e+00  }
0x41e: {  	s1 =	smin.f32 s31, $5.000000000e+00;
	v24 =	vbroadcast v24, $0x0;
	v26 =	vmul.f32 $1.442695020e+00, v26;
	v27 =	vmov s11;
	s13 =	smin.f32 s12, $5.000000000e+00  }
0x41f: {  	v41 =	vmov s1;
	v27 =	vmul.f32 $1.442695020e+00, v27;
	v42 =	vmov s13  }
0x420: {  	v32 =	vmul.f32 $1.442695020e+00, v41;
	v33 =	vmul.f32 $1.442695020e+00, v42  }
0x421: {  	s14 =	smax.f32 s30, $-5.000000000e+00;
	(erf) = vpow2.f32 v18;
	s15 =	spop (v2sf);
	v18 =	vbroadcast v27, $0x0  }
0x422: {  	s0 =	smin.f32 s14, $5.000000000e+00;
	v26 =	vbroadcast v26, $0x0;
	s1 =	smax.f32 s15, $-5.000000000e+00;
	v33 =	vbroadcast v33, $0x0  }
0x423: {  	v32 =	vbroadcast v32, $0x0;
	v27 =	vmov s0;
	s16 =	smin.f32 s1, $5.000000000e+00;
	(erf) = vpow2.f32 v18;
	s21 =	spop (v2sf)  }
0x424: {  	v43 =	vld [tilespmem:s17+$0xFFFFFF50];
	v18 =	vmul.f32 $1.442695020e+00, v27;
	v27 =	vmov s16;
	(erf) = vpow2.f32 v33;
	s0 =	smax.f32 s21, $-5.000000000e+00;
	s22 =	spop (v2sf)  }
0x425: {  	[tilespmem:s10+$0xFFFFFDD0] =	vst v0;
	v27 =	vmul.f32 $1.442695020e+00, v27;
	s0 =	smin.f32 s0, $5.000000000e+00;
	s1 =	smax.f32 s22, $-5.000000000e+00;
	(erf) = vpow2.f32 v24  }
0x426: {  	v44 =	vld [tilespmem:s26+$0xFFFFFE70];
	[tilespmem:s10+$0xFFFFFDE0] =	vst v23;
	v18 =	vbroadcast v18, $0x0;
	v24 =	vmov s0;
	s23 =	smin.f32 s1, $5.000000000e+00;
	(erf) = vpow2.f32 v26  }
0x427: {  	v26 =	vld [tilespmem:s17+$0xFFFFFE20];
	v45 =	vbroadcast v27, $0x0;
	v23 =	vmul.f32 $1.442695020e+00, v24;
	v24 =	vmov s23  }
0x428: {  	[tilespmem:s10+$0xFFFFFE60] =	vst v25;
	v27 =	vld [tilespmem:s26+$0xFFFFFEF0];
	(erf) = vpow2.f32 v32;
	v24 =	vmul.f32 $1.442695020e+00, v24  }
0x429: {  	v25 =	vld [tilespmem:s24+$0xFFFFFF20];
	[tilespmem:s10+$0xFFFFFE70] =	vst v19;
	v19 =	vunpack.i.u.bf16.f32 v43;
	v34 =	vpop (erf);
	(erf) = vpow2.f32 v18;
	v18 =	vbroadcast v23, $0x0  }
0x42a: {  	v46 =	vld [tilespmem:s17+$0xFFFFFEA0];
	v32 =	vpop (erf);
	(erf) = vpow2.f32 v45;
	v23 =	vunpack.i.l.bf16.f32 v43;
	v47 =	vbroadcast v24, $0x0  }
0x42b: {  	v49 =	vld [tilespmem:s24+$0xFFFFFF60];
	v33 =	vpop (erf);
	v19 =	vmul.f32 v32, v19;
	(erf) = vpow2.f32 v18  }
0x42c: {  	v48 =	vunpack.i.u.bf16.f32 v44;
	v50 =	vmul.f32 v34, v23;
	(erf) = vpow2.f32 v47;
	v24 =	vpop (erf)  }
0x42d: {  	v53 =	vld [tilespmem:s28+$0xFFFFFF20];
	[tilespmem:s10+$0xFFFFFF00] =	vst v19;
	v18 =	vunpack.i.l.bf16.f32 v44;
	v54 =	vunpack.i.l.bf16.f32 v26;
	v51 =	vunpack.i.u.bf16.f32 v27;
	v23 =	vpop (erf)  }
0x42e: {  	v19 =	vld [tilespmem:s17+$0xFFFFFFE0];
	v52 =	vunpack.i.l.bf16.f32 v27;
	v27 =	vunpack.i.u.bf16.f32 v26;
	[tilespmem:s10+$0xFFFFFEF0] =	vst v50;
	v18 =	vmul.f32 v33, v18;
	v26 =	vpop (erf)  }
0x42f: {  	v56 =	vunpack.i.l.bf16.f32 v25;
	v25 =	vunpack.i.u.bf16.f32 v25;
	v36 =	vunpack.i.l.bf16.f32 v46;
	v45 =	vld [tilespmem:s17+$0xFFFFFF20];
	v35 =	vpop (erf)  }
0x430: {  	v44 =	vmul.f32 v25, v27;
	v25 =	vunpack.i.u.bf16.f32 v49;
	v58 =	vld [tilespmem:s24+$0xFFFFFFA0];
	[tilespmem:s9+$0xFFFFFE10] =	vst v18;
	v18 =	vmul.f32 v35, v52  }
0x431: {  	v38 =	vunpack.i.l.bf16.f32 v49;
	v41 =	vmul.f32 v56, v54;
	v37 =	vmul.f32 v26, v48;
	v27 =	vpop (erf)  }
0x432: {  	v55 =	vld [tilespmem:s28+$0xFFFFFF60];
	v40 =	vunpack.i.l.bf16.f32 v53;
	v57 =	vunpack.i.u.bf16.f32 v46;
	v38 =	vmul.f32 v38, v36;
	v36 =	vpop (erf)  }
0x433: {  	v59 =	vld [tilespmem:s28+$0xFFFFFFA0];
	v39 =	vmul.f32 v25, v57;
	v40 =	vmul.f32 v40, v41;
	v61 =	vunpack.i.l.bf16.f32 v19;
	[tilespmem:s9+$0xFFFFFE20] =	vst v37;
	v25 =	vpop (erf)  }
0x434: {  	v62 =	vunpack.i.u.bf16.f32 v19;
	v0 =	vmul.f32 v27, v51;
	[tilespmem:s9+$0xFFFFFEA0] =	vst v18;
	v48 =	vld [tilespmem:s26+$0xFFFFFE40];
	v63 =	vunpack.i.l.bf16.f32 v45;
	v18 =	vpop (erf)  }
0x435: {  	v41 =	vld [tilespmem:s2+$0xFFFFFF40];
	v45 =	vunpack.i.u.bf16.f32 v45;
	v46 =	vunpack.i.u.bf16.f32 v58;
	v49 =	vmul.f32 v18, v61;
	v19 =	vpop (erf)  }
0x436: {  	[tilespmem:s9+$0xFFFFFEB0] =	vst v0;
	v45 =	vmul.f32 v46, v45;
	v46 =	vld [tilespmem:s20+$0xFFFFFF40];
	v0 =	vmul.f32 v19, v62  }
0x437: {  	v42 =	vunpack.i.l.bf16.f32 v55;
	v47 =	vunpack.i.u.bf16.f32 v53;
	v57 =	vld [tilespmem:s26+$0xFFFFFEC0];
	[tilespmem:s10+$0xFFFFFFA0] =	vst v49  }
0x438: {  	v60 =	vunpack.i.u.bf16.f32 v55;
	v38 =	vmul.f32 v42, v38;
	v44 =	vmul.f32 v47, v44;
	v51 =	vld [tilespmem:s2+$0xFFFFFF80];
	[tilespmem:s10+$0xFFFFFFB0] =	vst v0  }
0x439: {  	v37 =	vmul.f32 v60, v39;
	v56 =	vunpack.i.l.bf16.f32 v58;
	v58 =	vunpack.i.u.bf16.f32 v59;
	v39 =	vld [tilespmem:s17+$0xFFFFFFB0]  }
0x43a: {  	v50 =	vmul.f32 v56, v63;
	v42 =	vmul.f32 v58, v45;
	v45 =	vld [tilespmem:s24+$0xFFFFFFF0]  }
0x43b: {  	v59 =	vunpack.i.l.bf16.f32 v59;
	v60 =	vunpack.i.u.bf16.f32 v48;
	v61 =	vunpack.i.l.bf16.f32 v48  }
0x43c: {  	v62 =	vunpack.i.u.bf16.f32 v41;
	v41 =	vunpack.i.l.bf16.f32 v41;
	v0 =	vmul.f32 v59, v50;
	v59 =	vld [tilespmem:s28+$0xFFFFFFF0]  }
0x43d: {  	s15 =	simm.s32 $0x1A90;
	v41 =	vmul.f32 v41, v61;
	v43 =	vmul.f32 v62, v60;
	v55 =	vunpack.i.u.bf16.f32 v46  }
0x43e: {  	s16 =	simm.s32 $0x3590;
	(xrf2) =	vadd.scan.msk.f32 $0xffff, v40;
	v49 =	vld [tilespmem:s15+$0xFFFFFF90];
	v63 =	vunpack.i.u.bf16.f32 v57;
	v57 =	vunpack.i.l.bf16.f32 v57;
	v58 =	vunpack.i.u.bf16.f32 v51  }
0x43f: {  	(xrf2) =	vadd.scan.msk.f32 $0xffff, v44;
	v50 =	vld [tilespmem:s16+$0xFFFFFFD0];
	v47 =	vmul.f32 v58, v63;
	v61 =	vunpack.i.l.bf16.f32 v39;
	v62 =	vunpack.i.l.bf16.f32 v45  }
0x440: {  	s11 =	simm.s32 $0x4990;
	(xrf2) =	vadd.scan.msk.f32 $0xffff, v38;
	v54 =	vld [tilespmem:s20+$0xFFFFFF80];
	v39 =	vunpack.i.u.bf16.f32 v39;
	v45 =	vunpack.i.u.bf16.f32 v45;
	v63 =	vmul.f32 v62, v61  }
0x441: {  	(xrf2) =	vadd.scan.msk.f32 $0xffff, v37;
	v60 =	vunpack.i.l.bf16.f32 v51;
	v51 =	vld [tilespmem:s11+$0xFFFFFFD0];
	v56 =	vunpack.i.l.bf16.f32 v59;
	v39 =	vmul.f32 v45, v39  }
0x442: {  	v40 =	vmul.f32 v60, v57;
	(xrf2) =	vadd.scan.msk.f32 $0xffff, v0;
	v57 =	vunpack.i.u.bf16.f32 v59;
	v58 =	vmul.f32 v56, v63  }
0x443: {  	v44 =	vld [tilespmem:s16+$0xFFFFFF10];
	v60 =	vunpack.i.l.bf16.f32 v46;
	v37 =	vmul.f32 v55, v43;
	(xrf2) =	vadd.scan.msk.f32 $0xffff, v42;
	v59 =	vmul.f32 v57, v39  }
0x444: {  	v46 =	vunpack.i.l.bf16.f32 v50;
	v45 =	vld [tilespmem:s15+$0xFFFFFE10];
	v39 =	vmul.f32 v60, v41;
	v63 =	vunpack.i.l.bf16.f32 v49;
	(xrf2) =	vadd.scan.msk.f32 $0xffff, v58  }
0x445: {  	v42 =	vld [tilespmem:s11+$0xFFFFFF10];
	v52 =	vunpack.i.u.bf16.f32 v49;
	v61 =	vunpack.i.l.bf16.f32 v54;
	v48 =	vmul.f32 v46, v63;
	(xrf2) =	vadd.scan.msk.f32 $0xffff, v59  }
0x446: {  	v53 =	vunpack.i.u.bf16.f32 v50;
	v62 =	vmul.f32 v61, v40;
	v56 =	vunpack.i.l.bf16.f32 v51;
	(xrf2) =	vadd.scan.msk.f32 $0xffff, v39  }
0x447: {  	v40 =	vmul.f32 v53, v52;
	v57 =	vmul.f32 v56, v48;
	(xrf2) =	vadd.scan.msk.f32 $0xffff, v37  }
0x448: {  	v60, _, _ =	vpop (xrf2);
	v46 =	vld [tilespmem:s16+$0xFFFFFF50];
	v58 =	vunpack.i.u.bf16.f32 v51;
	(xrf2) =	vadd.scan.msk.f32 $0xffff, v62  }
0x449: {  	v55 =	vunpack.i.l.bf16.f32 v44;
	v41 =	vld [tilespmem:s15+$0xFFFFFE90];
	v59 =	vunpack.i.l.bf16.f32 v45;
	v48, _, _ =	vpop (xrf2);
	v62 =	vmul.f32 v58, v40;
	(xrf2) =	vadd.scan.msk.f32 $0xffff, v57  }
0x44a: {  	v61 =	vunpack.i.u.bf16.f32 v54;
	v50 =	vunpack.i.l.bf16.f32 v42;
	v63 =	vmul.f32 v55, v59;
	v51, _, _ =	vpop (xrf2)  }
0x44b: {  	v42 =	vunpack.i.u.bf16.f32 v42;
	v49 =	vmul.f32 v61, v47;
	(v2sf) =	vpush v60, $0xF;
	v55 =	vld [tilespmem:s11+$0xFFFFFF50];
	v53, _, _ =	vpop (xrf2);
	(xrf2) =	vadd.scan.msk.f32 $0xffff, v62  }
0x44c: {  	v52 =	vmul.f32 v50, v63;
	(v2sf) =	vpush v48, $0xF;
	v58 =	vunpack.i.u.bf16.f32 v45;
	v54, _, _ =	vpop (xrf2)  }
0x44d: {  	v60 =	vld [tilespmem:s15+$0xFFFFFF10];
	v63 =	vunpack.i.l.bf16.f32 v46;
	(v2sf) =	vpush v51, $0xF;
	v57 =	vunpack.i.u.bf16.f32 v44;
	v56, _, _ =	vpop (xrf2)  }
0x44e: {  	v44 =	vld [tilespmem:s16+$0xFFFFFF90];
	(v2sf) =	vpush v53, $0xF;
	v37 =	vmul.f32 v57, v58;
	v62 =	vunpack.i.l.bf16.f32 v41;
	(xrf2) =	vadd.scan.msk.f32 $0xffff, v49;
	v59, _, _ =	vpop (xrf2)  }
0x44f: {  	v41 =	vunpack.i.u.bf16.f32 v41;
	(v2sf) =	vpush v54, $0xF;
	v51 =	vmul.f32 v63, v62;
	v61, _, _ =	vpop (xrf2)  }
0x450: {  	v53 =	vld [tilespmem:s11+$0xFFFFFF90];
	v54 =	vunpack.i.l.bf16.f32 v55;
	(xrf2) =	vadd.scan.msk.f32 $0xffff, v52;
	v37 =	vmul.f32 v42, v37;
	v52 =	vunpack.i.u.bf16.f32 v46;
	v48, _, _ =	vpop (xrf2)  }
0x451: {  	v41 =	vmul.f32 v52, v41;
	v0 =	vmul.f32 v54, v51;
	v42, _, _ =	vpop (xrf2)  }
0x452: {  	v57 =	vunpack.i.l.bf16.f32 v60;
	v55 =	vunpack.i.u.bf16.f32 v55;
	(v2sf) =	vpush v56, $0xF;
	v43, _, _ =	vpop (xrf2);
	(xrf2) =	vadd.scan.msk.f32 $0xffff, v37  }
0x453: {  	v58 =	vunpack.i.l.bf16.f32 v44;
	(v2sf) =	vpush v59, $0xF;
	v37 =	vmul.f32 v55, v41;
	v56, _, _ =	vpop (xrf2);
	(xrf2) =	vadd.scan.msk.f32 $0xffff, v0  }
0x454: {  	(v2sf) =	vpush v61, $0xF;
	v61 =	vmul.f32 v58, v57  }
0x455: {  	v49 =	vunpack.i.l.bf16.f32 v53;
	v59, _, _ =	vpop (xrf2);
	(xrf2) =	vadd.scan.msk.f32 $0xffff, v37  }
0x456: {  	v51 =	vmul.f32 v49, v61;
	_ =	sdelay $0x1  }
0x457: {  	v2 =	vnsel vm0, $0x0, v2;
	v62, _, _ =	vpop (xrf2);
	(xrf2) =	vadd.scan.msk.f32 $0xffff, v51  }
0x458: {  	v1 =	vsel vm1, v2, v1  }
0x459: {  	v4 =	vnsel vm0, $0x0, v4;
	v5 =	vnsel vm0, $0x0, v5;
	(v2sf) =	vpush v56, $0xF  }
0x45a: {  	v3 =	vsel vm1, v4, v3;
	v5 =	vsel vm1, v5, v6;
	(v2sf) =	vpush v59, $0xF;
	v50, _, _ =	vpop (xrf2)  }
0x45b: {  	v1 =	vsel vm2, v1, v10;
	v52 =	vunpack.i.u.bf16.f32 v53;
	(v2sf) =	vpush v50, $0xF;
	v53, _, _ =	vpop (xrf2)  }
0x45c: {  	v7 =	vnsel vm0, $0x0, v7;
	v1 =	vsel vm3, v1, v9;
	s25 =	spop (v2sf);
	(v2sf) =	vpush v53, $0xF;
	v54, _, _ =	vpop (xrf2)  }
0x45d: {  	v60 =	vunpack.i.u.bf16.f32 v60;
	v63 =	vunpack.i.u.bf16.f32 v44;
	s29 =	spop (v2sf);
	(v2sf) =	vpush v54, $0xF  }
0x45e: {  	v3 =	vsel vm2, v3, v11;
	v0 =	vmul.f32 v63, v60;
	s30 =	spop (v2sf);
	v55, _, _ =	vpop (xrf2);
	(v2sf) =	vpush v48, $0xF  }
0x45f: {  	v3 =	vsel vm3, v3, v14;
	v5 =	vsel vm2, v5, v15;
	s0 =	smax.f32 s25, $-5.000000000e+00;
	s31 =	spop (v2sf);
	(v2sf) =	vpush v55, $0xF  }
0x460: {  	v5 =	vsel vm3, v5, v16;
	v63 =	vld [tilespmem:s17+$0xFFFFFE60];
	s0 =	smin.f32 s0, $5.000000000e+00;
	v0 =	vmul.f32 v52, v0;
	s7 =	spop (v2sf);
	(v2sf) =	vpush v42, $0xF  }
0x461: {  	v1 =	vsel vm4, v1, v21;
	v58 =	vmov s0;
	s8 =	spop (v2sf);
	v56, _, _ =	vpop (xrf2);
	(v2sf) =	vpush v43, $0xF  }
0x462: {  	v12 =	vnsel vm0, $0x0, v12;
	(xrf2) =	vadd.scan.msk.f32 $0xffff, v0;
	v0 =	vmul.f32 $1.442695020e+00, v58;
	s1 =	smax.f32 s29, $-5.000000000e+00;
	s12 =	spop (v2sf);
	(v2sf) =	vpush v56, $0xF  }
0x463: {  	v1 =	vsel vm5, v1, v22;
	v12 =	vsel vm1, v12, v13;
	s4 =	smax.f32 s30, $-5.000000000e+00;
	s23 =	spop (v2sf);
	(v2sf) =	vpush v62, $0xF;
	v62 =	vld [tilespmem:s26+$0xFFFFFF70]  }
0x464: {  	v15 =	vnsel vm0, $0x0, v31;
	v1 =	vsel vm6, v1, v24;
	s6 =	smin.f32 s1, $5.000000000e+00;
	v0 =	vbroadcast v0, $0x0;
	s4 =	smin.f32 s4, $5.000000000e+00  }
0x465: {  	v16 =	vunpack.i.u.bf16.f32 v63;
	v4 =	vunpack.i.l.bf16.f32 v63;
	s5 =	smax.f32 s31, $-5.000000000e+00;
	v59 =	vmov s6;
	s1 =	smax.f32 s7, $-5.000000000e+00  }
0x466: {  	s5 =	smin.f32 s5, $5.000000000e+00;
	v60 =	vmov s4;
	v14 =	vmul.f32 $1.442695020e+00, v59;
	(erf) = vpow2.f32 v0;
	s22 =	smin.f32 s1, $5.000000000e+00  }
0x467: {  	v59 =	vnsel vm0, $0x0, v29;
	s7 =	smax.f32 s8, $-5.000000000e+00;
	v61 =	vmov s5;
	v49 =	vmov s22  }
0x468: {  	s7 =	smin.f32 s7, $5.000000000e+00;
	v54 =	vsel vm1, v7, v8;
	v10 =	vmul.f32 $1.442695020e+00, v49;
	v11 =	vunpack.i.l.bf16.f32 v62  }
0x469: {  	v50 =	vmov s7;
	v6 =	vsel vm2, v54, v17;
	v11 =	vmul.f32 v36, v11  }
0x46a: {  	s25 =	smax.f32 s12, $-5.000000000e+00;
	v17 =	vld [tilespmem:s17+$0xFFFFFF60];
	v29 =	vmul.f32 $1.442695020e+00, v50;
	v22 =	vbroadcast v10, $0x0;
	v8 =	vunpack.i.u.bf16.f32 v62  }
0x46b: {  	s12 =	smin.f32 s25, $5.000000000e+00;
	v55 =	vld [tilespmem:s17+$0xFFFFFEE0];
	v6 =	vsel vm3, v6, v20;
	v8 =	vmul.f32 v25, v8;
	[tilespmem:s9+$0xFFFFFF30] =	vst v11;
	v11 =	vmul.f32 $1.442695020e+00, v60  }
0x46c: {  	s29 =	smax.f32 s23, $-5.000000000e+00;
	v57, _, _ =	vpop (xrf2);
	v51 =	vmov s12;
	v29 =	vbroadcast v29, $0x0;
	s13 =	spop (v2sf);
	v56 =	vbroadcast v14, $0x0  }
0x46d: {  	s8 =	smin.f32 s29, $5.000000000e+00;
	s14 =	spop (v2sf);
	(v2sf) =	vpush v57, $0xF;
	v57 =	vmul.f32 $1.442695020e+00, v61;
	[tilespmem:s9+$0xFFFFFF40] =	vst v8;
	v58 =	vbroadcast v11, $0x0  }
0x46e: {  	v52 =	vmov s8;
	v14 =	vsel vm7, v1, v23;
	(erf) = vpow2.f32 v56;
	s21 =	spop (v2sf);
	v8 =	vld [tilespmem:s2+$0xFFFFFFC0]  }
0x46f: {  	v47 =	vld [tilespmem:s15+$0xFFFFFED0];
	v21 =	vunpack.i.u.bf16.f32 v17;
	s21 =	smax.f32 s21, $-5.000000000e+00;
	v0 =	vbroadcast v57, $0x0;
	(erf) = vpow2.f32 v58  }
0x470: {  	s30 =	smax.f32 s13, $-5.000000000e+00;
	v17 =	vunpack.i.l.bf16.f32 v17;
	v20 =	vunpack.i.u.bf16.f32 v55;
	v7 =	vunpack.i.l.bf16.f32 v55;
	s21 =	smin.f32 s21, $5.000000000e+00;
	v9 =	vld [tilespmem:s26+$0xFFFFFF40]  }
0x471: {  	s31 =	smax.f32 s14, $-5.000000000e+00;
	s14 =	smin.f32 s30, $5.000000000e+00;
	v61 =	vsel vm1, v15, v28;
	v43 =	vmov s21;
	(erf) = vpow2.f32 v0  }
0x472: {  	v56 =	vmul.f32 $1.442695020e+00, v51;
	s23 =	smin.f32 s31, $5.000000000e+00;
	v45 =	vmov s14;
	v43 =	vmul.f32 $1.442695020e+00, v43  }
0x473: {  	v44 =	vmov s23;
	v60 =	vnsel vm0, $0x0, v34;
	v15 =	vunpack.i.u.bf16.f32 v8  }
0x474: {  	s25 =	spop (v2sf);
	v34 =	vunpack.i.u.bf16.f32 v47;
	v47 =	vunpack.i.l.bf16.f32 v47;
	v43 =	vbroadcast v43, $0x0  }
0x475: {  	s29 =	smax.f32 s25, $-5.000000000e+00;
	s30 =	spop (v2sf);
	v11 =	vunpack.i.u.bf16.f32 v9;
	v9 =	vunpack.i.l.bf16.f32 v9;
	v8 =	vunpack.i.l.bf16.f32 v8  }
0x476: {  	v63 =	vld [tilespmem:s26+$0xFFFFFE80];
	v10 =	vsel vm1, v60, v32;
	s25 =	smin.f32 s29, $5.000000000e+00;
	s1 =	smax.f32 s30, $-5.000000000e+00;
	v62 =	vmul.f32 v8, v9;
	v8 =	vmul.f32 v15, v11;
	v15 =	vpop (erf)  }
0x477: {  	v28 =	vld [tilespmem:s26+$0x0];
	s31 =	spop (v2sf);
	s29 =	smin.f32 s1, $5.000000000e+00;
	v42 =	vmov s25;
	(erf) = vpow2.f32 v22;
	v31 =	vpop (erf);
	v4 =	vmul.f32 v15, v4  }
0x478: {  	v32 =	vld [tilespmem:s15+$0xFFFFFE50];
	s30 =	spop (v2sf);
	s31 =	smax.f32 s31, $-5.000000000e+00;
	v40 =	vmov s29;
	(erf) = vpow2.f32 v29;
	v55 =	vmul.f32 v31, v16;
	v29 =	vpop (erf)  }
0x479: {  	s13 =	smax.f32 s30, $-5.000000000e+00;
	s14 =	smin.f32 s31, $5.000000000e+00;
	v58 =	vmul.f32 $1.442695020e+00, v52;
	v0 =	vsel vm1, v59, v30;
	v30 =	vld [tilespmem:s20+$0xFFFFFFC0];
	[tilespmem:s10+$0xFFFFFDF0] =	vst v4;
	v57 =	vmul.f32 v29, v7  }
0x47a: {  	v42 =	vmul.f32 $1.442695020e+00, v42;
	s0 =	smin.f32 s13, $5.000000000e+00;
	v37 =	vmov s14;
	v40 =	vmul.f32 $1.442695020e+00, v40;
	v22 =	vld [tilespmem:s26+$0xFFFFFF00];
	[tilespmem:s10+$0xFFFFFE00] =	vst v55;
	v7 =	vpop (erf)  }
0x47b: {  	v38 =	vmov s0;
	v16 =	vld [tilespmem:s26+$0xFFFFFF80];
	v55 =	vunpack.i.u.bf16.f32 v63;
	v53 =	vmul.f32 v7, v20;
	[tilespmem:s10+$0xFFFFFE80] =	vst v57  }
0x47c: {  	v54 =	vbroadcast v58, $0x0;
	v42 =	vbroadcast v42, $0x0;
	v2 =	vsel vm2, v61, v15;
	v15 =	vld [tilespmem:s17+$0xFFFFFE30];
	[tilespmem:$0x1FF00] =	vst v55  }
0x47d: {  	v11 =	vsel vm4, v6, v36;
	v6 =	vbroadcast v56, $0x0;
	v57 =	vunpack.i.l.bf16.f32 v63;
	[tilespmem:s10+$0xFFFFFE90] =	vst v53;
	v56 =	vld [tilespmem:s24+$0xFFFFFF30]  }
0x47e: {  	v9 =	vsel vm4, v3, v33;
	v33 =	vsel vm4, v5, v35;
	v59 =	vunpack.i.u.bf16.f32 v30;
	[tilespmem:$0x1FF10] =	vst v57  }
0x47f: {  	v35 =	vunpack.i.u.bf16.f32 v28;
	v48 =	vmul.f32 v59, v8;
	(erf) = vpow2.f32 v6;
	v8 =	vld [tilespmem:s28+$0xFFFFFF30]  }
0x480: {  	v30 =	vunpack.i.l.bf16.f32 v30;
	(erf) = vpow2.f32 v54;
	v58 =	vunpack.i.l.bf16.f32 v16  }
0x481: {  	v49 =	vmul.f32 v30, v62;
	v0 =	vsel vm2, v0, v29;
	v36 =	vpop (erf);
	v61 =	vunpack.i.u.bf16.f32 v16;
	v30 =	vld [tilespmem:s17+$0xFFFFFEB0];
	[tilespmem:$0x1FF20] =	vst v58  }
0x482: {  	v59 =	vmul.f32 v36, v17;
	v16 =	vunpack.i.l.bf16.f32 v15;
	v29 =	vld [tilespmem:s24+$0xFFFFFF70];
	v17 =	vunpack.i.l.bf16.f32 v56  }
0x483: {  	v20 =	vsel vm3, v2, v31;
	v2 =	vsel vm3, v0, v7;
	v52 =	vpop (erf);
	v60 =	vld [tilespmem:s17+$0xFFFFFFF0];
	v16 =	vmul.f32 v17, v16  }
0x484: {  	v31 =	vunpack.i.l.bf16.f32 v28;
	v21 =	vmul.f32 v52, v21;
	v28 =	vunpack.i.l.bf16.f32 v8  }
0x485: {  	v5 =	vunpack.i.u.bf16.f32 v15;
	[tilespmem:s10+$0xFFFFFF10] =	vst v59;
	v6 =	vunpack.i.u.bf16.f32 v56;
	v16 =	vmul.f32 v28, v16  }
0x486: {  	v55 =	vmul.f32 $1.442695020e+00, v45;
	[tilespmem:s10+$0xFFFFFF20] =	vst v21;
	v17 =	vld [tilespmem:s28+$0xFFFFFF70];
	v0 =	vmul.f32 v6, v5;
	v21 =	vunpack.i.l.bf16.f32 v30  }
0x487: {  	v59 =	vld [tilespmem:s17+$0xFFFFFF30];
	v8 =	vunpack.i.u.bf16.f32 v8;
	v30 =	vunpack.i.u.bf16.f32 v30;
	v56 =	vunpack.i.l.bf16.f32 v29  }
0x488: {  	v15 =	vpop (erf);
	v28 =	vld [tilespmem:s15+$0xFFFFFF50];
	v57 =	vunpack.i.l.bf16.f32 v60;
	v7 =	vunpack.i.u.bf16.f32 v60;
	v0 =	vmul.f32 v8, v0  }
0x489: {  	v60 =	vld [tilespmem:s24+$0xFFFFFFB0];
	v8 =	vunpack.i.u.bf16.f32 v29;
	v58 =	vmul.f32 v15, v57;
	v21 =	vmul.f32 v56, v21;
	(xrf2) =	vadd.scan.msk.f32 $0xffff, v16;
	v16 =	vpop (erf)  }
0x48a: {  	s1 =	spop (v2sf);
	v46 =	vunpack.i.u.bf16.f32 v32;
	v8 =	vmul.f32 v8, v30;
	v7 =	vmul.f32 v16, v7  }
0x48b: {  	s30 =	spop (v2sf);
	v30 =	vmul.f32 $1.442695020e+00, v44;
	v5 =	vunpack.i.l.bf16.f32 v17;
	[tilespmem:s10+$0xFFFFFFC0] =	vst v58;
	v17 =	vunpack.i.u.bf16.f32 v17  }
0x48c: {  	s5 =	spop (v2sf);
	v50 =	vunpack.i.l.bf16.f32 v32;
	v29 =	vld [tilespmem:s28+$0xFFFFFFB0];
	v21 =	vmul.f32 v5, v21;
	v8 =	vmul.f32 v17, v8;
	[tilespmem:s10+$0xFFFFFFD0] =	vst v7  }
0x48d: {  	s6 =	spop (v2sf);
	(xrf2) =	vadd.scan.msk.f32 $0xffff, v0;
	v17 =	vbroadcast v30, $0x0;
	v30 =	vunpack.i.l.bf16.f32 v59;
	v32 =	vunpack.i.u.bf16.f32 v28;
	v56 =	vld [tilespmem:s17+$0xFFFFFFC0]  }
0x48e: {  	s4 =	smax.f32 s5, $-5.000000000e+00;
	s7 =	spop (v2sf);
	v44 =	vunpack.i.l.bf16.f32 v28;
	v57 =	vunpack.i.l.bf16.f32 v60;
	v7 =	vbroadcast v55, $0x0;
	v28 =	vld [tilespmem:s24+$0x0]  }
0x48f: {  	s4 =	smin.f32 s4, $5.000000000e+00;
	s8 =	smax.f32 s7, $-5.000000000e+00;
	v51 =	vunpack.i.u.bf16.f32 v60;
	(xrf2) =	vadd.scan.msk.f32 $0xffff, v21;
	v21 =	vunpack.i.u.bf16.f32 v59;
	v30 =	vmul.f32 v57, v30  }
0x490: {  	v41 =	vmov s4;
	s0 =	smin.f32 s8, $5.000000000e+00;
	v51 =	vmul.f32 v51, v21;
	(erf) = vpow2.f32 v7  }
0x491: {  	v39 =	vmov s0;
	(xrf2) =	vadd.scan.msk.f32 $0xffff, v8;
	v8 =	vunpack.i.u.bf16.f32 v29;
	v58 =	vld [tilespmem:s28+$0x0];
	(erf) = vpow2.f32 v17  }
0x492: {  	s21 =	smax.f32 s1, $-5.000000000e+00;
	v31 =	vmul.f32 v24, v31;
	v59 =	vld [tilespmem:s17+$0xFFFFFE70];
	v51 =	vmul.f32 v8, v51;
	v17 =	vunpack.i.l.bf16.f32 v29  }
0x493: {  	s0 =	smin.f32 s21, $5.000000000e+00;
	v17 =	vmul.f32 v17, v30;
	v21 =	vunpack.i.l.bf16.f32 v56;
	v29 =	vunpack.i.l.bf16.f32 v28  }
0x494: {  	(erf) = vpow2.f32 v43;
	v43 =	vmov s0;
	v30, _, _ =	vpop (xrf2);
	v21 =	vmul.f32 v29, v21;
	v29 =	vld [tilespmem:s15+$0xFFFFFFD0]  }
0x495: {  	(v2sf) =	vpush v30, $0xF;
	(xrf2) =	vadd.scan.msk.f32 $0xffff, v17;
	v0 =	vunpack.i.u.bf16.f32 v56;
	v17 =	vunpack.i.u.bf16.f32 v28  }
0x496: {  	v5 =	vld [tilespmem:s17+$0xFFFFFF70];
	(erf) = vpow2.f32 v42;
	v30 =	vunpack.i.l.bf16.f32 v58;
	v0 =	vmul.f32 v17, v0  }
0x497: {  	v60 =	vld [tilespmem:s17+$0xFFFFFEF0];
	v28 =	vunpack.i.u.bf16.f32 v59;
	v3, _, _ =	vpop (xrf2);
	v53 =	vunpack.i.u.bf16.f32 v58;
	v30 =	vmul.f32 v30, v21  }
0x498: {  	v58 =	vmul.f32 $1.442695020e+00, v38;
	(v2sf) =	vpush v3, $0xF;
	v0 =	vmul.f32 v53, v0  }
0x499: {  	v17 =	vunpack.i.l.bf16.f32 v59;
	v59 =	vsel vm2, v10, v36;
	(xrf2) =	vadd.scan.msk.f32 $0xffff, v30;
	v6 =	vpop (erf);
	v8 =	vunpack.i.l.bf16.f32 v29  }
0x49a: {  	v29 =	vunpack.i.u.bf16.f32 v29;
	[tilespmem:$0x1FF30] =	vst v6;
	v56 =	vpop (erf);
	(xrf2) =	vadd.scan.msk.f32 $0xffff, v0;
	v7 =	vmul.f32 v6, v8  }
0x49b: {  	s26 =	simm.s32 $0x6DD0;
	v10 =	vbroadcast v40, $0x0;
	v40 =	vunpack.i.l.bf16.f32 v5;
	v30, _, _ =	vpop (xrf2);
	[tilespmem:$0x1FF40] =	vst v56;
	v57 =	vmul.f32 v56, v29  }
0x49c: {  	v36 =	vmul.f32 v23, v35;
	v21 =	vunpack.i.u.bf16.f32 v60;
	(v2sf) =	vpush v30, $0xF;
	[tilespmem:s26+$0xFFFFFF80] =	vst v7  }
0x49d: {  	(erf) = vpow2.f32 v10;
	v30 =	vunpack.i.l.bf16.f32 v60;
	v29, _, _ =	vpop (xrf2);
	[tilespmem:s26+$0xFFFFFF90] =	vst v57;
	(xrf2) =	vadd.scan.msk.f32 $0xffff, v51  }
0x49e: {  	s22 =	smax.f32 s30, $-5.000000000e+00;
	v7 =	vmul.f32 $1.442695020e+00, v41;
	v41 =	vsel vm5, v33, v27;
	(v2sf) =	vpush v29, $0xF;
	v60 =	vld [tilespmem:s15+$0xFFFFFFA0]  }
0x49f: {  	s0 =	smin.f32 s22, $5.000000000e+00;
	v27 =	vmul.f32 $1.442695020e+00, v39;
	v29 =	vunpack.i.u.bf16.f32 v5;
	v4, _, _ =	vpop (xrf2);
	v5 =	vbroadcast v58, $0x0;
	v6 =	vld [tilespmem:s16+$0xFFFFFFE0]  }
0x4a0: {  	v23 =	vmov s0;
	(xrf2) =	vadd.scan.msk.f32 $0xffff, v49;
	(v2sf) =	vpush v4, $0xF;
	v0 =	vbroadcast v7, $0x0  }
0x4a1: {  	v10 =	vsel vm5, v9, v26;
	v26 =	vld [tilespmem:s11+$0xFFFFFFE0];
	v27 =	vbroadcast v27, $0x0;
	(erf) = vpow2.f32 v5  }
0x4a2: {  	v38 =	vsel vm3, v59, v52;
	v56 =	vsel vm5, v11, v25;
	v33 =	vpop (erf);
	(erf) = vpow2.f32 v0  }
0x4a3: {  	v53 =	vmul.f32 v33, v50;
	(erf) = vpow2.f32 v27;
	v24, _, _ =	vpop (xrf2);
	v51 =	vunpack.i.l.bf16.f32 v60  }
0x4a4: {  	[tilespmem:$0x1FF50] =	vst v41;
	s23 =	spop (v2sf);
	v52 =	vunpack.i.l.bf16.f32 v6;
	v42 =	vunpack.i.u.bf16.f32 v60;
	(v2sf) =	vpush v24, $0xF;
	v24, _, _ =	vpop (xrf2)  }
0x4a5: {  	[tilespmem:$0x1FF60] =	vst v56;
	v45 =	vunpack.i.u.bf16.f32 v6;
	s0 =	smax.f32 s23, $-5.000000000e+00;
	v35 =	vmul.f32 v52, v51;
	(v2sf) =	vpush v24, $0xF;
	v24 =	vpop (erf)  }
0x4a6: {  	[tilespmem:s26+$0xFFFFFDD0] =	vst v53;
	v54 =	vunpack.i.l.bf16.f32 v26;
	v57 =	vmul.f32 v45, v42;
	s0 =	smin.f32 s0, $5.000000000e+00;
	v27 =	vpop (erf);
	v58 =	vmul.f32 v24, v46  }
0x4a7: {  	(xrf2) =	vadd.scan.msk.f32 $0xffff, v48;
	s25 =	spop (v2sf);
	v55 =	vmov s0;
	v35 =	vmul.f32 v54, v35;
	v25, _, _ =	vpop (xrf2);
	v59 =	vmul.f32 v27, v47  }
0x4a8: {  	s0 =	smax.f32 s25, $-5.000000000e+00;
	v0 =	vmul.f32 $1.442695020e+00, v55;
	(v2sf) =	vpush v25, $0xF;
	v25 =	vunpack.i.u.bf16.f32 v26;
	[tilespmem:s26+$0xFFFFFDE0] =	vst v58  }
0x4a9: {  	v12 =	vsel vm2, v12, v18;
	s0 =	smin.f32 s0, $5.000000000e+00;
	v26 =	vmul.f32 $1.442695020e+00, v37;
	v60 =	vmul.f32 v25, v57;
	v39 =	vld [tilespmem:s15+$0xFFFFFE20]  }
0x4aa: {  	s29 =	smax.f32 s6, $-5.000000000e+00;
	(xrf2) =	vadd.scan.msk.f32 $0xffff, v35;
	v4 =	vmov s0;
	v6, _, _ =	vpop (xrf2);
	v37 =	vmul.f32 $1.442695020e+00, v43;
	v7 =	vld [tilespmem:s16+$0xFFFFFF20];
	v0 =	vbroadcast v0, $0x0  }
0x4ab: {  	v12 =	vsel vm3, v12, v19;
	s1 =	smin.f32 s29, $5.000000000e+00;
	v5 =	vmul.f32 $1.442695020e+00, v4;
	v26 =	vbroadcast v26, $0x0;
	v25 =	vpop (erf);
	s30 =	spop (v2sf);
	(xrf2) =	vadd.scan.msk.f32 $0xffff, v60  }
0x4ac: {  	v41 =	vmov s1;
	(erf) = vpow2.f32 v0;
	v0 =	vld [tilespmem:s11+$0xFFFFFF20];
	v34 =	vmul.f32 v25, v34;
	s0 =	smax.f32 s30, $-5.000000000e+00;
	v46 =	vpop (erf)  }
0x4ad: {  	[tilespmem:s26+$0xFFFFFE60] =	vst v59;
	(v2sf) =	vpush v6, $0xF;
	v49 =	vbroadcast v5, $0x0;
	s31 =	spop (v2sf);
	s0 =	smin.f32 s0, $5.000000000e+00;
	v3 =	vmul.f32 v46, v44  }
0x4ae: {  	v43 =	vpop (erf);
	s1 =	smax.f32 s31, $-5.000000000e+00;
	[tilespmem:s26+$0xFFFFFE70] =	vst v34;
	v55 =	vmov s0;
	v4 =	vunpack.i.u.bf16.f32 v39;
	v5 =	vunpack.i.l.bf16.f32 v39  }
0x4af: {  	s4 =	spop (v2sf);
	v6 =	vunpack.i.l.bf16.f32 v7;
	v32 =	vmul.f32 v43, v32;
	v47 =	vunpack.i.u.bf16.f32 v7;
	s2 =	smin.f32 s1, $5.000000000e+00;
	v56 =	vld [tilespmem:s15+$0xFFFFFEA0]  }
0x4b0: {  	v34 =	vmul.f32 $1.442695020e+00, v55;
	v60 =	vld [tilespmem:s16+$0xFFFFFF60];
	s0 =	smax.f32 s4, $-5.000000000e+00;
	v7 =	vmul.f32 v6, v5;
	v58 =	vmov s2  }
0x4b1: {  	s0 =	smin.f32 s0, $5.000000000e+00;
	v53 =	vunpack.i.u.bf16.f32 v0;
	v0 =	vunpack.i.l.bf16.f32 v0;
	v50 =	vmul.f32 $1.442695020e+00, v58  }
0x4b2: {  	v59, _, _ =	vpop (xrf2);
	v52 =	vld [tilespmem:s11+$0xFFFFFF60];
	v44 =	vbroadcast v34, $0x0;
	v51 =	vmov s0;
	v34 =	vmul.f32 v47, v4  }
0x4b3: {  	(v2sf) =	vpush v59, $0xF;
	[tilespmem:s26+$0xFFFFFEF0] =	vst v3;
	v0 =	vmul.f32 v0, v7;
	v13 =	vmul.f32 $1.442695020e+00, v51  }
0x4b4: {  	[tilespmem:s26+$0xFFFFFF00] =	vst v32;
	v59, _, _ =	vpop (xrf2);
	s5 =	spop (v2sf);
	v34 =	vmul.f32 v53, v34;
	v19 =	vbroadcast v50, $0x0;
	v57 =	vunpack.i.u.bf16.f32 v56  }
0x4b5: {  	v54 =	vld [tilespmem:s16+$0xFFFFFFA0];
	v48 =	vunpack.i.l.bf16.f32 v56;
	v58 =	vunpack.i.l.bf16.f32 v60;
	s0 =	smax.f32 s5, $-5.000000000e+00;
	s6 =	spop (v2sf);
	(v2sf) =	vpush v59, $0xF;
	v3, _, _ =	vpop (xrf2)  }
0x4b6: {  	v42 =	vunpack.i.u.bf16.f32 v60;
	v60 =	vld [tilespmem:s15+$0xFFFFFF20];
	v47 =	vmul.f32 v58, v48;
	s0 =	smin.f32 s0, $5.000000000e+00;
	s1 =	smax.f32 s6, $-5.000000000e+00;
	(v2sf) =	vpush v3, $0xF  }
0x4b7: {  	(xrf2) =	vadd.scan.msk.f32 $0xffff, v0;
	v56 =	vunpack.i.u.bf16.f32 v52;
	v52 =	vunpack.i.l.bf16.f32 v52;
	v4 =	vmov s0;
	s7 =	smin.f32 s1, $5.000000000e+00  }
0x4b8: {  	v5 =	vmul.f32 $1.442695020e+00, v4;
	v6 =	vmov s7;
	v47 =	vmul.f32 v52, v47  }
0x4b9: {  	v12 =	vsel vm4, v12, v15;
	v35 =	vmul.f32 v42, v57;
	(xrf2) =	vadd.scan.msk.f32 $0xffff, v34;
	v57 =	vmul.f32 $1.442695020e+00, v6  }
0x4ba: {  	v12 =	vsel vm5, v12, v16;
	v55 =	vld [tilespmem:s11+$0xFFFFFFA0];
	v13 =	vbroadcast v13, $0x0;
	v32 =	vbroadcast v5, $0x0;
	(xrf2) =	vadd.scan.msk.f32 $0xffff, v47  }
0x4bb: {  	v58 =	vld [tilespmem:s15+$0xFFFFFEE0];
	v4 =	vunpack.i.u.bf16.f32 v54;
	v7 =	vunpack.i.u.bf16.f32 v60;
	v57 =	vbroadcast v57, $0x0  }
0x4bc: {  	v45 =	vnsel vm0, $0x0, v33;
	(erf) = vpow2.f32 v32;
	v32 =	vmul.f32 v4, v7  }
0x4bd: {  	v45 =	vsel vm1, v45, v24;
	s8 =	spop (v2sf);
	v7 =	vmul.f32 v56, v35;
	(erf) = vpow2.f32 v57  }
0x4be: {  	v59 =	vunpack.i.l.bf16.f32 v54;
	s0 =	smax.f32 s8, $-5.000000000e+00;
	v48 =	vunpack.i.l.bf16.f32 v60;
	v60 =	vld [tilespmem:s15+$0xFFFFFF60];
	(erf) = vpow2.f32 v49  }
0x4bf: {  	v6 =	vunpack.i.l.bf16.f32 v55;
	v5 =	vunpack.i.u.bf16.f32 v55;
	s0 =	smin.f32 s0, $5.000000000e+00;
	(xrf2) =	vadd.scan.msk.f32 $0xffff, v7;
	(erf) = vpow2.f32 v44  }
0x4c0: {  	v48 =	vmul.f32 v59, v48;
	v34 =	vunpack.i.u.bf16.f32 v58;
	v18 =	vmov s0  }
0x4c1: {  	s12 =	spop (v2sf);
	v35 =	vunpack.i.l.bf16.f32 v58;
	v18 =	vmul.f32 $1.442695020e+00, v18;
	v58, _, _ =	vpop (xrf2);
	(erf) = vpow2.f32 v19  }
0x4c2: {  	s13 =	smax.f32 s12, $-5.000000000e+00;
	v55 =	vpop (erf);
	v4 =	vmul.f32 $1.442695020e+00, v41;
	v0 =	vmul.f32 v5, v32;
	s14 =	spop (v2sf);
	(v2sf) =	vpush v58, $0xF  }
0x4c3: {  	s0 =	smin.f32 s13, $5.000000000e+00;
	v32 =	vunpack.i.u.bf16.f32 v60;
	v33 =	vunpack.i.l.bf16.f32 v60;
	v60 =	vmul.f32 v55, v17;
	s1 =	smax.f32 s14, $-5.000000000e+00;
	v17, _, _ =	vpop (xrf2)  }
0x4c4: {  	v48 =	vmul.f32 v6, v48;
	v18 =	vbroadcast v18, $0x0;
	s1 =	smin.f32 s1, $5.000000000e+00;
	(v2sf) =	vpush v17, $0xF;
	s20 =	spop (v2sf);
	v17, _, _ =	vpop (xrf2)  }
0x4c5: {  	v57 =	vmov s0;
	(erf) = vpow2.f32 v13;
	v59 =	vmov s1;
	v16 =	vpop (erf);
	s0 =	smax.f32 s20, $-5.000000000e+00;
	s21 =	spop (v2sf)  }
0x4c6: {  	(erf) = vpow2.f32 v18;
	v18 =	vnsel vm0, $0x0, v27;
	v12 =	vsel vm6, v12, v16;
	v15 =	vpop (erf);
	s0 =	smin.f32 s0, $5.000000000e+00;
	s1 =	smax.f32 s21, $-5.000000000e+00  }
0x4c7: {  	(xrf2) =	vadd.scan.msk.f32 $0xffff, v48;
	(v2sf) =	vpush v17, $0xF;
	v44 =	vsel vm7, v12, v15;
	v12 =	vmov s0;
	v17 =	vpop (erf);
	s22 =	smin.f32 s1, $5.000000000e+00  }
0x4c8: {  	v39 =	vld [tilespmem:s15+$0xFFFFFE60];
	v5 =	vmul.f32 $1.442695020e+00, v57;
	v12 =	vmul.f32 $1.442695020e+00, v12;
	v24 =	vpop (erf);
	v13 =	vmov s22  }
0x4c9: {  	v19 =	vmul.f32 $1.442695020e+00, v23;
	(xrf2) =	vadd.scan.msk.f32 $0xffff, v0;
	v27 =	vsel vm1, v18, v25;
	v18, _, _ =	vpop (xrf2);
	v13 =	vmul.f32 $1.442695020e+00, v13  }
0x4ca: {  	v25 =	vmul.f32 v24, v30;
	(v2sf) =	vpush v18, $0xF;
	v18 =	vpop (erf);
	v12 =	vbroadcast v12, $0x0  }
0x4cb: {  	v62 =	vunpack.i.u.bf16.f32 v22;
	v21 =	vmul.f32 v18, v21;
	v13 =	vbroadcast v13, $0x0  }
0x4cc: {  	v63 =	vunpack.i.l.bf16.f32 v22;
	v0 =	vbroadcast v4, $0x0;
	[tilespmem:s10+$0xFFFFFEA0] =	vst v25;
	(erf) = vpow2.f32 v12  }
0x4cd: {  	v42 =	vunpack.i.u.bf16.f32 v39;
	v30 =	vld [tilespmem:s17+$0x0];
	[tilespmem:s10+$0xFFFFFEB0] =	vst v21;
	(erf) = vpow2.f32 v13;
	v13 =	vmul.f32 v17, v28  }
0x4ce: {  	v39 =	vunpack.i.l.bf16.f32 v39;
	v7 =	vpop (erf);
	v28 =	vbroadcast v37, $0x0;
	(erf) = vpow2.f32 v26;
	v26 =	vld [tilespmem:s17+$0xFFFFFEC0]  }
0x4cf: {  	v12 =	vmul.f32 $1.442695020e+00, v59;
	v59 =	vsel vm4, v20, v55;
	v20 =	vmul.f32 v7, v40;
	v21 =	vpop (erf);
	[tilespmem:s10+$0xFFFFFE20] =	vst v13;
	v13 =	vld [tilespmem:s15+$0xFFFFFFE0]  }
0x4d0: {  	v23 =	vnsel vm0, $0x0, v46;
	[tilespmem:s10+$0xFFFFFE10] =	vst v60;
	v29 =	vmul.f32 v21, v29;
	(erf) = vpow2.f32 v28;
	v28 =	vld [tilespmem:s24+$0xFFFFFF80]  }
0x4d1: {  	v58 =	vsel vm1, v23, v43;
	v6 =	vbroadcast v19, $0x0;
	v23 =	vsel vm4, v2, v24;
	v25, _, _ =	vpop (xrf2);
	[tilespmem:s10+$0xFFFFFF30] =	vst v20;
	s23 =	spop (v2sf);
	v52 =	vld [tilespmem:s17+$0xFFFFFE40]  }
0x4d2: {  	v22 =	vsel vm4, v38, v7;
	v37 =	vbroadcast v5, $0x0;
	(v2sf) =	vpush v25, $0xF;
	s0 =	smax.f32 s23, $-5.000000000e+00;
	v25 =	vld [tilespmem:s24+$0xFFFFFF40];
	[tilespmem:s10+$0xFFFFFF40] =	vst v29  }
0x4d3: {  	v43 =	vbroadcast v12, $0x0;
	v24 =	vunpack.i.u.bf16.f32 v30;
	v12, _, _ =	vpop (xrf2);
	s0 =	smin.f32 s0, $5.000000000e+00;
	(erf) = vpow2.f32 v6;
	v48 =	vld [tilespmem:s24+$0xFFFFFFC0];
	s24 =	spop (v2sf)  }
0x4d4: {  	(v2sf) =	vpush v12, $0xF;
	v6 =	vmov s0;
	v49 =	vld [tilespmem:s28+$0xFFFFFF40];
	(erf) = vpow2.f32 v0;
	s0 =	smax.f32 s24, $-5.000000000e+00  }
0x4d5: {  	v56 =	vld [tilespmem:s17+$0xFFFFFF40];
	v47 =	vmul.f32 $1.442695020e+00, v6;
	v7 =	vunpack.i.l.bf16.f32 v26;
	s0 =	smin.f32 s0, $5.000000000e+00;
	v53 =	vunpack.i.l.bf16.f32 v13;
	v12 =	vpop (erf)  }
0x4d6: {  	v54 =	vunpack.i.u.bf16.f32 v13;
	v57 =	vmov s0;
	v29 =	vmul.f32 v12, v53;
	v13 =	vpop (erf)  }
0x4d7: {  	v55 =	vunpack.i.u.bf16.f32 v52;
	v4 =	vunpack.i.l.bf16.f32 v52;
	v0 =	vmul.f32 v13, v54  }
0x4d8: {  	v5 =	vunpack.i.u.bf16.f32 v25;
	v25 =	vunpack.i.l.bf16.f32 v25;
	v38 =	vmul.f32 $1.442695020e+00, v57;
	[tilespmem:s26+$0xFFFFFFA0] =	vst v29  }
0x4d9: {  	v3 =	vunpack.i.l.bf16.f32 v49;
	v51 =	vmul.f32 v25, v4;
	v53 =	vmul.f32 v5, v55;
	[tilespmem:s26+$0xFFFFFFB0] =	vst v0  }
0x4da: {  	s25 =	spop (v2sf);
	v25 =	vunpack.i.l.bf16.f32 v28;
	v4 =	vunpack.i.u.bf16.f32 v56;
	v40 =	vunpack.i.l.bf16.f32 v56;
	v50 =	vld [tilespmem:s15+$0xFFFFFFB0]  }
0x4db: {  	s0 =	smax.f32 s25, $-5.000000000e+00;
	v29 =	vunpack.i.u.bf16.f32 v26;
	v26 =	vunpack.i.u.bf16.f32 v28;
	v28 =	vbroadcast v47, $0x0;
	v60 =	vld [tilespmem:s16+$0xFFFFFFF0]  }
0x4dc: {  	s0 =	smin.f32 s0, $5.000000000e+00;
	v5 =	vunpack.i.u.bf16.f32 v48;
	v47 =	vmul.f32 v25, v7;
	v25 =	vbroadcast v38, $0x0;
	v6 =	vld [tilespmem:s11+$0xFFFFFFF0]  }
0x4dd: {  	v56 =	vld [tilespmem:s28+$0xFFFFFFC0];
	s29 =	spop (v2sf);
	v41 =	vmul.f32 v5, v4;
	(erf) = vpow2.f32 v28;
	v28 =	vmov s0  }
0x4de: {  	v7 =	vunpack.i.l.bf16.f32 v48;
	v38 =	vld [tilespmem:s28+$0xFFFFFF80];
	v48 =	vmul.f32 v26, v29;
	s0 =	smax.f32 s29, $-5.000000000e+00;
	v26 =	vmul.f32 $1.442695020e+00, v28  }
0x4df: {  	v55 =	vunpack.i.u.bf16.f32 v49;
	v40 =	vmul.f32 v7, v40;
	s0 =	smin.f32 s0, $5.000000000e+00;
	(erf) = vpow2.f32 v25  }
0x4e0: {  	v25 =	vbroadcast v26, $0x0;
	v26 =	vmov s0;
	v28 =	vunpack.i.l.bf16.f32 v60  }
0x4e1: {  	s30 =	spop (v2sf);
	v29 =	vmul.f32 $1.442695020e+00, v26;
	v57 =	vunpack.i.l.bf16.f32 v50;
	v26 =	vunpack.i.l.bf16.f32 v6  }
0x4e2: {  	[tilespmem:s10+$0x0] =	vst v44;
	v51 =	vmul.f32 v3, v51;
	v44 =	vunpack.i.u.bf16.f32 v56;
	s0 =	smax.f32 s30, $-5.000000000e+00;
	v0 =	vmul.f32 v28, v57  }
0x4e3: {  	v52 =	vunpack.i.l.bf16.f32 v38;
	s0 =	smin.f32 s0, $5.000000000e+00;
	v50 =	vunpack.i.u.bf16.f32 v50;
	v46 =	vunpack.i.u.bf16.f32 v60;
	s31 =	spop (v2sf);
	v28 =	vpop (erf)  }
0x4e4: {  	v1 =	vmov s0;
	v46 =	vmul.f32 v46, v50;
	s0 =	smax.f32 s31, $-5.000000000e+00;
	v0 =	vmul.f32 v26, v0;
	v26 =	vpop (erf)  }
0x4e5: {  	[tilespmem:s9+$0x0] =	vst v14;
	v60 =	vbroadcast v29, $0x0;
	v2 =	vunpack.i.u.bf16.f32 v6;
	v14 =	vmul.f32 $1.442695020e+00, v1;
	s0 =	smin.f32 s0, $5.000000000e+00;
	v29 =	vpop (erf)  }
0x4e6: {  	[tilespmem:s9+$0xFFFFFFE0] =	vst v31;
	v31 =	vmul.f32 v2, v46;
	v5 =	vmov s0;
	(erf) = vpow2.f32 v25;
	v25 =	vpop (erf)  }
0x4e7: {  	[tilespmem:s9+$0xFFFFFFF0] =	vst v36;
	v50 =	vunpack.i.u.bf16.f32 v38;
	v14 =	vbroadcast v14, $0x0;
	v7 =	vmul.f32 $1.442695020e+00, v5;
	v4 =	vpop (erf)  }
0x4e8: {  	v36 =	vld [tilespmem:s17+$0xFFFFFF00];
	v46 =	vunpack.i.l.bf16.f32 v56;
	(erf) = vpow2.f32 v60;
	(xrf2) =	vadd.scan.msk.f32 $0xffff, v0;
	v6 =	vmul.f32 v4, v39  }
0x4e9: {  	s2 =	simm.s32 $0x8;
	s20 =	simm.s32 $0x1C90;
	(xrf2) =	vadd.scan.msk.f32 $0xffff, v31;
	v38 =	vbroadcast v7, $0x0;
	(erf) = vpow2.f32 v14;
	v39 =	vld [tilespmem:s17+$0xFFFFFE80];
	v60 =	vpop (erf);
	v45 =	vsel vm2, v45, v4  }
0x4ea: {  	s24 =	simm.s32 $0x4990;
	s28 =	simm.s32 $0x3590;
	v31 =	vld [tilespmem:s17+$0xFFFFFF80];
	s17 =	simm.s32 $0x6DD0;
	v42 =	vmul.f32 v60, v42;
	v19 =	vsel vm3, v45, v60;
	v45 =	vmul.f32 v55, v53;
	[tilespmem:s26+$0xFFFFFDF0] =	vst v6  }
.LBB2_9:
0x4eb: {  	s16 =	sadd.s32 $0x100, s16;
	v7 =	vld [tilespmem:s20+$0xFFFFFE90]  }
0x4ec: {  	(erf) = vpow2.f32 v38;
	v38 =	vmul.f32 v52, v47;
	v47 =	vld [tilespmem:s16+$0xFFFFFFD0]  }
0x4ed: {  	v14 =	vmov v62;
	[tilespmem:s26+$0xFFFFFE00] =	vst v42;
	v42 =	vmul.f32 v46, v40;
	v55 =	vld [tilespmem:s16+$0xFFFFFF50]  }
0x4ee: {  	v41 =	vmul.f32 v44, v41;
	v14 =	vmul.f32 v25, v14;
	v53 =	vunpack.i.u.bf16.f32 v39  }
0x4ef: {  	(xrf2) =	vadd.scan.msk.f32 $0xffff, v51;
	v60 =	vld [tilespmem:s16+$0xFFFFFF10];
	v54 =	vunpack.i.l.bf16.f32 v39;
	v39 =	vmul.f32 v50, v48;
	v51 =	vunpack.i.u.bf16.f32 v36  }
0x4f0: {  	v0 =	vld [tilespmem:s20+$0xFFFFFF90];
	v56 =	vunpack.i.l.bf16.f32 v36;
	v52 =	vunpack.i.l.bf16.f32 v31;
	v44 =	vunpack.i.u.bf16.f32 v7  }
0x4f1: {  	s11 =	sadd.s32 $0x100, s11;
	v4 =	vpop (erf);
	(erf) = vpow2.f32 v37;
	v3 =	vunpack.i.l.bf16.f32 v47;
	v47 =	vunpack.i.u.bf16.f32 v47  }
0x4f2: {  	v37 =	vld [tilespmem:s11+$0xFFFFFFD0];
	v36 =	vunpack.i.l.bf16.f32 v55;
	v5 =	vmul.f32 v4, v35;
	v27 =	vsel vm2, v27, v4;
	v6, _, _ =	vpop (xrf2);
	(xrf2) =	vadd.scan.msk.f32 $0xffff, v45  }
0x4f3: {  	(erf) = vpow2.f32 v43;
	v50 =	vpop (erf);
	v35 =	vunpack.i.u.bf16.f32 v31;
	(v2sf) =	vpush v6, $0xF  }
0x4f4: {  	v48 =	vunpack.i.u.bf16.f32 v60;
	v40 =	vunpack.i.l.bf16.f32 v60;
	v1 =	vsel vm3, v27, v50;
	v4, _, _ =	vpop (xrf2)  }
0x4f5: {  	v45 =	vunpack.i.l.bf16.f32 v30;
	v27 =	vld [tilespmem:s20+$0xFFFFFF10];
	v30 =	vunpack.i.l.bf16.f32 v0;
	(v2sf) =	vpush v4, $0xF  }
0x4f6: {  	v34 =	vmul.f32 v50, v34;
	v50 =	vld [tilespmem:s16+$0xFFFFFF90];
	v0 =	vunpack.i.u.bf16.f32 v0;
	v30 =	vmul.f32 v3, v30  }
0x4f7: {  	[tilespmem:s26+$0xFFFFFE80] =	vst v5;
	(xrf2) =	vadd.scan.msk.f32 $0xffff, v38;
	v38 =	vpop (erf);
	v5 =	vld [tilespmem:s20+$0xFFFFFE10];
	v0 =	vmul.f32 v47, v0;
	v6 =	vunpack.i.l.bf16.f32 v37  }
0x4f8: {  	v11 =	vmovc v61;
	v43 =	vunpack.i.l.bf16.f32 v7;
	v33 =	vmul.f32 v38, v33;
	v30 =	vmul.f32 v6, v30  }
0x4f9: {  	v46 =	vld [tilespmem:s11+$0xFFFFFF10];
	v7 =	vunpack.i.u.bf16.f32 v55;
	v36 =	vmul.f32 v36, v43;
	[tilespmem:s26+$0xFFFFFE90] =	vst v34;
	v57 =	vpop (erf);
	v37 =	vunpack.i.u.bf16.f32 v37  }
0x4fa: {  	v61 =	vld [tilespmem:s11+$0xFFFFFF50];
	v20, _, _ =	vpop (xrf2);
	v32 =	vmul.f32 v57, v32;
	[tilespmem:s26+$0xFFFFFF10] =	vst v33;
	v0 =	vmul.f32 v37, v0;
	(xrf2) =	vadd.scan.msk.f32 $0xffff, v30  }
0x4fb: {  	v31 =	vmovc v12;
	v12 =	vmovc v22;
	[tilespmem:$0x1FEF0] =	vst v1;
	v33 =	vmul.f32 v7, v44;
	v47 =	vld [tilespmem:s11+$0xFFFFFF90];
	v60 =	vunpack.i.u.bf16.f32 v27;
	v27 =	vunpack.i.l.bf16.f32 v27  }
0x4fc: {  	v6 =	vunpack.i.l.bf16.f32 v50;
	v1 =	vld [tilespmem:s20+$0xFFFFFF50];
	v4 =	vunpack.i.u.bf16.f32 v5;
	v34 =	vunpack.i.l.bf16.f32 v5;
	v22, _, _ =	vpop (xrf2);
	(xrf2) =	vadd.scan.msk.f32 $0xffff, v0  }
0x4fd: {  	v30 =	vld [tilespmem:s20+$0xFFFFFE50];
	v5 =	vunpack.i.u.bf16.f32 v50;
	v27 =	vmul.f32 v6, v27;
	v34 =	vmul.f32 v40, v34  }
0x4fe: {  	[tilespmem:$0x1FEE0] =	vst v19;
	v19 =	vmovc v63;
	v63 =	vld [tilespmem:s28+$0xFFFFFF30];
	v7 =	vunpack.i.l.bf16.f32 v46;
	v37 =	vmul.f32 v48, v4;
	v40 =	vmul.f32 v5, v60  }
0x4ff: {  	v43 =	vld [tilespmem:s15+$0xFFFFFE30];
	v4 =	vunpack.i.u.bf16.f32 v61;
	v5 =	vunpack.i.l.bf16.f32 v61;
	v34 =	vmul.f32 v7, v34  }
0x500: {  	v36 =	vmul.f32 v5, v36;
	v44 =	vmul.f32 v4, v33;
	v0 =	vunpack.i.u.bf16.f32 v46  }
0x501: {  	v3 =	vld [tilespmem:s24+$0xFFFFFF30];
	v6 =	vunpack.i.u.bf16.f32 v47;
	v7 =	vunpack.i.l.bf16.f32 v47;
	v33 =	vunpack.i.u.bf16.f32 v1;
	v60, _, _ =	vpop (xrf2);
	(xrf2) =	vadd.scan.msk.f32 $0xffff, v39  }
0x502: {  	v0 =	vmul.f32 v0, v37;
	v47 =	vunpack.i.u.bf16.f32 v30;
	v50 =	vunpack.i.l.bf16.f32 v30;
	(xrf2) =	vadd.scan.msk.f32 $0xffff, v34;
	s0 =	spop (v2sf)  }
0x503: {  	v62 =	vld [tilespmem:s20+$0xFFFFFED0];
	v27 =	vmul.f32 v7, v27;
	v30 =	vmul.f32 v6, v40;
	v34 =	vunpack.i.l.bf16.f32 v1;
	s0 =	smax.f32 s0, $-5.000000000e+00  }
0x504: {  	v2 =	vld [tilespmem:s15+$0xFFFFFEB0];
	v1 =	vunpack.i.u.bf16.f32 v43;
	v6, _, _ =	vpop (xrf2);
	(xrf2) =	vadd.scan.msk.f32 $0xffff, v0;
	v0 =	vunpack.i.l.bf16.f32 v43;
	v43 =	vunpack.i.u.bf16.f32 v63;
	s1 =	spop (v2sf);
	s0 =	smin.f32 s0, $5.000000000e+00  }
0x505: {  	v63 =	vunpack.i.l.bf16.f32 v63;
	(v2sf) =	vpush v6, $0xF;
	s1 =	smax.f32 s1, $-5.000000000e+00;
	v7 =	vmov s0  }
0x506: {  	[tilespmem:s26+$0xFFFFFF20] =	vst v32;
	v8 =	vunpack.i.u.bf16.f32 v3;
	v39 =	vld [tilespmem:s28+$0xFFFFFF70];
	v0 =	vmul.f32 v63, v0;
	s21 =	smin.f32 s1, $5.000000000e+00;
	v40, _, _ =	vpop (xrf2);
	v32 =	vmul.f32 $1.442695020e+00, v7  }
0x507: {  	v63 =	vld [tilespmem:s24+$0xFFFFFFB0];
	v1 =	vmul.f32 v43, v1;
	v5 =	vmov s21;
	(v2sf) =	vpush v40, $0xF  }
0x508: {  	v3 =	vunpack.i.l.bf16.f32 v3;
	(xrf2) =	vadd.scan.msk.f32 $0xffff, v36;
	v40 =	vld [tilespmem:s15+$0xFFFFFF30];
	v5 =	vmul.f32 $1.442695020e+00, v5;
	v32 =	vbroadcast v32, $0x0  }
0x509: {  	v55 =	vpop (erf);
	v48 =	vunpack.i.l.bf16.f32 v62;
	v4 =	vunpack.i.u.bf16.f32 v2;
	v6 =	vld [tilespmem:s28+$0xFFFFFFB0];
	v0 =	vmul.f32 v3, v0  }
0x50a: {  	v49 =	vpop (erf);
	v2 =	vunpack.i.l.bf16.f32 v2;
	v37 =	vld [tilespmem:s24+$0xFFFFFF70];
	v1 =	vmul.f32 v8, v1;
	v5 =	vbroadcast v5, $0x0  }
0x50b: {  	v9 =	vld [tilespmem:s15+$0xFFFFFF70];
	v36 =	vunpack.i.u.bf16.f32 v39;
	v39 =	vunpack.i.l.bf16.f32 v39;
	v7, _, _ =	vpop (xrf2);
	(erf) = vpow2.f32 v32  }
0x50c: {  	v61 =	vld [tilespmem:s15+$0xFFFFFE70];
	v46 =	vunpack.i.u.bf16.f32 v62;
	v2 =	vmul.f32 v39, v2;
	(erf) = vpow2.f32 v5;
	v32, _, _ =	vpop (xrf2);
	(xrf2) =	vadd.scan.msk.f32 $0xffff, v44  }
0x50d: {  	v62 =	vld [tilespmem:s15+$0xFFFFFEF0];
	v4 =	vmul.f32 v36, v4;
	v43 =	vunpack.i.l.bf16.f32 v63;
	v39 =	vunpack.i.u.bf16.f32 v40  }
0x50e: {  	v40 =	vunpack.i.l.bf16.f32 v40;
	v44 =	vunpack.i.u.bf16.f32 v6;
	v6 =	vunpack.i.l.bf16.f32 v6  }
0x50f: {  	(v2sf) =	vpush v32, $0xF;
	v32 =	vunpack.i.u.bf16.f32 v37;
	v36, _, _ =	vpop (xrf2);
	v5 =	vmul.f32 v44, v39;
	v44 =	vld [tilespmem:s15+$0xFFFFFFF0]  }
0x510: {  	v6 =	vmul.f32 v6, v40;
	(xrf2) =	vadd.scan.msk.f32 $0xffff, v27;
	v37 =	vunpack.i.l.bf16.f32 v37;
	(v2sf) =	vpush v36, $0xF  }
0x511: {  	v40 =	vunpack.i.u.bf16.f32 v63;
	v27 =	vunpack.i.u.bf16.f32 v61;
	v39 =	vunpack.i.l.bf16.f32 v9  }
0x512: {  	v2 =	vmul.f32 v37, v2;
	v4 =	vmul.f32 v32, v4;
	v37 =	vunpack.i.u.bf16.f32 v62;
	v8, _, _ =	vpop (xrf2)  }
0x513: {  	v36 =	vunpack.i.u.bf16.f32 v9;
	v3 =	vmul.f32 v43, v6;
	(xrf2) =	vadd.scan.msk.f32 $0xffff, v30;
	(v2sf) =	vpush v8, $0xF  }
0x514: {  	v32 =	vmul.f32 v40, v5;
	v30 =	vunpack.i.l.bf16.f32 v61;
	(xrf2) =	vadd.scan.msk.f32 $0xffff, v0;
	v61 =	vunpack.i.l.bf16.f32 v44;
	s22 =	spop (v2sf);
	v43 =	vpop (erf)  }
0x515: {  	v40 =	vunpack.i.l.bf16.f32 v62;
	v62 =	vunpack.i.u.bf16.f32 v44;
	s0 =	smax.f32 s22, $-5.000000000e+00;
	v5 =	vmul.f32 v43, v61;
	v44 =	vpop (erf)  }
0x516: {  	v8 =	vsel vm2, v58, v38;
	s0 =	smin.f32 s0, $5.000000000e+00;
	v9 =	vmul.f32 v44, v62;
	v63, _, _ =	vpop (xrf2);
	s23 =	spop (v2sf);
	(v2sf) =	vpush v20, $0xF  }
0x517: {  	v38 =	vsel vm3, v8, v57;
	v57 =	vld [tilespmem:$0x1FF00];
	v58 =	vmov s0;
	[tilespmem:s26+$0xFFFFFFC0] =	vst v5;
	(v2sf) =	vpush v63, $0xF  }
0x518: {  	v0 =	vsel vm5, v59, v17;
	v59 =	vmul.f32 $1.442695020e+00, v58;
	s1 =	smax.f32 s23, $-5.000000000e+00;
	[tilespmem:s26+$0xFFFFFFD0] =	vst v9;
	v9 =	vsel vm5, v23, v18;
	v18 =	vld [tilespmem:$0x1FF10]  }
0x519: {  	(xrf2) =	vadd.scan.msk.f32 $0xffff, v1;
	s25 =	smin.f32 s1, $5.000000000e+00;
	(v2sf) =	vpush v22, $0xF;
	v8 =	vld [tilespmem:s15+$0xFFFFFFC0]  }
0x51a: {  	[tilespmem:s9+$0xFFFFFED0] =	vst v14;
	v62, _, _ =	vpop (xrf2);
	v6 =	vld [tilespmem:s28+$0x0];
	v1 =	vbroadcast v59, $0x0;
	v61 =	vmov s25;
	(v2sf) =	vpush v60, $0xF  }
0x51b: {  	(xrf2) =	vadd.scan.msk.f32 $0xffff, v2;
	v2 =	vsel vm5, v12, v21;
	v5 =	vmul.f32 $1.442695020e+00, v61;
	(v2sf) =	vpush v62, $0xF  }
0x51c: {  	v21 =	vsel vm6, v10, v28;
	v10 =	vmovc v53;
	v17 =	vld [tilespmem:s24+$0x0];
	v58 =	vmovc v54;
	v59 =	vmul.f32 v29, v19;
	(erf) = vpow2.f32 v1  }
0x51d: {  	[tilespmem:$0x1FF00] =	vst v10;
	v63, _, _ =	vpop (xrf2);
	v1 =	vmul.f32 v26, v57;
	(v2sf) =	vpush v7, $0xF;
	v5 =	vbroadcast v5, $0x0  }
0x51e: {  	[tilespmem:$0x1FF10] =	vst v58;
	v22, _, _ =	vpop (xrf2);
	s29 =	spop (v2sf);
	v18 =	vmul.f32 v28, v18;
	(v2sf) =	vpush v63, $0xF;
	v12 =	vunpack.i.l.bf16.f32 v8  }
0x51f: {  	(xrf2) =	vadd.scan.msk.f32 $0xffff, v4;
	s0 =	smax.f32 s29, $-5.000000000e+00;
	s30 =	spop (v2sf);
	v19 =	vunpack.i.l.bf16.f32 v6;
	(v2sf) =	vpush v22, $0xF;
	(erf) = vpow2.f32 v5  }
0x520: {  	v62 =	vmovc v9;
	v9 =	vld [tilespmem:$0x1FF20];
	(xrf2) =	vadd.scan.msk.f32 $0xffff, v3;
	v8 =	vunpack.i.u.bf16.f32 v8;
	v6 =	vunpack.i.u.bf16.f32 v6;
	s0 =	smin.f32 s0, $5.000000000e+00;
	v12 =	vmul.f32 v19, v12  }
0x521: {  	v60 =	vld [tilespmem:$0x1FF50];
	v63 =	vmovc v56;
	[tilespmem:s9+$0xFFFFFE40] =	vst v1;
	v56 =	vmovc v52;
	v53 =	vunpack.i.l.bf16.f32 v17;
	v6 =	vmul.f32 v6, v8;
	v61 =	vmov s0  }
0x522: {  	v10 =	vmovc v0;
	v0 =	vld [tilespmem:s20+$0xFFFFFFD0];
	[tilespmem:$0x1FF20] =	vst v56;
	v8 =	vunpack.i.u.bf16.f32 v17;
	s0 =	smax.f32 s30, $-5.000000000e+00;
	v7 =	vmul.f32 $1.442695020e+00, v61;
	s31 =	spop (v2sf);
	v1 =	vmul.f32 v53, v12  }
0x523: {  	v56 =	vmul.f32 v49, v11;
	[tilespmem:s9+$0xFFFFFE30] =	vst v18;
	s0 =	smin.f32 s0, $5.000000000e+00;
	v18, _, _ =	vpop (xrf2);
	v6 =	vmul.f32 v8, v6;
	s1 =	smax.f32 s31, $-5.000000000e+00  }
0x524: {  	v12 =	vmov s0;
	(v2sf) =	vpush v18, $0xF;
	v54 =	vbroadcast v7, $0x0;
	s0 =	smin.f32 s1, $5.000000000e+00;
	(xrf2) =	vadd.scan.msk.f32 $0xffff, v1  }
0x525: {  	[tilespmem:s9+$0xFFFFFEC0] =	vst v59;
	v9 =	vmul.f32 v55, v9;
	v8 =	vld [tilespmem:$0x1FF60];
	v59, _, _ =	vpop (xrf2);
	v57 =	vmul.f32 $1.442695020e+00, v12;
	v58 =	vmov s0;
	s4 =	spop (v2sf)  }
0x526: {  	v5 =	vsel vm6, v60, v29;
	v17 =	vpop (erf);
	(xrf2) =	vadd.scan.msk.f32 $0xffff, v6;
	v1 =	vmul.f32 $1.442695020e+00, v58;
	(erf) = vpow2.f32 v54;
	s5 =	spop (v2sf)  }
0x527: {  	v5 =	vsel vm7, v5, v25;
	[tilespmem:s9+$0xFFFFFF50] =	vst v9;
	v9 =	vunpack.i.l.bf16.f32 v0;
	v12 =	vbroadcast v57, $0x0;
	s0 =	smax.f32 s4, $-5.000000000e+00;
	s1 =	smax.f32 s5, $-5.000000000e+00  }
0x528: {  	[tilespmem:$0x1FF50] =	vst v62;
	v0 =	vunpack.i.u.bf16.f32 v0;
	v9 =	vmul.f32 v17, v9;
	v14 =	vbroadcast v1, $0x0;
	v19 =	vpop (erf);
	s4 =	spop (v2sf);
	s1 =	smin.f32 s1, $5.000000000e+00  }
0x529: {  	s26 =	sadd.s32 $0x240, s26;
	v60, _, _ =	vpop (xrf2);
	(xrf2) =	vadd.scan.msk.f32 $0xffff, v32;
	(v2sf) =	vpush v59, $0xF;
	(erf) = vpow2.f32 v12;
	v0 =	vmul.f32 v19, v0;
	s5 =	spop (v2sf);
	s4 =	smax.f32 s4, $-5.000000000e+00  }
0x52a: {  	v54 =	vmul.f32 v16, v45;
	v8 =	vsel vm6, v8, v55;
	v55 =	vsel vm7, v21, v26;
	[tilespmem:s26+$0xFFFFFF80] =	vst v9;
	s6 =	spop (v2sf);
	s5 =	smax.f32 s5, $-5.000000000e+00  }
0x52b: {  	v62 =	vmovc v51;
	v51 =	vmovc v2;
	v8 =	vsel vm7, v8, v49;
	(erf) = vpow2.f32 v14;
	v61 =	vmov s1;
	s8 =	smin.f32 s4, $5.000000000e+00;
	s1 =	smax.f32 s6, $-5.000000000e+00;
	[tilespmem:s26+$0xFFFFFF90] =	vst v0  }
0x52c: {  	[tilespmem:s9+$0xFFFFFF60] =	vst v56;
	v53, _, _ =	vpop (xrf2);
	v59 =	vmul.f32 v15, v24;
	(v2sf) =	vpush v60, $0xF;
	v52 =	vmul.f32 $1.442695020e+00, v61;
	s6 =	spop (v2sf);
	s13 =	smin.f32 s5, $5.000000000e+00;
	v0 =	vld [tilespmem:s20+$0xFFFFFFA0]  }
0x52d: {  	[tilespmem:$0x1FF60] =	vst v51;
	v16 =	vmov s8;
	s1 =	smin.f32 s1, $5.000000000e+00;
	v9 =	vld [tilespmem:s16+$0xFFFFFFE0];
	s7 =	spop (v2sf);
	(v2sf) =	vpush v53, $0xF;
	v21 =	vmov s13  }
0x52e: {  	[tilespmem:s9+$0xFFFFFEE0] =	vst v5;
	s0 =	smin.f32 s0, $5.000000000e+00;
	v60 =	vld [tilespmem:s11+$0xFFFFFFE0];
	v24 =	vmul.f32 $1.442695020e+00, v16;
	v11 =	vbroadcast v52, $0x0;
	v57 =	vmov s1;
	v32, _, _ =	vpop (xrf2)  }
0x52f: {  	[tilespmem:s9+$0xFFFFFE50] =	vst v55;
	v61 =	vmov v35;
	s1 =	smax.f32 s7, $-5.000000000e+00;
	v35 =	vmov s0;
	v58 =	vmul.f32 $1.442695020e+00, v57;
	v26 =	vpop (erf)  }
0x530: {  	(xrf2) =	vadd.scan.msk.f32 $0xffff, v42;
	s12 =	spop (v2sf);
	s1 =	smin.f32 s1, $5.000000000e+00;
	v18 =	vmul.f32 $1.442695020e+00, v35;
	(v2sf) =	vpush v32, $0xF;
	v49, _, _ =	vpop (xrf2);
	(erf) = vpow2.f32 v11  }
0x531: {  	[tilespmem:s9+$0xFFFFFF70] =	vst v8;
	s9 =	smov.u32 s10;
	v15 =	vmov s1;
	(v2sf) =	vpush v49, $0xF;
	v51 =	vmul.f32 v26, v50  }
0x532: {  	[tilespmem:s9+$0xFFFFFFE0] =	vst v54;
	v1 =	vbroadcast v58, $0x0;
	v42 =	vmul.f32 $1.442695020e+00, v15;
	v45 =	vunpack.i.l.bf16.f32 v0;
	v20 =	vpop (erf)  }
0x533: {  	(xrf2) =	vadd.scan.msk.f32 $0xffff, v41;
	v54, _, _ =	vpop (xrf2);
	v8 =	vunpack.i.l.bf16.f32 v9;
	v52 =	vunpack.i.l.bf16.f32 v60;
	s21 =	spop (v2sf);
	v55 =	vmul.f32 v20, v47  }
0x534: {  	v0 =	vunpack.i.u.bf16.f32 v0;
	[tilespmem:s26+$0xFFFFFDD0] =	vst v51;
	v7 =	vmul.f32 v8, v45;
	v22 =	vpop (erf);
	(erf) = vpow2.f32 v1;
	s4 =	smax.f32 s21, $-5.000000000e+00  }
0x535: {  	s1 =	smax.f32 s12, $-5.000000000e+00;
	v53 =	vunpack.i.u.bf16.f32 v9;
	(v2sf) =	vpush v54, $0xF;
	v5 =	vbroadcast v42, $0x0;
	s4 =	smin.f32 s4, $5.000000000e+00;
	[tilespmem:s26+$0xFFFFFDE0] =	vst v55  }
0x536: {  	[tilespmem:s9+$0xFFFFFFF0] =	vst v59;
	s1 =	smin.f32 s1, $5.000000000e+00;
	v0 =	vmul.f32 v53, v0;
	v3 =	vmul.f32 v52, v7;
	v59 =	vmov s4;
	v35 =	vld [tilespmem:s20+$0xFFFFFE20]  }
0x537: {  	s6 =	smax.f32 s6, $-5.000000000e+00;
	v58 =	vmov s1;
	(erf) = vpow2.f32 v5;
	v41 =	vmul.f32 $1.442695020e+00, v59;
	v42 =	vld [tilespmem:s16+$0xFFFFFF20]  }
0x538: {  	s14 =	smin.f32 s6, $5.000000000e+00;
	v57 =	vunpack.i.u.bf16.f32 v60;
	v56 =	vmul.f32 v22, v48;
	v52 =	vld [tilespmem:s11+$0xFFFFFF20];
	(xrf2) =	vadd.scan.msk.f32 $0xffff, v3;
	v3 =	vmul.f32 $1.442695020e+00, v58;
	s22 =	spop (v2sf)  }
0x539: {  	v25 =	vmov s14;
	v0 =	vmul.f32 v57, v0;
	v15 =	vbroadcast v41, $0x0;
	v23 =	vpop (erf);
	s1 =	smax.f32 s22, $-5.000000000e+00  }
0x53a: {  	v28 =	vnsel vm0, $0x0, v26;
	[tilespmem:s26+$0xFFFFFE60] =	vst v56;
	v32, _, _ =	vpop (xrf2);
	v45 =	vbroadcast v3, $0x0;
	v60 =	vmul.f32 v23, v46;
	s25 =	smin.f32 s1, $5.000000000e+00  }
0x53b: {  	(xrf2) =	vadd.scan.msk.f32 $0xffff, v0;
	s23 =	spop (v2sf);
	(v2sf) =	vpush v32, $0xF;
	v46 =	vmov s25;
	v8 =	vunpack.i.u.bf16.f32 v35  }
0x53c: {  	s29 =	smax.f32 s23, $-5.000000000e+00;
	v6 =	vunpack.i.l.bf16.f32 v35;
	v54 =	vunpack.i.u.bf16.f32 v42;
	[tilespmem:s26+$0xFFFFFE70] =	vst v60;
	v48 =	vmul.f32 $1.442695020e+00, v46;
	v46 =	vld [tilespmem:$0x1FF30]  }
0x53d: {  	v2 =	vunpack.i.l.bf16.f32 v42;
	v5 =	vunpack.i.u.bf16.f32 v52;
	s30 =	smin.f32 s29, $5.000000000e+00;
	s31 =	spop (v2sf);
	v29 =	vpop (erf);
	(erf) = vpow2.f32 v45;
	v47 =	vld [tilespmem:s20+$0xFFFFFEA0]  }
0x53e: {  	v2 =	vmul.f32 v2, v6;
	v8 =	vmul.f32 v54, v8;
	v49 =	vmov s30;
	v51 =	vld [tilespmem:s16+$0xFFFFFF60];
	s0 =	smax.f32 s31, $-5.000000000e+00  }
0x53f: {  	v50, _, _ =	vpop (xrf2);
	v1 =	vunpack.i.l.bf16.f32 v52;
	v53 =	vmul.f32 v29, v34;
	v9 =	vld [tilespmem:s11+$0xFFFFFF60];
	v3 =	vmul.f32 $1.442695020e+00, v49;
	s0 =	smin.f32 s0, $5.000000000e+00;
	s1 =	spop (v2sf)  }
0x540: {  	v34 =	vld [tilespmem:s20+$0xFFFFFE60];
	v0 =	vbroadcast v48, $0x0;
	v26 =	vpop (erf);
	v1 =	vmul.f32 v1, v2;
	v16 =	vmov s0;
	s0 =	smax.f32 s1, $-5.000000000e+00  }
0x541: {  	(v2sf) =	vpush v50, $0xF;
	v55 =	vmul.f32 v26, v33;
	s4 =	spop (v2sf);
	s0 =	smin.f32 s0, $5.000000000e+00;
	v3 =	vbroadcast v3, $0x0  }
0x542: {  	v49 =	vld [tilespmem:$0x1FF40];
	s1 =	smax.f32 s4, $-5.000000000e+00;
	v57, _, _ =	vpop (xrf2);
	v12 =	vmov s0;
	v56 =	vunpack.i.u.bf16.f32 v47;
	v4 =	vunpack.i.l.bf16.f32 v47  }
0x543: {  	[tilespmem:s26+$0xFFFFFEF0] =	vst v53;
	v33 =	vld [tilespmem:s20+$0xFFFFFEE0];
	s5 =	smin.f32 s1, $5.000000000e+00;
	v58 =	vunpack.i.u.bf16.f32 v51;
	v7 =	vunpack.i.l.bf16.f32 v51;
	(v2sf) =	vpush v57, $0xF  }
0x544: {  	[tilespmem:s26+$0xFFFFFF00] =	vst v55;
	v52 =	vmul.f32 $1.442695020e+00, v12;
	v11 =	vmov s5;
	v53 =	vunpack.i.u.bf16.f32 v9  }
0x545: {  	v51, _, _ =	vpop (xrf2);
	v9 =	vunpack.i.l.bf16.f32 v9;
	v42 =	vunpack.i.u.bf16.f32 v34;
	(xrf2) =	vadd.scan.msk.f32 $0xffff, v1;
	v1 =	vnsel vm0, $0x0, v46  }
0x546: {  	s6 =	spop (v2sf);
	v60 =	vld [tilespmem:s16+$0xFFFFFFA0];
	v46 =	vnsel vm0, $0x0, v29;
	v4 =	vmul.f32 v7, v4;
	(v2sf) =	vpush v51, $0xF  }
0x547: {  	s0 =	smax.f32 s6, $-5.000000000e+00;
	v6 =	vmul.f32 v58, v56;
	v55 =	vmul.f32 $1.442695020e+00, v11;
	v1 =	vsel vm1, v1, v49  }
0x548: {  	v59 =	vld [tilespmem:s20+$0xFFFFFF20];
	s0 =	smin.f32 s0, $5.000000000e+00;
	v51 =	vmul.f32 $1.442695020e+00, v16;
	v56 =	vbroadcast v52, $0x0;
	v35 =	vunpack.i.l.bf16.f32 v33  }
0x549: {  	v45 =	vld [tilespmem:s11+$0xFFFFFFA0];
	v1 =	vsel vm2, v1, v31;
	v52 =	vmov s0;
	v48 =	vbroadcast v55, $0x0  }
0x54a: {  	v41 =	vpop (erf);
	v4 =	vmul.f32 v9, v4;
	v1 =	vsel vm3, v1, v13;
	(erf) = vpow2.f32 v56  }
0x54b: {  	v58 =	vunpack.i.u.bf16.f32 v60;
	v32 =	vunpack.i.l.bf16.f32 v60;
	v60 =	vmul.f32 v5, v8  }
0x54c: {  	v54 =	vld [tilespmem:s20+$0xFFFFFF60];
	v6 =	vmul.f32 v53, v6;
	v1 =	vsel vm4, v1, v43;
	(erf) = vpow2.f32 v48  }
0x54d: {  	v55 =	vmul.f32 v41, v30;
	v7 =	vunpack.i.l.bf16.f32 v59;
	(erf) = vpow2.f32 v15;
	(xrf2) =	vadd.scan.msk.f32 $0xffff, v60  }
0x54e: {  	v57 =	vunpack.i.u.bf16.f32 v59;
	v59 =	vunpack.i.u.bf16.f32 v45;
	v11 =	vmul.f32 v32, v7  }
0x54f: {  	v1 =	vsel vm5, v1, v44;
	v44 =	vmul.f32 $1.442695020e+00, v25;
	v32 =	vunpack.i.l.bf16.f32 v45;
	(xrf2) =	vadd.scan.msk.f32 $0xffff, v4  }
0x550: {  	v8 =	vmul.f32 v58, v57;
	v45 =	vunpack.i.l.bf16.f32 v34;
	v5 =	vmul.f32 v32, v11  }
0x551: {  	v34 =	vunpack.i.u.bf16.f32 v33;
	v33 =	vunpack.i.l.bf16.f32 v54;
	v7 =	vmul.f32 $1.442695020e+00, v52;
	(xrf2) =	vadd.scan.msk.f32 $0xffff, v6  }
0x552: {  	v52 =	vbroadcast v24, $0x0;
	s7 =	spop (v2sf);
	v60 =	vmul.f32 $1.442695020e+00, v21;
	v32 =	vunpack.i.u.bf16.f32 v54;
	v54, _, _ =	vpop (xrf2);
	(xrf2) =	vadd.scan.msk.f32 $0xffff, v5  }
0x553: {  	v43 =	vnsel vm0, $0x0, v22;
	s1 =	smax.f32 s7, $-5.000000000e+00;
	v2 =	vmul.f32 v59, v8;
	v4 =	vbroadcast v51, $0x0;
	s8 =	spop (v2sf)  }
0x554: {  	v48 =	vmov v17;
	v53 =	vbroadcast v7, $0x0;
	s1 =	smin.f32 s1, $5.000000000e+00;
	v16 =	vpop (erf);
	(erf) = vpow2.f32 v0;
	s12 =	spop (v2sf)  }
0x555: {  	s10 =	smov.u32 s17;
	v1 =	vsel vm6, v1, v16;
	v15 =	vpop (erf);
	(erf) = vpow2.f32 v3;
	s0 =	smax.f32 s12, $-5.000000000e+00;
	s13 =	spop (v2sf);
	(v2sf) =	vpush v54, $0xF  }
0x556: {  	[tilespmem:s10+$0xFFFFFE10] =	vst v55;
	v8 =	vmov s1;
	v1 =	vsel vm7, v1, v15;
	(erf) = vpow2.f32 v4;
	v17 =	vpop (erf);
	s0 =	smin.f32 s0, $5.000000000e+00;
	s14 =	smax.f32 s13, $-5.000000000e+00  }
0x557: {  	[tilespmem:$0x1FF30] =	vst v48;
	s4 =	smax.f32 s8, $-5.000000000e+00;
	(erf) = vpow2.f32 v53;
	v48 =	vmul.f32 v17, v27;
	v59, _, _ =	vpop (xrf2);
	v57 =	vmov s0;
	s21 =	smin.f32 s14, $5.000000000e+00  }
0x558: {  	v30 =	vld [tilespmem:s15+$0x0];
	s4 =	smin.f32 s4, $5.000000000e+00;
	[tilespmem:s10+$0x0] =	vst v1;
	(v2sf) =	vpush v59, $0xF;
	v1 =	vmul.f32 $1.442695020e+00, v57;
	v58 =	vmov s21  }
0x559: {  	v8 =	vmul.f32 $1.442695020e+00, v8;
	v56 =	vmov s4;
	(xrf2) =	vadd.scan.msk.f32 $0xffff, v2;
	v47, _, _ =	vpop (xrf2);
	v3 =	vmul.f32 $1.442695020e+00, v58  }
0x55a: {  	v50 =	vmovc v19;
	v0 =	vmul.f32 $1.442695020e+00, v56;
	v54 =	vld [tilespmem:s20+$0xFFFFFFE0];
	[tilespmem:s10+$0xFFFFFE20] =	vst v48;
	(v2sf) =	vpush v47, $0xF;
	v1 =	vbroadcast v1, $0x0  }
0x55b: {  	v27 =	vsel vm1, v43, v23;
	v53 =	vbroadcast v60, $0x0;
	v51, _, _ =	vpop (xrf2);
	v14 =	vld [tilespmem:s15+$0xFFFFFE40];
	v9 =	vbroadcast v3, $0x0  }
0x55c: {  	v43 =	vbroadcast v0, $0x0;
	v58 =	vsel vm1, v46, v26;
	v12, _, _ =	vpop (xrf2);
	v46 =	vld [tilespmem:$0x1FEF0];
	(erf) = vpow2.f32 v1  }
0x55d: {  	[tilespmem:$0x1FF40] =	vst v50;
	v2 =	vbroadcast v44, $0x0;
	(v2sf) =	vpush v51, $0xF;
	v50 =	vpop (erf);
	(erf) = vpow2.f32 v9  }
0x55e: {  	v49 =	vsel vm1, v28, v20;
	v11 =	vmul.f32 v50, v40;
	v1 =	vld [tilespmem:s24+$0xFFFFFF40];
	v9 =	vbroadcast v18, $0x0;
	v18 =	vpop (erf)  }
0x55f: {  	(v2sf) =	vpush v12, $0xF;
	v55 =	vmul.f32 v18, v37;
	v60 =	vpop (erf);
	v37 =	vbroadcast v8, $0x0;
	v8 =	vld [tilespmem:s28+$0xFFFFFF40]  }
0x560: {  	v51 =	vunpack.i.l.bf16.f32 v54;
	v56 =	vunpack.i.l.bf16.f32 v14;
	[tilespmem:s10+$0xFFFFFEA0] =	vst v11;
	v13 =	vmul.f32 v60, v39;
	v21 =	vpop (erf)  }
0x561: {  	v11 =	vld [tilespmem:$0x1FEE0];
	v23 =	vsel vm4, v46, v50;
	(erf) = vpow2.f32 v9;
	[tilespmem:s10+$0xFFFFFEB0] =	vst v55;
	v48 =	vmul.f32 v21, v36  }
0x562: {  	v22 =	vsel vm4, v38, v60;
	(erf) = vpow2.f32 v52;
	v52 =	vunpack.i.u.bf16.f32 v54;
	v47 =	vld [tilespmem:s15+$0xFFFFFEC0];
	[tilespmem:s10+$0xFFFFFF30] =	vst v13  }
0x563: {  	v50, _, _ =	vpop (xrf2);
	v54 =	vunpack.i.u.bf16.f32 v14;
	v6 =	vld [tilespmem:s28+$0xFFFFFF80];
	(erf) = vpow2.f32 v53;
	v7 =	vunpack.i.u.bf16.f32 v1;
	[tilespmem:s10+$0xFFFFFF40] =	vst v48  }
0x564: {  	v55 =	vld [tilespmem:s15+$0xFFFFFF40];
	v9 =	vunpack.i.u.bf16.f32 v8;
	v57 =	vunpack.i.l.bf16.f32 v8;
	s22 =	spop (v2sf);
	(v2sf) =	vpush v50, $0xF  }
0x565: {  	v1 =	vunpack.i.l.bf16.f32 v1;
	v14 =	vld [tilespmem:s28+$0xFFFFFFC0];
	v3 =	vmul.f32 v57, v56;
	v4 =	vmul.f32 v9, v54;
	v12 =	vpop (erf);
	s0 =	smax.f32 s22, $-5.000000000e+00  }
0x566: {  	v59 =	vsel vm4, v11, v41;
	(erf) = vpow2.f32 v2;
	v53 =	vmul.f32 v12, v51;
	v13 =	vpop (erf);
	s0 =	smin.f32 s0, $5.000000000e+00  }
0x567: {  	s23 =	spop (v2sf);
	v8 =	vunpack.i.u.bf16.f32 v47;
	v2 =	vmul.f32 v13, v52;
	v25 =	vmov s0  }
0x568: {  	v0 =	vunpack.i.l.bf16.f32 v47;
	v60 =	vunpack.i.u.bf16.f32 v6;
	s0 =	smax.f32 s23, $-5.000000000e+00;
	[tilespmem:s26+$0xFFFFFFA0] =	vst v53;
	v25 =	vmul.f32 $1.442695020e+00, v25  }
0x569: {  	s25 =	spop (v2sf);
	v48 =	vmul.f32 v60, v8;
	s0 =	smin.f32 s0, $5.000000000e+00;
	v41 =	vunpack.i.u.bf16.f32 v55;
	v5 =	vunpack.i.l.bf16.f32 v55;
	[tilespmem:s26+$0xFFFFFFB0] =	vst v2  }
0x56a: {  	v54 =	vunpack.i.l.bf16.f32 v14;
	v9 =	vmov s0;
	s0 =	smax.f32 s25, $-5.000000000e+00;
	v44 =	vld [tilespmem:s20+$0xFFFFFFB0];
	v47 =	vbroadcast v25, $0x0  }
0x56b: {  	v28 =	vpop (erf);
	v51 =	vunpack.i.u.bf16.f32 v14;
	v40 =	vmul.f32 v54, v5;
	v50 =	vld [tilespmem:s16+$0xFFFFFFF0];
	v9 =	vmul.f32 $1.442695020e+00, v9;
	s0 =	smin.f32 s0, $5.000000000e+00  }
0x56c: {  	s29 =	spop (v2sf);
	v26 =	vpop (erf);
	v41 =	vmul.f32 v51, v41;
	v52 =	vld [tilespmem:s11+$0xFFFFFFF0];
	v56 =	vmov s0;
	(erf) = vpow2.f32 v47  }
0x56d: {  	v38 =	vld [tilespmem:s24+$0xFFFFFF80];
	v6 =	vunpack.i.l.bf16.f32 v6;
	s0 =	smax.f32 s29, $-5.000000000e+00;
	v55 =	vbroadcast v9, $0x0;
	v57 =	vmul.f32 $1.442695020e+00, v56  }
0x56e: {  	v24 =	vunpack.i.u.bf16.f32 v30;
	v46 =	vld [tilespmem:s24+$0xFFFFFFC0];
	v51 =	vmul.f32 v1, v3;
	v29 =	vpop (erf);
	v47 =	vmul.f32 v6, v0;
	s0 =	smin.f32 s0, $5.000000000e+00  }
0x56f: {  	s30 =	spop (v2sf);
	v54 =	vmov s0;
	v25 =	vpop (erf);
	(erf) = vpow2.f32 v55;
	v2 =	vbroadcast v57, $0x0  }
0x570: {  	s0 =	smax.f32 s30, $-5.000000000e+00;
	v55 =	vmul.f32 $1.442695020e+00, v54;
	v60 =	vunpack.i.l.bf16.f32 v44;
	v53 =	vunpack.i.l.bf16.f32 v50  }
0x571: {  	s0 =	smin.f32 s0, $5.000000000e+00;
	v56 =	vunpack.i.l.bf16.f32 v52;
	v8 =	vunpack.i.u.bf16.f32 v44;
	v9 =	vunpack.i.u.bf16.f32 v50  }
0x572: {  	v57 =	vmov s0;
	v50 =	vunpack.i.u.bf16.f32 v38;
	v0 =	vmul.f32 v53, v60  }
0x573: {  	s2 =	sadd.s32 $0x4, s2;
	v44 =	vunpack.i.u.bf16.f32 v46;
	v5 =	vbroadcast v55, $0x0;
	v8 =	vmul.f32 v9, v8;
	s31 =	spop (v2sf)  }
0x574: {  	p1 =	slt.u32 s2, $0x24;
	v6 =	vmul.f32 $1.442695020e+00, v57;
	v9 =	vunpack.i.u.bf16.f32 v52;
	(erf) = vpow2.f32 v2;
	s0 =	smax.f32 s31, $-5.000000000e+00  }
.Ltmp4:
0x575: {  	v46 =	vunpack.i.l.bf16.f32 v46;
	v0 =	vmul.f32 v56, v0;
	v9 =	vmul.f32 v9, v8;
	s0 =	smin.f32 s0, $5.000000000e+00;
	(pc) =	sbr.rel @p1 .LBB2_9-.Ltmp4, $4  }
0x576: {  	v6 =	vbroadcast v6, $0x0;
	v60 =	vpop (erf);
	(erf) = vpow2.f32 v5;
	v8 =	vmov s0  }
0x577: {  	v39 =	vld [tilespmem:s15+$0xFFFFFE80];
	v52 =	vunpack.i.l.bf16.f32 v38;
	(xrf2) =	vadd.scan.msk.f32 $0xffff, v0;
	v56 =	vmul.f32 v60, v45;
	v8 =	vmul.f32 $1.442695020e+00, v8  }
0x578: {  	s17 =	smov.u32 s26;
	v36 =	vld [tilespmem:s15+$0xFFFFFF00];
	s28 =	smov.u32 s16;
	(xrf2) =	vadd.scan.msk.f32 $0xffff, v9;
	v60 =	vsel vm2, v49, v60;
	v45 =	vmul.f32 v7, v4;
	v57 =	vpop (erf);
	(erf) = vpow2.f32 v6  }
0x579: {  	s24 =	smov.u32 s11;
	v31 =	vld [tilespmem:s15+$0xFFFFFF80];
	s15 =	smov.u32 s20;
	s20 =	sadd.s32 $0x200, s20;
	[tilespmem:s26+$0xFFFFFDF0] =	vst v56;
	v42 =	vmul.f32 v57, v42;
	v19 =	vsel vm3, v60, v57;
	v38 =	vbroadcast v8, $0x0  }
0x57a: {  	_ =	sdelay $0x6  }
0x57b: {  	v0, _, _ =	vpop (xrf2)  }
0x57c: {  	(v2sf) =	vpush v0, $0xF;
	v14, _, _ =	vpop (xrf2)  }
0x57d: {  	(v2sf) =	vpush v14, $0xF;
	_ =	sdelay $0xd  }
0x57e: {  	s0 =	spop (v2sf)  }
0x57f: {  	s0 =	smax.f32 s0, $-5.000000000e+00;
	s1 =	spop (v2sf)  }
0x580: {  	s0 =	smin.f32 s0, $5.000000000e+00;
	s1 =	smax.f32 s1, $-5.000000000e+00  }
0x581: {  	v20 =	vmov s0;
	s16 =	smin.f32 s1, $5.000000000e+00  }
0x582: {  	v0 =	vmul.f32 $1.442695020e+00, v20;
	v1 =	vmov s16  }
0x583: {  	(erf) = vpow2.f32 v38;
	v1 =	vmul.f32 $1.442695020e+00, v1  }
0x584: {  	(erf) = vpow2.f32 v37;
	v0 =	vbroadcast v0, $0x0  }
0x585: {  	(erf) = vpow2.f32 v43;
	v1 =	vbroadcast v1, $0x0  }
0x586: {  	(erf) = vpow2.f32 v0  }
0x587: {  	(erf) = vpow2.f32 v1  }
0x588: {  	v38 =	vpop (erf)  }
0x589: {  	v49 =	vmul.f32 v38, v35;
	v37 =	vpop (erf)  }
0x58a: {  	v2 =	vld [tilespmem:s15+$0xFFFFFFF0];
	[tilespmem:s26+$0xFFFFFE00] =	vst v42;
	v53 =	vmul.f32 v37, v34  }
0x58b: {  	v54 =	vld [tilespmem:s15+$0xFFFFFE30];
	[tilespmem:s26+$0xFFFFFE80] =	vst v49;
	v35 =	vpop (erf)  }
0x58c: {  	v55 =	vld [tilespmem:s28+$0xFFFFFF30];
	[tilespmem:s26+$0xFFFFFE90] =	vst v53;
	v34 =	vpop (erf)  }
0x58d: {  	v3 =	vmul.f32 v35, v33;
	v4 =	vld [tilespmem:s15+$0xFFFFFEB0];
	v43 =	vpop (erf)  }
0x58e: {  	v5 =	vld [tilespmem:s28+$0xFFFFFF70];
	v6 =	vmul.f32 v34, v32;
	v33 =	vpop (erf)  }
0x58f: {  	v7 =	vunpack.i.l.bf16.f32 v2;
	v8 =	vld [tilespmem:s24+$0xFFFFFF70];
	[tilespmem:s26+$0xFFFFFF10] =	vst v3;
	v42 =	vpop (erf)  }
0x590: {  	v2 =	vunpack.i.u.bf16.f32 v2;
	v3 =	vld [tilespmem:s24+$0xFFFFFF30];
	[tilespmem:s26+$0xFFFFFF20] =	vst v6;
	v56 =	vmul.f32 v42, v7;
	v32 =	vpop (erf)  }
0x591: {  	v57 =	vunpack.i.u.bf16.f32 v54;
	v60 =	vunpack.i.u.bf16.f32 v55;
	v49 =	vld [tilespmem:s28+$0xFFFFFFB0];
	v2 =	vmul.f32 v32, v2  }
0x592: {  	v6 =	vmul.f32 v60, v57;
	v9 =	vld [tilespmem:s15+$0xFFFFFF30];
	v11 =	vunpack.i.u.bf16.f32 v4;
	[tilespmem:s26+$0xFFFFFFC0] =	vst v56  }
0x593: {  	v0 =	vunpack.i.l.bf16.f32 v54;
	v1 =	vunpack.i.l.bf16.f32 v55;
	v7 =	vmul.f32 v52, v47;
	v52 =	vld [tilespmem:s24+$0xFFFFFFB0];
	[tilespmem:s26+$0xFFFFFFD0] =	vst v2  }
0x594: {  	v14 =	vunpack.i.l.bf16.f32 v4;
	v20 =	vunpack.i.u.bf16.f32 v5;
	v0 =	vmul.f32 v1, v0;
	v1 =	vld [tilespmem:s15+$0xFFFFFFC0]  }
0x595: {  	v60 =	vunpack.i.u.bf16.f32 v8;
	v53 =	vunpack.i.u.bf16.f32 v3;
	v4 =	vmul.f32 v20, v11;
	v55 =	vld [tilespmem:s28+$0x0]  }
0x596: {  	(xrf2) =	vadd.scan.msk.f32 $0xffff, v51;
	v3 =	vunpack.i.l.bf16.f32 v3;
	v6 =	vmul.f32 v53, v6;
	v57 =	vunpack.i.l.bf16.f32 v49  }
0x597: {  	(xrf2) =	vadd.scan.msk.f32 $0xffff, v45;
	v5 =	vunpack.i.l.bf16.f32 v5;
	v4 =	vmul.f32 v60, v4;
	v47 =	vmul.f32 v50, v48;
	v11 =	vld [tilespmem:s24+$0x0]  }
0x598: {  	v0 =	vmul.f32 v3, v0;
	v56 =	vunpack.i.l.bf16.f32 v9;
	(xrf2) =	vadd.scan.msk.f32 $0xffff, v7;
	v2 =	vmul.f32 v5, v14  }
0x599: {  	v5 =	vmul.f32 v57, v56;
	v14 =	vunpack.i.l.bf16.f32 v8;
	(xrf2) =	vadd.scan.msk.f32 $0xffff, v47;
	v20 =	vunpack.i.l.bf16.f32 v52  }
0x59a: {  	(xrf2) =	vadd.scan.msk.f32 $0xffff, v0;
	v2 =	vmul.f32 v14, v2;
	v45 =	vunpack.i.l.bf16.f32 v1;
	v47 =	vunpack.i.l.bf16.f32 v55  }
0x59b: {  	(xrf2) =	vadd.scan.msk.f32 $0xffff, v6;
	v1 =	vunpack.i.u.bf16.f32 v1;
	v51 =	vunpack.i.u.bf16.f32 v55;
	v0 =	vmul.f32 v47, v45  }
0x59c: {  	v3 =	vmul.f32 v20, v5;
	(xrf2) =	vadd.scan.msk.f32 $0xffff, v2;
	v53 =	vunpack.i.l.bf16.f32 v11;
	v1 =	vmul.f32 v51, v1  }
0x59d: {  	(xrf2) =	vadd.scan.msk.f32 $0xffff, v4;
	v54 =	vunpack.i.u.bf16.f32 v11;
	v0 =	vmul.f32 v53, v0  }
0x59e: {  	(xrf2) =	vadd.scan.msk.f32 $0xffff, v3;
	v1 =	vmul.f32 v54, v1  }
0x59f: {  	(xrf2) =	vadd.scan.msk.f32 $0xffff, v0  }
0x5a0: {  	v55, _, _ =	vpop (xrf2);
	(xrf2) =	vadd.scan.msk.f32 $0xffff, v1  }
0x5a1: {  	v56, _, _ =	vpop (xrf2);
	(v2sf) =	vpush v55, $0xF  }
0x5a2: {  	(v2sf) =	vpush v56, $0xF;
	v57, _, _ =	vpop (xrf2)  }
0x5a3: {  	v60, _, _ =	vpop (xrf2);
	(v2sf) =	vpush v57, $0xF  }
0x5a4: {  	v7 =	vunpack.i.u.bf16.f32 v49;
	v6 =	vunpack.i.u.bf16.f32 v9;
	v8, _, _ =	vpop (xrf2);
	(v2sf) =	vpush v60, $0xF  }
0x5a5: {  	v2 =	vmul.f32 v7, v6;
	(v2sf) =	vpush v8, $0xF;
	v11, _, _ =	vpop (xrf2)  }
0x5a6: {  	v9 =	vunpack.i.u.bf16.f32 v52;
	(v2sf) =	vpush v11, $0xF;
	v14, _, _ =	vpop (xrf2)  }
0x5a7: {  	v1 =	vmul.f32 v9, v2;
	(v2sf) =	vpush v14, $0xF;
	v20, _, _ =	vpop (xrf2)  }
0x5a8: {  	(v2sf) =	vpush v20, $0xF;
	v45, _, _ =	vpop (xrf2)  }
0x5a9: {  	(xrf2) =	vadd.scan.msk.f32 $0xffff, v1;
	(v2sf) =	vpush v45, $0xF;
	v47, _, _ =	vpop (xrf2)  }
0x5aa: {  	(v2sf) =	vpush v47, $0xF;
	v48, _, _ =	vpop (xrf2)  }
0x5ab: {  	(v2sf) =	vpush v48, $0xF;
	_ =	sdelay $0x4  }
0x5ac: {  	s12 =	spop (v2sf)  }
0x5ad: {  	s2 =	spop (v2sf)  }
0x5ae: {  	s11 =	spop (v2sf)  }
0x5af: {  	v49, _, _ =	vpop (xrf2);
	s20 =	spop (v2sf)  }
0x5b0: {  	(v2sf) =	vpush v49, $0xF;
	s21 =	spop (v2sf)  }
0x5b1: {  	s4 =	spop (v2sf)  }
0x5b2: {  	s0 =	smax.f32 s21, $-5.000000000e+00;
	s5 =	spop (v2sf)  }
0x5b3: {  	s0 =	smin.f32 s0, $5.000000000e+00;
	s6 =	spop (v2sf)  }
0x5b4: {  	s4 =	smax.f32 s4, $-5.000000000e+00;
	s7 =	spop (v2sf)  }
0x5b5: {  	s4 =	smin.f32 s4, $5.000000000e+00;
	s8 =	spop (v2sf)  }
0x5b6: {  	s22 =	smax.f32 s8, $-5.000000000e+00;
	s23 =	spop (v2sf)  }
0x5b7: {  	v50 =	vmov s0;
	s0 =	smin.f32 s22, $5.000000000e+00;
	s25 =	smax.f32 s23, $-5.000000000e+00  }
0x5b8: {  	v51 =	vmov s4;
	v0 =	vmul.f32 $1.442695020e+00, v50;
	v52 =	vmov s0;
	s4 =	smin.f32 s25, $5.000000000e+00  }
0x5b9: {  	v1 =	vmul.f32 $1.442695020e+00, v51;
	v53 =	vmov s4;
	v2 =	vmul.f32 $1.442695020e+00, v52  }
0x5ba: {  	s26 =	smax.f32 s5, $-5.000000000e+00;
	v0 =	vbroadcast v0, $0x0;
	v3 =	vmul.f32 $1.442695020e+00, v53  }
0x5bb: {  	s29 =	smax.f32 s6, $-5.000000000e+00;
	v1 =	vbroadcast v1, $0x0;
	s0 =	smin.f32 s26, $5.000000000e+00;
	v2 =	vbroadcast v2, $0x0  }
0x5bc: {  	(erf) = vpow2.f32 v0;
	v54 =	vmov s0;
	s0 =	smin.f32 s29, $5.000000000e+00;
	v56 =	vbroadcast v3, $0x0  }
0x5bd: {  	v4 =	vmul.f32 $1.442695020e+00, v54;
	v55 =	vmov s0;
	(erf) = vpow2.f32 v2  }
0x5be: {  	v57 =	vmul.f32 $1.442695020e+00, v55;
	(erf) = vpow2.f32 v56  }
0x5bf: {  	s30 =	smax.f32 s7, $-5.000000000e+00;
	s31 =	spop (v2sf);
	v60 =	vbroadcast v4, $0x0;
	(erf) = vpow2.f32 v1  }
0x5c0: {  	s0 =	smin.f32 s30, $5.000000000e+00;
	s4 =	smax.f32 s31, $-5.000000000e+00;
	v4 =	vbroadcast v57, $0x0  }
0x5c1: {  	v5 =	vmov s0;
	s4 =	smin.f32 s4, $5.000000000e+00;
	(erf) = vpow2.f32 v60  }
0x5c2: {  	v7 =	vld [tilespmem:s15+$0xFFFFFE70];
	v6 =	vmov s4;
	v1 =	vmul.f32 $1.442695020e+00, v5;
	(erf) = vpow2.f32 v4  }
0x5c3: {  	v2 =	vmul.f32 $1.442695020e+00, v6  }
0x5c4: {  	v1 =	vbroadcast v1, $0x0  }
0x5c5: {  	v8 =	vld [tilespmem:s15+$0xFFFFFEF0];
	v45 =	vpop (erf);
	v2 =	vbroadcast v2, $0x0  }
0x5c6: {  	(erf) = vpow2.f32 v1;
	v53 =	vpop (erf)  }
0x5c7: {  	v9 =	vunpack.i.l.bf16.f32 v7;
	(erf) = vpow2.f32 v2;
	v52 =	vpop (erf)  }
0x5c8: {  	v0 =	vunpack.i.u.bf16.f32 v7;
	v1 =	vmul.f32 v45, v9;
	v47 =	vpop (erf)  }
0x5c9: {  	v0 =	vmul.f32 v47, v0  }
0x5ca: {  	v11 =	vld [tilespmem:s15+$0xFFFFFF70];
	v14 =	vunpack.i.l.bf16.f32 v8;
	[tilespmem:s17+$0xFFFFFE10] =	vst v1;
	v49 =	vpop (erf)  }
0x5cb: {  	v3 =	vunpack.i.u.bf16.f32 v8;
	v20 =	vmul.f32 v49, v14;
	v48 =	vpop (erf);
	[tilespmem:s17+$0xFFFFFE20] =	vst v0  }
0x5cc: {  	v54 =	vmul.f32 v48, v3;
	v55 =	vld [tilespmem:s15+$0xFFFFFE40]  }
0x5cd: {  	[tilespmem:s17+$0xFFFFFEA0] =	vst v20;
	v3 =	vld [tilespmem:s28+$0xFFFFFF40]  }
0x5ce: {  	v6 =	vld [tilespmem:s24+$0xFFFFFF40];
	[tilespmem:s17+$0xFFFFFEB0] =	vst v54  }
0x5cf: {  	v56 =	vunpack.i.l.bf16.f32 v11;
	v60 =	vmul.f32 v46, v40;
	v51 =	vpop (erf);
	v57 =	vld [tilespmem:s15+$0xFFFFFEC0]  }
0x5d0: {  	v2 =	vunpack.i.u.bf16.f32 v11;
	v14 =	vmul.f32 v44, v41;
	v0 =	vmul.f32 v51, v56;
	v5 =	vld [tilespmem:s28+$0xFFFFFF80];
	v50 =	vpop (erf)  }
0x5d1: {  	(xrf2) =	vadd.scan.msk.f32 $0xffff, v60;
	v2 =	vmul.f32 v50, v2  }
0x5d2: {  	(xrf2) =	vadd.scan.msk.f32 $0xffff, v14;
	v54 =	vld [tilespmem:s24+$0xFFFFFF80];
	[tilespmem:s17+$0xFFFFFF30] =	vst v0;
	v20 =	vunpack.i.u.bf16.f32 v55;
	v1 =	vunpack.i.l.bf16.f32 v55  }
0x5d3: {  	v55 =	vunpack.i.u.bf16.f32 v3;
	v3 =	vunpack.i.l.bf16.f32 v3;
	v14 =	vunpack.i.l.bf16.f32 v6;
	[tilespmem:s17+$0xFFFFFF40] =	vst v2  }
0x5d4: {  	v40 =	vunpack.i.u.bf16.f32 v6;
	v1 =	vmul.f32 v3, v1;
	v60 =	vmul.f32 v55, v20;
	v9 =	vld [tilespmem:s15+$0xFFFFFF40]  }
0x5d5: {  	v56 =	vunpack.i.u.bf16.f32 v57;
	v7 =	vld [tilespmem:s28+$0xFFFFFFC0];
	v4 =	vunpack.i.l.bf16.f32 v57;
	v11 =	vunpack.i.l.bf16.f32 v5  }
0x5d6: {  	v57 =	vunpack.i.u.bf16.f32 v5;
	v2 =	vmul.f32 v11, v4;
	v1 =	vmul.f32 v14, v1  }
0x5d7: {  	v20 =	vld [tilespmem:s24+$0xFFFFFFC0];
	v46 =	vunpack.i.l.bf16.f32 v54;
	v44 =	vmul.f32 v57, v56;
	v0 =	vmul.f32 v40, v60  }
0x5d8: {  	v54 =	vunpack.i.u.bf16.f32 v54;
	v2 =	vmul.f32 v46, v2;
	(xrf2) =	vadd.scan.msk.f32 $0xffff, v1  }
0x5d9: {  	v3 =	vmul.f32 v54, v44;
	(xrf2) =	vadd.scan.msk.f32 $0xffff, v0  }
0x5da: {  	v55 =	vunpack.i.l.bf16.f32 v9;
	v56 =	vunpack.i.l.bf16.f32 v7;
	(xrf2) =	vadd.scan.msk.f32 $0xffff, v2  }
0x5db: {  	v1 =	vmul.f32 v56, v55;
	(xrf2) =	vadd.scan.msk.f32 $0xffff, v3  }
0x5dc: {  	v57 =	vunpack.i.u.bf16.f32 v9;
	v60 =	vunpack.i.u.bf16.f32 v7;
	v8 =	vunpack.i.l.bf16.f32 v20  }
0x5dd: {  	v11, _, _ =	vpop (xrf2);
	v0 =	vmul.f32 v60, v57;
	v1 =	vmul.f32 v8, v1  }
0x5de: {  	(v2sf) =	vpush v11, $0xF;
	v14, _, _ =	vpop (xrf2);
	v9 =	vunpack.i.u.bf16.f32 v20  }
0x5df: {  	s2 =	smax.f32 s2, $-5.000000000e+00;
	s1 =	smax.f32 s20, $-5.000000000e+00;
	(v2sf) =	vpush v14, $0xF;
	v0 =	vmul.f32 v9, v0;
	(xrf2) =	vadd.scan.msk.f32 $0xffff, v1  }
0x5e0: {  	s5 =	smax.f32 s12, $-5.000000000e+00;
	s6 =	smax.f32 s11, $-5.000000000e+00;
	v54 =	vld [tilespmem:$0x1FF00]  }
0x5e1: {  	s11 =	smin.f32 s1, $5.000000000e+00;
	s0 =	smin.f32 s5, $5.000000000e+00;
	(xrf2) =	vadd.scan.msk.f32 $0xffff, v0  }
0x5e2: {  	s7 =	smin.f32 s2, $5.000000000e+00;
	s8 =	smin.f32 s6, $5.000000000e+00;
	v2 =	vunpack.i.l.bf16.f32 v39;
	v14 =	vmov s11;
	v55 =	vmov s0;
	v20, _, _ =	vpop (xrf2)  }
0x5e3: {  	v46 =	vld [tilespmem:$0x1FF10];
	v56 =	vmov s7;
	v57 =	vmov s8;
	v40, _, _ =	vpop (xrf2);
	(v2sf) =	vpush v20, $0xF  }
0x5e4: {  	v11 =	vld [tilespmem:$0x1FF60];
	v4 =	vmul.f32 $1.442695020e+00, v55;
	v5 =	vmul.f32 $1.442695020e+00, v56;
	v41, _, _ =	vpop (xrf2);
	(v2sf) =	vpush v40, $0xF  }
0x5e5: {  	v6 =	vmul.f32 $1.442695020e+00, v57;
	v3 =	vmul.f32 v26, v54;
	v44, _, _ =	vpop (xrf2);
	(v2sf) =	vpush v41, $0xF  }
0x5e6: {  	v8 =	vmul.f32 $1.442695020e+00, v14;
	v4 =	vbroadcast v4, $0x0;
	(v2sf) =	vpush v44, $0xF  }
0x5e7: {  	v7 =	vunpack.i.u.bf16.f32 v36;
	v57 =	vld [tilespmem:$0x1FF40];
	v5 =	vbroadcast v5, $0x0;
	v6 =	vbroadcast v6, $0x0  }
0x5e8: {  	v9 =	vunpack.i.l.bf16.f32 v36;
	v14 =	vld [tilespmem:$0x1FF30];
	v1 =	vmul.f32 v28, v46;
	(erf) = vpow2.f32 v4  }
0x5e9: {  	v54 =	vld [tilespmem:$0x1FF20];
	v11 =	vsel vm6, v11, v43;
	v8 =	vbroadcast v8, $0x0;
	v46 =	vmul.f32 v25, v62;
	v60, _, _ =	vpop (xrf2)  }
0x5ea: {  	v62 =	vmul.f32 v33, v61;
	v11 =	vsel vm7, v11, v33;
	(v2sf) =	vpush v60, $0xF  }
0x5eb: {  	v0 =	vunpack.i.u.bf16.f32 v39;
	v39 =	vunpack.i.l.bf16.f32 v30;
	(erf) = vpow2.f32 v5;
	v20, _, _ =	vpop (xrf2)  }
0x5ec: {  	v4 =	vmul.f32 v16, v39;
	(erf) = vpow2.f32 v6;
	(v2sf) =	vpush v20, $0xF  }
0x5ed: {  	v55 =	vnsel vm0, $0x0, v14;
	v14 =	vsel vm5, v59, v17;
	(erf) = vpow2.f32 v8;
	s12 =	spop (v2sf)  }
0x5ee: {  	v8 =	vmul.f32 v43, v54;
	v16 =	vsel vm1, v55, v57;
	v40 =	vsel vm6, v10, v28;
	s13 =	spop (v2sf);
	s0 =	smax.f32 s12, $-5.000000000e+00  }
0x5ef: {  	v12 =	vsel vm2, v16, v12;
	v28 =	vsel vm5, v22, v21;
	v41 =	vmul.f32 v29, v63;
	v44 =	vld [tilespmem:$0x1FF50];
	s0 =	smin.f32 s0, $5.000000000e+00;
	s1 =	smax.f32 s13, $-5.000000000e+00  }
0x5f0: {  	v5 =	vsel vm7, v40, v26;
	v12 =	vsel vm3, v12, v13;
	[tilespmem:s9+$0xFFFFFE30] =	vst v1;
	s1 =	smin.f32 s1, $5.000000000e+00;
	v56 =	vmov s0  }
0x5f1: {  	[tilespmem:s9+$0xFFFFFF60] =	vst v62;
	v62 =	vunpack.i.l.bf16.f32 v31;
	v30 =	vpop (erf);
	v60 =	vmov s1;
	v26 =	vmul.f32 $1.442695020e+00, v56  }
0x5f2: {  	[tilespmem:s9+$0xFFFFFE40] =	vst v3;
	v2 =	vmul.f32 v30, v2;
	v3 =	vsel vm6, v14, v30;
	v63 =	vmul.f32 $1.442695020e+00, v60;
	s14 =	spop (v2sf)  }
0x5f3: {  	[tilespmem:s9+$0xFFFFFED0] =	vst v46;
	v20 =	vmul.f32 v15, v24;
	v24 =	vbroadcast v26, $0x0;
	v26 =	vsel vm4, v12, v42;
	s0 =	smax.f32 s14, $-5.000000000e+00;
	s16 =	spop (v2sf)  }
0x5f4: {  	[tilespmem:s9+$0xFFFFFF50] =	vst v8;
	v6 =	vsel vm6, v44, v29;
	v29 =	vbroadcast v63, $0x0;
	v10 =	vsel vm5, v26, v32;
	s20 =	spop (v2sf);
	s1 =	smax.f32 s16, $-5.000000000e+00  }
0x5f5: {  	[tilespmem:s9+$0xFFFFFE50] =	vst v5;
	v6 =	vsel vm7, v6, v25;
	v32 =	vpop (erf);
	(erf) = vpow2.f32 v24;
	v33 =	vsel vm6, v10, v53;
	s0 =	smin.f32 s0, $5.000000000e+00;
	s21 =	spop (v2sf)  }
0x5f6: {  	[tilespmem:s9+$0xFFFFFF70] =	vst v11;
	v36 =	vpop (erf);
	v0 =	vmul.f32 v32, v0;
	(erf) = vpow2.f32 v29;
	s2 =	smax.f32 s20, $-5.000000000e+00;
	s1 =	smin.f32 s1, $5.000000000e+00;
	v40 =	vmov s0  }
0x5f7: {  	[tilespmem:s10+$0xFFFFFFE0] =	vst v4;
	v39 =	vpop (erf);
	v9 =	vmul.f32 v36, v9;
	s4 =	smax.f32 s21, $-5.000000000e+00;
	s2 =	smin.f32 s2, $5.000000000e+00;
	v42 =	vmov s1;
	v12 =	vmul.f32 $1.442695020e+00, v40  }
0x5f8: {  	[tilespmem:s9+$0xFFFFFEC0] =	vst v41;
	v41 =	vmul.f32 v39, v7;
	s22 =	smin.f32 s4, $5.000000000e+00;
	v43 =	vmov s2;
	v7 =	vmul.f32 $1.442695020e+00, v42  }
0x5f9: {  	v56 =	vld [tilespmem:s15+$0x0];
	[tilespmem:s9+$0xFFFFFEE0] =	vst v6;
	v44 =	vmov s22;
	v6 =	vmul.f32 $1.442695020e+00, v43;
	v12 =	vbroadcast v12, $0x0;
	s23 =	spop (v2sf)  }
0x5fa: {  	[tilespmem:s10+$0xFFFFFE30] =	vst v2;
	v3 =	vsel vm7, v3, v32;
	v13 =	vmul.f32 $1.442695020e+00, v44;
	v7 =	vbroadcast v7, $0x0;
	s24 =	smax.f32 s23, $-5.000000000e+00  }
0x5fb: {  	[tilespmem:s10+$0xFFFFFFF0] =	vst v20;
	v55 =	vsel vm7, v33, v52;
	s25 =	spop (v2sf);
	v57 =	vbroadcast v6, $0x0;
	(erf) = vpow2.f32 v12;
	s26 =	smin.f32 s24, $5.000000000e+00  }
0x5fc: {  	[tilespmem:s10+$0xFFFFFE50] =	vst v3;
	s28 =	smax.f32 s25, $-5.000000000e+00;
	v61 =	vbroadcast v13, $0x0;
	(erf) = vpow2.f32 v7;
	v46 =	vmov s26  }
0x5fd: {  	v17 =	vld [tilespmem:s15+$0xFFFFFE80];
	v25 =	vsel vm5, v23, v18;
	[tilespmem:s17+$0x0] =	vst v55;
	s1 =	smin.f32 s28, $5.000000000e+00;
	(erf) = vpow2.f32 v57;
	v11 =	vmul.f32 $1.442695020e+00, v46  }
0x5fe: {  	v30 =	vunpack.i.l.bf16.f32 v56;
	[tilespmem:s10+$0xFFFFFE40] =	vst v0;
	v63 =	vpop (erf);
	v54 =	vmov s1;
	(erf) = vpow2.f32 v61  }
0x5ff: {  	v0 =	vsel vm6, v25, v36;
	[tilespmem:s10+$0xFFFFFEC0] =	vst v9;
	v4 =	vmul.f32 $1.442695020e+00, v54;
	v13 =	vbroadcast v11, $0x0  }
0x600: {  	v60 =	vunpack.i.u.bf16.f32 v31;
	v1 =	vmul.f32 v53, v30;
	v0 =	vsel vm7, v0, v39;
	[tilespmem:s10+$0xFFFFFED0] =	vst v41  }
0x601: {  	[tilespmem:s10+$0xFFFFFEE0] =	vst v0;
	v20 =	vpop (erf);
	v31 =	vsel vm6, v28, v63;
	v24 =	vbroadcast v4, $0x0;
	(erf) = vpow2.f32 v13  }
0x602: {  	v2 =	vunpack.i.u.bf16.f32 v17;
	v29 =	vld [tilespmem:s15+$0xFFFFFF00];
	[tilespmem:s17+$0xFFFFFFE0] =	vst v1;
	v7 =	vmul.f32 v63, v62;
	v3 =	vsel vm7, v31, v20  }
0x603: {  	v32 =	vunpack.i.u.bf16.f32 v56;
	v26 =	vmul.f32 v20, v60;
	[tilespmem:s10+$0xFFFFFF70] =	vst v3;
	(erf) = vpow2.f32 v24  }
0x604: {  	v40 =	vunpack.i.l.bf16.f32 v17;
	[tilespmem:s10+$0xFFFFFF50] =	vst v7;
	v54 =	vsel vm4, v19, v45;
	v4 =	vmul.f32 v52, v32;
	v36 =	vpop (erf)  }
0x605: {  	v33 =	vld [tilespmem:s15+$0xFFFFFF80];
	v39 =	vsel vm2, v27, v38;
	[tilespmem:s10+$0xFFFFFF60] =	vst v26;
	v6 =	vsel vm5, v54, v47;
	v43 =	vmul.f32 v36, v40  }
0x606: {  	v41 =	vsel vm3, v39, v37;
	v44 =	vsel vm2, v58, v35;
	[tilespmem:s17+$0xFFFFFFF0] =	vst v4;
	v42 =	vpop (erf);
	v0 =	vsel vm6, v6, v36  }
0x607: {  	v46 =	vunpack.i.l.bf16.f32 v29;
	v52 =	vpop (erf);
	v2 =	vmul.f32 v42, v2;
	v0 =	vsel vm7, v0, v42;
	[tilespmem:s17+$0xFFFFFE30] =	vst v43  }
0x608: {  	v3 =	vsel vm4, v41, v49;
	v7 =	vunpack.i.u.bf16.f32 v29;
	v53 =	vpop (erf);
	v9 =	vmul.f32 v52, v46;
	[tilespmem:s17+$0xFFFFFE50] =	vst v0  }
0x609: {  	v8 =	vsel vm3, v44, v34;
	v60 =	vsel vm5, v3, v48;
	[tilespmem:s17+$0xFFFFFE40] =	vst v2;
	v57 =	vmul.f32 v53, v7  }
0x60a: {  	v55 =	vunpack.i.l.bf16.f32 v33;
	v8 =	vsel vm4, v8, v51;
	v2 =	vsel vm6, v60, v52;
	[tilespmem:s17+$0xFFFFFEC0] =	vst v9;
	v56 =	vpop (erf)  }
0x60b: {  	v62 =	vsel vm5, v8, v50;
	v2 =	vsel vm7, v2, v53;
	[tilespmem:s17+$0xFFFFFED0] =	vst v57;
	v58 =	vmul.f32 v56, v55  }
0x60c: {  	v5 =	vunpack.i.u.bf16.f32 v33;
	[tilespmem:s17+$0xFFFFFEE0] =	vst v2;
	v59 =	vpop (erf);
	v63 =	vsel vm6, v62, v56  }
0x60d: {  	v61 =	vmul.f32 v59, v5;
	v0 =	vsel vm7, v63, v59;
	[tilespmem:s17+$0xFFFFFF50] =	vst v58  }
0x60e: {  	[tilespmem:s17+$0xFFFFFF70] =	vst v0  }
0x60f: {  	[tilespmem:s17+$0xFFFFFF60] =	vst v61  }
0x610: {  	s31 =	rddreg [dreg:$0x12]  }
0x611: {  	s4 =	sadd.s32 $0x1, s31  }
0x612: {  	p1 =	sne.s32 s4, $0x7D  }
.Ltmp5:
0x613: {  	_ = 	snop;
	(pc) =	sbr.rel @p1 .LBB2_6-.Ltmp5, $4  }
0x614: {  	_ = 	snop  }
0x615: {  	s6 =	simm.s32 $0x28  }
0x616: {  	s29 =	rddreg [dreg:$0x2];
	s30 =	simm.s32 $0x6720;
	s7 =	simm.s32 $0x78  }
0x617: {  	[spmem:s29] =	stream.indirect.scatter.add.f32 [tilespmem:s30], [sflag:$0x8], $0x90, s7, s6, $0xb8;
	[tilespmem:$0x1DD30] =	vst v63  }
0x618: {  	s0 =	simm.s32 $0x7  }
0x619: {  	_ =	swait.ge [sflag:s0], $0x1680  }
0x61a: {  	[sflag:s0] =	ssyncset.done $0x0  }
0x61b: {  	s31 =	simm.s32 $0x8;
	[sflag:s0] =	ssyncadd.s32 $0xFFFFE980  }
0x61c: {  	_ =	swait.ge [sflag:s31], $0x1680  }
0x61d: {  	[sflag:s31] =	ssyncset.done $0x0  }
0x61e: {  	[sflag:s31] =	ssyncadd.s32 $0xFFFFE980  }
0x61f: {  	[bflag:$0x0] =	sbarrier.arrive $0xFFFF  }
0x620: {  	s5 =	rddreg [dreg:$0xf]  }
0x621: {  	[tilespmem:s18], [sflag:$0x9] =	stream.linear.gather [spmem:s5], $0x1680, $0x38;
	[tilespmem:$0x1DD30] =	vst v63  }
0x622: {  	_ =	swait.ge [sflag:s19], $0x1680  }
0x623: {  	[sflag:s19] =	ssyncset.done $0x0  }
.Ltmp6:
0x624: {  	s2 =	rddreg [dreg:$0x10];
	[sflag:s19] =	ssyncadd.s32 $0xFFFFE980;
	(pc) =	sbr.rel @!p0 .LBB2_13-.Ltmp6, $4  }
0x625: {  	[hbm4b:s2+s3] =	stream.linear.scatter [tilespmem:s18], [sflag:$0x9], $0x1680, $0x38;
	[tilespmem:$0x1DD30] =	vst v63  }
0x626: {  	_ =	swait.ge [sflag:s19], $0x1680  }
0x627: {  	s4 =	rddreg [dreg:$0xe]  }
0x628: {  	s9 =	smov.u32 s5;
	[sflag:s19] =	ssyncset.done $0x0;
	s1 =	sadd.s32 $0xFFFFFFFF, s4  }
.LBB2_12:
0x629: {  	[sflag:s19] =	ssyncadd.s32 $0xFFFFE980;
	s2 =	sadd.s32 $0x2D00, s2;
	s9 =	sadd.s32 $0x16800, s9  }
0x62a: {  	[tilespmem:s18], [sflag:$0x9] =	stream.linear.gather [spmem:s9], $0x1680, $0x38;
	[tilespmem:$0x1DD30] =	vst v63  }
0x62b: {  	p0 =	sne.s32 s1, $0x1;
	s1 =	sadd.s32 $0xFFFFFFFF, s1;
	_ =	swait.ge [sflag:s19], $0x1680  }
.Ltmp7:
0x62c: {  	[sflag:s19] =	ssyncset.done $0x0;
	(pc) =	sbr.rel @p0 .LBB2_12-.Ltmp7, $4  }
0x62d: {  	[sflag:s19] =	ssyncadd.s32 $0xFFFFE980  }
0x62e: {  	[hbm4b:s2+s3] =	stream.linear.scatter [tilespmem:s18], [sflag:$0x9], $0x1680, $0x38;
	[tilespmem:$0x1DD30] =	vst v63  }
0x62f: {  	_ =	swait.ge [sflag:s19], $0x1680  }
0x630: {  	[sflag:s19] =	ssyncset.done $0x0  }
.LBB2_13:
0x631: {  	s1 =	rddreg [dreg:$0x11]  }
0x632: {  	s0 =	rddreg [dreg:$0xd];
	s1 =	sadd.s32 $0x1, s1  }
0x633: {  	p0 =	sne.s32 s1, s0  }
.Ltmp8:
0x634: {  	_ = 	snop;
	(pc) =	sbr.rel @p0 .LBB2_1-.Ltmp8, $2  }
0x635: {  	_ =	sdelay $0x2  }
0x636: {  	[sflag:s19] =	ssyncadd.s32 $0xFFFFE980;
	v0 =	vimm.f32 $0.0e+00  }
0x637: {  	_ =	sfence.sel $0x180000  }
0x638: {  	[bflag:$0x0] =	sbarrier.arrive $0xFFFF  }
0x639: {  	_ =	strace $0x9000004A  }
0x63a: {  	s0 =	stileid.u32;
	[bflag:$0x2] =	sbarrier.arrive $0xFFFF  }
0x63b: {  	p0 =	sne.s32 s0, $0x0;
	s0 =	rddreg [dreg:$0x3]  }
0x63c: {  	s0 =	sadd.s32 @!p0 $0x100000, s0  }
0x63d: {  	[sflag:s0] =	ssyncadd.tile.s32 @!p0 $0x1;
	_ =	shalt  }
.Lfunc_end2:
_tile_overlayer_lowered:
.L_overlay_start_2:
0x63e: {  	(tag) =	ssettag $0x2  }
0x63f: {  	s0 =	rddreg [dreg:$0x0];
	s2 =	stileid.u32  }
0x640: {  	s1 =	rddreg [dreg:$0x1];
	p0 =	sne.s32 s2, $0x0  }
0x641: {  	s3 =	rddreg [dreg:$0x2];
	[bflag:$0x3] =	sbarrier.arrive $0xFFFF;
	s2 =	simm.s32 @!p0 $0x1C09  }
0x642: {  	[timem:s3], [sflag:s2] =	dma.local @!p0 [hbm:s0], s1  }
0x643: {  	s0 =	simm.s32 @!p0 $0x9  }
0x644: {  	_ =	swait.ge @!p0 [sflag:s0], s1  }
0x645: {  	s1 =	ssub.s32 @!p0 $0x0, s1;
	[sflag:s0] =	ssyncset.done @!p0 $0x0  }
0x646: {  	[sflag:s0] =	ssyncadd.s32 @!p0 s1  }
0x647: {  	[bflag:$0x3] =	sbarrier.arrive $0xFFFF  }
0x648: {  	_ =	shalt  }

// kernel: sparse-core-data-format-call.cloned.1.call-start
scs
called_computation_lowered:
.L_overlay_start_0:
0x0: {  	s1 =	sld [smem:$0x3FD9]  }
0x1: {  	s2 =	sld [smem:$0x3FFE];
	_ =	sdelay $0x1  }
0x2: {  	s3 =	srdreg.scid  }
0x3: {  	s0 =	sand.u32 $0x1, s3  }
0x4: {  	s17 =	sshll.u32 s0, $0xA;
	s1 =	sadd.s32 s2, s1  }
0x5: {  	s1 =	sadd.s32 s1, s17  }
0x6: {  	[smem:$0x3FB9] =	sst s1  }
0x7: {  	_ = 	snop  }
0x8: {  	(tm) =	ssettm $0x1  }
0x9: {  	s18 =	sld [smem:$0x3FFB];
	_ =	sdelay $0x3  }
0xa: {  	_ =	strace s18  }
0xb: {  	s1 =	sld [smem:$0x3FFC];
	_ =	sdelay $0x3  }
0xc: {  	_ =	strace s1  }
0xd: {  	s1 =	sld [smem:$0x3FFD];
	_ =	sdelay $0x3  }
0xe: {  	_ =	strace s1  }
0xf: {  	_ =	strace $0x8FFFFFFF  }
0x10: {  	s19 =	sld [smem:$0x3FDB];
	_ =	sdelay $0x1  }
0x11: {  	s20 =	simm.s32 $_scs_section_size  }
0x12: {  	s4 =	simm.s32 $_size__tile_overlayer_lowered;
	s5 =	simm.s32 $_tile_overlayer_lowered  }
0x13: {  	s23 =	simm.s32 $0x1BFF;
	s22 =	sshll.u32 s5, $0x1;
	s1 =	sadd.s32 s20, s19  }
0x14: {  	s6 =	simm.s32 $0x0;
	s21 =	sshll.u32 s4, $0x1;
	s4 =	sadd.s32 s22, s1  }
0x15: {  	[timem:s6], [sflag:s23] =	dma.local [hbm:s4], s21  }
0x16: {  	_ =	swait.ge [sflag:s23], s21  }
0x17: {  	s2 =	ssub.s32 $0x0, s21;
	[sflag:s23] =	ssyncset.done $0x0  }
0x18: {  	[sflag:s23] =	ssyncadd.s32 s2;
	_ =	sdelay $0x1  }
0x19: {  	s24 =	simm.s32 $0x1B8B  }
0x1a: {  	_ =	swait.ge [sflag:s24], $0x1  }
0x1b: {  	[sflag:s24] =	ssyncset.done $0x0  }
0x1c: {  	s26 =	simm.s32 $0x1B8E;
	s25 =	sld [smem:$0x3FFE];
	[sflag:s24] =	ssyncadd.s32 $0xFFFFFFFF  }
0x1d: {  	s27 =	simm.s32 $execute0_lowered;
	[smem:$0x3FD2] =	sst s26  }
0x1e: {  	s4 =	sshll.u32 s27, $0x1;
	_ =	strace $0x80000046;
	[dreg:$0x1] =	wrdreg $0xFFFFFFFF  }
0x1f: {  	s28 =	simm.s32 $_size_execute0_lowered;
	s1 =	sadd.s32 s1, s4;
	[dreg:$0x0] =	wrdreg $0x0  }
0x20: {  	s4 =	sshll.u32 s28, $0x1;
	[dreg:$0x2] =	wrdreg s1  }
0x21: {  	[dreg:$0x3] =	wrdreg s4  }
0x22: {  	[dreg:$0x4] =	wrdreg $0xC0  }
0x23: {  	_ =	task [dreg:s6], $0x5FFFF  }
0x24: {  	[dreg:$0x1] =	wrdreg $0xFFFFFFFF  }
0x25: {  	[dreg:$0x0] =	wrdreg $0x60  }
0x26: {  	[dreg:$0x2] =	wrdreg s25  }
0x27: {  	[dreg:$0x3] =	wrdreg $0x9  }
0x28: {  	_ =	task.clear_ibuf [dreg:s6], $0x4FFFF;
	_ =	strace $0x90000046  }
0x29: {  	s29 =	simm.s32 $0x9;
	_ =	strace $0x80000048  }
0x2a: {  	_ =	swait.ge [sflag:s29], $0x1  }
0x2b: {  	[sflag:s29] =	ssyncadd.s32 $0xFFFFFFFF  }
0x2c: {  	_ =	strace $0x90000048  }
0x2d: {  	_ =	sfence  }
0x2e: {  	s30 =	sld [smem:$0x0];
	_ =	sdelay $0x2  }
0x2f: {  	s31 =	sshll.u32 s3, $0xD;
	s3 =	sshrl.u32 s3, $0x2  }
0x30: {  	s2 =	sand.u32 $0x4000, s31;
	s1 =	sadd.s32 s3, s30  }
0x31: {  	s0 =	sor.u32 s2, s0;
	s1 =	sshll.u32 s1, $0x11  }
0x32: {  	s0 =	sor.u32 s1, s0  }
0x33: {  	s0 =	sadd.s32 $0x8F2B, s0  }
0x34: {  	[sflag:s0] =	ssyncadd.remote.s32 $0x1  }
0x35: {  	_ =	sfence.sel $0xFFFF  }
0x36: {  	[dreg:$0x0] =	wrdreg $0xFFFFFFFF;
	(pc) =	sbr.abs _section_cstart, $3  }
0x37: {  	[dreg:$0x1] =	wrdreg $0xFFFFFFFF  }
0x38: {  	_ =	task.clear_ibuf [dreg:s6], $0x2FFFF;
	_ =	strace $0x9FFFFFFF  }
0x39: {  	(tm) =	ssettm $0x7FFFFFFF  }
tec
execute0_lowered:
.L_overlay_start_1:
0x0: {  	(tag) =	ssettag $0x1  }
0x1: {  	s0 =	srdreg.scid  }
0x2: {  	s1 =	sshll.u32 s0, $0x4  }
0x3: {  	s4 =	rddreg [dreg:$0x0];
	s0 =	stileid.u32;
	s1 =	sand.u32 $0x10, s1  }
0x4: {  	s7 =	simm.s32 $0x1;
	s8 =	simm.s32 $0x2;
	s2 =	sor.u32 s0, s1  }
0x5: {  	s9 =	simm.s32 $0x0;
	s12 =	simm.s32 $0x0;
	s2 =	sshll.u32 s2, $0x4  }
0x6: {  	s11 =	simm.s32 $0x0;
	s3 =	sadd.s32 $0x273600, s4;
	s6 =	ssub.s32 $0x4E20, s2  }
.Ltmp0:
0x7: {  	s4 =	sadd.s32 $0x2600, s4;
	s5 =	sand.u32 $0x1F0, s6;
	(pc) =	sbr.rel .LBB1_1-.Ltmp0, $4  }
0x8: {  	s1 =	rddreg [dreg:$0x1];
	_ =	strace $0x80000047;
	p0 =	sne.s32 s5, $0x0  }
0x9: {  	s6 =	sshrl.u32 s6, $0x9;
	s5 =	simm.s32 $0x1;
	s7 =	simm.s32 @!p0 $0x0  }
0xa: {  	s10 =	smov.u32 s2;
	[sflag:s5] =	ssyncpa.u1 $0x0;
	s6 =	sadd.s32 s7, s6  }
0xb: {  	[sflag:s8] =	ssyncpa.u1 $0x0;
	s8 =	simm.s32 $0x0;
	s7 =	sadd.s32 $0x1, s6  }
.LBB1_7:
0xc: {  	s14 =	sadd.s32 $0x200, s10  }
0xd: {  	p1 =	sgt.s32 s14, $0x4E1F  }
0xe: {  	s14 =	smov.u32 @p1 s2;
	p1 =	sne.s32 s11, s7  }
.Ltmp1:
0xf: {  	p0 =	slt.u32 s11, $0x2;
	(pc) =	sbr.rel @!p1 .LBB1_8-.Ltmp1, $4  }
0x10: {  	s13 =	simm.s32 @!p0 $0x2  }
0x11: {  	s15 =	sadd.s32 $0x1, s11;
	_ =	swait.ge @!p0 [sflag:s13], $0x4000  }
0x12: {  	s12 =	smov.u32 s10;
	s9 =	sadd.s32 $0x8000, s9;
	[sflag:s13] =	ssyncset.done @!p0 $0x0  }
0x13: {  	s11 =	smov.u32 s15;
	s10 =	smov.u32 s14;
	[sflag:s13] =	ssyncadd.s32 @!p0 $0xFFFFC000  }
.LBB1_1:
0x14: {  	p0 =	sge.u32 s11, s6  }
0x15: {  	s13 =	sxor.u32 @!p0 $0xFFFFFFFF, s11  }
0x16: {  	s31 =	sadd.s32 $0xFFFFFFFF, s11;
	s14 =	sshll.u32 @!p0 s10, $0x7;
	s13 =	sshll.u32 @!p0 s13, $0xE  }
0x17: {  	s15 =	simm.s32 @!p0 $0x0;
	s14 =	sadd.s32 @!p0 s3, s14;
	s13 =	sand.u32 @!p0 $0x4000, s13  }
0x18: {  	[tilespmem:s13], [sflag:$0x1] =	stream.linear.gather @!p0 [hbm4b:s14+s15], $0x4000, $0x38;
	[tilespmem:$0x10000] =	vst v63  }
0x19: {  	p0 =	sge.u32 s31, s6  }
.Ltmp2:
0x1a: {  	_ = 	snop;
	(pc) =	sbr.rel @p0 .LBB1_7-.Ltmp2, $1  }
0x1b: {  	_ =	sdelay $0x3  }
0x1c: {  	s13 =	sshrl.u32 s9, $0x1;
	_ =	swait.ge [sflag:s5], $0x4000  }
0x1d: {  	s15 =	sshll.u32 s11, $0xE;
	s16 =	simm.s32 $0x0;
	s14 =	sand.u32 $0x4000, s13  }
0x1e: {  	[sflag:s5] =	ssyncset.done $0x0;
	s15 =	sand.u32 $0x4000, s15;
	s13 =	sor.u32 $0x200, s14  }
0x1f: {  	s14 =	sor.u32 $0x8080, s14;
	[sflag:s5] =	ssyncadd.s32 $0xFFFFC000;
	s15 =	sor.u32 $0x8000, s15  }
.LBB1_3:
0x20: {  	v0 =	vld [tilespmem:s13+$0xFFFFFE70]  }
0x21: {  	v1 =	vld [tilespmem:s13+$0x70]  }
0x22: {  	v2 =	vld [tilespmem:s13+$0x0]  }
0x23: {  	v3 =	vld [tilespmem:s13+$0xFFFFFE10]  }
0x24: {  	v4 =	vld [tilespmem:s13+$0x10]  }
0x25: {  	v5 =	vld [tilespmem:s13+$0xFFFFFE20]  }
0x26: {  	v7 =	vld [tilespmem:s13+$0x20]  }
0x27: {  	v11 =	vld [tilespmem:s13+$0x30];
	v6 =	vunpack.i.l.s16.s32 v0;
	v8 =	vunpack.i.u.s16.s32 v0;
	v9 =	vunpack.i.u.s16.s32 v1  }
0x28: {  	v10 =	vunpack.i.l.s16.s32 v1;
	v0 =	vunpack.i.u.s16.s32 v2;
	v1 =	vunpack.i.l.s16.s32 v2;
	v2 =	vld [tilespmem:s13+$0xFFFFFE30]  }
0x29: {  	v8 =	vpack.i.b32.b16 v9, v8;
	v9 =	vunpack.i.u.s16.s32 v3;
	v3 =	vunpack.i.l.s16.s32 v3  }
0x2a: {  	v12 =	vld [tilespmem:s13+$0xFFFFFE40];
	v6 =	vpack.i.b32.b16 v10, v6;
	[tilespmem:s14+$0x70] =	vst v8;
	v8 =	vunpack.i.u.s16.s32 v4;
	v4 =	vunpack.i.l.s16.s32 v4  }
0x2b: {  	v13 =	vld [tilespmem:s13+$0x40];
	v10 =	vunpack.i.u.s16.s32 v5;
	v5 =	vunpack.i.l.s16.s32 v5;
	[tilespmem:s14+$0xFFFFFFF0] =	vst v6;
	v3 =	vpack.i.b32.b16 v4, v3  }
0x2c: {  	v6 =	vunpack.i.l.s16.s32 v7;
	v4 =	vld [tilespmem:s13+$0xFFFFFE50];
	[tilespmem:s14+$0xFFFFFF90] =	vst v3;
	v3 =	vpack.i.b32.b16 v8, v9;
	v8 =	vunpack.i.u.s16.s32 v7  }
0x2d: {  	v7 =	vunpack.i.l.s16.s32 v11;
	[tilespmem:s14+$0x10] =	vst v3;
	v3 =	vpack.i.b32.b16 v6, v5;
	v9 =	vunpack.i.u.s16.s32 v2;
	v6 =	vld [tilespmem:s13+$0x50]  }
0x2e: {  	v5 =	vunpack.i.l.s16.s32 v2;
	v2 =	vld [tilespmem:s13+$0xFFFFFE60];
	[tilespmem:s14+$0xFFFFFFA0] =	vst v3;
	v3 =	vpack.i.b32.b16 v8, v10;
	v10 =	vunpack.i.u.s16.s32 v11  }
0x2f: {  	s19 =	simm.s32 $0x0;
	v11 =	vpack.i.b32.b16 v7, v5;
	v7 =	vunpack.i.u.s16.s32 v12;
	v8 =	vunpack.i.l.s16.s32 v12;
	[tilespmem:s14+$0x20] =	vst v3;
	v3 =	vld [tilespmem:s13+$0x60]  }
0x30: {  	s20 =	sadd.s32 $0x80, s13;
	s18 =	smov.u32 s14;
	s17 =	smov.u32 s14;
	v5 =	vld [tilespmem:s13+$0xFFFFFE00];
	[tilespmem:s14+$0xFFFFFFB0] =	vst v11;
	v10 =	vpack.i.b32.b16 v10, v9;
	v9 =	vunpack.i.u.s16.s32 v13;
	v11 =	vunpack.i.l.s16.s32 v13  }
.LBB1_4:
0x31: {  	v12 =	vld [tilespmem:s20+$0xFFFFFE70];
	[tilespmem:s18+$0x30] =	vst v10;
	v8 =	vpack.i.b32.b16 v11, v8;
	v10 =	vunpack.i.u.s16.s32 v4;
	v4 =	vunpack.i.l.s16.s32 v4  }
0x32: {  	s19 =	sadd.s32 $0x2, s19;
	v7 =	vpack.i.b32.b16 v9, v7;
	v11 =	vld [tilespmem:s20+$0x70];
	[tilespmem:s18+$0xFFFFFFC0] =	vst v8;
	v8 =	vunpack.i.u.s16.s32 v6;
	v6 =	vunpack.i.l.s16.s32 v6  }
0x33: {  	p0 =	slt.u32 s19, $0x6;
	v9 =	vld [tilespmem:s20+$0x0];
	[tilespmem:s18+$0x40] =	vst v7;
	v4 =	vpack.i.b32.b16 v6, v4;
	v6 =	vunpack.i.u.s16.s32 v2;
	v2 =	vunpack.i.l.s16.s32 v2  }
0x34: {  	v7 =	vld [tilespmem:s20+$0xFFFFFE10];
	[tilespmem:s18+$0xFFFFFFD0] =	vst v4;
	v4 =	vpack.i.b32.b16 v8, v10;
	v8 =	vunpack.i.u.s16.s32 v3;
	v3 =	vunpack.i.l.s16.s32 v3  }
0x35: {  	v10 =	vld [tilespmem:s20+$0x10];
	v13 =	vunpack.i.u.s16.s32 v5;
	v5 =	vunpack.i.l.s16.s32 v5;
	[tilespmem:s18+$0x50] =	vst v4;
	v2 =	vpack.i.b32.b16 v3, v2  }
0x36: {  	v3 =	vld [tilespmem:s20+$0xFFFFFE20];
	v4 =	vunpack.i.l.s16.s32 v12;
	v1 =	vpack.i.b32.b16 v1, v5;
	v5 =	vpack.i.b32.b16 v0, v13;
	[tilespmem:s18+$0xFFFFFFE0] =	vst v2  }
0x37: {  	v12 =	vunpack.i.u.s16.s32 v12;
	v2 =	vld [tilespmem:s20+$0x20];
	v13 =	vunpack.i.u.s16.s32 v11;
	v11 =	vunpack.i.l.s16.s32 v11;
	[tilespmem:s18+$0xFFFFFF80] =	vst v1  }
0x38: {  	s18 =	sadd.s32 $0x100, s18;
	v0 =	vunpack.i.u.s16.s32 v9;
	v1 =	vunpack.i.l.s16.s32 v9;
	v9 =	vld [tilespmem:s20+$0xFFFFFE30];
	v12 =	vpack.i.b32.b16 v13, v12;
	[tilespmem:s17+$0x0] =	vst v5  }
0x39: {  	v6 =	vpack.i.b32.b16 v8, v6;
	v5 =	vunpack.i.u.s16.s32 v7;
	v7 =	vunpack.i.l.s16.s32 v7;
	v13 =	vld [tilespmem:s20+$0x30];
	[tilespmem:s18+$0x70] =	vst v12  }
0x3a: {  	v4 =	vpack.i.b32.b16 v11, v4;
	v8 =	vunpack.i.u.s16.s32 v10;
	v10 =	vunpack.i.l.s16.s32 v10;
	v12 =	vld [tilespmem:s20+$0xFFFFFE40];
	[tilespmem:s17+$0x60] =	vst v6;
	s17 =	smov.u32 s18  }
0x3b: {  	v6 =	vpack.i.b32.b16 v10, v7;
	v7 =	vunpack.i.u.s16.s32 v3;
	v3 =	vunpack.i.l.s16.s32 v3;
	v11 =	vld [tilespmem:s20+$0x40];
	[tilespmem:s18+$0xFFFFFFF0] =	vst v4  }
.Ltmp3:
0x3c: {  	v5 =	vpack.i.b32.b16 v8, v5;
	[tilespmem:s18+$0xFFFFFF90] =	vst v6;
	v8 =	vunpack.i.u.s16.s32 v2;
	v2 =	vunpack.i.l.s16.s32 v2;
	v4 =	vld [tilespmem:s20+$0xFFFFFE50];
	(pc) =	sbr.rel @p0 .LBB1_4-.Ltmp3, $4  }
0x3d: {  	[tilespmem:s18+$0x10] =	vst v5;
	v2 =	vpack.i.b32.b16 v2, v3;
	v10 =	vunpack.i.u.s16.s32 v9;
	v3 =	vunpack.i.l.s16.s32 v9;
	v6 =	vld [tilespmem:s20+$0x50]  }
0x3e: {  	v5 =	vpack.i.b32.b16 v8, v7;
	[tilespmem:s18+$0xFFFFFFA0] =	vst v2;
	v9 =	vunpack.i.u.s16.s32 v13;
	v7 =	vunpack.i.l.s16.s32 v13;
	v2 =	vld [tilespmem:s20+$0xFFFFFE60]  }
0x3f: {  	[tilespmem:s18+$0x20] =	vst v5;
	v13 =	vpack.i.b32.b16 v7, v3;
	v7 =	vunpack.i.u.s16.s32 v12;
	v8 =	vunpack.i.l.s16.s32 v12;
	v3 =	vld [tilespmem:s20+$0x60]  }
0x40: {  	v10 =	vpack.i.b32.b16 v9, v10;
	v5 =	vld [tilespmem:s20+$0xFFFFFE00];
	[tilespmem:s18+$0xFFFFFFB0] =	vst v13;
	v9 =	vunpack.i.u.s16.s32 v11;
	v11 =	vunpack.i.l.s16.s32 v11;
	s20 =	sadd.s32 $0x80, s20  }
0x41: {  	[tilespmem:s18+$0x30] =	vst v10;
	v8 =	vpack.i.b32.b16 v11, v8  }
0x42: {  	v51 =	vunpack.i.l.s16.s32 v4;
	v7 =	vpack.i.b32.b16 v9, v7;
	[tilespmem:s18+$0xFFFFFFC0] =	vst v8;
	v52 =	vunpack.i.l.s16.s32 v6  }
0x43: {  	v53 =	vunpack.i.u.s16.s32 v4;
	s16 =	sadd.s32 $0x1, s16;
	v54 =	vunpack.i.u.s16.s32 v6;
	[tilespmem:s18+$0x40] =	vst v7;
	v55 =	vpack.i.b32.b16 v52, v51  }
0x44: {  	p0 =	sne.s32 s16, $0x10;
	v56 =	vunpack.i.l.s16.s32 v2;
	v4 =	vpack.i.b32.b16 v54, v53;
	[tilespmem:s18+$0xFFFFFFD0] =	vst v55;
	v57 =	vunpack.i.l.s16.s32 v3  }
.Ltmp4:
0x45: {  	[tilespmem:s18+$0x50] =	vst v4;
	v58 =	vunpack.i.l.s16.s32 v5;
	v59 =	vpack.i.b32.b16 v57, v56;
	(pc) =	sbr.rel @p0 .LBB1_3-.Ltmp4, $4  }
0x46: {  	v61 =	vunpack.i.u.s16.s32 v2;
	v62 =	vunpack.i.u.s16.s32 v3;
	v1 =	vpack.i.b32.b16 v1, v58;
	[tilespmem:s18+$0xFFFFFFE0] =	vst v59  }
0x47: {  	v60 =	vunpack.i.u.s16.s32 v5;
	v63 =	vpack.i.b32.b16 v62, v61;
	[tilespmem:s18+$0xFFFFFF80] =	vst v1  }
0x48: {  	v0 =	vpack.i.b32.b16 v0, v60;
	[tilespmem:s17+$0x60] =	vst v63  }
0x49: {  	s13 =	sadd.s32 $0x400, s13;
	s14 =	sadd.s32 $0x400, s14;
	[tilespmem:s17+$0x0] =	vst v0  }
.Ltmp5:
0x4a: {  	(pc) =	sbr.rel .LBB1_7-.Ltmp5, $4  }
0x4b: {  	_ = 	snop  }
0x4c: {  	s12 =	sshll.u32 s12, $0x7  }
0x4d: {  	s12 =	sadd.s32 s4, s12  }
0x4e: {  	[hbm4b:s12+s8] =	stream.linear.scatter [tilespmem:s15], [sflag:$0x2], $0x4000, $0x38;
	[tilespmem:$0x10000] =	vst v63  }
.LBB1_8:
0x4f: {  	_ =	sfence.sel $0x180000  }
0x50: {  	s2 =	simm.s32 $0x1;
	[bflag:$0x0] =	sbarrier.arrive $0xFFFF  }
0x51: {  	s31 =	simm.s32 $0x2;
	[sflag:s2] =	ssyncpa.u1 $0x1  }
0x52: {  	[sflag:s31] =	ssyncpa.u1 $0x1  }
0x53: {  	p0 =	sne.s32 s0, $0x0;
	_ =	strace $0x90000047  }
0x54: {  	s0 =	sadd.s32 @!p0 $0x100000, s1;
	[bflag:$0x2] =	sbarrier.arrive $0xFFFF  }
0x55: {  	[sflag:s0] =	ssyncadd.tile.s32 @!p0 $0x1;
	_ =	shalt  }
.Lfunc_end1:
_tile_overlayer_lowered:
.L_overlay_start_2:
0x56: {  	(tag) =	ssettag $0x2  }
0x57: {  	s0 =	rddreg [dreg:$0x0];
	s2 =	stileid.u32  }
0x58: {  	s1 =	rddreg [dreg:$0x1];
	p0 =	sne.s32 s2, $0x0  }
0x59: {  	s3 =	rddreg [dreg:$0x2];
	[bflag:$0x3] =	sbarrier.arrive $0xFFFF;
	s2 =	simm.s32 @!p0 $0x1C01  }
0x5a: {  	[timem:s3], [sflag:s2] =	dma.local @!p0 [hbm:s0], s1  }
0x5b: {  	s0 =	simm.s32 @!p0 $0x1  }
0x5c: {  	_ =	swait.ge @!p0 [sflag:s0], s1  }
0x5d: {  	s1 =	ssub.s32 @!p0 $0x0, s1;
	[sflag:s0] =	ssyncset.done @!p0 $0x0  }
0x5e: {  	[sflag:s0] =	ssyncadd.s32 @!p0 s1  }
0x5f: {  	[bflag:$0x3] =	sbarrier.arrive $0xFFFF  }
0x60: {  	_ =	shalt  }

</sc_bundles>
